<compile_context>
chip_gen: v7x
topology: tpu7x:2x2x1
jax: 0.10.2.dev20260603
libtpu: 0.0.44.dev20260713+nightly
codegen_flags: <defaults>
</compile_context>

<pallas_src>
import functools

import jax
import jax.numpy as jnp
from jax import lax
from jax.experimental import pallas as pl
from jax.experimental.pallas import tpu as pltpu
from jax.experimental.pallas import tpu_sc as plsc

N_USERS = 1000000
N_ITEMS = 1000000
N_FACTORS = 64
BATCH = 16384
Y_SCALE = 5.0

NC = 2
NS = 16
NW = NC * NS
B_PER_W = BATCH // NW
IDX_CHUNK = 128
N_CHUNKS = B_PER_W // IDX_CHUNK
L = 16
STRIDE = B_PER_W + 1
HALF = 512000
TR_COLS = 6400
TR_GRID = HALF // TR_COLS
WROWS = 256
N_WAVES = B_PER_W // WROWS


def _tr_body(lo_ref, hi_ref, out_ref):
    lo = jnp.transpose(lo_ref[...])
    hi = jnp.transpose(hi_ref[...])
    out_ref[...] = jnp.concatenate([lo, hi], axis=1)


def _transpose_table(wt):
    return pl.pallas_call(
        _tr_body,
        grid=(TR_GRID,),
        in_specs=[
            pl.BlockSpec((N_FACTORS, TR_COLS), lambda c: (0, c)),
            pl.BlockSpec((N_FACTORS, TR_COLS),
                         lambda c: (0, jnp.minimum(
                             c + HALF // TR_COLS,
                             (N_USERS + TR_COLS - 1) // TR_COLS - 1))),
        ],
        out_specs=pl.BlockSpec((TR_COLS, 2 * N_FACTORS), lambda c: (c, 0)),
        out_shape=jax.ShapeDtypeStruct((HALF, 2 * N_FACTORS), jnp.float32),
        compiler_params=pltpu.CompilerParams(
            dimension_semantics=("arbitrary",)),
    )(wt, wt)


def _dot_body(users_hbm, items_hbm, uw2_hbm, iw2_hbm, bsum_hbm, out_hbm,
              uidx_v, iidx_v, urow_v, irow_v, urows_v, irows_v,
              stage_v, bsum_v, out_v, sem):
    wid = lax.axis_index("s") * NC + lax.axis_index("c")
    base = wid * B_PER_W

    for c in range(N_CHUNKS):
        pltpu.sync_copy(users_hbm.at[pl.ds(base + c * IDX_CHUNK, IDX_CHUNK)],
                        uidx_v.at[c])
        pltpu.sync_copy(items_hbm.at[pl.ds(base + c * IDX_CHUNK, IDX_CHUNK)],
                        iidx_v.at[c])
    pltpu.sync_copy(bsum_hbm.at[pl.ds(base, B_PER_W)], bsum_v)

    def adj_body(g, carry):
        c, o = g // (IDX_CHUNK // L), (g % (IDX_CHUNK // L)) * L
        uv = uidx_v[c, pl.ds(o, L)]
        iv = iidx_v[c, pl.ds(o, L)]
        urow_v[c, pl.ds(o, L)] = uv - jnp.where(uv >= HALF, HALF, 0)
        irow_v[c, pl.ds(o, L)] = iv - jnp.where(iv >= HALF, HALF, 0)
        return carry

    lax.fori_loop(0, B_PER_W // L, adj_body, 0)

    lane = lax.iota(jnp.int32, L)
    lane_base = lane * STRIDE

    for w in range(N_WAVES):
        copies = []
        for k in range(WROWS // IDX_CHUNK):
            c = w * (WROWS // IDX_CHUNK) + k
            sl = pl.ds(k * IDX_CHUNK, IDX_CHUNK)
            copies.append(pltpu.async_copy(uw2_hbm.at[urow_v.at[c]],
                                           urows_v.at[sl], sem))
            copies.append(pltpu.async_copy(iw2_hbm.at[irow_v.at[c]],
                                           irows_v.at[sl], sem))
        for cp in copies:
            cp.wait()

        def row_body(g, carry):
            b0 = w * WROWS + g * L
            c, o = b0 // IDX_CHUNK, b0 % IDX_CHUNK
            uoff = jnp.where(uidx_v[c, pl.ds(o, L)] >= HALF, N_FACTORS, 0)
            ioff = jnp.where(iidx_v[c, pl.ds(o, L)] >= HALF, N_FACTORS, 0)
            for j in range(L):
                r = g * L + j
                uo = uoff[j]
                io = ioff[j]
                p = (urows_v[r, pl.ds(uo, L)] * irows_v[r, pl.ds(io, L)]
                     + urows_v[r, pl.ds(uo + L, L)]
                     * irows_v[r, pl.ds(io + L, L)]
                     + urows_v[r, pl.ds(uo + 2 * L, L)]
                     * irows_v[r, pl.ds(io + 2 * L, L)]
                     + urows_v[r, pl.ds(uo + 3 * L, L)]
                     * irows_v[r, pl.ds(io + 3 * L, L)])
                plsc.store_scatter(stage_v, [lane_base + w * WROWS + r], p)
            return carry

        lax.fori_loop(0, WROWS // L, row_body, 0)

    def sum_body(g, carry):
        s = pl.ds(g * L, L)
        acc = bsum_v[s]
        for l in range(L):
            acc = acc + stage_v[pl.ds(l * STRIDE + g * L, L)]
        out_v[s] = Y_SCALE / (1.0 + jnp.exp(-acc))
        return carry

    lax.fori_loop(0, B_PER_W // L, sum_body, 0)

    pltpu.sync_copy(out_v, out_hbm.at[pl.ds(base, B_PER_W)])


def _bias_body(users_hbm, items_hbm, ub_hbm, ib_hbm, bsum_hbm,
               uidx_v, iidx_v, ub_v, ib_v, bsum_v, sem):
    wid = lax.axis_index("s") * NC + lax.axis_index("c")
    base = wid * B_PER_W

    for c in range(N_CHUNKS):
        pltpu.sync_copy(users_hbm.at[pl.ds(base + c * IDX_CHUNK, IDX_CHUNK)],
                        uidx_v.at[c])
        pltpu.sync_copy(items_hbm.at[pl.ds(base + c * IDX_CHUNK, IDX_CHUNK)],
                        iidx_v.at[c])

    ub1 = ub_hbm.at[0]
    ib1 = ib_hbm.at[0]
    copies = []
    for c in range(N_CHUNKS):
        sl = pl.ds(c * IDX_CHUNK, IDX_CHUNK)
        copies.append(pltpu.async_copy(ub1.at[uidx_v.at[c]],
                                       ub_v.at[sl], sem))
        copies.append(pltpu.async_copy(ib1.at[iidx_v.at[c]],
                                       ib_v.at[sl], sem))
    for cp in copies:
        cp.wait()

    def epi_body(g, carry):
        s = pl.ds(g * L, L)
        bsum_v[s] = ub_v[s] + ib_v[s]
        return carry

    lax.fori_loop(0, B_PER_W // L, epi_body, 0)

    pltpu.sync_copy(bsum_v, bsum_hbm.at[pl.ds(base, B_PER_W)])


@jax.jit
def _run(users, items, u_weight, i_weight, u_bias, i_bias):
    uw2 = _transpose_table(u_weight.T)
    iw2 = _transpose_table(i_weight.T)

    mesh = plsc.VectorSubcoreMesh(core_axis_name="c", subcore_axis_name="s",
                                  num_cores=NC, num_subcores=NS)
    bias_f = pl.kernel(
        _bias_body,
        out_type=jax.ShapeDtypeStruct((BATCH,), jnp.float32),
        mesh=mesh,
        compiler_params=pltpu.CompilerParams(needs_layout_passes=False,
                                             use_tc_tiling_on_sc=False),
        scratch_types=[
            pltpu.VMEM((N_CHUNKS, IDX_CHUNK), jnp.int32),
            pltpu.VMEM((N_CHUNKS, IDX_CHUNK), jnp.int32),
            pltpu.VMEM((B_PER_W,), jnp.float32),
            pltpu.VMEM((B_PER_W,), jnp.float32),
            pltpu.VMEM((B_PER_W,), jnp.float32),
            pltpu.SemaphoreType.DMA,
        ],
    )
    bsum = bias_f(users, items, u_bias.T, i_bias.T)

    dot_f = pl.kernel(
        _dot_body,
        out_type=jax.ShapeDtypeStruct((BATCH,), jnp.float32),
        mesh=mesh,
        compiler_params=pltpu.CompilerParams(needs_layout_passes=False,
                                             use_tc_tiling_on_sc=False),
        scratch_types=[
            pltpu.VMEM((N_CHUNKS, IDX_CHUNK), jnp.int32),
            pltpu.VMEM((N_CHUNKS, IDX_CHUNK), jnp.int32),
            pltpu.VMEM((N_CHUNKS, IDX_CHUNK), jnp.int32),
            pltpu.VMEM((N_CHUNKS, IDX_CHUNK), jnp.int32),
            pltpu.VMEM((WROWS, 2 * N_FACTORS), jnp.float32),
            pltpu.VMEM((WROWS, 2 * N_FACTORS), jnp.float32),
            pltpu.VMEM((L * STRIDE,), jnp.float32),
            pltpu.VMEM((B_PER_W,), jnp.float32),
            pltpu.VMEM((B_PER_W,), jnp.float32),
            pltpu.SemaphoreType.DMA,
        ],
    )
    out = dot_f(users, items, uw2, iw2, bsum)
    return out


def kernel(users, items, u_weight, i_weight, u_bias, i_bias):
    return _run(users.astype(jnp.int32), items.astype(jnp.int32),
                u_weight, i_weight, u_bias, i_bias)

# --- scband reference (transcript-rebuilt; emitter-appended) ---
"""Pipeline reference for scband-embedding-model-66391604462005 (READ-ONLY COPY).

The authoritative reference and input builder live on the scoring server;
editing this copy changes nothing except your own understanding.
"""

import jax, jax.numpy as jnp
import numpy as np

N_USERS = 1000000
N_ITEMS = 1000000
N_FACTORS = 64
BATCH = 16384
Y_RANGE = (0.0, 5.0)
INIT = 0.01


def setup_inputs(seed: int = 0) -> dict:
    key = jax.random.key(seed)
    k1, k2, k3, k4, k5, k6 = jax.random.split(key, 6)
    u_weight = jax.random.uniform(k1, (N_USERS, N_FACTORS), dtype=jnp.float32, minval=-INIT, maxval=INIT)
    i_weight = jax.random.uniform(k2, (N_ITEMS, N_FACTORS), dtype=jnp.float32, minval=-INIT, maxval=INIT)
    u_bias = jax.random.uniform(k3, (N_USERS, 1), dtype=jnp.float32, minval=-INIT, maxval=INIT)
    i_bias = jax.random.uniform(k4, (N_ITEMS, 1), dtype=jnp.float32, minval=-INIT, maxval=INIT)
    users = jax.random.randint(k5, (BATCH,), 0, N_USERS, dtype=jnp.int64 if jax.config.jax_enable_x64 else jnp.int32)
    items = jax.random.randint(k6, (BATCH,), 0, N_ITEMS, dtype=jnp.int64 if jax.config.jax_enable_x64 else jnp.int32)
    return {
        "users": users,
        "items": items,
        "u_weight": u_weight,
        "i_weight": i_weight,
        "u_bias": u_bias,
        "i_bias": i_bias,
    }


def reference(users, items, u_weight, i_weight, u_bias, i_bias):
    # Embedding lookups (gather)
    u_emb = jnp.take(u_weight, users, axis=0)           # [B, F]
    i_emb = jnp.take(i_weight, items, axis=0)           # [B, F]
    u_b = jnp.take(u_bias, users, axis=0).squeeze(-1)   # [B]
    i_b = jnp.take(i_bias, items, axis=0).squeeze(-1)   # [B]
    dot = u_emb * i_emb
    res = dot.sum(axis=1) + u_b + i_b
    return jax.nn.sigmoid(res) * (Y_RANGE[1] - Y_RANGE[0]) + Y_RANGE[0]

if __name__ == "__main__":
    import jax
    _d = setup_inputs()
    print(jax.jit(kernel)(*tuple(_d.values())))

</pallas_src>

<mosaic_0001>
#map = affine_map<(d0, d1) -> (0)>
#map1 = affine_map<(d0, d1) -> (0, 0)>
module attributes {stable_mosaic.version = 14 : i64} {
  func.func @_dot_body(%arg0: i32, %arg1: i32, %arg2: memref<16384xi32, #tpu.memory_space<hbm>>, %arg3: memref<16384xi32, #tpu.memory_space<hbm>>, %arg4: memref<512000x128xf32, #tpu.memory_space<hbm>>, %arg5: memref<512000x128xf32, #tpu.memory_space<hbm>>, %arg6: memref<16384xf32, #tpu.memory_space<hbm>>, %arg7: memref<16384xf32, #tpu.memory_space<hbm>>, %arg8: memref<4x128xi32, #tpu.memory_space<vmem>>, %arg9: memref<4x128xi32, #tpu.memory_space<vmem>>, %arg10: memref<4x128xi32, #tpu.memory_space<vmem>>, %arg11: memref<4x128xi32, #tpu.memory_space<vmem>>, %arg12: memref<256x128xf32, #tpu.memory_space<vmem>>, %arg13: memref<256x128xf32, #tpu.memory_space<vmem>>, %arg14: memref<8208xf32, #tpu.memory_space<vmem>>, %arg15: memref<512xf32, #tpu.memory_space<vmem>>, %arg16: memref<512xf32, #tpu.memory_space<vmem>>, %arg17: memref<!tpu.dma_semaphore, #tpu.memory_space<semaphore_mem>>) attributes {dimension_semantics = [#tpu.dimension_semantics<core_parallel>, #tpu.dimension_semantics<subcore_parallel>], iteration_bounds = array<i64: 2, 16>, scalar_prefetch = 0 : i64, scratch_operands = 10 : i64, tpu.core_type = #tpu.core_type<sc_vector_subcore>, window_params = [{transform_indices = #map}, {transform_indices = #map}, {transform_indices = #map1}, {transform_indices = #map1}, {transform_indices = #map}, {transform_indices = #map}]} {
    %mul3A = arith.constant 2 : i32
    %mul3A_0 = arith.muli %arg1, %mul3A : i32
    %add3A = arith.addi %mul3A_0, %arg0 : i32
    %mul3A_1 = arith.constant 512 : i32
    %mul3A_2 = arith.muli %add3A, %mul3A_1 : i32
    %add3A_3 = arith.constant 0 : i32
    %add3A_4 = arith.addi %mul3A_2, %add3A_3 : i32
    %run_scoped3A = arith.constant 0 : i32
    "tpu.region"() ({
      %run_scoped3A_210 = tpu.sem_alloc : memref<!tpu.dma_semaphore, #tpu.memory_space<semaphore_mem>>
      %dma_start3A_211 = arith.constant 0 : i32
      %dma_start3A_212 = tpu.memref_slice %arg8[%run_scoped3A, %dma_start3A_211] : memref<4x128xi32, #tpu.memory_space<vmem>> -> memref<1x128xi32, #tpu.memory_space<vmem>>
      %dma_start3A_213 = tpu.memref_squeeze %dma_start3A_212 : memref<1x128xi32, #tpu.memory_space<vmem>> -> memref<128xi32, #tpu.memory_space<vmem>>
      %dma_start3A_214 = tpu.memref_slice %arg2[%add3A_4] : memref<16384xi32, #tpu.memory_space<hbm>> -> memref<128xi32, #tpu.memory_space<hbm>>
      %dma_start3A_215 = arith.constant 0 : i32
      %dma_start3A_216 = tpu.memref_slice %arg8[%run_scoped3A, %dma_start3A_215] : memref<4x128xi32, #tpu.memory_space<vmem>> -> memref<1x128xi32, #tpu.memory_space<vmem>>
      %dma_start3A_217 = tpu.memref_squeeze %dma_start3A_216 : memref<1x128xi32, #tpu.memory_space<vmem>> -> memref<128xi32, #tpu.memory_space<vmem>>
      %dma_start3A_218 = tpu.memref_slice %arg2[%add3A_4] : memref<16384xi32, #tpu.memory_space<hbm>> -> memref<128xi32, #tpu.memory_space<hbm>>
      tpu.enqueue_dma source(%dma_start3A_218 : memref<128xi32, #tpu.memory_space<hbm>>) target(%dma_start3A_217 : memref<128xi32, #tpu.memory_space<vmem>>) target_semaphore(%run_scoped3A_210 : memref<!tpu.dma_semaphore, #tpu.memory_space<semaphore_mem>>)
      %dma_wait3A_219 = arith.constant 0 : i32
      %dma_wait3A_220 = tpu.memref_slice %arg8[%run_scoped3A, %dma_wait3A_219] : memref<4x128xi32, #tpu.memory_space<vmem>> -> memref<1x128xi32, #tpu.memory_space<vmem>>
      %dma_wait3A_221 = tpu.memref_squeeze %dma_wait3A_220 : memref<1x128xi32, #tpu.memory_space<vmem>> -> memref<128xi32, #tpu.memory_space<vmem>>
      %dma_wait3A_222 = tpu.memref_slice %arg2[%add3A_4] : memref<16384xi32, #tpu.memory_space<hbm>> -> memref<128xi32, #tpu.memory_space<hbm>>
      %dma_wait3A_223 = arith.constant 0 : i32
      %dma_wait3A_224 = tpu.memref_slice %arg8[%run_scoped3A, %dma_wait3A_223] : memref<4x128xi32, #tpu.memory_space<vmem>> -> memref<1x128xi32, #tpu.memory_space<vmem>>
      %dma_wait3A_225 = tpu.memref_squeeze %dma_wait3A_224 : memref<1x128xi32, #tpu.memory_space<vmem>> -> memref<128xi32, #tpu.memory_space<vmem>>
      %dma_wait3A_226 = tpu.memref_slice %arg2[%add3A_4] : memref<16384xi32, #tpu.memory_space<hbm>> -> memref<128xi32, #tpu.memory_space<hbm>>
      tpu.wait_dma2 semaphore(%run_scoped3A_210 : memref<!tpu.dma_semaphore, #tpu.memory_space<semaphore_mem>>) src(%dma_wait3A_226 : memref<128xi32, #tpu.memory_space<hbm>>) dst(%dma_wait3A_225 : memref<128xi32, #tpu.memory_space<vmem>>)
      tpu.yield
    }) : () -> ()
    %add3A_5 = arith.constant 0 : i32
    %add3A_6 = arith.addi %mul3A_2, %add3A_5 : i32
    %run_scoped3A_7 = arith.constant 0 : i32
    "tpu.region"() ({
      %run_scoped3A_210 = tpu.sem_alloc : memref<!tpu.dma_semaphore, #tpu.memory_space<semaphore_mem>>
      %dma_start3A_211 = arith.constant 0 : i32
      %dma_start3A_212 = tpu.memref_slice %arg9[%run_scoped3A_7, %dma_start3A_211] : memref<4x128xi32, #tpu.memory_space<vmem>> -> memref<1x128xi32, #tpu.memory_space<vmem>>
      %dma_start3A_213 = tpu.memref_squeeze %dma_start3A_212 : memref<1x128xi32, #tpu.memory_space<vmem>> -> memref<128xi32, #tpu.memory_space<vmem>>
      %dma_start3A_214 = tpu.memref_slice %arg3[%add3A_6] : memref<16384xi32, #tpu.memory_space<hbm>> -> memref<128xi32, #tpu.memory_space<hbm>>
      %dma_start3A_215 = arith.constant 0 : i32
      %dma_start3A_216 = tpu.memref_slice %arg9[%run_scoped3A_7, %dma_start3A_215] : memref<4x128xi32, #tpu.memory_space<vmem>> -> memref<1x128xi32, #tpu.memory_space<vmem>>
      %dma_start3A_217 = tpu.memref_squeeze %dma_start3A_216 : memref<1x128xi32, #tpu.memory_space<vmem>> -> memref<128xi32, #tpu.memory_space<vmem>>
      %dma_start3A_218 = tpu.memref_slice %arg3[%add3A_6] : memref<16384xi32, #tpu.memory_space<hbm>> -> memref<128xi32, #tpu.memory_space<hbm>>
      tpu.enqueue_dma source(%dma_start3A_218 : memref<128xi32, #tpu.memory_space<hbm>>) target(%dma_start3A_217 : memref<128xi32, #tpu.memory_space<vmem>>) target_semaphore(%run_scoped3A_210 : memref<!tpu.dma_semaphore, #tpu.memory_space<semaphore_mem>>)
      %dma_wait3A_219 = arith.constant 0 : i32
      %dma_wait3A_220 = tpu.memref_slice %arg9[%run_scoped3A_7, %dma_wait3A_219] : memref<4x128xi32, #tpu.memory_space<vmem>> -> memref<1x128xi32, #tpu.memory_space<vmem>>
      %dma_wait3A_221 = tpu.memref_squeeze %dma_wait3A_220 : memref<1x128xi32, #tpu.memory_space<vmem>> -> memref<128xi32, #tpu.memory_space<vmem>>
      %dma_wait3A_222 = tpu.memref_slice %arg3[%add3A_6] : memref<16384xi32, #tpu.memory_space<hbm>> -> memref<128xi32, #tpu.memory_space<hbm>>
      %dma_wait3A_223 = arith.constant 0 : i32
      %dma_wait3A_224 = tpu.memref_slice %arg9[%run_scoped3A_7, %dma_wait3A_223] : memref<4x128xi32, #tpu.memory_space<vmem>> -> memref<1x128xi32, #tpu.memory_space<vmem>>
      %dma_wait3A_225 = tpu.memref_squeeze %dma_wait3A_224 : memref<1x128xi32, #tpu.memory_space<vmem>> -> memref<128xi32, #tpu.memory_space<vmem>>
      %dma_wait3A_226 = tpu.memref_slice %arg3[%add3A_6] : memref<16384xi32, #tpu.memory_space<hbm>> -> memref<128xi32, #tpu.memory_space<hbm>>
      tpu.wait_dma2 semaphore(%run_scoped3A_210 : memref<!tpu.dma_semaphore, #tpu.memory_space<semaphore_mem>>) src(%dma_wait3A_226 : memref<128xi32, #tpu.memory_space<hbm>>) dst(%dma_wait3A_225 : memref<128xi32, #tpu.memory_space<vmem>>)
      tpu.yield
    }) : () -> ()
    %add3A_8 = arith.constant 128 : i32
    %add3A_9 = arith.addi %mul3A_2, %add3A_8 : i32
    %run_scoped3A_10 = arith.constant 1 : i32
    "tpu.region"() ({
      %run_scoped3A_210 = tpu.sem_alloc : memref<!tpu.dma_semaphore, #tpu.memory_space<semaphore_mem>>
      %dma_start3A_211 = arith.constant 0 : i32
      %dma_start3A_212 = tpu.memref_slice %arg8[%run_scoped3A_10, %dma_start3A_211] : memref<4x128xi32, #tpu.memory_space<vmem>> -> memref<1x128xi32, #tpu.memory_space<vmem>>
      %dma_start3A_213 = tpu.memref_squeeze %dma_start3A_212 : memref<1x128xi32, #tpu.memory_space<vmem>> -> memref<128xi32, #tpu.memory_space<vmem>>
      %dma_start3A_214 = tpu.memref_slice %arg2[%add3A_9] : memref<16384xi32, #tpu.memory_space<hbm>> -> memref<128xi32, #tpu.memory_space<hbm>>
      %dma_start3A_215 = arith.constant 0 : i32
      %dma_start3A_216 = tpu.memref_slice %arg8[%run_scoped3A_10, %dma_start3A_215] : memref<4x128xi32, #tpu.memory_space<vmem>> -> memref<1x128xi32, #tpu.memory_space<vmem>>
      %dma_start3A_217 = tpu.memref_squeeze %dma_start3A_216 : memref<1x128xi32, #tpu.memory_space<vmem>> -> memref<128xi32, #tpu.memory_space<vmem>>
      %dma_start3A_218 = tpu.memref_slice %arg2[%add3A_9] : memref<16384xi32, #tpu.memory_space<hbm>> -> memref<128xi32, #tpu.memory_space<hbm>>
      tpu.enqueue_dma source(%dma_start3A_218 : memref<128xi32, #tpu.memory_space<hbm>>) target(%dma_start3A_217 : memref<128xi32, #tpu.memory_space<vmem>>) target_semaphore(%run_scoped3A_210 : memref<!tpu.dma_semaphore, #tpu.memory_space<semaphore_mem>>)
      %dma_wait3A_219 = arith.constant 0 : i32
      %dma_wait3A_220 = tpu.memref_slice %arg8[%run_scoped3A_10, %dma_wait3A_219] : memref<4x128xi32, #tpu.memory_space<vmem>> -> memref<1x128xi32, #tpu.memory_space<vmem>>
      %dma_wait3A_221 = tpu.memref_squeeze %dma_wait3A_220 : memref<1x128xi32, #tpu.memory_space<vmem>> -> memref<128xi32, #tpu.memory_space<vmem>>
      %dma_wait3A_222 = tpu.memref_slice %arg2[%add3A_9] : memref<16384xi32, #tpu.memory_space<hbm>> -> memref<128xi32, #tpu.memory_space<hbm>>
      %dma_wait3A_223 = arith.constant 0 : i32
      %dma_wait3A_224 = tpu.memref_slice %arg8[%run_scoped3A_10, %dma_wait3A_223] : memref<4x128xi32, #tpu.memory_space<vmem>> -> memref<1x128xi32, #tpu.memory_space<vmem>>
      %dma_wait3A_225 = tpu.memref_squeeze %dma_wait3A_224 : memref<1x128xi32, #tpu.memory_space<vmem>> -> memref<128xi32, #tpu.memory_space<vmem>>
      %dma_wait3A_226 = tpu.memref_slice %arg2[%add3A_9] : memref<16384xi32, #tpu.memory_space<hbm>> -> memref<128xi32, #tpu.memory_space<hbm>>
      tpu.wait_dma2 semaphore(%run_scoped3A_210 : memref<!tpu.dma_semaphore, #tpu.memory_space<semaphore_mem>>) src(%dma_wait3A_226 : memref<128xi32, #tpu.memory_space<hbm>>) dst(%dma_wait3A_225 : memref<128xi32, #tpu.memory_space<vmem>>)
      tpu.yield
    }) : () -> ()
    %add3A_11 = arith.constant 128 : i32
    %add3A_12 = arith.addi %mul3A_2, %add3A_11 : i32
    %run_scoped3A_13 = arith.constant 1 : i32
    "tpu.region"() ({
      %run_scoped3A_210 = tpu.sem_alloc : memref<!tpu.dma_semaphore, #tpu.memory_space<semaphore_mem>>
      %dma_start3A_211 = arith.constant 0 : i32
      %dma_start3A_212 = tpu.memref_slice %arg9[%run_scoped3A_13, %dma_start3A_211] : memref<4x128xi32, #tpu.memory_space<vmem>> -> memref<1x128xi32, #tpu.memory_space<vmem>>
      %dma_start3A_213 = tpu.memref_squeeze %dma_start3A_212 : memref<1x128xi32, #tpu.memory_space<vmem>> -> memref<128xi32, #tpu.memory_space<vmem>>
      %dma_start3A_214 = tpu.memref_slice %arg3[%add3A_12] : memref<16384xi32, #tpu.memory_space<hbm>> -> memref<128xi32, #tpu.memory_space<hbm>>
      %dma_start3A_215 = arith.constant 0 : i32
      %dma_start3A_216 = tpu.memref_slice %arg9[%run_scoped3A_13, %dma_start3A_215] : memref<4x128xi32, #tpu.memory_space<vmem>> -> memref<1x128xi32, #tpu.memory_space<vmem>>
      %dma_start3A_217 = tpu.memref_squeeze %dma_start3A_216 : memref<1x128xi32, #tpu.memory_space<vmem>> -> memref<128xi32, #tpu.memory_space<vmem>>
      %dma_start3A_218 = tpu.memref_slice %arg3[%add3A_12] : memref<16384xi32, #tpu.memory_space<hbm>> -> memref<128xi32, #tpu.memory_space<hbm>>
      tpu.enqueue_dma source(%dma_start3A_218 : memref<128xi32, #tpu.memory_space<hbm>>) target(%dma_start3A_217 : memref<128xi32, #tpu.memory_space<vmem>>) target_semaphore(%run_scoped3A_210 : memref<!tpu.dma_semaphore, #tpu.memory_space<semaphore_mem>>)
      %dma_wait3A_219 = arith.constant 0 : i32
      %dma_wait3A_220 = tpu.memref_slice %arg9[%run_scoped3A_13, %dma_wait3A_219] : memref<4x128xi32, #tpu.memory_space<vmem>> -> memref<1x128xi32, #tpu.memory_space<vmem>>
      %dma_wait3A_221 = tpu.memref_squeeze %dma_wait3A_220 : memref<1x128xi32, #tpu.memory_space<vmem>> -> memref<128xi32, #tpu.memory_space<vmem>>
      %dma_wait3A_222 = tpu.memref_slice %arg3[%add3A_12] : memref<16384xi32, #tpu.memory_space<hbm>> -> memref<128xi32, #tpu.memory_space<hbm>>
      %dma_wait3A_223 = arith.constant 0 : i32
      %dma_wait3A_224 = tpu.memref_slice %arg9[%run_scoped3A_13, %dma_wait3A_223] : memref<4x128xi32, #tpu.memory_space<vmem>> -> memref<1x128xi32, #tpu.memory_space<vmem>>
      %dma_wait3A_225 = tpu.memref_squeeze %dma_wait3A_224 : memref<1x128xi32, #tpu.memory_space<vmem>> -> memref<128xi32, #tpu.memory_space<vmem>>
      %dma_wait3A_226 = tpu.memref_slice %arg3[%add3A_12] : memref<16384xi32, #tpu.memory_space<hbm>> -> memref<128xi32, #tpu.memory_space<hbm>>
      tpu.wait_dma2 semaphore(%run_scoped3A_210 : memref<!tpu.dma_semaphore, #tpu.memory_space<semaphore_mem>>) src(%dma_wait3A_226 : memref<128xi32, #tpu.memory_space<hbm>>) dst(%dma_wait3A_225 : memref<128xi32, #tpu.memory_space<vmem>>)
      tpu.yield
    }) : () -> ()
    %add3A_14 = arith.constant 256 : i32
    %add3A_15 = arith.addi %mul3A_2, %add3A_14 : i32
    %run_scoped3A_16 = arith.constant 2 : i32
    "tpu.region"() ({
      %run_scoped3A_210 = tpu.sem_alloc : memref<!tpu.dma_semaphore, #tpu.memory_space<semaphore_mem>>
      %dma_start3A_211 = arith.constant 0 : i32
      %dma_start3A_212 = tpu.memref_slice %arg8[%run_scoped3A_16, %dma_start3A_211] : memref<4x128xi32, #tpu.memory_space<vmem>> -> memref<1x128xi32, #tpu.memory_space<vmem>>
      %dma_start3A_213 = tpu.memref_squeeze %dma_start3A_212 : memref<1x128xi32, #tpu.memory_space<vmem>> -> memref<128xi32, #tpu.memory_space<vmem>>
      %dma_start3A_214 = tpu.memref_slice %arg2[%add3A_15] : memref<16384xi32, #tpu.memory_space<hbm>> -> memref<128xi32, #tpu.memory_space<hbm>>
      %dma_start3A_215 = arith.constant 0 : i32
      %dma_start3A_216 = tpu.memref_slice %arg8[%run_scoped3A_16, %dma_start3A_215] : memref<4x128xi32, #tpu.memory_space<vmem>> -> memref<1x128xi32, #tpu.memory_space<vmem>>
      %dma_start3A_217 = tpu.memref_squeeze %dma_start3A_216 : memref<1x128xi32, #tpu.memory_space<vmem>> -> memref<128xi32, #tpu.memory_space<vmem>>
      %dma_start3A_218 = tpu.memref_slice %arg2[%add3A_15] : memref<16384xi32, #tpu.memory_space<hbm>> -> memref<128xi32, #tpu.memory_space<hbm>>
      tpu.enqueue_dma source(%dma_start3A_218 : memref<128xi32, #tpu.memory_space<hbm>>) target(%dma_start3A_217 : memref<128xi32, #tpu.memory_space<vmem>>) target_semaphore(%run_scoped3A_210 : memref<!tpu.dma_semaphore, #tpu.memory_space<semaphore_mem>>)
      %dma_wait3A_219 = arith.constant 0 : i32
      %dma_wait3A_220 = tpu.memref_slice %arg8[%run_scoped3A_16, %dma_wait3A_219] : memref<4x128xi32, #tpu.memory_space<vmem>> -> memref<1x128xi32, #tpu.memory_space<vmem>>
      %dma_wait3A_221 = tpu.memref_squeeze %dma_wait3A_220 : memref<1x128xi32, #tpu.memory_space<vmem>> -> memref<128xi32, #tpu.memory_space<vmem>>
      %dma_wait3A_222 = tpu.memref_slice %arg2[%add3A_15] : memref<16384xi32, #tpu.memory_space<hbm>> -> memref<128xi32, #tpu.memory_space<hbm>>
      %dma_wait3A_223 = arith.constant 0 : i32
      %dma_wait3A_224 = tpu.memref_slice %arg8[%run_scoped3A_16, %dma_wait3A_223] : memref<4x128xi32, #tpu.memory_space<vmem>> -> memref<1x128xi32, #tpu.memory_space<vmem>>
      %dma_wait3A_225 = tpu.memref_squeeze %dma_wait3A_224 : memref<1x128xi32, #tpu.memory_space<vmem>> -> memref<128xi32, #tpu.memory_space<vmem>>
      %dma_wait3A_226 = tpu.memref_slice %arg2[%add3A_15] : memref<16384xi32, #tpu.memory_space<hbm>> -> memref<128xi32, #tpu.memory_space<hbm>>
      tpu.wait_dma2 semaphore(%run_scoped3A_210 : memref<!tpu.dma_semaphore, #tpu.memory_space<semaphore_mem>>) src(%dma_wait3A_226 : memref<128xi32, #tpu.memory_space<hbm>>) dst(%dma_wait3A_225 : memref<128xi32, #tpu.memory_space<vmem>>)
      tpu.yield
    }) : () -> ()
    %add3A_17 = arith.constant 256 : i32
    %add3A_18 = arith.addi %mul3A_2, %add3A_17 : i32
    %run_scoped3A_19 = arith.constant 2 : i32
    "tpu.region"() ({
      %run_scoped3A_210 = tpu.sem_alloc : memref<!tpu.dma_semaphore, #tpu.memory_space<semaphore_mem>>
      %dma_start3A_211 = arith.constant 0 : i32
      %dma_start3A_212 = tpu.memref_slice %arg9[%run_scoped3A_19, %dma_start3A_211] : memref<4x128xi32, #tpu.memory_space<vmem>> -> memref<1x128xi32, #tpu.memory_space<vmem>>
      %dma_start3A_213 = tpu.memref_squeeze %dma_start3A_212 : memref<1x128xi32, #tpu.memory_space<vmem>> -> memref<128xi32, #tpu.memory_space<vmem>>
      %dma_start3A_214 = tpu.memref_slice %arg3[%add3A_18] : memref<16384xi32, #tpu.memory_space<hbm>> -> memref<128xi32, #tpu.memory_space<hbm>>
      %dma_start3A_215 = arith.constant 0 : i32
      %dma_start3A_216 = tpu.memref_slice %arg9[%run_scoped3A_19, %dma_start3A_215] : memref<4x128xi32, #tpu.memory_space<vmem>> -> memref<1x128xi32, #tpu.memory_space<vmem>>
      %dma_start3A_217 = tpu.memref_squeeze %dma_start3A_216 : memref<1x128xi32, #tpu.memory_space<vmem>> -> memref<128xi32, #tpu.memory_space<vmem>>
      %dma_start3A_218 = tpu.memref_slice %arg3[%add3A_18] : memref<16384xi32, #tpu.memory_space<hbm>> -> memref<128xi32, #tpu.memory_space<hbm>>
      tpu.enqueue_dma source(%dma_start3A_218 : memref<128xi32, #tpu.memory_space<hbm>>) target(%dma_start3A_217 : memref<128xi32, #tpu.memory_space<vmem>>) target_semaphore(%run_scoped3A_210 : memref<!tpu.dma_semaphore, #tpu.memory_space<semaphore_mem>>)
      %dma_wait3A_219 = arith.constant 0 : i32
      %dma_wait3A_220 = tpu.memref_slice %arg9[%run_scoped3A_19, %dma_wait3A_219] : memref<4x128xi32, #tpu.memory_space<vmem>> -> memref<1x128xi32, #tpu.memory_space<vmem>>
      %dma_wait3A_221 = tpu.memref_squeeze %dma_wait3A_220 : memref<1x128xi32, #tpu.memory_space<vmem>> -> memref<128xi32, #tpu.memory_space<vmem>>
      %dma_wait3A_222 = tpu.memref_slice %arg3[%add3A_18] : memref<16384xi32, #tpu.memory_space<hbm>> -> memref<128xi32, #tpu.memory_space<hbm>>
      %dma_wait3A_223 = arith.constant 0 : i32
      %dma_wait3A_224 = tpu.memref_slice %arg9[%run_scoped3A_19, %dma_wait3A_223] : memref<4x128xi32, #tpu.memory_space<vmem>> -> memref<1x128xi32, #tpu.memory_space<vmem>>
      %dma_wait3A_225 = tpu.memref_squeeze %dma_wait3A_224 : memref<1x128xi32, #tpu.memory_space<vmem>> -> memref<128xi32, #tpu.memory_space<vmem>>
      %dma_wait3A_226 = tpu.memref_slice %arg3[%add3A_18] : memref<16384xi32, #tpu.memory_space<hbm>> -> memref<128xi32, #tpu.memory_space<hbm>>
      tpu.wait_dma2 semaphore(%run_scoped3A_210 : memref<!tpu.dma_semaphore, #tpu.memory_space<semaphore_mem>>) src(%dma_wait3A_226 : memref<128xi32, #tpu.memory_space<hbm>>) dst(%dma_wait3A_225 : memref<128xi32, #tpu.memory_space<vmem>>)
      tpu.yield
    }) : () -> ()
    %add3A_20 = arith.constant 384 : i32
    %add3A_21 = arith.addi %mul3A_2, %add3A_20 : i32
    %run_scoped3A_22 = arith.constant 3 : i32
    "tpu.region"() ({
      %run_scoped3A_210 = tpu.sem_alloc : memref<!tpu.dma_semaphore, #tpu.memory_space<semaphore_mem>>
      %dma_start3A_211 = arith.constant 0 : i32
      %dma_start3A_212 = tpu.memref_slice %arg8[%run_scoped3A_22, %dma_start3A_211] : memref<4x128xi32, #tpu.memory_space<vmem>> -> memref<1x128xi32, #tpu.memory_space<vmem>>
      %dma_start3A_213 = tpu.memref_squeeze %dma_start3A_212 : memref<1x128xi32, #tpu.memory_space<vmem>> -> memref<128xi32, #tpu.memory_space<vmem>>
      %dma_start3A_214 = tpu.memref_slice %arg2[%add3A_21] : memref<16384xi32, #tpu.memory_space<hbm>> -> memref<128xi32, #tpu.memory_space<hbm>>
      %dma_start3A_215 = arith.constant 0 : i32
      %dma_start3A_216 = tpu.memref_slice %arg8[%run_scoped3A_22, %dma_start3A_215] : memref<4x128xi32, #tpu.memory_space<vmem>> -> memref<1x128xi32, #tpu.memory_space<vmem>>
      %dma_start3A_217 = tpu.memref_squeeze %dma_start3A_216 : memref<1x128xi32, #tpu.memory_space<vmem>> -> memref<128xi32, #tpu.memory_space<vmem>>
      %dma_start3A_218 = tpu.memref_slice %arg2[%add3A_21] : memref<16384xi32, #tpu.memory_space<hbm>> -> memref<128xi32, #tpu.memory_space<hbm>>
      tpu.enqueue_dma source(%dma_start3A_218 : memref<128xi32, #tpu.memory_space<hbm>>) target(%dma_start3A_217 : memref<128xi32, #tpu.memory_space<vmem>>) target_semaphore(%run_scoped3A_210 : memref<!tpu.dma_semaphore, #tpu.memory_space<semaphore_mem>>)
      %dma_wait3A_219 = arith.constant 0 : i32
      %dma_wait3A_220 = tpu.memref_slice %arg8[%run_scoped3A_22, %dma_wait3A_219] : memref<4x128xi32, #tpu.memory_space<vmem>> -> memref<1x128xi32, #tpu.memory_space<vmem>>
      %dma_wait3A_221 = tpu.memref_squeeze %dma_wait3A_220 : memref<1x128xi32, #tpu.memory_space<vmem>> -> memref<128xi32, #tpu.memory_space<vmem>>
      %dma_wait3A_222 = tpu.memref_slice %arg2[%add3A_21] : memref<16384xi32, #tpu.memory_space<hbm>> -> memref<128xi32, #tpu.memory_space<hbm>>
      %dma_wait3A_223 = arith.constant 0 : i32
      %dma_wait3A_224 = tpu.memref_slice %arg8[%run_scoped3A_22, %dma_wait3A_223] : memref<4x128xi32, #tpu.memory_space<vmem>> -> memref<1x128xi32, #tpu.memory_space<vmem>>
      %dma_wait3A_225 = tpu.memref_squeeze %dma_wait3A_224 : memref<1x128xi32, #tpu.memory_space<vmem>> -> memref<128xi32, #tpu.memory_space<vmem>>
      %dma_wait3A_226 = tpu.memref_slice %arg2[%add3A_21] : memref<16384xi32, #tpu.memory_space<hbm>> -> memref<128xi32, #tpu.memory_space<hbm>>
      tpu.wait_dma2 semaphore(%run_scoped3A_210 : memref<!tpu.dma_semaphore, #tpu.memory_space<semaphore_mem>>) src(%dma_wait3A_226 : memref<128xi32, #tpu.memory_space<hbm>>) dst(%dma_wait3A_225 : memref<128xi32, #tpu.memory_space<vmem>>)
      tpu.yield
    }) : () -> ()
    %add3A_23 = arith.constant 384 : i32
    %add3A_24 = arith.addi %mul3A_2, %add3A_23 : i32
    %run_scoped3A_25 = arith.constant 3 : i32
    "tpu.region"() ({
      %run_scoped3A_210 = tpu.sem_alloc : memref<!tpu.dma_semaphore, #tpu.memory_space<semaphore_mem>>
      %dma_start3A_211 = arith.constant 0 : i32
      %dma_start3A_212 = tpu.memref_slice %arg9[%run_scoped3A_25, %dma_start3A_211] : memref<4x128xi32, #tpu.memory_space<vmem>> -> memref<1x128xi32, #tpu.memory_space<vmem>>
      %dma_start3A_213 = tpu.memref_squeeze %dma_start3A_212 : memref<1x128xi32, #tpu.memory_space<vmem>> -> memref<128xi32, #tpu.memory_space<vmem>>
      %dma_start3A_214 = tpu.memref_slice %arg3[%add3A_24] : memref<16384xi32, #tpu.memory_space<hbm>> -> memref<128xi32, #tpu.memory_space<hbm>>
      %dma_start3A_215 = arith.constant 0 : i32
      %dma_start3A_216 = tpu.memref_slice %arg9[%run_scoped3A_25, %dma_start3A_215] : memref<4x128xi32, #tpu.memory_space<vmem>> -> memref<1x128xi32, #tpu.memory_space<vmem>>
      %dma_start3A_217 = tpu.memref_squeeze %dma_start3A_216 : memref<1x128xi32, #tpu.memory_space<vmem>> -> memref<128xi32, #tpu.memory_space<vmem>>
      %dma_start3A_218 = tpu.memref_slice %arg3[%add3A_24] : memref<16384xi32, #tpu.memory_space<hbm>> -> memref<128xi32, #tpu.memory_space<hbm>>
      tpu.enqueue_dma source(%dma_start3A_218 : memref<128xi32, #tpu.memory_space<hbm>>) target(%dma_start3A_217 : memref<128xi32, #tpu.memory_space<vmem>>) target_semaphore(%run_scoped3A_210 : memref<!tpu.dma_semaphore, #tpu.memory_space<semaphore_mem>>)
      %dma_wait3A_219 = arith.constant 0 : i32
      %dma_wait3A_220 = tpu.memref_slice %arg9[%run_scoped3A_25, %dma_wait3A_219] : memref<4x128xi32, #tpu.memory_space<vmem>> -> memref<1x128xi32, #tpu.memory_space<vmem>>
      %dma_wait3A_221 = tpu.memref_squeeze %dma_wait3A_220 : memref<1x128xi32, #tpu.memory_space<vmem>> -> memref<128xi32, #tpu.memory_space<vmem>>
      %dma_wait3A_222 = tpu.memref_slice %arg3[%add3A_24] : memref<16384xi32, #tpu.memory_space<hbm>> -> memref<128xi32, #tpu.memory_space<hbm>>
      %dma_wait3A_223 = arith.constant 0 : i32
      %dma_wait3A_224 = tpu.memref_slice %arg9[%run_scoped3A_25, %dma_wait3A_223] : memref<4x128xi32, #tpu.memory_space<vmem>> -> memref<1x128xi32, #tpu.memory_space<vmem>>
      %dma_wait3A_225 = tpu.memref_squeeze %dma_wait3A_224 : memref<1x128xi32, #tpu.memory_space<vmem>> -> memref<128xi32, #tpu.memory_space<vmem>>
      %dma_wait3A_226 = tpu.memref_slice %arg3[%add3A_24] : memref<16384xi32, #tpu.memory_space<hbm>> -> memref<128xi32, #tpu.memory_space<hbm>>
      tpu.wait_dma2 semaphore(%run_scoped3A_210 : memref<!tpu.dma_semaphore, #tpu.memory_space<semaphore_mem>>) src(%dma_wait3A_226 : memref<128xi32, #tpu.memory_space<hbm>>) dst(%dma_wait3A_225 : memref<128xi32, #tpu.memory_space<vmem>>)
      tpu.yield
    }) : () -> ()
    "tpu.region"() ({
      %run_scoped3A_210 = tpu.sem_alloc : memref<!tpu.dma_semaphore, #tpu.memory_space<semaphore_mem>>
      %dma_start3A_211 = tpu.memref_slice %arg6[%mul3A_2] : memref<16384xf32, #tpu.memory_space<hbm>> -> memref<512xf32, #tpu.memory_space<hbm>>
      %dma_start3A_212 = tpu.memref_slice %arg6[%mul3A_2] : memref<16384xf32, #tpu.memory_space<hbm>> -> memref<512xf32, #tpu.memory_space<hbm>>
      tpu.enqueue_dma source(%dma_start3A_212 : memref<512xf32, #tpu.memory_space<hbm>>) target(%arg15 : memref<512xf32, #tpu.memory_space<vmem>>) target_semaphore(%run_scoped3A_210 : memref<!tpu.dma_semaphore, #tpu.memory_space<semaphore_mem>>)
      %dma_wait3A_213 = tpu.memref_slice %arg6[%mul3A_2] : memref<16384xf32, #tpu.memory_space<hbm>> -> memref<512xf32, #tpu.memory_space<hbm>>
      %dma_wait3A_214 = tpu.memref_slice %arg6[%mul3A_2] : memref<16384xf32, #tpu.memory_space<hbm>> -> memref<512xf32, #tpu.memory_space<hbm>>
      tpu.wait_dma2 semaphore(%run_scoped3A_210 : memref<!tpu.dma_semaphore, #tpu.memory_space<semaphore_mem>>) src(%dma_wait3A_214 : memref<512xf32, #tpu.memory_space<hbm>>) dst(%arg15 : memref<512xf32, #tpu.memory_space<vmem>>)
      tpu.yield
    }) : () -> ()
    %scan3A = arith.constant 0 : i32
    %scan3A_26 = arith.constant 0 : i32
    %scan3A_27 = arith.constant 32 : i32
    %scan3A_28 = arith.addi %scan3A_26, %scan3A_27 : i32
    %scan3A_29 = arith.constant 1 : i32
    scf.for %scan3A_210 = %scan3A_26 to %scan3A_28 step %scan3A_29  : i32 {
      %jit3A = arith.constant 8 : i32
      %div3A = arith.divsi %scan3A_210, %jit3A : i32
      %sign3A = arith.constant 0 : i32
      %sign3A_211 = arith.cmpi sgt, %scan3A_210, %sign3A : i32
      %sign3A_212 = arith.extui %sign3A_211 : i1 to i32
      %sign3A_213 = arith.constant 0 : i32
      %sign3A_214 = arith.cmpi slt, %scan3A_210, %sign3A_213 : i32
      %sign3A_215 = arith.extui %sign3A_214 : i1 to i32
      %sign3A_216 = arith.subi %sign3A_212, %sign3A_215 : i32
      %sign3A_217 = arith.constant 0 : i32
      %sign3A_218 = arith.cmpi sgt, %jit3A, %sign3A_217 : i32
      %sign3A_219 = arith.extui %sign3A_218 : i1 to i32
      %sign3A_220 = arith.constant 0 : i32
      %sign3A_221 = arith.cmpi slt, %jit3A, %sign3A_220 : i32
      %sign3A_222 = arith.extui %sign3A_221 : i1 to i32
      %sign3A_223 = arith.subi %sign3A_219, %sign3A_222 : i32
      %ne3A = arith.cmpi ne, %sign3A_216, %sign3A_223 : i32
      %rem3A = arith.remsi %scan3A_210, %jit3A : i32
      %ne3A_224 = arith.constant 0 : i32
      %ne3A_225 = arith.cmpi ne, %rem3A, %ne3A_224 : i32
      %and3A = arith.andi %ne3A, %ne3A_225 : i1
      %sub3A = arith.constant 1 : i32
      %sub3A_226 = arith.subi %div3A, %sub3A : i32
      %select_n3A = arith.select %and3A, %sub3A_226, %div3A : i32
      %jit3A_227 = arith.constant 8 : i32
      %eq3A = arith.constant 0 : i32
      %eq3A_228 = arith.cmpi eq, %jit3A_227, %eq3A : i32
      %jit3A_229 = arith.constant 1 : i32
      %select_n3A_230 = arith.select %eq3A_228, %jit3A_229, %jit3A_227 : i32
      %rem3A_231 = arith.remsi %scan3A_210, %select_n3A_230 : i32
      %ne3A_232 = arith.constant 0 : i32
      %ne3A_233 = arith.cmpi ne, %rem3A_231, %ne3A_232 : i32
      %lt3A = arith.constant 0 : i32
      %lt3A_234 = arith.cmpi slt, %rem3A_231, %lt3A : i32
      %lt3A_235 = arith.constant 0 : i32
      %lt3A_236 = arith.cmpi slt, %select_n3A_230, %lt3A_235 : i32
      %ne3A_237 = arith.xori %lt3A_234, %lt3A_236 : i1
      %and3A_238 = arith.andi %ne3A_237, %ne3A_233 : i1
      %add3A_239 = arith.addi %rem3A_231, %select_n3A_230 : i32
      %select_n3A_240 = arith.select %and3A_238, %add3A_239, %rem3A_231 : i32
      %mul3A_241 = arith.constant 16 : i32
      %mul3A_242 = arith.muli %select_n3A_240, %mul3A_241 : i32
      %get3A = arith.index_cast %select_n3A : i32 to index
      %get3A_243 = arith.index_cast %mul3A_242 : i32 to index
      %get3A_244 = tpu.vector_load %arg8[%get3A, %get3A_243] {strides = array<i32>} : memref<4x128xi32, #tpu.memory_space<vmem>>, vector<16xi32>,
      %get3A_245 = arith.index_cast %select_n3A : i32 to index
      %get3A_246 = arith.index_cast %mul3A_242 : i32 to index
      %get3A_247 = tpu.vector_load %arg9[%get3A_245, %get3A_246] {strides = array<i32>} : memref<4x128xi32, #tpu.memory_space<vmem>>, vector<16xi32>,
      %ge3A = arith.constant 512000 : i32
      %ge3A_248 = vector.broadcast %ge3A : i32 to vector<16xi32>
      %ge3A_249 = arith.cmpi sge, %get3A_244, %ge3A_248 : vector<16xi32>
      %jit3A_250 = arith.constant 512000 : i32
      %jit3A_251 = arith.constant 0 : i32
      %broadcast_in_dim3A = vector.broadcast %jit3A_250 : i32 to vector<16xi32>
      %broadcast_in_dim3A_252 = vector.broadcast %jit3A_251 : i32 to vector<16xi32>
      %select_n3A_253 = arith.select %ge3A_249, %broadcast_in_dim3A, %broadcast_in_dim3A_252 : vector<16xi1>, vector<16xi32>
      %sub3A_254 = arith.subi %get3A_244, %select_n3A_253 : vector<16xi32>
      %swap3A = arith.index_cast %select_n3A : i32 to index
      %swap3A_255 = arith.index_cast %mul3A_242 : i32 to index
      %swap3A_256 = tpu.vector_load %arg10[%swap3A, %swap3A_255] {strides = array<i32>} : memref<4x128xi32, #tpu.memory_space<vmem>>, vector<16xi32>,
      tpu.vector_store %arg10[%swap3A, %swap3A_255], %sub3A_254 {strides = array<i32>} : memref<4x128xi32, #tpu.memory_space<vmem>>, vector<16xi32>,
      %ge3A_257 = arith.constant 512000 : i32
      %ge3A_258 = vector.broadcast %ge3A_257 : i32 to vector<16xi32>
      %ge3A_259 = arith.cmpi sge, %get3A_247, %ge3A_258 : vector<16xi32>
      %jit3A_260 = arith.constant 512000 : i32
      %jit3A_261 = arith.constant 0 : i32
      %broadcast_in_dim3A_262 = vector.broadcast %jit3A_260 : i32 to vector<16xi32>
      %broadcast_in_dim3A_263 = vector.broadcast %jit3A_261 : i32 to vector<16xi32>
      %select_n3A_264 = arith.select %ge3A_259, %broadcast_in_dim3A_262, %broadcast_in_dim3A_263 : vector<16xi1>, vector<16xi32>
      %sub3A_265 = arith.subi %get3A_247, %select_n3A_264 : vector<16xi32>
      %swap3A_266 = arith.index_cast %select_n3A : i32 to index
      %swap3A_267 = arith.index_cast %mul3A_242 : i32 to index
      %swap3A_268 = tpu.vector_load %arg11[%swap3A_266, %swap3A_267] {strides = array<i32>} : memref<4x128xi32, #tpu.memory_space<vmem>>, vector<16xi32>,
      tpu.vector_store %arg11[%swap3A_266, %swap3A_267], %sub3A_265 {strides = array<i32>} : memref<4x128xi32, #tpu.memory_space<vmem>>, vector<16xi32>,
    }
    %scan3A_30 = arith.constant 32 : i32
    %iota3A = tpu.iota {dimensions = array<i32: 0>} : vector<16xi32>
    %mul3A_31 = arith.constant 513 : i32
    %mul3A_32 = vector.broadcast %mul3A_31 : i32 to vector<16xi32>
    %mul3A_33 = arith.muli %iota3A, %mul3A_32 : vector<16xi32>
    %dma_start3A = arith.constant 0 : i32
    %dma_start3A_34 = arith.constant 0 : i32
    %dma_start3A_35 = arith.constant 0 : i32
    %dma_start3A_36 = tpu.memref_slice %arg12[%dma_start3A_34, %dma_start3A_35] : memref<256x128xf32, #tpu.memory_space<vmem>> -> memref<128x128xf32, #tpu.memory_space<vmem>>
    %dma_start3A_37 = arith.constant 0 : i32
    %dma_start3A_38 = tpu.memref_slice %arg10[%dma_start3A, %dma_start3A_37] : memref<4x128xi32, #tpu.memory_space<vmem>> -> memref<1x128xi32, #tpu.memory_space<vmem>>
    %dma_start3A_39 = tpu.memref_squeeze %dma_start3A_38 : memref<1x128xi32, #tpu.memory_space<vmem>> -> memref<128xi32, #tpu.memory_space<vmem>>
    %dma_start3A_40 = arith.constant 0 : i32
    %dma_start3A_41 = arith.constant 0 : i32
    %dma_start3A_42 = tpu.memref_slice %arg4[%dma_start3A_40, %dma_start3A_41] : memref<512000x128xf32, #tpu.memory_space<hbm>> -> memref<512000x128xf32, #tpu.memory_space<hbm>>
    tpu.enqueue_indirect_dma source(%dma_start3A_42 : memref<512000x128xf32, #tpu.memory_space<hbm>>) target(%dma_start3A_36 : memref<128x128xf32, #tpu.memory_space<vmem>>) offsets(%dma_start3A_39 : memref<128xi32, #tpu.memory_space<vmem>>) semaphore(%arg17 : memref<!tpu.dma_semaphore, #tpu.memory_space<semaphore_mem>>)
    %dma_start3A_43 = arith.constant 0 : i32
    %dma_start3A_44 = arith.constant 0 : i32
    %dma_start3A_45 = arith.constant 0 : i32
    %dma_start3A_46 = tpu.memref_slice %arg13[%dma_start3A_44, %dma_start3A_45] : memref<256x128xf32, #tpu.memory_space<vmem>> -> memref<128x128xf32, #tpu.memory_space<vmem>>
    %dma_start3A_47 = arith.constant 0 : i32
    %dma_start3A_48 = tpu.memref_slice %arg11[%dma_start3A_43, %dma_start3A_47] : memref<4x128xi32, #tpu.memory_space<vmem>> -> memref<1x128xi32, #tpu.memory_space<vmem>>
    %dma_start3A_49 = tpu.memref_squeeze %dma_start3A_48 : memref<1x128xi32, #tpu.memory_space<vmem>> -> memref<128xi32, #tpu.memory_space<vmem>>
    %dma_start3A_50 = arith.constant 0 : i32
    %dma_start3A_51 = arith.constant 0 : i32
    %dma_start3A_52 = tpu.memref_slice %arg5[%dma_start3A_50, %dma_start3A_51] : memref<512000x128xf32, #tpu.memory_space<hbm>> -> memref<512000x128xf32, #tpu.memory_space<hbm>>
    tpu.enqueue_indirect_dma source(%dma_start3A_52 : memref<512000x128xf32, #tpu.memory_space<hbm>>) target(%dma_start3A_46 : memref<128x128xf32, #tpu.memory_space<vmem>>) offsets(%dma_start3A_49 : memref<128xi32, #tpu.memory_space<vmem>>) semaphore(%arg17 : memref<!tpu.dma_semaphore, #tpu.memory_space<semaphore_mem>>)
    %dma_start3A_53 = arith.constant 1 : i32
    %dma_start3A_54 = arith.constant 128 : i32
    %dma_start3A_55 = arith.constant 0 : i32
    %dma_start3A_56 = tpu.memref_slice %arg12[%dma_start3A_54, %dma_start3A_55] : memref<256x128xf32, #tpu.memory_space<vmem>> -> memref<128x128xf32, #tpu.memory_space<vmem>>
    %dma_start3A_57 = arith.constant 0 : i32
    %dma_start3A_58 = tpu.memref_slice %arg10[%dma_start3A_53, %dma_start3A_57] : memref<4x128xi32, #tpu.memory_space<vmem>> -> memref<1x128xi32, #tpu.memory_space<vmem>>
    %dma_start3A_59 = tpu.memref_squeeze %dma_start3A_58 : memref<1x128xi32, #tpu.memory_space<vmem>> -> memref<128xi32, #tpu.memory_space<vmem>>
    %dma_start3A_60 = arith.constant 0 : i32
    %dma_start3A_61 = arith.constant 0 : i32
    %dma_start3A_62 = tpu.memref_slice %arg4[%dma_start3A_60, %dma_start3A_61] : memref<512000x128xf32, #tpu.memory_space<hbm>> -> memref<512000x128xf32, #tpu.memory_space<hbm>>
    tpu.enqueue_indirect_dma source(%dma_start3A_62 : memref<512000x128xf32, #tpu.memory_space<hbm>>) target(%dma_start3A_56 : memref<128x128xf32, #tpu.memory_space<vmem>>) offsets(%dma_start3A_59 : memref<128xi32, #tpu.memory_space<vmem>>) semaphore(%arg17 : memref<!tpu.dma_semaphore, #tpu.memory_space<semaphore_mem>>)
    %dma_start3A_63 = arith.constant 1 : i32
    %dma_start3A_64 = arith.constant 128 : i32
    %dma_start3A_65 = arith.constant 0 : i32
    %dma_start3A_66 = tpu.memref_slice %arg13[%dma_start3A_64, %dma_start3A_65] : memref<256x128xf32, #tpu.memory_space<vmem>> -> memref<128x128xf32, #tpu.memory_space<vmem>>
    %dma_start3A_67 = arith.constant 0 : i32
    %dma_start3A_68 = tpu.memref_slice %arg11[%dma_start3A_63, %dma_start3A_67] : memref<4x128xi32, #tpu.memory_space<vmem>> -> memref<1x128xi32, #tpu.memory_space<vmem>>
    %dma_start3A_69 = tpu.memref_squeeze %dma_start3A_68 : memref<1x128xi32, #tpu.memory_space<vmem>> -> memref<128xi32, #tpu.memory_space<vmem>>
    %dma_start3A_70 = arith.constant 0 : i32
    %dma_start3A_71 = arith.constant 0 : i32
    %dma_start3A_72 = tpu.memref_slice %arg5[%dma_start3A_70, %dma_start3A_71] : memref<512000x128xf32, #tpu.memory_space<hbm>> -> memref<512000x128xf32, #tpu.memory_space<hbm>>
    tpu.enqueue_indirect_dma source(%dma_start3A_72 : memref<512000x128xf32, #tpu.memory_space<hbm>>) target(%dma_start3A_66 : memref<128x128xf32, #tpu.memory_space<vmem>>) offsets(%dma_start3A_69 : memref<128xi32, #tpu.memory_space<vmem>>) semaphore(%arg17 : memref<!tpu.dma_semaphore, #tpu.memory_space<semaphore_mem>>)
    %dma_wait3A = arith.constant 0 : i32
    %dma_wait3A_73 = arith.constant 0 : i32
    %dma_wait3A_74 = arith.constant 0 : i32
    %dma_wait3A_75 = tpu.memref_slice %arg12[%dma_wait3A_73, %dma_wait3A_74] : memref<256x128xf32, #tpu.memory_space<vmem>> -> memref<128x128xf32, #tpu.memory_space<vmem>>
    %dma_wait3A_76 = arith.constant 0 : i32
    %dma_wait3A_77 = tpu.memref_slice %arg10[%dma_wait3A, %dma_wait3A_76] : memref<4x128xi32, #tpu.memory_space<vmem>> -> memref<1x128xi32, #tpu.memory_space<vmem>>
    %dma_wait3A_78 = tpu.memref_squeeze %dma_wait3A_77 : memref<1x128xi32, #tpu.memory_space<vmem>> -> memref<128xi32, #tpu.memory_space<vmem>>
    %dma_wait3A_79 = arith.constant 0 : i32
    %dma_wait3A_80 = arith.constant 0 : i32
    %dma_wait3A_81 = tpu.memref_slice %arg4[%dma_wait3A_79, %dma_wait3A_80] : memref<512000x128xf32, #tpu.memory_space<hbm>> -> memref<512000x128xf32, #tpu.memory_space<hbm>>
    tpu.wait_indirect_dma semaphore(%arg17 : memref<!tpu.dma_semaphore, #tpu.memory_space<semaphore_mem>>) src(%dma_wait3A_81 : memref<512000x128xf32, #tpu.memory_space<hbm>>) dst(%dma_wait3A_75 : memref<128x128xf32, #tpu.memory_space<vmem>>)
    %dma_wait3A_82 = arith.constant 0 : i32
    %dma_wait3A_83 = arith.constant 0 : i32
    %dma_wait3A_84 = arith.constant 0 : i32
    %dma_wait3A_85 = tpu.memref_slice %arg13[%dma_wait3A_83, %dma_wait3A_84] : memref<256x128xf32, #tpu.memory_space<vmem>> -> memref<128x128xf32, #tpu.memory_space<vmem>>
    %dma_wait3A_86 = arith.constant 0 : i32
    %dma_wait3A_87 = tpu.memref_slice %arg11[%dma_wait3A_82, %dma_wait3A_86] : memref<4x128xi32, #tpu.memory_space<vmem>> -> memref<1x128xi32, #tpu.memory_space<vmem>>
    %dma_wait3A_88 = tpu.memref_squeeze %dma_wait3A_87 : memref<1x128xi32, #tpu.memory_space<vmem>> -> memref<128xi32, #tpu.memory_space<vmem>>
    %dma_wait3A_89 = arith.constant 0 : i32
    %dma_wait3A_90 = arith.constant 0 : i32
    %dma_wait3A_91 = tpu.memref_slice %arg5[%dma_wait3A_89, %dma_wait3A_90] : memref<512000x128xf32, #tpu.memory_space<hbm>> -> memref<512000x128xf32, #tpu.memory_space<hbm>>
    tpu.wait_indirect_dma semaphore(%arg17 : memref<!tpu.dma_semaphore, #tpu.memory_space<semaphore_mem>>) src(%dma_wait3A_91 : memref<512000x128xf32, #tpu.memory_space<hbm>>) dst(%dma_wait3A_85 : memref<128x128xf32, #tpu.memory_space<vmem>>)
    %dma_wait3A_92 = arith.constant 1 : i32
    %dma_wait3A_93 = arith.constant 128 : i32
    %dma_wait3A_94 = arith.constant 0 : i32
    %dma_wait3A_95 = tpu.memref_slice %arg12[%dma_wait3A_93, %dma_wait3A_94] : memref<256x128xf32, #tpu.memory_space<vmem>> -> memref<128x128xf32, #tpu.memory_space<vmem>>
    %dma_wait3A_96 = arith.constant 0 : i32
    %dma_wait3A_97 = tpu.memref_slice %arg10[%dma_wait3A_92, %dma_wait3A_96] : memref<4x128xi32, #tpu.memory_space<vmem>> -> memref<1x128xi32, #tpu.memory_space<vmem>>
    %dma_wait3A_98 = tpu.memref_squeeze %dma_wait3A_97 : memref<1x128xi32, #tpu.memory_space<vmem>> -> memref<128xi32, #tpu.memory_space<vmem>>
    %dma_wait3A_99 = arith.constant 0 : i32
    %dma_wait3A_100 = arith.constant 0 : i32
    %dma_wait3A_101 = tpu.memref_slice %arg4[%dma_wait3A_99, %dma_wait3A_100] : memref<512000x128xf32, #tpu.memory_space<hbm>> -> memref<512000x128xf32, #tpu.memory_space<hbm>>
    tpu.wait_indirect_dma semaphore(%arg17 : memref<!tpu.dma_semaphore, #tpu.memory_space<semaphore_mem>>) src(%dma_wait3A_101 : memref<512000x128xf32, #tpu.memory_space<hbm>>) dst(%dma_wait3A_95 : memref<128x128xf32, #tpu.memory_space<vmem>>)
    %dma_wait3A_102 = arith.constant 1 : i32
    %dma_wait3A_103 = arith.constant 128 : i32
    %dma_wait3A_104 = arith.constant 0 : i32
    %dma_wait3A_105 = tpu.memref_slice %arg13[%dma_wait3A_103, %dma_wait3A_104] : memref<256x128xf32, #tpu.memory_space<vmem>> -> memref<128x128xf32, #tpu.memory_space<vmem>>
    %dma_wait3A_106 = arith.constant 0 : i32
    %dma_wait3A_107 = tpu.memref_slice %arg11[%dma_wait3A_102, %dma_wait3A_106] : memref<4x128xi32, #tpu.memory_space<vmem>> -> memref<1x128xi32, #tpu.memory_space<vmem>>
    %dma_wait3A_108 = tpu.memref_squeeze %dma_wait3A_107 : memref<1x128xi32, #tpu.memory_space<vmem>> -> memref<128xi32, #tpu.memory_space<vmem>>
    %dma_wait3A_109 = arith.constant 0 : i32
    %dma_wait3A_110 = arith.constant 0 : i32
    %dma_wait3A_111 = tpu.memref_slice %arg5[%dma_wait3A_109, %dma_wait3A_110] : memref<512000x128xf32, #tpu.memory_space<hbm>> -> memref<512000x128xf32, #tpu.memory_space<hbm>>
    tpu.wait_indirect_dma semaphore(%arg17 : memref<!tpu.dma_semaphore, #tpu.memory_space<semaphore_mem>>) src(%dma_wait3A_111 : memref<512000x128xf32, #tpu.memory_space<hbm>>) dst(%dma_wait3A_105 : memref<128x128xf32, #tpu.memory_space<vmem>>)
    %scan3A_112 = arith.constant 0 : i32
    %scan3A_113 = arith.constant 0 : i32
    %scan3A_114 = arith.constant 16 : i32
    %scan3A_115 = arith.addi %scan3A_113, %scan3A_114 : i32
    %scan3A_116 = arith.constant 1 : i32
    scf.for %scan3A_210 = %scan3A_113 to %scan3A_115 step %scan3A_116  : i32 {
      %mul3A_211 = arith.constant 16 : i32
      %mul3A_212 = arith.muli %scan3A_210, %mul3A_211 : i32
      %add3A_213 = arith.constant 0 : i32
      %add3A_214 = arith.addi %add3A_213, %mul3A_212 : i32
      %jit3A = arith.constant 128 : i32
      %div3A = arith.divsi %add3A_214, %jit3A : i32
      %sign3A = arith.constant 0 : i32
      %sign3A_215 = arith.cmpi sgt, %add3A_214, %sign3A : i32
      %sign3A_216 = arith.extui %sign3A_215 : i1 to i32
      %sign3A_217 = arith.constant 0 : i32
      %sign3A_218 = arith.cmpi slt, %add3A_214, %sign3A_217 : i32
      %sign3A_219 = arith.extui %sign3A_218 : i1 to i32
      %sign3A_220 = arith.subi %sign3A_216, %sign3A_219 : i32
      %sign3A_221 = arith.constant 0 : i32
      %sign3A_222 = arith.cmpi sgt, %jit3A, %sign3A_221 : i32
      %sign3A_223 = arith.extui %sign3A_222 : i1 to i32
      %sign3A_224 = arith.constant 0 : i32
      %sign3A_225 = arith.cmpi slt, %jit3A, %sign3A_224 : i32
      %sign3A_226 = arith.extui %sign3A_225 : i1 to i32
      %sign3A_227 = arith.subi %sign3A_223, %sign3A_226 : i32
      %ne3A = arith.cmpi ne, %sign3A_220, %sign3A_227 : i32
      %rem3A = arith.remsi %add3A_214, %jit3A : i32
      %ne3A_228 = arith.constant 0 : i32
      %ne3A_229 = arith.cmpi ne, %rem3A, %ne3A_228 : i32
      %and3A = arith.andi %ne3A, %ne3A_229 : i1
      %sub3A = arith.constant 1 : i32
      %sub3A_230 = arith.subi %div3A, %sub3A : i32
      %select_n3A = arith.select %and3A, %sub3A_230, %div3A : i32
      %jit3A_231 = arith.constant 128 : i32
      %eq3A = arith.constant 0 : i32
      %eq3A_232 = arith.cmpi eq, %jit3A_231, %eq3A : i32
      %jit3A_233 = arith.constant 1 : i32
      %select_n3A_234 = arith.select %eq3A_232, %jit3A_233, %jit3A_231 : i32
      %rem3A_235 = arith.remsi %add3A_214, %select_n3A_234 : i32
      %ne3A_236 = arith.constant 0 : i32
      %ne3A_237 = arith.cmpi ne, %rem3A_235, %ne3A_236 : i32
      %lt3A = arith.constant 0 : i32
      %lt3A_238 = arith.cmpi slt, %rem3A_235, %lt3A : i32
      %lt3A_239 = arith.constant 0 : i32
      %lt3A_240 = arith.cmpi slt, %select_n3A_234, %lt3A_239 : i32
      %ne3A_241 = arith.xori %lt3A_238, %lt3A_240 : i1
      %and3A_242 = arith.andi %ne3A_241, %ne3A_237 : i1
      %add3A_243 = arith.addi %rem3A_235, %select_n3A_234 : i32
      %select_n3A_244 = arith.select %and3A_242, %add3A_243, %rem3A_235 : i32
      %get3A = arith.index_cast %select_n3A : i32 to index
      %get3A_245 = arith.index_cast %select_n3A_244 : i32 to index
      %get3A_246 = tpu.vector_load %arg8[%get3A, %get3A_245] {strides = array<i32>} : memref<4x128xi32, #tpu.memory_space<vmem>>, vector<16xi32>,
      %ge3A = arith.constant 512000 : i32
      %ge3A_247 = vector.broadcast %ge3A : i32 to vector<16xi32>
      %ge3A_248 = arith.cmpi sge, %get3A_246, %ge3A_247 : vector<16xi32>
      %jit3A_249 = arith.constant 64 : i32
      %jit3A_250 = arith.constant 0 : i32
      %broadcast_in_dim3A = vector.broadcast %jit3A_249 : i32 to vector<16xi32>
      %broadcast_in_dim3A_251 = vector.broadcast %jit3A_250 : i32 to vector<16xi32>
      %select_n3A_252 = arith.select %ge3A_248, %broadcast_in_dim3A, %broadcast_in_dim3A_251 : vector<16xi1>, vector<16xi32>
      %get3A_253 = arith.index_cast %select_n3A : i32 to index
      %get3A_254 = arith.index_cast %select_n3A_244 : i32 to index
      %get3A_255 = tpu.vector_load %arg9[%get3A_253, %get3A_254] {strides = array<i32>} : memref<4x128xi32, #tpu.memory_space<vmem>>, vector<16xi32>,
      %ge3A_256 = arith.constant 512000 : i32
      %ge3A_257 = vector.broadcast %ge3A_256 : i32 to vector<16xi32>
      %ge3A_258 = arith.cmpi sge, %get3A_255, %ge3A_257 : vector<16xi32>
      %jit3A_259 = arith.constant 64 : i32
      %jit3A_260 = arith.constant 0 : i32
      %broadcast_in_dim3A_261 = vector.broadcast %jit3A_259 : i32 to vector<16xi32>
      %broadcast_in_dim3A_262 = vector.broadcast %jit3A_260 : i32 to vector<16xi32>
      %select_n3A_263 = arith.select %ge3A_258, %broadcast_in_dim3A_261, %broadcast_in_dim3A_262 : vector<16xi1>, vector<16xi32>
      %mul3A_264 = arith.constant 16 : i32
      %mul3A_265 = arith.muli %scan3A_210, %mul3A_264 : i32
      %add3A_266 = arith.constant 0 : i32
      %add3A_267 = arith.addi %mul3A_265, %add3A_266 : i32
      %slice3A = vector.extract_strided_slice %select_n3A_252 {offsets = [0], sizes = [1], strides = [1]} : vector<16xi32> to vector<1xi32>
      %squeeze3A = vector.extract %slice3A[0] : i32 from vector<1xi32>
      %slice3A_268 = vector.extract_strided_slice %select_n3A_263 {offsets = [0], sizes = [1], strides = [1]} : vector<16xi32> to vector<1xi32>
      %squeeze3A_269 = vector.extract %slice3A_268[0] : i32 from vector<1xi32>
      %get3A_270 = arith.index_cast %add3A_267 : i32 to index
      %get3A_271 = arith.index_cast %squeeze3A : i32 to index
      %get3A_272 = tpu.vector_load %arg12[%get3A_270, %get3A_271] {strides = array<i32>} : memref<256x128xf32, #tpu.memory_space<vmem>>, vector<16xf32>,
      %get3A_273 = arith.index_cast %add3A_267 : i32 to index
      %get3A_274 = arith.index_cast %squeeze3A_269 : i32 to index
      %get3A_275 = tpu.vector_load %arg13[%get3A_273, %get3A_274] {strides = array<i32>} : memref<256x128xf32, #tpu.memory_space<vmem>>, vector<16xf32>,
      %mul3A_276 = arith.mulf %get3A_272, %get3A_275 : vector<16xf32>
      %add3A_277 = arith.constant 16 : i32
      %add3A_278 = arith.addi %squeeze3A, %add3A_277 : i32
      %get3A_279 = arith.index_cast %add3A_267 : i32 to index
      %get3A_280 = arith.index_cast %add3A_278 : i32 to index
      %get3A_281 = tpu.vector_load %arg12[%get3A_279, %get3A_280] {strides = array<i32>} : memref<256x128xf32, #tpu.memory_space<vmem>>, vector<16xf32>,
      %add3A_282 = arith.constant 16 : i32
      %add3A_283 = arith.addi %squeeze3A_269, %add3A_282 : i32
      %get3A_284 = arith.index_cast %add3A_267 : i32 to index
      %get3A_285 = arith.index_cast %add3A_283 : i32 to index
      %get3A_286 = tpu.vector_load %arg13[%get3A_284, %get3A_285] {strides = array<i32>} : memref<256x128xf32, #tpu.memory_space<vmem>>, vector<16xf32>,
      %mul3A_287 = arith.mulf %get3A_281, %get3A_286 : vector<16xf32>
      %add3A_288 = arith.addf %mul3A_276, %mul3A_287 : vector<16xf32>
      %add3A_289 = arith.constant 32 : i32
      %add3A_290 = arith.addi %squeeze3A, %add3A_289 : i32
      %get3A_291 = arith.index_cast %add3A_267 : i32 to index
      %get3A_292 = arith.index_cast %add3A_290 : i32 to index
      %get3A_293 = tpu.vector_load %arg12[%get3A_291, %get3A_292] {strides = array<i32>} : memref<256x128xf32, #tpu.memory_space<vmem>>, vector<16xf32>,
      %add3A_294 = arith.constant 32 : i32
      %add3A_295 = arith.addi %squeeze3A_269, %add3A_294 : i32
      %get3A_296 = arith.index_cast %add3A_267 : i32 to index
      %get3A_297 = arith.index_cast %add3A_295 : i32 to index
      %get3A_298 = tpu.vector_load %arg13[%get3A_296, %get3A_297] {strides = array<i32>} : memref<256x128xf32, #tpu.memory_space<vmem>>, vector<16xf32>,
      %mul3A_299 = arith.mulf %get3A_293, %get3A_298 : vector<16xf32>
      %add3A_300 = arith.addf %add3A_288, %mul3A_299 : vector<16xf32>
      %add3A_301 = arith.constant 48 : i32
      %add3A_302 = arith.addi %squeeze3A, %add3A_301 : i32
      %get3A_303 = arith.index_cast %add3A_267 : i32 to index
      %get3A_304 = arith.index_cast %add3A_302 : i32 to index
      %get3A_305 = tpu.vector_load %arg12[%get3A_303, %get3A_304] {strides = array<i32>} : memref<256x128xf32, #tpu.memory_space<vmem>>, vector<16xf32>,
      %add3A_306 = arith.constant 48 : i32
      %add3A_307 = arith.addi %squeeze3A_269, %add3A_306 : i32
      %get3A_308 = arith.index_cast %add3A_267 : i32 to index
      %get3A_309 = arith.index_cast %add3A_307 : i32 to index
      %get3A_310 = tpu.vector_load %arg13[%get3A_308, %get3A_309] {strides = array<i32>} : memref<256x128xf32, #tpu.memory_space<vmem>>, vector<16xf32>,
      %mul3A_311 = arith.mulf %get3A_305, %get3A_310 : vector<16xf32>
      %add3A_312 = arith.addf %add3A_300, %mul3A_311 : vector<16xf32>
      %add3A_313 = arith.constant 0 : i32
      %add3A_314 = vector.broadcast %add3A_313 : i32 to vector<16xi32>
      %add3A_315 = arith.addi %mul3A_33, %add3A_314 : vector<16xi32>
      %add3A_316 = vector.broadcast %add3A_267 : i32 to vector<16xi32>
      %add3A_317 = arith.addi %add3A_315, %add3A_316 : vector<16xi32>
      tpu.vector_store_idx %arg14[%add3A_317], %add3A_312 : memref<8208xf32, #tpu.memory_space<vmem>>[vector<16xi32>], vector<16xf32>,
      %mul3A_318 = arith.constant 16 : i32
      %mul3A_319 = arith.muli %scan3A_210, %mul3A_318 : i32
      %add3A_320 = arith.constant 1 : i32
      %add3A_321 = arith.addi %mul3A_319, %add3A_320 : i32
      %slice3A_322 = vector.extract_strided_slice %select_n3A_252 {offsets = [1], sizes = [1], strides = [1]} : vector<16xi32> to vector<1xi32>
      %squeeze3A_323 = vector.extract %slice3A_322[0] : i32 from vector<1xi32>
      %slice3A_324 = vector.extract_strided_slice %select_n3A_263 {offsets = [1], sizes = [1], strides = [1]} : vector<16xi32> to vector<1xi32>
      %squeeze3A_325 = vector.extract %slice3A_324[0] : i32 from vector<1xi32>
      %get3A_326 = arith.index_cast %add3A_321 : i32 to index
      %get3A_327 = arith.index_cast %squeeze3A_323 : i32 to index
      %get3A_328 = tpu.vector_load %arg12[%get3A_326, %get3A_327] {strides = array<i32>} : memref<256x128xf32, #tpu.memory_space<vmem>>, vector<16xf32>,
      %get3A_329 = arith.index_cast %add3A_321 : i32 to index
      %get3A_330 = arith.index_cast %squeeze3A_325 : i32 to index
      %get3A_331 = tpu.vector_load %arg13[%get3A_329, %get3A_330] {strides = array<i32>} : memref<256x128xf32, #tpu.memory_space<vmem>>, vector<16xf32>,
      %mul3A_332 = arith.mulf %get3A_328, %get3A_331 : vector<16xf32>
      %add3A_333 = arith.constant 16 : i32
      %add3A_334 = arith.addi %squeeze3A_323, %add3A_333 : i32
      %get3A_335 = arith.index_cast %add3A_321 : i32 to index
      %get3A_336 = arith.index_cast %add3A_334 : i32 to index
      %get3A_337 = tpu.vector_load %arg12[%get3A_335, %get3A_336] {strides = array<i32>} : memref<256x128xf32, #tpu.memory_space<vmem>>, vector<16xf32>,
      %add3A_338 = arith.constant 16 : i32
      %add3A_339 = arith.addi %squeeze3A_325, %add3A_338 : i32
      %get3A_340 = arith.index_cast %add3A_321 : i32 to index
      %get3A_341 = arith.index_cast %add3A_339 : i32 to index
      %get3A_342 = tpu.vector_load %arg13[%get3A_340, %get3A_341] {strides = array<i32>} : memref<256x128xf32, #tpu.memory_space<vmem>>, vector<16xf32>,
      %mul3A_343 = arith.mulf %get3A_337, %get3A_342 : vector<16xf32>
      %add3A_344 = arith.addf %mul3A_332, %mul3A_343 : vector<16xf32>
      %add3A_345 = arith.constant 32 : i32
      %add3A_346 = arith.addi %squeeze3A_323, %add3A_345 : i32
      %get3A_347 = arith.index_cast %add3A_321 : i32 to index
      %get3A_348 = arith.index_cast %add3A_346 : i32 to index
      %get3A_349 = tpu.vector_load %arg12[%get3A_347, %get3A_348] {strides = array<i32>} : memref<256x128xf32, #tpu.memory_space<vmem>>, vector<16xf32>,
      %add3A_350 = arith.constant 32 : i32
      %add3A_351 = arith.addi %squeeze3A_325, %add3A_350 : i32
      %get3A_352 = arith.index_cast %add3A_321 : i32 to index
      %get3A_353 = arith.index_cast %add3A_351 : i32 to index
      %get3A_354 = tpu.vector_load %arg13[%get3A_352, %get3A_353] {strides = array<i32>} : memref<256x128xf32, #tpu.memory_space<vmem>>, vector<16xf32>,
      %mul3A_355 = arith.mulf %get3A_349, %get3A_354 : vector<16xf32>
      %add3A_356 = arith.addf %add3A_344, %mul3A_355 : vector<16xf32>
      %add3A_357 = arith.constant 48 : i32
      %add3A_358 = arith.addi %squeeze3A_323, %add3A_357 : i32
      %get3A_359 = arith.index_cast %add3A_321 : i32 to index
      %get3A_360 = arith.index_cast %add3A_358 : i32 to index
      %get3A_361 = tpu.vector_load %arg12[%get3A_359, %get3A_360] {strides = array<i32>} : memref<256x128xf32, #tpu.memory_space<vmem>>, vector<16xf32>,
      %add3A_362 = arith.constant 48 : i32
      %add3A_363 = arith.addi %squeeze3A_325, %add3A_362 : i32
      %get3A_364 = arith.index_cast %add3A_321 : i32 to index
      %get3A_365 = arith.index_cast %add3A_363 : i32 to index
      %get3A_366 = tpu.vector_load %arg13[%get3A_364, %get3A_365] {strides = array<i32>} : memref<256x128xf32, #tpu.memory_space<vmem>>, vector<16xf32>,
      %mul3A_367 = arith.mulf %get3A_361, %get3A_366 : vector<16xf32>
      %add3A_368 = arith.addf %add3A_356, %mul3A_367 : vector<16xf32>
      %add3A_369 = arith.constant 0 : i32
      %add3A_370 = vector.broadcast %add3A_369 : i32 to vector<16xi32>
      %add3A_371 = arith.addi %mul3A_33, %add3A_370 : vector<16xi32>
      %add3A_372 = vector.broadcast %add3A_321 : i32 to vector<16xi32>
      %add3A_373 = arith.addi %add3A_371, %add3A_372 : vector<16xi32>
      tpu.vector_store_idx %arg14[%add3A_373], %add3A_368 : memref<8208xf32, #tpu.memory_space<vmem>>[vector<16xi32>], vector<16xf32>,
      %mul3A_374 = arith.constant 16 : i32
      %mul3A_375 = arith.muli %scan3A_210, %mul3A_374 : i32
      %add3A_376 = arith.constant 2 : i32
      %add3A_377 = arith.addi %mul3A_375, %add3A_376 : i32
      %slice3A_378 = vector.extract_strided_slice %select_n3A_252 {offsets = [2], sizes = [1], strides = [1]} : vector<16xi32> to vector<1xi32>
      %squeeze3A_379 = vector.extract %slice3A_378[0] : i32 from vector<1xi32>
      %slice3A_380 = vector.extract_strided_slice %select_n3A_263 {offsets = [2], sizes = [1], strides = [1]} : vector<16xi32> to vector<1xi32>
      %squeeze3A_381 = vector.extract %slice3A_380[0] : i32 from vector<1xi32>
      %get3A_382 = arith.index_cast %add3A_377 : i32 to index
      %get3A_383 = arith.index_cast %squeeze3A_379 : i32 to index
      %get3A_384 = tpu.vector_load %arg12[%get3A_382, %get3A_383] {strides = array<i32>} : memref<256x128xf32, #tpu.memory_space<vmem>>, vector<16xf32>,
      %get3A_385 = arith.index_cast %add3A_377 : i32 to index
      %get3A_386 = arith.index_cast %squeeze3A_381 : i32 to index
      %get3A_387 = tpu.vector_load %arg13[%get3A_385, %get3A_386] {strides = array<i32>} : memref<256x128xf32, #tpu.memory_space<vmem>>, vector<16xf32>,
      %mul3A_388 = arith.mulf %get3A_384, %get3A_387 : vector<16xf32>
      %add3A_389 = arith.constant 16 : i32
      %add3A_390 = arith.addi %squeeze3A_379, %add3A_389 : i32
      %get3A_391 = arith.index_cast %add3A_377 : i32 to index
      %get3A_392 = arith.index_cast %add3A_390 : i32 to index
      %get3A_393 = tpu.vector_load %arg12[%get3A_391, %get3A_392] {strides = array<i32>} : memref<256x128xf32, #tpu.memory_space<vmem>>, vector<16xf32>,
      %add3A_394 = arith.constant 16 : i32
      %add3A_395 = arith.addi %squeeze3A_381, %add3A_394 : i32
      %get3A_396 = arith.index_cast %add3A_377 : i32 to index
      %get3A_397 = arith.index_cast %add3A_395 : i32 to index
      %get3A_398 = tpu.vector_load %arg13[%get3A_396, %get3A_397] {strides = array<i32>} : memref<256x128xf32, #tpu.memory_space<vmem>>, vector<16xf32>,
      %mul3A_399 = arith.mulf %get3A_393, %get3A_398 : vector<16xf32>
      %add3A_400 = arith.addf %mul3A_388, %mul3A_399 : vector<16xf32>
      %add3A_401 = arith.constant 32 : i32
      %add3A_402 = arith.addi %squeeze3A_379, %add3A_401 : i32
      %get3A_403 = arith.index_cast %add3A_377 : i32 to index
      %get3A_404 = arith.index_cast %add3A_402 : i32 to index
      %get3A_405 = tpu.vector_load %arg12[%get3A_403, %get3A_404] {strides = array<i32>} : memref<256x128xf32, #tpu.memory_space<vmem>>, vector<16xf32>,
      %add3A_406 = arith.constant 32 : i32
      %add3A_407 = arith.addi %squeeze3A_381, %add3A_406 : i32
      %get3A_408 = arith.index_cast %add3A_377 : i32 to index
      %get3A_409 = arith.index_cast %add3A_407 : i32 to index
      %get3A_410 = tpu.vector_load %arg13[%get3A_408, %get3A_409] {strides = array<i32>} : memref<256x128xf32, #tpu.memory_space<vmem>>, vector<16xf32>,
      %mul3A_411 = arith.mulf %get3A_405, %get3A_410 : vector<16xf32>
      %add3A_412 = arith.addf %add3A_400, %mul3A_411 : vector<16xf32>
      %add3A_413 = arith.constant 48 : i32
      %add3A_414 = arith.addi %squeeze3A_379, %add3A_413 : i32
      %get3A_415 = arith.index_cast %add3A_377 : i32 to index
      %get3A_416 = arith.index_cast %add3A_414 : i32 to index
      %get3A_417 = tpu.vector_load %arg12[%get3A_415, %get3A_416] {strides = array<i32>} : memref<256x128xf32, #tpu.memory_space<vmem>>, vector<16xf32>,
      %add3A_418 = arith.constant 48 : i32
      %add3A_419 = arith.addi %squeeze3A_381, %add3A_418 : i32
      %get3A_420 = arith.index_cast %add3A_377 : i32 to index
      %get3A_421 = arith.index_cast %add3A_419 : i32 to index
      %get3A_422 = tpu.vector_load %arg13[%get3A_420, %get3A_421] {strides = array<i32>} : memref<256x128xf32, #tpu.memory_space<vmem>>, vector<16xf32>,
      %mul3A_423 = arith.mulf %get3A_417, %get3A_422 : vector<16xf32>
      %add3A_424 = arith.addf %add3A_412, %mul3A_423 : vector<16xf32>
      %add3A_425 = arith.constant 0 : i32
      %add3A_426 = vector.broadcast %add3A_425 : i32 to vector<16xi32>
      %add3A_427 = arith.addi %mul3A_33, %add3A_426 : vector<16xi32>
      %add3A_428 = vector.broadcast %add3A_377 : i32 to vector<16xi32>
      %add3A_429 = arith.addi %add3A_427, %add3A_428 : vector<16xi32>
      tpu.vector_store_idx %arg14[%add3A_429], %add3A_424 : memref<8208xf32, #tpu.memory_space<vmem>>[vector<16xi32>], vector<16xf32>,
      %mul3A_430 = arith.constant 16 : i32
      %mul3A_431 = arith.muli %scan3A_210, %mul3A_430 : i32
      %add3A_432 = arith.constant 3 : i32
      %add3A_433 = arith.addi %mul3A_431, %add3A_432 : i32
      %slice3A_434 = vector.extract_strided_slice %select_n3A_252 {offsets = [3], sizes = [1], strides = [1]} : vector<16xi32> to vector<1xi32>
      %squeeze3A_435 = vector.extract %slice3A_434[0] : i32 from vector<1xi32>
      %slice3A_436 = vector.extract_strided_slice %select_n3A_263 {offsets = [3], sizes = [1], strides = [1]} : vector<16xi32> to vector<1xi32>
      %squeeze3A_437 = vector.extract %slice3A_436[0] : i32 from vector<1xi32>
      %get3A_438 = arith.index_cast %add3A_433 : i32 to index
      %get3A_439 = arith.index_cast %squeeze3A_435 : i32 to index
      %get3A_440 = tpu.vector_load %arg12[%get3A_438, %get3A_439] {strides = array<i32>} : memref<256x128xf32, #tpu.memory_space<vmem>>, vector<16xf32>,
      %get3A_441 = arith.index_cast %add3A_433 : i32 to index
      %get3A_442 = arith.index_cast %squeeze3A_437 : i32 to index
      %get3A_443 = tpu.vector_load %arg13[%get3A_441, %get3A_442] {strides = array<i32>} : memref<256x128xf32, #tpu.memory_space<vmem>>, vector<16xf32>,
      %mul3A_444 = arith.mulf %get3A_440, %get3A_443 : vector<16xf32>
      %add3A_445 = arith.constant 16 : i32
      %add3A_446 = arith.addi %squeeze3A_435, %add3A_445 : i32
      %get3A_447 = arith.index_cast %add3A_433 : i32 to index
      %get3A_448 = arith.index_cast %add3A_446 : i32 to index
      %get3A_449 = tpu.vector_load %arg12[%get3A_447, %get3A_448] {strides = array<i32>} : memref<256x128xf32, #tpu.memory_space<vmem>>, vector<16xf32>,
      %add3A_450 = arith.constant 16 : i32
      %add3A_451 = arith.addi %squeeze3A_437, %add3A_450 : i32
      %get3A_452 = arith.index_cast %add3A_433 : i32 to index
      %get3A_453 = arith.index_cast %add3A_451 : i32 to index
      %get3A_454 = tpu.vector_load %arg13[%get3A_452, %get3A_453] {strides = array<i32>} : memref<256x128xf32, #tpu.memory_space<vmem>>, vector<16xf32>,
      %mul3A_455 = arith.mulf %get3A_449, %get3A_454 : vector<16xf32>
      %add3A_456 = arith.addf %mul3A_444, %mul3A_455 : vector<16xf32>
      %add3A_457 = arith.constant 32 : i32
      %add3A_458 = arith.addi %squeeze3A_435, %add3A_457 : i32
      %get3A_459 = arith.index_cast %add3A_433 : i32 to index
      %get3A_460 = arith.index_cast %add3A_458 : i32 to index
      %get3A_461 = tpu.vector_load %arg12[%get3A_459, %get3A_460] {strides = array<i32>} : memref<256x128xf32, #tpu.memory_space<vmem>>, vector<16xf32>,
      %add3A_462 = arith.constant 32 : i32
      %add3A_463 = arith.addi %squeeze3A_437, %add3A_462 : i32
      %get3A_464 = arith.index_cast %add3A_433 : i32 to index
      %get3A_465 = arith.index_cast %add3A_463 : i32 to index
      %get3A_466 = tpu.vector_load %arg13[%get3A_464, %get3A_465] {strides = array<i32>} : memref<256x128xf32, #tpu.memory_space<vmem>>, vector<16xf32>,
      %mul3A_467 = arith.mulf %get3A_461, %get3A_466 : vector<16xf32>
      %add3A_468 = arith.addf %add3A_456, %mul3A_467 : vector<16xf32>
      %add3A_469 = arith.constant 48 : i32
      %add3A_470 = arith.addi %squeeze3A_435, %add3A_469 : i32
      %get3A_471 = arith.index_cast %add3A_433 : i32 to index
      %get3A_472 = arith.index_cast %add3A_470 : i32 to index
      %get3A_473 = tpu.vector_load %arg12[%get3A_471, %get3A_472] {strides = array<i32>} : memref<256x128xf32, #tpu.memory_space<vmem>>, vector<16xf32>,
      %add3A_474 = arith.constant 48 : i32
      %add3A_475 = arith.addi %squeeze3A_437, %add3A_474 : i32
      %get3A_476 = arith.index_cast %add3A_433 : i32 to index
      %get3A_477 = arith.index_cast %add3A_475 : i32 to index
      %get3A_478 = tpu.vector_load %arg13[%get3A_476, %get3A_477] {strides = array<i32>} : memref<256x128xf32, #tpu.memory_space<vmem>>, vector<16xf32>,
      %mul3A_479 = arith.mulf %get3A_473, %get3A_478 : vector<16xf32>
      %add3A_480 = arith.addf %add3A_468, %mul3A_479 : vector<16xf32>
      %add3A_481 = arith.constant 0 : i32
      %add3A_482 = vector.broadcast %add3A_481 : i32 to vector<16xi32>
      %add3A_483 = arith.addi %mul3A_33, %add3A_482 : vector<16xi32>
      %add3A_484 = vector.broadcast %add3A_433 : i32 to vector<16xi32>
      %add3A_485 = arith.addi %add3A_483, %add3A_484 : vector<16xi32>
      tpu.vector_store_idx %arg14[%add3A_485], %add3A_480 : memref<8208xf32, #tpu.memory_space<vmem>>[vector<16xi32>], vector<16xf32>,
      %mul3A_486 = arith.constant 16 : i32
      %mul3A_487 = arith.muli %scan3A_210, %mul3A_486 : i32
      %add3A_488 = arith.constant 4 : i32
      %add3A_489 = arith.addi %mul3A_487, %add3A_488 : i32
      %slice3A_490 = vector.extract_strided_slice %select_n3A_252 {offsets = [4], sizes = [1], strides = [1]} : vector<16xi32> to vector<1xi32>
      %squeeze3A_491 = vector.extract %slice3A_490[0] : i32 from vector<1xi32>
      %slice3A_492 = vector.extract_strided_slice %select_n3A_263 {offsets = [4], sizes = [1], strides = [1]} : vector<16xi32> to vector<1xi32>
      %squeeze3A_493 = vector.extract %slice3A_492[0] : i32 from vector<1xi32>
      %get3A_494 = arith.index_cast %add3A_489 : i32 to index
      %get3A_495 = arith.index_cast %squeeze3A_491 : i32 to index
      %get3A_496 = tpu.vector_load %arg12[%get3A_494, %get3A_495] {strides = array<i32>} : memref<256x128xf32, #tpu.memory_space<vmem>>, vector<16xf32>,
      %get3A_497 = arith.index_cast %add3A_489 : i32 to index
      %get3A_498 = arith.index_cast %squeeze3A_493 : i32 to index
      %get3A_499 = tpu.vector_load %arg13[%get3A_497, %get3A_498] {strides = array<i32>} : memref<256x128xf32, #tpu.memory_space<vmem>>, vector<16xf32>,
      %mul3A_500 = arith.mulf %get3A_496, %get3A_499 : vector<16xf32>
      %add3A_501 = arith.constant 16 : i32
      %add3A_502 = arith.addi %squeeze3A_491, %add3A_501 : i32
      %get3A_503 = arith.index_cast %add3A_489 : i32 to index
      %get3A_504 = arith.index_cast %add3A_502 : i32 to index
      %get3A_505 = tpu.vector_load %arg12[%get3A_503, %get3A_504] {strides = array<i32>} : memref<256x128xf32, #tpu.memory_space<vmem>>, vector<16xf32>,
      %add3A_506 = arith.constant 16 : i32
      %add3A_507 = arith.addi %squeeze3A_493, %add3A_506 : i32
      %get3A_508 = arith.index_cast %add3A_489 : i32 to index
      %get3A_509 = arith.index_cast %add3A_507 : i32 to index
      %get3A_510 = tpu.vector_load %arg13[%get3A_508, %get3A_509] {strides = array<i32>} : memref<256x128xf32, #tpu.memory_space<vmem>>, vector<16xf32>,
      %mul3A_511 = arith.mulf %get3A_505, %get3A_510 : vector<16xf32>
      %add3A_512 = arith.addf %mul3A_500, %mul3A_511 : vector<16xf32>
      %add3A_513 = arith.constant 32 : i32
      %add3A_514 = arith.addi %squeeze3A_491, %add3A_513 : i32
      %get3A_515 = arith.index_cast %add3A_489 : i32 to index
      %get3A_516 = arith.index_cast %add3A_514 : i32 to index
      %get3A_517 = tpu.vector_load %arg12[%get3A_515, %get3A_516] {strides = array<i32>} : memref<256x128xf32, #tpu.memory_space<vmem>>, vector<16xf32>,
      %add3A_518 = arith.constant 32 : i32
      %add3A_519 = arith.addi %squeeze3A_493, %add3A_518 : i32
      %get3A_520 = arith.index_cast %add3A_489 : i32 to index
      %get3A_521 = arith.index_cast %add3A_519 : i32 to index
      %get3A_522 = tpu.vector_load %arg13[%get3A_520, %get3A_521] {strides = array<i32>} : memref<256x128xf32, #tpu.memory_space<vmem>>, vector<16xf32>,
      %mul3A_523 = arith.mulf %get3A_517, %get3A_522 : vector<16xf32>
      %add3A_524 = arith.addf %add3A_512, %mul3A_523 : vector<16xf32>
      %add3A_525 = arith.constant 48 : i32
      %add3A_526 = arith.addi %squeeze3A_491, %add3A_525 : i32
      %get3A_527 = arith.index_cast %add3A_489 : i32 to index
      %get3A_528 = arith.index_cast %add3A_526 : i32 to index
      %get3A_529 = tpu.vector_load %arg12[%get3A_527, %get3A_528] {strides = array<i32>} : memref<256x128xf32, #tpu.memory_space<vmem>>, vector<16xf32>,
      %add3A_530 = arith.constant 48 : i32
      %add3A_531 = arith.addi %squeeze3A_493, %add3A_530 : i32
      %get3A_532 = arith.index_cast %add3A_489 : i32 to index
      %get3A_533 = arith.index_cast %add3A_531 : i32 to index
      %get3A_534 = tpu.vector_load %arg13[%get3A_532, %get3A_533] {strides = array<i32>} : memref<256x128xf32, #tpu.memory_space<vmem>>, vector<16xf32>,
      %mul3A_535 = arith.mulf %get3A_529, %get3A_534 : vector<16xf32>
      %add3A_536 = arith.addf %add3A_524, %mul3A_535 : vector<16xf32>
      %add3A_537 = arith.constant 0 : i32
      %add3A_538 = vector.broadcast %add3A_537 : i32 to vector<16xi32>
      %add3A_539 = arith.addi %mul3A_33, %add3A_538 : vector<16xi32>
      %add3A_540 = vector.broadcast %add3A_489 : i32 to vector<16xi32>
      %add3A_541 = arith.addi %add3A_539, %add3A_540 : vector<16xi32>
      tpu.vector_store_idx %arg14[%add3A_541], %add3A_536 : memref<8208xf32, #tpu.memory_space<vmem>>[vector<16xi32>], vector<16xf32>,
      %mul3A_542 = arith.constant 16 : i32
      %mul3A_543 = arith.muli %scan3A_210, %mul3A_542 : i32
      %add3A_544 = arith.constant 5 : i32
      %add3A_545 = arith.addi %mul3A_543, %add3A_544 : i32
      %slice3A_546 = vector.extract_strided_slice %select_n3A_252 {offsets = [5], sizes = [1], strides = [1]} : vector<16xi32> to vector<1xi32>
      %squeeze3A_547 = vector.extract %slice3A_546[0] : i32 from vector<1xi32>
      %slice3A_548 = vector.extract_strided_slice %select_n3A_263 {offsets = [5], sizes = [1], strides = [1]} : vector<16xi32> to vector<1xi32>
      %squeeze3A_549 = vector.extract %slice3A_548[0] : i32 from vector<1xi32>
      %get3A_550 = arith.index_cast %add3A_545 : i32 to index
      %get3A_551 = arith.index_cast %squeeze3A_547 : i32 to index
      %get3A_552 = tpu.vector_load %arg12[%get3A_550, %get3A_551] {strides = array<i32>} : memref<256x128xf32, #tpu.memory_space<vmem>>, vector<16xf32>,
      %get3A_553 = arith.index_cast %add3A_545 : i32 to index
      %get3A_554 = arith.index_cast %squeeze3A_549 : i32 to index
      %get3A_555 = tpu.vector_load %arg13[%get3A_553, %get3A_554] {strides = array<i32>} : memref<256x128xf32, #tpu.memory_space<vmem>>, vector<16xf32>,
      %mul3A_556 = arith.mulf %get3A_552, %get3A_555 : vector<16xf32>
      %add3A_557 = arith.constant 16 : i32
      %add3A_558 = arith.addi %squeeze3A_547, %add3A_557 : i32
      %get3A_559 = arith.index_cast %add3A_545 : i32 to index
      %get3A_560 = arith.index_cast %add3A_558 : i32 to index
      %get3A_561 = tpu.vector_load %arg12[%get3A_559, %get3A_560] {strides = array<i32>} : memref<256x128xf32, #tpu.memory_space<vmem>>, vector<16xf32>,
      %add3A_562 = arith.constant 16 : i32
      %add3A_563 = arith.addi %squeeze3A_549, %add3A_562 : i32
      %get3A_564 = arith.index_cast %add3A_545 : i32 to index
      %get3A_565 = arith.index_cast %add3A_563 : i32 to index
      %get3A_566 = tpu.vector_load %arg13[%get3A_564, %get3A_565] {strides = array<i32>} : memref<256x128xf32, #tpu.memory_space<vmem>>, vector<16xf32>,
      %mul3A_567 = arith.mulf %get3A_561, %get3A_566 : vector<16xf32>
      %add3A_568 = arith.addf %mul3A_556, %mul3A_567 : vector<16xf32>
      %add3A_569 = arith.constant 32 : i32
      %add3A_570 = arith.addi %squeeze3A_547, %add3A_569 : i32
      %get3A_571 = arith.index_cast %add3A_545 : i32 to index
      %get3A_572 = arith.index_cast %add3A_570 : i32 to index
      %get3A_573 = tpu.vector_load %arg12[%get3A_571, %get3A_572] {strides = array<i32>} : memref<256x128xf32, #tpu.memory_space<vmem>>, vector<16xf32>,
      %add3A_574 = arith.constant 32 : i32
      %add3A_575 = arith.addi %squeeze3A_549, %add3A_574 : i32
      %get3A_576 = arith.index_cast %add3A_545 : i32 to index
      %get3A_577 = arith.index_cast %add3A_575 : i32 to index
      %get3A_578 = tpu.vector_load %arg13[%get3A_576, %get3A_577] {strides = array<i32>} : memref<256x128xf32, #tpu.memory_space<vmem>>, vector<16xf32>,
      %mul3A_579 = arith.mulf %get3A_573, %get3A_578 : vector<16xf32>
      %add3A_580 = arith.addf %add3A_568, %mul3A_579 : vector<16xf32>
      %add3A_581 = arith.constant 48 : i32
      %add3A_582 = arith.addi %squeeze3A_547, %add3A_581 : i32
      %get3A_583 = arith.index_cast %add3A_545 : i32 to index
      %get3A_584 = arith.index_cast %add3A_582 : i32 to index
      %get3A_585 = tpu.vector_load %arg12[%get3A_583, %get3A_584] {strides = array<i32>} : memref<256x128xf32, #tpu.memory_space<vmem>>, vector<16xf32>,
      %add3A_586 = arith.constant 48 : i32
      %add3A_587 = arith.addi %squeeze3A_549, %add3A_586 : i32
      %get3A_588 = arith.index_cast %add3A_545 : i32 to index
      %get3A_589 = arith.index_cast %add3A_587 : i32 to index
      %get3A_590 = tpu.vector_load %arg13[%get3A_588, %get3A_589] {strides = array<i32>} : memref<256x128xf32, #tpu.memory_space<vmem>>, vector<16xf32>,
      %mul3A_591 = arith.mulf %get3A_585, %get3A_590 : vector<16xf32>
      %add3A_592 = arith.addf %add3A_580, %mul3A_591 : vector<16xf32>
      %add3A_593 = arith.constant 0 : i32
      %add3A_594 = vector.broadcast %add3A_593 : i32 to vector<16xi32>
      %add3A_595 = arith.addi %mul3A_33, %add3A_594 : vector<16xi32>
      %add3A_596 = vector.broadcast %add3A_545 : i32 to vector<16xi32>
      %add3A_597 = arith.addi %add3A_595, %add3A_596 : vector<16xi32>
      tpu.vector_store_idx %arg14[%add3A_597], %add3A_592 : memref<8208xf32, #tpu.memory_space<vmem>>[vector<16xi32>], vector<16xf32>,
      %mul3A_598 = arith.constant 16 : i32
      %mul3A_599 = arith.muli %scan3A_210, %mul3A_598 : i32
      %add3A_600 = arith.constant 6 : i32
      %add3A_601 = arith.addi %mul3A_599, %add3A_600 : i32
      %slice3A_602 = vector.extract_strided_slice %select_n3A_252 {offsets = [6], sizes = [1], strides = [1]} : vector<16xi32> to vector<1xi32>
      %squeeze3A_603 = vector.extract %slice3A_602[0] : i32 from vector<1xi32>
      %slice3A_604 = vector.extract_strided_slice %select_n3A_263 {offsets = [6], sizes = [1], strides = [1]} : vector<16xi32> to vector<1xi32>
      %squeeze3A_605 = vector.extract %slice3A_604[0] : i32 from vector<1xi32>
      %get3A_606 = arith.index_cast %add3A_601 : i32 to index
      %get3A_607 = arith.index_cast %squeeze3A_603 : i32 to index
      %get3A_608 = tpu.vector_load %arg12[%get3A_606, %get3A_607] {strides = array<i32>} : memref<256x128xf32, #tpu.memory_space<vmem>>, vector<16xf32>,
      %get3A_609 = arith.index_cast %add3A_601 : i32 to index
      %get3A_610 = arith.index_cast %squeeze3A_605 : i32 to index
      %get3A_611 = tpu.vector_load %arg13[%get3A_609, %get3A_610] {strides = array<i32>} : memref<256x128xf32, #tpu.memory_space<vmem>>, vector<16xf32>,
      %mul3A_612 = arith.mulf %get3A_608, %get3A_611 : vector<16xf32>
      %add3A_613 = arith.constant 16 : i32
      %add3A_614 = arith.addi %squeeze3A_603, %add3A_613 : i32
      %get3A_615 = arith.index_cast %add3A_601 : i32 to index
      %get3A_616 = arith.index_cast %add3A_614 : i32 to index
      %get3A_617 = tpu.vector_load %arg12[%get3A_615, %get3A_616] {strides = array<i32>} : memref<256x128xf32, #tpu.memory_space<vmem>>, vector<16xf32>,
      %add3A_618 = arith.constant 16 : i32
      %add3A_619 = arith.addi %squeeze3A_605, %add3A_618 : i32
      %get3A_620 = arith.index_cast %add3A_601 : i32 to index
      %get3A_621 = arith.index_cast %add3A_619 : i32 to index
      %get3A_622 = tpu.vector_load %arg13[%get3A_620, %get3A_621] {strides = array<i32>} : memref<256x128xf32, #tpu.memory_space<vmem>>, vector<16xf32>,
      %mul3A_623 = arith.mulf %get3A_617, %get3A_622 : vector<16xf32>
      %add3A_624 = arith.addf %mul3A_612, %mul3A_623 : vector<16xf32>
      %add3A_625 = arith.constant 32 : i32
      %add3A_626 = arith.addi %squeeze3A_603, %add3A_625 : i32
      %get3A_627 = arith.index_cast %add3A_601 : i32 to index
      %get3A_628 = arith.index_cast %add3A_626 : i32 to index
      %get3A_629 = tpu.vector_load %arg12[%get3A_627, %get3A_628] {strides = array<i32>} : memref<256x128xf32, #tpu.memory_space<vmem>>, vector<16xf32>,
      %add3A_630 = arith.constant 32 : i32
      %add3A_631 = arith.addi %squeeze3A_605, %add3A_630 : i32
      %get3A_632 = arith.index_cast %add3A_601 : i32 to index
      %get3A_633 = arith.index_cast %add3A_631 : i32 to index
      %get3A_634 = tpu.vector_load %arg13[%get3A_632, %get3A_633] {strides = array<i32>} : memref<256x128xf32, #tpu.memory_space<vmem>>, vector<16xf32>,
      %mul3A_635 = arith.mulf %get3A_629, %get3A_634 : vector<16xf32>
      %add3A_636 = arith.addf %add3A_624, %mul3A_635 : vector<16xf32>
      %add3A_637 = arith.constant 48 : i32
      %add3A_638 = arith.addi %squeeze3A_603, %add3A_637 : i32
      %get3A_639 = arith.index_cast %add3A_601 : i32 to index
      %get3A_640 = arith.index_cast %add3A_638 : i32 to index
      %get3A_641 = tpu.vector_load %arg12[%get3A_639, %get3A_640] {strides = array<i32>} : memref<256x128xf32, #tpu.memory_space<vmem>>, vector<16xf32>,
      %add3A_642 = arith.constant 48 : i32
      %add3A_643 = arith.addi %squeeze3A_605, %add3A_642 : i32
      %get3A_644 = arith.index_cast %add3A_601 : i32 to index
      %get3A_645 = arith.index_cast %add3A_643 : i32 to index
      %get3A_646 = tpu.vector_load %arg13[%get3A_644, %get3A_645] {strides = array<i32>} : memref<256x128xf32, #tpu.memory_space<vmem>>, vector<16xf32>,
      %mul3A_647 = arith.mulf %get3A_641, %get3A_646 : vector<16xf32>
      %add3A_648 = arith.addf %add3A_636, %mul3A_647 : vector<16xf32>
      %add3A_649 = arith.constant 0 : i32
      %add3A_650 = vector.broadcast %add3A_649 : i32 to vector<16xi32>
      %add3A_651 = arith.addi %mul3A_33, %add3A_650 : vector<16xi32>
      %add3A_652 = vector.broadcast %add3A_601 : i32 to vector<16xi32>
      %add3A_653 = arith.addi %add3A_651, %add3A_652 : vector<16xi32>
      tpu.vector_store_idx %arg14[%add3A_653], %add3A_648 : memref<8208xf32, #tpu.memory_space<vmem>>[vector<16xi32>], vector<16xf32>,
      %mul3A_654 = arith.constant 16 : i32
      %mul3A_655 = arith.muli %scan3A_210, %mul3A_654 : i32
      %add3A_656 = arith.constant 7 : i32
      %add3A_657 = arith.addi %mul3A_655, %add3A_656 : i32
      %slice3A_658 = vector.extract_strided_slice %select_n3A_252 {offsets = [7], sizes = [1], strides = [1]} : vector<16xi32> to vector<1xi32>
      %squeeze3A_659 = vector.extract %slice3A_658[0] : i32 from vector<1xi32>
      %slice3A_660 = vector.extract_strided_slice %select_n3A_263 {offsets = [7], sizes = [1], strides = [1]} : vector<16xi32> to vector<1xi32>
      %squeeze3A_661 = vector.extract %slice3A_660[0] : i32 from vector<1xi32>
      %get3A_662 = arith.index_cast %add3A_657 : i32 to index
      %get3A_663 = arith.index_cast %squeeze3A_659 : i32 to index
      %get3A_664 = tpu.vector_load %arg12[%get3A_662, %get3A_663] {strides = array<i32>} : memref<256x128xf32, #tpu.memory_space<vmem>>, vector<16xf32>,
      %get3A_665 = arith.index_cast %add3A_657 : i32 to index
      %get3A_666 = arith.index_cast %squeeze3A_661 : i32 to index
      %get3A_667 = tpu.vector_load %arg13[%get3A_665, %get3A_666] {strides = array<i32>} : memref<256x128xf32, #tpu.memory_space<vmem>>, vector<16xf32>,
      %mul3A_668 = arith.mulf %get3A_664, %get3A_667 : vector<16xf32>
      %add3A_669 = arith.constant 16 : i32
      %add3A_670 = arith.addi %squeeze3A_659, %add3A_669 : i32
      %get3A_671 = arith.index_cast %add3A_657 : i32 to index
      %get3A_672 = arith.index_cast %add3A_670 : i32 to index
      %get3A_673 = tpu.vector_load %arg12[%get3A_671, %get3A_672] {strides = array<i32>} : memref<256x128xf32, #tpu.memory_space<vmem>>, vector<16xf32>,
      %add3A_674 = arith.constant 16 : i32
      %add3A_675 = arith.addi %squeeze3A_661, %add3A_674 : i32
      %get3A_676 = arith.index_cast %add3A_657 : i32 to index
      %get3A_677 = arith.index_cast %add3A_675 : i32 to index
      %get3A_678 = tpu.vector_load %arg13[%get3A_676, %get3A_677] {strides = array<i32>} : memref<256x128xf32, #tpu.memory_space<vmem>>, vector<16xf32>,
      %mul3A_679 = arith.mulf %get3A_673, %get3A_678 : vector<16xf32>
      %add3A_680 = arith.addf %mul3A_668, %mul3A_679 : vector<16xf32>
      %add3A_681 = arith.constant 32 : i32
      %add3A_682 = arith.addi %squeeze3A_659, %add3A_681 : i32
      %get3A_683 = arith.index_cast %add3A_657 : i32 to index
      %get3A_684 = arith.index_cast %add3A_682 : i32 to index
      %get3A_685 = tpu.vector_load %arg12[%get3A_683, %get3A_684] {strides = array<i32>} : memref<256x128xf32, #tpu.memory_space<vmem>>, vector<16xf32>,
      %add3A_686 = arith.constant 32 : i32
      %add3A_687 = arith.addi %squeeze3A_661, %add3A_686 : i32
      %get3A_688 = arith.index_cast %add3A_657 : i32 to index
      %get3A_689 = arith.index_cast %add3A_687 : i32 to index
      %get3A_690 = tpu.vector_load %arg13[%get3A_688, %get3A_689] {strides = array<i32>} : memref<256x128xf32, #tpu.memory_space<vmem>>, vector<16xf32>,
      %mul3A_691 = arith.mulf %get3A_685, %get3A_690 : vector<16xf32>
      %add3A_692 = arith.addf %add3A_680, %mul3A_691 : vector<16xf32>
      %add3A_693 = arith.constant 48 : i32
      %add3A_694 = arith.addi %squeeze3A_659, %add3A_693 : i32
      %get3A_695 = arith.index_cast %add3A_657 : i32 to index
      %get3A_696 = arith.index_cast %add3A_694 : i32 to index
      %get3A_697 = tpu.vector_load %arg12[%get3A_695, %get3A_696] {strides = array<i32>} : memref<256x128xf32, #tpu.memory_space<vmem>>, vector<16xf32>,
      %add3A_698 = arith.constant 48 : i32
      %add3A_699 = arith.addi %squeeze3A_661, %add3A_698 : i32
      %get3A_700 = arith.index_cast %add3A_657 : i32 to index
      %get3A_701 = arith.index_cast %add3A_699 : i32 to index
      %get3A_702 = tpu.vector_load %arg13[%get3A_700, %get3A_701] {strides = array<i32>} : memref<256x128xf32, #tpu.memory_space<vmem>>, vector<16xf32>,
      %mul3A_703 = arith.mulf %get3A_697, %get3A_702 : vector<16xf32>
      %add3A_704 = arith.addf %add3A_692, %mul3A_703 : vector<16xf32>
      %add3A_705 = arith.constant 0 : i32
      %add3A_706 = vector.broadcast %add3A_705 : i32 to vector<16xi32>
      %add3A_707 = arith.addi %mul3A_33, %add3A_706 : vector<16xi32>
      %add3A_708 = vector.broadcast %add3A_657 : i32 to vector<16xi32>
      %add3A_709 = arith.addi %add3A_707, %add3A_708 : vector<16xi32>
      tpu.vector_store_idx %arg14[%add3A_709], %add3A_704 : memref<8208xf32, #tpu.memory_space<vmem>>[vector<16xi32>], vector<16xf32>,
      %mul3A_710 = arith.constant 16 : i32
      %mul3A_711 = arith.muli %scan3A_210, %mul3A_710 : i32
      %add3A_712 = arith.constant 8 : i32
      %add3A_713 = arith.addi %mul3A_711, %add3A_712 : i32
      %slice3A_714 = vector.extract_strided_slice %select_n3A_252 {offsets = [8], sizes = [1], strides = [1]} : vector<16xi32> to vector<1xi32>
      %squeeze3A_715 = vector.extract %slice3A_714[0] : i32 from vector<1xi32>
      %slice3A_716 = vector.extract_strided_slice %select_n3A_263 {offsets = [8], sizes = [1], strides = [1]} : vector<16xi32> to vector<1xi32>
      %squeeze3A_717 = vector.extract %slice3A_716[0] : i32 from vector<1xi32>
      %get3A_718 = arith.index_cast %add3A_713 : i32 to index
      %get3A_719 = arith.index_cast %squeeze3A_715 : i32 to index
      %get3A_720 = tpu.vector_load %arg12[%get3A_718, %get3A_719] {strides = array<i32>} : memref<256x128xf32, #tpu.memory_space<vmem>>, vector<16xf32>,
      %get3A_721 = arith.index_cast %add3A_713 : i32 to index
      %get3A_722 = arith.index_cast %squeeze3A_717 : i32 to index
      %get3A_723 = tpu.vector_load %arg13[%get3A_721, %get3A_722] {strides = array<i32>} : memref<256x128xf32, #tpu.memory_space<vmem>>, vector<16xf32>,
      %mul3A_724 = arith.mulf %get3A_720, %get3A_723 : vector<16xf32>
      %add3A_725 = arith.constant 16 : i32
      %add3A_726 = arith.addi %squeeze3A_715, %add3A_725 : i32
      %get3A_727 = arith.index_cast %add3A_713 : i32 to index
      %get3A_728 = arith.index_cast %add3A_726 : i32 to index
      %get3A_729 = tpu.vector_load %arg12[%get3A_727, %get3A_728] {strides = array<i32>} : memref<256x128xf32, #tpu.memory_space<vmem>>, vector<16xf32>,
      %add3A_730 = arith.constant 16 : i32
      %add3A_731 = arith.addi %squeeze3A_717, %add3A_730 : i32
      %get3A_732 = arith.index_cast %add3A_713 : i32 to index
      %get3A_733 = arith.index_cast %add3A_731 : i32 to index
      %get3A_734 = tpu.vector_load %arg13[%get3A_732, %get3A_733] {strides = array<i32>} : memref<256x128xf32, #tpu.memory_space<vmem>>, vector<16xf32>,
      %mul3A_735 = arith.mulf %get3A_729, %get3A_734 : vector<16xf32>
      %add3A_736 = arith.addf %mul3A_724, %mul3A_735 : vector<16xf32>
      %add3A_737 = arith.constant 32 : i32
      %add3A_738 = arith.addi %squeeze3A_715, %add3A_737 : i32
      %get3A_739 = arith.index_cast %add3A_713 : i32 to index
      %get3A_740 = arith.index_cast %add3A_738 : i32 to index
      %get3A_741 = tpu.vector_load %arg12[%get3A_739, %get3A_740] {strides = array<i32>} : memref<256x128xf32, #tpu.memory_space<vmem>>, vector<16xf32>,
      %add3A_742 = arith.constant 32 : i32
      %add3A_743 = arith.addi %squeeze3A_717, %add3A_742 : i32
      %get3A_744 = arith.index_cast %add3A_713 : i32 to index
      %get3A_745 = arith.index_cast %add3A_743 : i32 to index
      %get3A_746 = tpu.vector_load %arg13[%get3A_744, %get3A_745] {strides = array<i32>} : memref<256x128xf32, #tpu.memory_space<vmem>>, vector<16xf32>,
      %mul3A_747 = arith.mulf %get3A_741, %get3A_746 : vector<16xf32>
      %add3A_748 = arith.addf %add3A_736, %mul3A_747 : vector<16xf32>
      %add3A_749 = arith.constant 48 : i32
      %add3A_750 = arith.addi %squeeze3A_715, %add3A_749 : i32
      %get3A_751 = arith.index_cast %add3A_713 : i32 to index
      %get3A_752 = arith.index_cast %add3A_750 : i32 to index
      %get3A_753 = tpu.vector_load %arg12[%get3A_751, %get3A_752] {strides = array<i32>} : memref<256x128xf32, #tpu.memory_space<vmem>>, vector<16xf32>,
      %add3A_754 = arith.constant 48 : i32
      %add3A_755 = arith.addi %squeeze3A_717, %add3A_754 : i32
      %get3A_756 = arith.index_cast %add3A_713 : i32 to index
      %get3A_757 = arith.index_cast %add3A_755 : i32 to index
      %get3A_758 = tpu.vector_load %arg13[%get3A_756, %get3A_757] {strides = array<i32>} : memref<256x128xf32, #tpu.memory_space<vmem>>, vector<16xf32>,
      %mul3A_759 = arith.mulf %get3A_753, %get3A_758 : vector<16xf32>
      %add3A_760 = arith.addf %add3A_748, %mul3A_759 : vector<16xf32>
      %add3A_761 = arith.constant 0 : i32
      %add3A_762 = vector.broadcast %add3A_761 : i32 to vector<16xi32>
      %add3A_763 = arith.addi %mul3A_33, %add3A_762 : vector<16xi32>
      %add3A_764 = vector.broadcast %add3A_713 : i32 to vector<16xi32>
      %add3A_765 = arith.addi %add3A_763, %add3A_764 : vector<16xi32>
      tpu.vector_store_idx %arg14[%add3A_765], %add3A_760 : memref<8208xf32, #tpu.memory_space<vmem>>[vector<16xi32>], vector<16xf32>,
      %mul3A_766 = arith.constant 16 : i32
      %mul3A_767 = arith.muli %scan3A_210, %mul3A_766 : i32
      %add3A_768 = arith.constant 9 : i32
      %add3A_769 = arith.addi %mul3A_767, %add3A_768 : i32
      %slice3A_770 = vector.extract_strided_slice %select_n3A_252 {offsets = [9], sizes = [1], strides = [1]} : vector<16xi32> to vector<1xi32>
      %squeeze3A_771 = vector.extract %slice3A_770[0] : i32 from vector<1xi32>
      %slice3A_772 = vector.extract_strided_slice %select_n3A_263 {offsets = [9], sizes = [1], strides = [1]} : vector<16xi32> to vector<1xi32>
      %squeeze3A_773 = vector.extract %slice3A_772[0] : i32 from vector<1xi32>
      %get3A_774 = arith.index_cast %add3A_769 : i32 to index
      %get3A_775 = arith.index_cast %squeeze3A_771 : i32 to index
      %get3A_776 = tpu.vector_load %arg12[%get3A_774, %get3A_775] {strides = array<i32>} : memref<256x128xf32, #tpu.memory_space<vmem>>, vector<16xf32>,
      %get3A_777 = arith.index_cast %add3A_769 : i32 to index
      %get3A_778 = arith.index_cast %squeeze3A_773 : i32 to index
      %get3A_779 = tpu.vector_load %arg13[%get3A_777, %get3A_778] {strides = array<i32>} : memref<256x128xf32, #tpu.memory_space<vmem>>, vector<16xf32>,
      %mul3A_780 = arith.mulf %get3A_776, %get3A_779 : vector<16xf32>
      %add3A_781 = arith.constant 16 : i32
      %add3A_782 = arith.addi %squeeze3A_771, %add3A_781 : i32
      %get3A_783 = arith.index_cast %add3A_769 : i32 to index
      %get3A_784 = arith.index_cast %add3A_782 : i32 to index
      %get3A_785 = tpu.vector_load %arg12[%get3A_783, %get3A_784] {strides = array<i32>} : memref<256x128xf32, #tpu.memory_space<vmem>>, vector<16xf32>,
      %add3A_786 = arith.constant 16 : i32
      %add3A_787 = arith.addi %squeeze3A_773, %add3A_786 : i32
      %get3A_788 = arith.index_cast %add3A_769 : i32 to index
      %get3A_789 = arith.index_cast %add3A_787 : i32 to index
      %get3A_790 = tpu.vector_load %arg13[%get3A_788, %get3A_789] {strides = array<i32>} : memref<256x128xf32, #tpu.memory_space<vmem>>, vector<16xf32>,
      %mul3A_791 = arith.mulf %get3A_785, %get3A_790 : vector<16xf32>
      %add3A_792 = arith.addf %mul3A_780, %mul3A_791 : vector<16xf32>
      %add3A_793 = arith.constant 32 : i32
      %add3A_794 = arith.addi %squeeze3A_771, %add3A_793 : i32
      %get3A_795 = arith.index_cast %add3A_769 : i32 to index
      %get3A_796 = arith.index_cast %add3A_794 : i32 to index
      %get3A_797 = tpu.vector_load %arg12[%get3A_795, %get3A_796] {strides = array<i32>} : memref<256x128xf32, #tpu.memory_space<vmem>>, vector<16xf32>,
      %add3A_798 = arith.constant 32 : i32
      %add3A_799 = arith.addi %squeeze3A_773, %add3A_798 : i32
      %get3A_800 = arith.index_cast %add3A_769 : i32 to index
      %get3A_801 = arith.index_cast %add3A_799 : i32 to index
      %get3A_802 = tpu.vector_load %arg13[%get3A_800, %get3A_801] {strides = array<i32>} : memref<256x128xf32, #tpu.memory_space<vmem>>, vector<16xf32>,
      %mul3A_803 = arith.mulf %get3A_797, %get3A_802 : vector<16xf32>
      %add3A_804 = arith.addf %add3A_792, %mul3A_803 : vector<16xf32>
      %add3A_805 = arith.constant 48 : i32
      %add3A_806 = arith.addi %squeeze3A_771, %add3A_805 : i32
      %get3A_807 = arith.index_cast %add3A_769 : i32 to index
      %get3A_808 = arith.index_cast %add3A_806 : i32 to index
      %get3A_809 = tpu.vector_load %arg12[%get3A_807, %get3A_808] {strides = array<i32>} : memref<256x128xf32, #tpu.memory_space<vmem>>, vector<16xf32>,
      %add3A_810 = arith.constant 48 : i32
      %add3A_811 = arith.addi %squeeze3A_773, %add3A_810 : i32
      %get3A_812 = arith.index_cast %add3A_769 : i32 to index
      %get3A_813 = arith.index_cast %add3A_811 : i32 to index
      %get3A_814 = tpu.vector_load %arg13[%get3A_812, %get3A_813] {strides = array<i32>} : memref<256x128xf32, #tpu.memory_space<vmem>>, vector<16xf32>,
      %mul3A_815 = arith.mulf %get3A_809, %get3A_814 : vector<16xf32>
      %add3A_816 = arith.addf %add3A_804, %mul3A_815 : vector<16xf32>
      %add3A_817 = arith.constant 0 : i32
      %add3A_818 = vector.broadcast %add3A_817 : i32 to vector<16xi32>
      %add3A_819 = arith.addi %mul3A_33, %add3A_818 : vector<16xi32>
      %add3A_820 = vector.broadcast %add3A_769 : i32 to vector<16xi32>
      %add3A_821 = arith.addi %add3A_819, %add3A_820 : vector<16xi32>
      tpu.vector_store_idx %arg14[%add3A_821], %add3A_816 : memref<8208xf32, #tpu.memory_space<vmem>>[vector<16xi32>], vector<16xf32>,
      %mul3A_822 = arith.constant 16 : i32
      %mul3A_823 = arith.muli %scan3A_210, %mul3A_822 : i32
      %add3A_824 = arith.constant 10 : i32
      %add3A_825 = arith.addi %mul3A_823, %add3A_824 : i32
      %slice3A_826 = vector.extract_strided_slice %select_n3A_252 {offsets = [10], sizes = [1], strides = [1]} : vector<16xi32> to vector<1xi32>
      %squeeze3A_827 = vector.extract %slice3A_826[0] : i32 from vector<1xi32>
      %slice3A_828 = vector.extract_strided_slice %select_n3A_263 {offsets = [10], sizes = [1], strides = [1]} : vector<16xi32> to vector<1xi32>
      %squeeze3A_829 = vector.extract %slice3A_828[0] : i32 from vector<1xi32>
      %get3A_830 = arith.index_cast %add3A_825 : i32 to index
      %get3A_831 = arith.index_cast %squeeze3A_827 : i32 to index
      %get3A_832 = tpu.vector_load %arg12[%get3A_830, %get3A_831] {strides = array<i32>} : memref<256x128xf32, #tpu.memory_space<vmem>>, vector<16xf32>,
      %get3A_833 = arith.index_cast %add3A_825 : i32 to index
      %get3A_834 = arith.index_cast %squeeze3A_829 : i32 to index
      %get3A_835 = tpu.vector_load %arg13[%get3A_833, %get3A_834] {strides = array<i32>} : memref<256x128xf32, #tpu.memory_space<vmem>>, vector<16xf32>,
      %mul3A_836 = arith.mulf %get3A_832, %get3A_835 : vector<16xf32>
      %add3A_837 = arith.constant 16 : i32
      %add3A_838 = arith.addi %squeeze3A_827, %add3A_837 : i32
      %get3A_839 = arith.index_cast %add3A_825 : i32 to index
      %get3A_840 = arith.index_cast %add3A_838 : i32 to index
      %get3A_841 = tpu.vector_load %arg12[%get3A_839, %get3A_840] {strides = array<i32>} : memref<256x128xf32, #tpu.memory_space<vmem>>, vector<16xf32>,
      %add3A_842 = arith.constant 16 : i32
      %add3A_843 = arith.addi %squeeze3A_829, %add3A_842 : i32
      %get3A_844 = arith.index_cast %add3A_825 : i32 to index
      %get3A_845 = arith.index_cast %add3A_843 : i32 to index
      %get3A_846 = tpu.vector_load %arg13[%get3A_844, %get3A_845] {strides = array<i32>} : memref<256x128xf32, #tpu.memory_space<vmem>>, vector<16xf32>,
      %mul3A_847 = arith.mulf %get3A_841, %get3A_846 : vector<16xf32>
      %add3A_848 = arith.addf %mul3A_836, %mul3A_847 : vector<16xf32>
      %add3A_849 = arith.constant 32 : i32
      %add3A_850 = arith.addi %squeeze3A_827, %add3A_849 : i32
      %get3A_851 = arith.index_cast %add3A_825 : i32 to index
      %get3A_852 = arith.index_cast %add3A_850 : i32 to index
      %get3A_853 = tpu.vector_load %arg12[%get3A_851, %get3A_852] {strides = array<i32>} : memref<256x128xf32, #tpu.memory_space<vmem>>, vector<16xf32>,
      %add3A_854 = arith.constant 32 : i32
      %add3A_855 = arith.addi %squeeze3A_829, %add3A_854 : i32
      %get3A_856 = arith.index_cast %add3A_825 : i32 to index
      %get3A_857 = arith.index_cast %add3A_855 : i32 to index
      %get3A_858 = tpu.vector_load %arg13[%get3A_856, %get3A_857] {strides = array<i32>} : memref<256x128xf32, #tpu.memory_space<vmem>>, vector<16xf32>,
      %mul3A_859 = arith.mulf %get3A_853, %get3A_858 : vector<16xf32>
      %add3A_860 = arith.addf %add3A_848, %mul3A_859 : vector<16xf32>
      %add3A_861 = arith.constant 48 : i32
      %add3A_862 = arith.addi %squeeze3A_827, %add3A_861 : i32
      %get3A_863 = arith.index_cast %add3A_825 : i32 to index
      %get3A_864 = arith.index_cast %add3A_862 : i32 to index
      %get3A_865 = tpu.vector_load %arg12[%get3A_863, %get3A_864] {strides = array<i32>} : memref<256x128xf32, #tpu.memory_space<vmem>>, vector<16xf32>,
      %add3A_866 = arith.constant 48 : i32
      %add3A_867 = arith.addi %squeeze3A_829, %add3A_866 : i32
      %get3A_868 = arith.index_cast %add3A_825 : i32 to index
      %get3A_869 = arith.index_cast %add3A_867 : i32 to index
      %get3A_870 = tpu.vector_load %arg13[%get3A_868, %get3A_869] {strides = array<i32>} : memref<256x128xf32, #tpu.memory_space<vmem>>, vector<16xf32>,
      %mul3A_871 = arith.mulf %get3A_865, %get3A_870 : vector<16xf32>
      %add3A_872 = arith.addf %add3A_860, %mul3A_871 : vector<16xf32>
      %add3A_873 = arith.constant 0 : i32
      %add3A_874 = vector.broadcast %add3A_873 : i32 to vector<16xi32>
      %add3A_875 = arith.addi %mul3A_33, %add3A_874 : vector<16xi32>
      %add3A_876 = vector.broadcast %add3A_825 : i32 to vector<16xi32>
      %add3A_877 = arith.addi %add3A_875, %add3A_876 : vector<16xi32>
      tpu.vector_store_idx %arg14[%add3A_877], %add3A_872 : memref<8208xf32, #tpu.memory_space<vmem>>[vector<16xi32>], vector<16xf32>,
      %mul3A_878 = arith.constant 16 : i32
      %mul3A_879 = arith.muli %scan3A_210, %mul3A_878 : i32
      %add3A_880 = arith.constant 11 : i32
      %add3A_881 = arith.addi %mul3A_879, %add3A_880 : i32
      %slice3A_882 = vector.extract_strided_slice %select_n3A_252 {offsets = [11], sizes = [1], strides = [1]} : vector<16xi32> to vector<1xi32>
      %squeeze3A_883 = vector.extract %slice3A_882[0] : i32 from vector<1xi32>
      %slice3A_884 = vector.extract_strided_slice %select_n3A_263 {offsets = [11], sizes = [1], strides = [1]} : vector<16xi32> to vector<1xi32>
      %squeeze3A_885 = vector.extract %slice3A_884[0] : i32 from vector<1xi32>
      %get3A_886 = arith.index_cast %add3A_881 : i32 to index
      %get3A_887 = arith.index_cast %squeeze3A_883 : i32 to index
      %get3A_888 = tpu.vector_load %arg12[%get3A_886, %get3A_887] {strides = array<i32>} : memref<256x128xf32, #tpu.memory_space<vmem>>, vector<16xf32>,
      %get3A_889 = arith.index_cast %add3A_881 : i32 to index
      %get3A_890 = arith.index_cast %squeeze3A_885 : i32 to index
      %get3A_891 = tpu.vector_load %arg13[%get3A_889, %get3A_890] {strides = array<i32>} : memref<256x128xf32, #tpu.memory_space<vmem>>, vector<16xf32>,
      %mul3A_892 = arith.mulf %get3A_888, %get3A_891 : vector<16xf32>
      %add3A_893 = arith.constant 16 : i32
      %add3A_894 = arith.addi %squeeze3A_883, %add3A_893 : i32
      %get3A_895 = arith.index_cast %add3A_881 : i32 to index
      %get3A_896 = arith.index_cast %add3A_894 : i32 to index
      %get3A_897 = tpu.vector_load %arg12[%get3A_895, %get3A_896] {strides = array<i32>} : memref<256x128xf32, #tpu.memory_space<vmem>>, vector<16xf32>,
      %add3A_898 = arith.constant 16 : i32
      %add3A_899 = arith.addi %squeeze3A_885, %add3A_898 : i32
      %get3A_900 = arith.index_cast %add3A_881 : i32 to index
      %get3A_901 = arith.index_cast %add3A_899 : i32 to index
      %get3A_902 = tpu.vector_load %arg13[%get3A_900, %get3A_901] {strides = array<i32>} : memref<256x128xf32, #tpu.memory_space<vmem>>, vector<16xf32>,
      %mul3A_903 = arith.mulf %get3A_897, %get3A_902 : vector<16xf32>
      %add3A_904 = arith.addf %mul3A_892, %mul3A_903 : vector<16xf32>
      %add3A_905 = arith.constant 32 : i32
      %add3A_906 = arith.addi %squeeze3A_883, %add3A_905 : i32
      %get3A_907 = arith.index_cast %add3A_881 : i32 to index
      %get3A_908 = arith.index_cast %add3A_906 : i32 to index
      %get3A_909 = tpu.vector_load %arg12[%get3A_907, %get3A_908] {strides = array<i32>} : memref<256x128xf32, #tpu.memory_space<vmem>>, vector<16xf32>,
      %add3A_910 = arith.constant 32 : i32
      %add3A_911 = arith.addi %squeeze3A_885, %add3A_910 : i32
      %get3A_912 = arith.index_cast %add3A_881 : i32 to index
      %get3A_913 = arith.index_cast %add3A_911 : i32 to index
      %get3A_914 = tpu.vector_load %arg13[%get3A_912, %get3A_913] {strides = array<i32>} : memref<256x128xf32, #tpu.memory_space<vmem>>, vector<16xf32>,
      %mul3A_915 = arith.mulf %get3A_909, %get3A_914 : vector<16xf32>
      %add3A_916 = arith.addf %add3A_904, %mul3A_915 : vector<16xf32>
      %add3A_917 = arith.constant 48 : i32
      %add3A_918 = arith.addi %squeeze3A_883, %add3A_917 : i32
      %get3A_919 = arith.index_cast %add3A_881 : i32 to index
      %get3A_920 = arith.index_cast %add3A_918 : i32 to index
      %get3A_921 = tpu.vector_load %arg12[%get3A_919, %get3A_920] {strides = array<i32>} : memref<256x128xf32, #tpu.memory_space<vmem>>, vector<16xf32>,
      %add3A_922 = arith.constant 48 : i32
      %add3A_923 = arith.addi %squeeze3A_885, %add3A_922 : i32
      %get3A_924 = arith.index_cast %add3A_881 : i32 to index
      %get3A_925 = arith.index_cast %add3A_923 : i32 to index
      %get3A_926 = tpu.vector_load %arg13[%get3A_924, %get3A_925] {strides = array<i32>} : memref<256x128xf32, #tpu.memory_space<vmem>>, vector<16xf32>,
      %mul3A_927 = arith.mulf %get3A_921, %get3A_926 : vector<16xf32>
      %add3A_928 = arith.addf %add3A_916, %mul3A_927 : vector<16xf32>
      %add3A_929 = arith.constant 0 : i32
      %add3A_930 = vector.broadcast %add3A_929 : i32 to vector<16xi32>
      %add3A_931 = arith.addi %mul3A_33, %add3A_930 : vector<16xi32>
      %add3A_932 = vector.broadcast %add3A_881 : i32 to vector<16xi32>
      %add3A_933 = arith.addi %add3A_931, %add3A_932 : vector<16xi32>
      tpu.vector_store_idx %arg14[%add3A_933], %add3A_928 : memref<8208xf32, #tpu.memory_space<vmem>>[vector<16xi32>], vector<16xf32>,
      %mul3A_934 = arith.constant 16 : i32
      %mul3A_935 = arith.muli %scan3A_210, %mul3A_934 : i32
      %add3A_936 = arith.constant 12 : i32
      %add3A_937 = arith.addi %mul3A_935, %add3A_936 : i32
      %slice3A_938 = vector.extract_strided_slice %select_n3A_252 {offsets = [12], sizes = [1], strides = [1]} : vector<16xi32> to vector<1xi32>
      %squeeze3A_939 = vector.extract %slice3A_938[0] : i32 from vector<1xi32>
      %slice3A_940 = vector.extract_strided_slice %select_n3A_263 {offsets = [12], sizes = [1], strides = [1]} : vector<16xi32> to vector<1xi32>
      %squeeze3A_941 = vector.extract %slice3A_940[0] : i32 from vector<1xi32>
      %get3A_942 = arith.index_cast %add3A_937 : i32 to index
      %get3A_943 = arith.index_cast %squeeze3A_939 : i32 to index
      %get3A_944 = tpu.vector_load %arg12[%get3A_942, %get3A_943] {strides = array<i32>} : memref<256x128xf32, #tpu.memory_space<vmem>>, vector<16xf32>,
      %get3A_945 = arith.index_cast %add3A_937 : i32 to index
      %get3A_946 = arith.index_cast %squeeze3A_941 : i32 to index
      %get3A_947 = tpu.vector_load %arg13[%get3A_945, %get3A_946] {strides = array<i32>} : memref<256x128xf32, #tpu.memory_space<vmem>>, vector<16xf32>,
      %mul3A_948 = arith.mulf %get3A_944, %get3A_947 : vector<16xf32>
      %add3A_949 = arith.constant 16 : i32
      %add3A_950 = arith.addi %squeeze3A_939, %add3A_949 : i32
      %get3A_951 = arith.index_cast %add3A_937 : i32 to index
      %get3A_952 = arith.index_cast %add3A_950 : i32 to index
      %get3A_953 = tpu.vector_load %arg12[%get3A_951, %get3A_952] {strides = array<i32>} : memref<256x128xf32, #tpu.memory_space<vmem>>, vector<16xf32>,
      %add3A_954 = arith.constant 16 : i32
      %add3A_955 = arith.addi %squeeze3A_941, %add3A_954 : i32
      %get3A_956 = arith.index_cast %add3A_937 : i32 to index
      %get3A_957 = arith.index_cast %add3A_955 : i32 to index
      %get3A_958 = tpu.vector_load %arg13[%get3A_956, %get3A_957] {strides = array<i32>} : memref<256x128xf32, #tpu.memory_space<vmem>>, vector<16xf32>,
      %mul3A_959 = arith.mulf %get3A_953, %get3A_958 : vector<16xf32>
      %add3A_960 = arith.addf %mul3A_948, %mul3A_959 : vector<16xf32>
      %add3A_961 = arith.constant 32 : i32
      %add3A_962 = arith.addi %squeeze3A_939, %add3A_961 : i32
      %get3A_963 = arith.index_cast %add3A_937 : i32 to index
      %get3A_964 = arith.index_cast %add3A_962 : i32 to index
      %get3A_965 = tpu.vector_load %arg12[%get3A_963, %get3A_964] {strides = array<i32>} : memref<256x128xf32, #tpu.memory_space<vmem>>, vector<16xf32>,
      %add3A_966 = arith.constant 32 : i32
      %add3A_967 = arith.addi %squeeze3A_941, %add3A_966 : i32
      %get3A_968 = arith.index_cast %add3A_937 : i32 to index
      %get3A_969 = arith.index_cast %add3A_967 : i32 to index
      %get3A_970 = tpu.vector_load %arg13[%get3A_968, %get3A_969] {strides = array<i32>} : memref<256x128xf32, #tpu.memory_space<vmem>>, vector<16xf32>,
      %mul3A_971 = arith.mulf %get3A_965, %get3A_970 : vector<16xf32>
      %add3A_972 = arith.addf %add3A_960, %mul3A_971 : vector<16xf32>
      %add3A_973 = arith.constant 48 : i32
      %add3A_974 = arith.addi %squeeze3A_939, %add3A_973 : i32
      %get3A_975 = arith.index_cast %add3A_937 : i32 to index
      %get3A_976 = arith.index_cast %add3A_974 : i32 to index
      %get3A_977 = tpu.vector_load %arg12[%get3A_975, %get3A_976] {strides = array<i32>} : memref<256x128xf32, #tpu.memory_space<vmem>>, vector<16xf32>,
      %add3A_978 = arith.constant 48 : i32
      %add3A_979 = arith.addi %squeeze3A_941, %add3A_978 : i32
      %get3A_980 = arith.index_cast %add3A_937 : i32 to index
      %get3A_981 = arith.index_cast %add3A_979 : i32 to index
      %get3A_982 = tpu.vector_load %arg13[%get3A_980, %get3A_981] {strides = array<i32>} : memref<256x128xf32, #tpu.memory_space<vmem>>, vector<16xf32>,
      %mul3A_983 = arith.mulf %get3A_977, %get3A_982 : vector<16xf32>
      %add3A_984 = arith.addf %add3A_972, %mul3A_983 : vector<16xf32>
      %add3A_985 = arith.constant 0 : i32
      %add3A_986 = vector.broadcast %add3A_985 : i32 to vector<16xi32>
      %add3A_987 = arith.addi %mul3A_33, %add3A_986 : vector<16xi32>
      %add3A_988 = vector.broadcast %add3A_937 : i32 to vector<16xi32>
      %add3A_989 = arith.addi %add3A_987, %add3A_988 : vector<16xi32>
      tpu.vector_store_idx %arg14[%add3A_989], %add3A_984 : memref<8208xf32, #tpu.memory_space<vmem>>[vector<16xi32>], vector<16xf32>,
      %mul3A_990 = arith.constant 16 : i32
      %mul3A_991 = arith.muli %scan3A_210, %mul3A_990 : i32
      %add3A_992 = arith.constant 13 : i32
      %add3A_993 = arith.addi %mul3A_991, %add3A_992 : i32
      %slice3A_994 = vector.extract_strided_slice %select_n3A_252 {offsets = [13], sizes = [1], strides = [1]} : vector<16xi32> to vector<1xi32>
      %squeeze3A_995 = vector.extract %slice3A_994[0] : i32 from vector<1xi32>
      %slice3A_996 = vector.extract_strided_slice %select_n3A_263 {offsets = [13], sizes = [1], strides = [1]} : vector<16xi32> to vector<1xi32>
      %squeeze3A_997 = vector.extract %slice3A_996[0] : i32 from vector<1xi32>
      %get3A_998 = arith.index_cast %add3A_993 : i32 to index
      %get3A_999 = arith.index_cast %squeeze3A_995 : i32 to index
      %get3A_1000 = tpu.vector_load %arg12[%get3A_998, %get3A_999] {strides = array<i32>} : memref<256x128xf32, #tpu.memory_space<vmem>>, vector<16xf32>,
      %get3A_1001 = arith.index_cast %add3A_993 : i32 to index
      %get3A_1002 = arith.index_cast %squeeze3A_997 : i32 to index
      %get3A_1003 = tpu.vector_load %arg13[%get3A_1001, %get3A_1002] {strides = array<i32>} : memref<256x128xf32, #tpu.memory_space<vmem>>, vector<16xf32>,
      %mul3A_1004 = arith.mulf %get3A_1000, %get3A_1003 : vector<16xf32>
      %add3A_1005 = arith.constant 16 : i32
      %add3A_1006 = arith.addi %squeeze3A_995, %add3A_1005 : i32
      %get3A_1007 = arith.index_cast %add3A_993 : i32 to index
      %get3A_1008 = arith.index_cast %add3A_1006 : i32 to index
      %get3A_1009 = tpu.vector_load %arg12[%get3A_1007, %get3A_1008] {strides = array<i32>} : memref<256x128xf32, #tpu.memory_space<vmem>>, vector<16xf32>,
      %add3A_1010 = arith.constant 16 : i32
      %add3A_1011 = arith.addi %squeeze3A_997, %add3A_1010 : i32
      %get3A_1012 = arith.index_cast %add3A_993 : i32 to index
      %get3A_1013 = arith.index_cast %add3A_1011 : i32 to index
      %get3A_1014 = tpu.vector_load %arg13[%get3A_1012, %get3A_1013] {strides = array<i32>} : memref<256x128xf32, #tpu.memory_space<vmem>>, vector<16xf32>,
      %mul3A_1015 = arith.mulf %get3A_1009, %get3A_1014 : vector<16xf32>
      %add3A_1016 = arith.addf %mul3A_1004, %mul3A_1015 : vector<16xf32>
      %add3A_1017 = arith.constant 32 : i32
      %add3A_1018 = arith.addi %squeeze3A_995, %add3A_1017 : i32
      %get3A_1019 = arith.index_cast %add3A_993 : i32 to index
      %get3A_1020 = arith.index_cast %add3A_1018 : i32 to index
      %get3A_1021 = tpu.vector_load %arg12[%get3A_1019, %get3A_1020] {strides = array<i32>} : memref<256x128xf32, #tpu.memory_space<vmem>>, vector<16xf32>,
      %add3A_1022 = arith.constant 32 : i32
      %add3A_1023 = arith.addi %squeeze3A_997, %add3A_1022 : i32
      %get3A_1024 = arith.index_cast %add3A_993 : i32 to index
      %get3A_1025 = arith.index_cast %add3A_1023 : i32 to index
      %get3A_1026 = tpu.vector_load %arg13[%get3A_1024, %get3A_1025] {strides = array<i32>} : memref<256x128xf32, #tpu.memory_space<vmem>>, vector<16xf32>,
      %mul3A_1027 = arith.mulf %get3A_1021, %get3A_1026 : vector<16xf32>
      %add3A_1028 = arith.addf %add3A_1016, %mul3A_1027 : vector<16xf32>
      %add3A_1029 = arith.constant 48 : i32
      %add3A_1030 = arith.addi %squeeze3A_995, %add3A_1029 : i32
      %get3A_1031 = arith.index_cast %add3A_993 : i32 to index
      %get3A_1032 = arith.index_cast %add3A_1030 : i32 to index
      %get3A_1033 = tpu.vector_load %arg12[%get3A_1031, %get3A_1032] {strides = array<i32>} : memref<256x128xf32, #tpu.memory_space<vmem>>, vector<16xf32>,
      %add3A_1034 = arith.constant 48 : i32
      %add3A_1035 = arith.addi %squeeze3A_997, %add3A_1034 : i32
      %get3A_1036 = arith.index_cast %add3A_993 : i32 to index
      %get3A_1037 = arith.index_cast %add3A_1035 : i32 to index
      %get3A_1038 = tpu.vector_load %arg13[%get3A_1036, %get3A_1037] {strides = array<i32>} : memref<256x128xf32, #tpu.memory_space<vmem>>, vector<16xf32>,
      %mul3A_1039 = arith.mulf %get3A_1033, %get3A_1038 : vector<16xf32>
      %add3A_1040 = arith.addf %add3A_1028, %mul3A_1039 : vector<16xf32>
      %add3A_1041 = arith.constant 0 : i32
      %add3A_1042 = vector.broadcast %add3A_1041 : i32 to vector<16xi32>
      %add3A_1043 = arith.addi %mul3A_33, %add3A_1042 : vector<16xi32>
      %add3A_1044 = vector.broadcast %add3A_993 : i32 to vector<16xi32>
      %add3A_1045 = arith.addi %add3A_1043, %add3A_1044 : vector<16xi32>
      tpu.vector_store_idx %arg14[%add3A_1045], %add3A_1040 : memref<8208xf32, #tpu.memory_space<vmem>>[vector<16xi32>], vector<16xf32>,
      %mul3A_1046 = arith.constant 16 : i32
      %mul3A_1047 = arith.muli %scan3A_210, %mul3A_1046 : i32
      %add3A_1048 = arith.constant 14 : i32
      %add3A_1049 = arith.addi %mul3A_1047, %add3A_1048 : i32
      %slice3A_1050 = vector.extract_strided_slice %select_n3A_252 {offsets = [14], sizes = [1], strides = [1]} : vector<16xi32> to vector<1xi32>
      %squeeze3A_1051 = vector.extract %slice3A_1050[0] : i32 from vector<1xi32>
      %slice3A_1052 = vector.extract_strided_slice %select_n3A_263 {offsets = [14], sizes = [1], strides = [1]} : vector<16xi32> to vector<1xi32>
      %squeeze3A_1053 = vector.extract %slice3A_1052[0] : i32 from vector<1xi32>
      %get3A_1054 = arith.index_cast %add3A_1049 : i32 to index
      %get3A_1055 = arith.index_cast %squeeze3A_1051 : i32 to index
      %get3A_1056 = tpu.vector_load %arg12[%get3A_1054, %get3A_1055] {strides = array<i32>} : memref<256x128xf32, #tpu.memory_space<vmem>>, vector<16xf32>,
      %get3A_1057 = arith.index_cast %add3A_1049 : i32 to index
      %get3A_1058 = arith.index_cast %squeeze3A_1053 : i32 to index
      %get3A_1059 = tpu.vector_load %arg13[%get3A_1057, %get3A_1058] {strides = array<i32>} : memref<256x128xf32, #tpu.memory_space<vmem>>, vector<16xf32>,
      %mul3A_1060 = arith.mulf %get3A_1056, %get3A_1059 : vector<16xf32>
      %add3A_1061 = arith.constant 16 : i32
      %add3A_1062 = arith.addi %squeeze3A_1051, %add3A_1061 : i32
      %get3A_1063 = arith.index_cast %add3A_1049 : i32 to index
      %get3A_1064 = arith.index_cast %add3A_1062 : i32 to index
      %get3A_1065 = tpu.vector_load %arg12[%get3A_1063, %get3A_1064] {strides = array<i32>} : memref<256x128xf32, #tpu.memory_space<vmem>>, vector<16xf32>,
      %add3A_1066 = arith.constant 16 : i32
      %add3A_1067 = arith.addi %squeeze3A_1053, %add3A_1066 : i32
      %get3A_1068 = arith.index_cast %add3A_1049 : i32 to index
      %get3A_1069 = arith.index_cast %add3A_1067 : i32 to index
      %get3A_1070 = tpu.vector_load %arg13[%get3A_1068, %get3A_1069] {strides = array<i32>} : memref<256x128xf32, #tpu.memory_space<vmem>>, vector<16xf32>,
      %mul3A_1071 = arith.mulf %get3A_1065, %get3A_1070 : vector<16xf32>
      %add3A_1072 = arith.addf %mul3A_1060, %mul3A_1071 : vector<16xf32>
      %add3A_1073 = arith.constant 32 : i32
      %add3A_1074 = arith.addi %squeeze3A_1051, %add3A_1073 : i32
      %get3A_1075 = arith.index_cast %add3A_1049 : i32 to index
      %get3A_1076 = arith.index_cast %add3A_1074 : i32 to index
      %get3A_1077 = tpu.vector_load %arg12[%get3A_1075, %get3A_1076] {strides = array<i32>} : memref<256x128xf32, #tpu.memory_space<vmem>>, vector<16xf32>,
      %add3A_1078 = arith.constant 32 : i32
      %add3A_1079 = arith.addi %squeeze3A_1053, %add3A_1078 : i32
      %get3A_1080 = arith.index_cast %add3A_1049 : i32 to index
      %get3A_1081 = arith.index_cast %add3A_1079 : i32 to index
      %get3A_1082 = tpu.vector_load %arg13[%get3A_1080, %get3A_1081] {strides = array<i32>} : memref<256x128xf32, #tpu.memory_space<vmem>>, vector<16xf32>,
      %mul3A_1083 = arith.mulf %get3A_1077, %get3A_1082 : vector<16xf32>
      %add3A_1084 = arith.addf %add3A_1072, %mul3A_1083 : vector<16xf32>
      %add3A_1085 = arith.constant 48 : i32
      %add3A_1086 = arith.addi %squeeze3A_1051, %add3A_1085 : i32
      %get3A_1087 = arith.index_cast %add3A_1049 : i32 to index
      %get3A_1088 = arith.index_cast %add3A_1086 : i32 to index
      %get3A_1089 = tpu.vector_load %arg12[%get3A_1087, %get3A_1088] {strides = array<i32>} : memref<256x128xf32, #tpu.memory_space<vmem>>, vector<16xf32>,
      %add3A_1090 = arith.constant 48 : i32
      %add3A_1091 = arith.addi %squeeze3A_1053, %add3A_1090 : i32
      %get3A_1092 = arith.index_cast %add3A_1049 : i32 to index
      %get3A_1093 = arith.index_cast %add3A_1091 : i32 to index
      %get3A_1094 = tpu.vector_load %arg13[%get3A_1092, %get3A_1093] {strides = array<i32>} : memref<256x128xf32, #tpu.memory_space<vmem>>, vector<16xf32>,
      %mul3A_1095 = arith.mulf %get3A_1089, %get3A_1094 : vector<16xf32>
      %add3A_1096 = arith.addf %add3A_1084, %mul3A_1095 : vector<16xf32>
      %add3A_1097 = arith.constant 0 : i32
      %add3A_1098 = vector.broadcast %add3A_1097 : i32 to vector<16xi32>
      %add3A_1099 = arith.addi %mul3A_33, %add3A_1098 : vector<16xi32>
      %add3A_1100 = vector.broadcast %add3A_1049 : i32 to vector<16xi32>
      %add3A_1101 = arith.addi %add3A_1099, %add3A_1100 : vector<16xi32>
      tpu.vector_store_idx %arg14[%add3A_1101], %add3A_1096 : memref<8208xf32, #tpu.memory_space<vmem>>[vector<16xi32>], vector<16xf32>,
      %mul3A_1102 = arith.constant 16 : i32
      %mul3A_1103 = arith.muli %scan3A_210, %mul3A_1102 : i32
      %add3A_1104 = arith.constant 15 : i32
      %add3A_1105 = arith.addi %mul3A_1103, %add3A_1104 : i32
      %slice3A_1106 = vector.extract_strided_slice %select_n3A_252 {offsets = [15], sizes = [1], strides = [1]} : vector<16xi32> to vector<1xi32>
      %squeeze3A_1107 = vector.extract %slice3A_1106[0] : i32 from vector<1xi32>
      %slice3A_1108 = vector.extract_strided_slice %select_n3A_263 {offsets = [15], sizes = [1], strides = [1]} : vector<16xi32> to vector<1xi32>
      %squeeze3A_1109 = vector.extract %slice3A_1108[0] : i32 from vector<1xi32>
      %get3A_1110 = arith.index_cast %add3A_1105 : i32 to index
      %get3A_1111 = arith.index_cast %squeeze3A_1107 : i32 to index
      %get3A_1112 = tpu.vector_load %arg12[%get3A_1110, %get3A_1111] {strides = array<i32>} : memref<256x128xf32, #tpu.memory_space<vmem>>, vector<16xf32>,
      %get3A_1113 = arith.index_cast %add3A_1105 : i32 to index
      %get3A_1114 = arith.index_cast %squeeze3A_1109 : i32 to index
      %get3A_1115 = tpu.vector_load %arg13[%get3A_1113, %get3A_1114] {strides = array<i32>} : memref<256x128xf32, #tpu.memory_space<vmem>>, vector<16xf32>,
      %mul3A_1116 = arith.mulf %get3A_1112, %get3A_1115 : vector<16xf32>
      %add3A_1117 = arith.constant 16 : i32
      %add3A_1118 = arith.addi %squeeze3A_1107, %add3A_1117 : i32
      %get3A_1119 = arith.index_cast %add3A_1105 : i32 to index
      %get3A_1120 = arith.index_cast %add3A_1118 : i32 to index
      %get3A_1121 = tpu.vector_load %arg12[%get3A_1119, %get3A_1120] {strides = array<i32>} : memref<256x128xf32, #tpu.memory_space<vmem>>, vector<16xf32>,
      %add3A_1122 = arith.constant 16 : i32
      %add3A_1123 = arith.addi %squeeze3A_1109, %add3A_1122 : i32
      %get3A_1124 = arith.index_cast %add3A_1105 : i32 to index
      %get3A_1125 = arith.index_cast %add3A_1123 : i32 to index
      %get3A_1126 = tpu.vector_load %arg13[%get3A_1124, %get3A_1125] {strides = array<i32>} : memref<256x128xf32, #tpu.memory_space<vmem>>, vector<16xf32>,
      %mul3A_1127 = arith.mulf %get3A_1121, %get3A_1126 : vector<16xf32>
      %add3A_1128 = arith.addf %mul3A_1116, %mul3A_1127 : vector<16xf32>
      %add3A_1129 = arith.constant 32 : i32
      %add3A_1130 = arith.addi %squeeze3A_1107, %add3A_1129 : i32
      %get3A_1131 = arith.index_cast %add3A_1105 : i32 to index
      %get3A_1132 = arith.index_cast %add3A_1130 : i32 to index
      %get3A_1133 = tpu.vector_load %arg12[%get3A_1131, %get3A_1132] {strides = array<i32>} : memref<256x128xf32, #tpu.memory_space<vmem>>, vector<16xf32>,
      %add3A_1134 = arith.constant 32 : i32
      %add3A_1135 = arith.addi %squeeze3A_1109, %add3A_1134 : i32
      %get3A_1136 = arith.index_cast %add3A_1105 : i32 to index
      %get3A_1137 = arith.index_cast %add3A_1135 : i32 to index
      %get3A_1138 = tpu.vector_load %arg13[%get3A_1136, %get3A_1137] {strides = array<i32>} : memref<256x128xf32, #tpu.memory_space<vmem>>, vector<16xf32>,
      %mul3A_1139 = arith.mulf %get3A_1133, %get3A_1138 : vector<16xf32>
      %add3A_1140 = arith.addf %add3A_1128, %mul3A_1139 : vector<16xf32>
      %add3A_1141 = arith.constant 48 : i32
      %add3A_1142 = arith.addi %squeeze3A_1107, %add3A_1141 : i32
      %get3A_1143 = arith.index_cast %add3A_1105 : i32 to index
      %get3A_1144 = arith.index_cast %add3A_1142 : i32 to index
      %get3A_1145 = tpu.vector_load %arg12[%get3A_1143, %get3A_1144] {strides = array<i32>} : memref<256x128xf32, #tpu.memory_space<vmem>>, vector<16xf32>,
      %add3A_1146 = arith.constant 48 : i32
      %add3A_1147 = arith.addi %squeeze3A_1109, %add3A_1146 : i32
      %get3A_1148 = arith.index_cast %add3A_1105 : i32 to index
      %get3A_1149 = arith.index_cast %add3A_1147 : i32 to index
      %get3A_1150 = tpu.vector_load %arg13[%get3A_1148, %get3A_1149] {strides = array<i32>} : memref<256x128xf32, #tpu.memory_space<vmem>>, vector<16xf32>,
      %mul3A_1151 = arith.mulf %get3A_1145, %get3A_1150 : vector<16xf32>
      %add3A_1152 = arith.addf %add3A_1140, %mul3A_1151 : vector<16xf32>
      %add3A_1153 = arith.constant 0 : i32
      %add3A_1154 = vector.broadcast %add3A_1153 : i32 to vector<16xi32>
      %add3A_1155 = arith.addi %mul3A_33, %add3A_1154 : vector<16xi32>
      %add3A_1156 = vector.broadcast %add3A_1105 : i32 to vector<16xi32>
      %add3A_1157 = arith.addi %add3A_1155, %add3A_1156 : vector<16xi32>
      tpu.vector_store_idx %arg14[%add3A_1157], %add3A_1152 : memref<8208xf32, #tpu.memory_space<vmem>>[vector<16xi32>], vector<16xf32>,
    }
    %scan3A_117 = arith.constant 16 : i32
    %dma_start3A_118 = arith.constant 2 : i32
    %dma_start3A_119 = arith.constant 0 : i32
    %dma_start3A_120 = arith.constant 0 : i32
    %dma_start3A_121 = tpu.memref_slice %arg12[%dma_start3A_119, %dma_start3A_120] : memref<256x128xf32, #tpu.memory_space<vmem>> -> memref<128x128xf32, #tpu.memory_space<vmem>>
    %dma_start3A_122 = arith.constant 0 : i32
    %dma_start3A_123 = tpu.memref_slice %arg10[%dma_start3A_118, %dma_start3A_122] : memref<4x128xi32, #tpu.memory_space<vmem>> -> memref<1x128xi32, #tpu.memory_space<vmem>>
    %dma_start3A_124 = tpu.memref_squeeze %dma_start3A_123 : memref<1x128xi32, #tpu.memory_space<vmem>> -> memref<128xi32, #tpu.memory_space<vmem>>
    %dma_start3A_125 = arith.constant 0 : i32
    %dma_start3A_126 = arith.constant 0 : i32
    %dma_start3A_127 = tpu.memref_slice %arg4[%dma_start3A_125, %dma_start3A_126] : memref<512000x128xf32, #tpu.memory_space<hbm>> -> memref<512000x128xf32, #tpu.memory_space<hbm>>
    tpu.enqueue_indirect_dma source(%dma_start3A_127 : memref<512000x128xf32, #tpu.memory_space<hbm>>) target(%dma_start3A_121 : memref<128x128xf32, #tpu.memory_space<vmem>>) offsets(%dma_start3A_124 : memref<128xi32, #tpu.memory_space<vmem>>) semaphore(%arg17 : memref<!tpu.dma_semaphore, #tpu.memory_space<semaphore_mem>>)
    %dma_start3A_128 = arith.constant 2 : i32
    %dma_start3A_129 = arith.constant 0 : i32
    %dma_start3A_130 = arith.constant 0 : i32
    %dma_start3A_131 = tpu.memref_slice %arg13[%dma_start3A_129, %dma_start3A_130] : memref<256x128xf32, #tpu.memory_space<vmem>> -> memref<128x128xf32, #tpu.memory_space<vmem>>
    %dma_start3A_132 = arith.constant 0 : i32
    %dma_start3A_133 = tpu.memref_slice %arg11[%dma_start3A_128, %dma_start3A_132] : memref<4x128xi32, #tpu.memory_space<vmem>> -> memref<1x128xi32, #tpu.memory_space<vmem>>
    %dma_start3A_134 = tpu.memref_squeeze %dma_start3A_133 : memref<1x128xi32, #tpu.memory_space<vmem>> -> memref<128xi32, #tpu.memory_space<vmem>>
    %dma_start3A_135 = arith.constant 0 : i32
    %dma_start3A_136 = arith.constant 0 : i32
    %dma_start3A_137 = tpu.memref_slice %arg5[%dma_start3A_135, %dma_start3A_136] : memref<512000x128xf32, #tpu.memory_space<hbm>> -> memref<512000x128xf32, #tpu.memory_space<hbm>>
    tpu.enqueue_indirect_dma source(%dma_start3A_137 : memref<512000x128xf32, #tpu.memory_space<hbm>>) target(%dma_start3A_131 : memref<128x128xf32, #tpu.memory_space<vmem>>) offsets(%dma_start3A_134 : memref<128xi32, #tpu.memory_space<vmem>>) semaphore(%arg17 : memref<!tpu.dma_semaphore, #tpu.memory_space<semaphore_mem>>)
    %dma_start3A_138 = arith.constant 3 : i32
    %dma_start3A_139 = arith.constant 128 : i32
    %dma_start3A_140 = arith.constant 0 : i32
    %dma_start3A_141 = tpu.memref_slice %arg12[%dma_start3A_139, %dma_start3A_140] : memref<256x128xf32, #tpu.memory_space<vmem>> -> memref<128x128xf32, #tpu.memory_space<vmem>>
    %dma_start3A_142 = arith.constant 0 : i32
    %dma_start3A_143 = tpu.memref_slice %arg10[%dma_start3A_138, %dma_start3A_142] : memref<4x128xi32, #tpu.memory_space<vmem>> -> memref<1x128xi32, #tpu.memory_space<vmem>>
    %dma_start3A_144 = tpu.memref_squeeze %dma_start3A_143 : memref<1x128xi32, #tpu.memory_space<vmem>> -> memref<128xi32, #tpu.memory_space<vmem>>
    %dma_start3A_145 = arith.constant 0 : i32
    %dma_start3A_146 = arith.constant 0 : i32
    %dma_start3A_147 = tpu.memref_slice %arg4[%dma_start3A_145, %dma_start3A_146] : memref<512000x128xf32, #tpu.memory_space<hbm>> -> memref<512000x128xf32, #tpu.memory_space<hbm>>
    tpu.enqueue_indirect_dma source(%dma_start3A_147 : memref<512000x128xf32, #tpu.memory_space<hbm>>) target(%dma_start3A_141 : memref<128x128xf32, #tpu.memory_space<vmem>>) offsets(%dma_start3A_144 : memref<128xi32, #tpu.memory_space<vmem>>) semaphore(%arg17 : memref<!tpu.dma_semaphore, #tpu.memory_space<semaphore_mem>>)
    %dma_start3A_148 = arith.constant 3 : i32
    %dma_start3A_149 = arith.constant 128 : i32
    %dma_start3A_150 = arith.constant 0 : i32
    %dma_start3A_151 = tpu.memref_slice %arg13[%dma_start3A_149, %dma_start3A_150] : memref<256x128xf32, #tpu.memory_space<vmem>> -> memref<128x128xf32, #tpu.memory_space<vmem>>
    %dma_start3A_152 = arith.constant 0 : i32
    %dma_start3A_153 = tpu.memref_slice %arg11[%dma_start3A_148, %dma_start3A_152] : memref<4x128xi32, #tpu.memory_space<vmem>> -> memref<1x128xi32, #tpu.memory_space<vmem>>
    %dma_start3A_154 = tpu.memref_squeeze %dma_start3A_153 : memref<1x128xi32, #tpu.memory_space<vmem>> -> memref<128xi32, #tpu.memory_space<vmem>>
    %dma_start3A_155 = arith.constant 0 : i32
    %dma_start3A_156 = arith.constant 0 : i32
    %dma_start3A_157 = tpu.memref_slice %arg5[%dma_start3A_155, %dma_start3A_156] : memref<512000x128xf32, #tpu.memory_space<hbm>> -> memref<512000x128xf32, #tpu.memory_space<hbm>>
    tpu.enqueue_indirect_dma source(%dma_start3A_157 : memref<512000x128xf32, #tpu.memory_space<hbm>>) target(%dma_start3A_151 : memref<128x128xf32, #tpu.memory_space<vmem>>) offsets(%dma_start3A_154 : memref<128xi32, #tpu.memory_space<vmem>>) semaphore(%arg17 : memref<!tpu.dma_semaphore, #tpu.memory_space<semaphore_mem>>)
    %dma_wait3A_158 = arith.constant 2 : i32
    %dma_wait3A_159 = arith.constant 0 : i32
    %dma_wait3A_160 = arith.constant 0 : i32
    %dma_wait3A_161 = tpu.memref_slice %arg12[%dma_wait3A_159, %dma_wait3A_160] : memref<256x128xf32, #tpu.memory_space<vmem>> -> memref<128x128xf32, #tpu.memory_space<vmem>>
    %dma_wait3A_162 = arith.constant 0 : i32
    %dma_wait3A_163 = tpu.memref_slice %arg10[%dma_wait3A_158, %dma_wait3A_162] : memref<4x128xi32, #tpu.memory_space<vmem>> -> memref<1x128xi32, #tpu.memory_space<vmem>>
    %dma_wait3A_164 = tpu.memref_squeeze %dma_wait3A_163 : memref<1x128xi32, #tpu.memory_space<vmem>> -> memref<128xi32, #tpu.memory_space<vmem>>
    %dma_wait3A_165 = arith.constant 0 : i32
    %dma_wait3A_166 = arith.constant 0 : i32
    %dma_wait3A_167 = tpu.memref_slice %arg4[%dma_wait3A_165, %dma_wait3A_166] : memref<512000x128xf32, #tpu.memory_space<hbm>> -> memref<512000x128xf32, #tpu.memory_space<hbm>>
    tpu.wait_indirect_dma semaphore(%arg17 : memref<!tpu.dma_semaphore, #tpu.memory_space<semaphore_mem>>) src(%dma_wait3A_167 : memref<512000x128xf32, #tpu.memory_space<hbm>>) dst(%dma_wait3A_161 : memref<128x128xf32, #tpu.memory_space<vmem>>)
    %dma_wait3A_168 = arith.constant 2 : i32
    %dma_wait3A_169 = arith.constant 0 : i32
    %dma_wait3A_170 = arith.constant 0 : i32
    %dma_wait3A_171 = tpu.memref_slice %arg13[%dma_wait3A_169, %dma_wait3A_170] : memref<256x128xf32, #tpu.memory_space<vmem>> -> memref<128x128xf32, #tpu.memory_space<vmem>>
    %dma_wait3A_172 = arith.constant 0 : i32
    %dma_wait3A_173 = tpu.memref_slice %arg11[%dma_wait3A_168, %dma_wait3A_172] : memref<4x128xi32, #tpu.memory_space<vmem>> -> memref<1x128xi32, #tpu.memory_space<vmem>>
    %dma_wait3A_174 = tpu.memref_squeeze %dma_wait3A_173 : memref<1x128xi32, #tpu.memory_space<vmem>> -> memref<128xi32, #tpu.memory_space<vmem>>
    %dma_wait3A_175 = arith.constant 0 : i32
    %dma_wait3A_176 = arith.constant 0 : i32
    %dma_wait3A_177 = tpu.memref_slice %arg5[%dma_wait3A_175, %dma_wait3A_176] : memref<512000x128xf32, #tpu.memory_space<hbm>> -> memref<512000x128xf32, #tpu.memory_space<hbm>>
    tpu.wait_indirect_dma semaphore(%arg17 : memref<!tpu.dma_semaphore, #tpu.memory_space<semaphore_mem>>) src(%dma_wait3A_177 : memref<512000x128xf32, #tpu.memory_space<hbm>>) dst(%dma_wait3A_171 : memref<128x128xf32, #tpu.memory_space<vmem>>)
    %dma_wait3A_178 = arith.constant 3 : i32
    %dma_wait3A_179 = arith.constant 128 : i32
    %dma_wait3A_180 = arith.constant 0 : i32
    %dma_wait3A_181 = tpu.memref_slice %arg12[%dma_wait3A_179, %dma_wait3A_180] : memref<256x128xf32, #tpu.memory_space<vmem>> -> memref<128x128xf32, #tpu.memory_space<vmem>>
    %dma_wait3A_182 = arith.constant 0 : i32
    %dma_wait3A_183 = tpu.memref_slice %arg10[%dma_wait3A_178, %dma_wait3A_182] : memref<4x128xi32, #tpu.memory_space<vmem>> -> memref<1x128xi32, #tpu.memory_space<vmem>>
    %dma_wait3A_184 = tpu.memref_squeeze %dma_wait3A_183 : memref<1x128xi32, #tpu.memory_space<vmem>> -> memref<128xi32, #tpu.memory_space<vmem>>
    %dma_wait3A_185 = arith.constant 0 : i32
    %dma_wait3A_186 = arith.constant 0 : i32
    %dma_wait3A_187 = tpu.memref_slice %arg4[%dma_wait3A_185, %dma_wait3A_186] : memref<512000x128xf32, #tpu.memory_space<hbm>> -> memref<512000x128xf32, #tpu.memory_space<hbm>>
    tpu.wait_indirect_dma semaphore(%arg17 : memref<!tpu.dma_semaphore, #tpu.memory_space<semaphore_mem>>) src(%dma_wait3A_187 : memref<512000x128xf32, #tpu.memory_space<hbm>>) dst(%dma_wait3A_181 : memref<128x128xf32, #tpu.memory_space<vmem>>)
    %dma_wait3A_188 = arith.constant 3 : i32
    %dma_wait3A_189 = arith.constant 128 : i32
    %dma_wait3A_190 = arith.constant 0 : i32
    %dma_wait3A_191 = tpu.memref_slice %arg13[%dma_wait3A_189, %dma_wait3A_190] : memref<256x128xf32, #tpu.memory_space<vmem>> -> memref<128x128xf32, #tpu.memory_space<vmem>>
    %dma_wait3A_192 = arith.constant 0 : i32
    %dma_wait3A_193 = tpu.memref_slice %arg11[%dma_wait3A_188, %dma_wait3A_192] : memref<4x128xi32, #tpu.memory_space<vmem>> -> memref<1x128xi32, #tpu.memory_space<vmem>>
    %dma_wait3A_194 = tpu.memref_squeeze %dma_wait3A_193 : memref<1x128xi32, #tpu.memory_space<vmem>> -> memref<128xi32, #tpu.memory_space<vmem>>
    %dma_wait3A_195 = arith.constant 0 : i32
    %dma_wait3A_196 = arith.constant 0 : i32
    %dma_wait3A_197 = tpu.memref_slice %arg5[%dma_wait3A_195, %dma_wait3A_196] : memref<512000x128xf32, #tpu.memory_space<hbm>> -> memref<512000x128xf32, #tpu.memory_space<hbm>>
    tpu.wait_indirect_dma semaphore(%arg17 : memref<!tpu.dma_semaphore, #tpu.memory_space<semaphore_mem>>) src(%dma_wait3A_197 : memref<512000x128xf32, #tpu.memory_space<hbm>>) dst(%dma_wait3A_191 : memref<128x128xf32, #tpu.memory_space<vmem>>)
    %scan3A_198 = arith.constant 0 : i32
    %scan3A_199 = arith.constant 0 : i32
    %scan3A_200 = arith.constant 16 : i32
    %scan3A_201 = arith.addi %scan3A_199, %scan3A_200 : i32
    %scan3A_202 = arith.constant 1 : i32
    scf.for %scan3A_210 = %scan3A_199 to %scan3A_201 step %scan3A_202  : i32 {
      %mul3A_211 = arith.constant 16 : i32
      %mul3A_212 = arith.muli %scan3A_210, %mul3A_211 : i32
      %add3A_213 = arith.constant 256 : i32
      %add3A_214 = arith.addi %add3A_213, %mul3A_212 : i32
      %jit3A = arith.constant 128 : i32
      %div3A = arith.divsi %add3A_214, %jit3A : i32
      %sign3A = arith.constant 0 : i32
      %sign3A_215 = arith.cmpi sgt, %add3A_214, %sign3A : i32
      %sign3A_216 = arith.extui %sign3A_215 : i1 to i32
      %sign3A_217 = arith.constant 0 : i32
      %sign3A_218 = arith.cmpi slt, %add3A_214, %sign3A_217 : i32
      %sign3A_219 = arith.extui %sign3A_218 : i1 to i32
      %sign3A_220 = arith.subi %sign3A_216, %sign3A_219 : i32
      %sign3A_221 = arith.constant 0 : i32
      %sign3A_222 = arith.cmpi sgt, %jit3A, %sign3A_221 : i32
      %sign3A_223 = arith.extui %sign3A_222 : i1 to i32
      %sign3A_224 = arith.constant 0 : i32
      %sign3A_225 = arith.cmpi slt, %jit3A, %sign3A_224 : i32
      %sign3A_226 = arith.extui %sign3A_225 : i1 to i32
      %sign3A_227 = arith.subi %sign3A_223, %sign3A_226 : i32
      %ne3A = arith.cmpi ne, %sign3A_220, %sign3A_227 : i32
      %rem3A = arith.remsi %add3A_214, %jit3A : i32
      %ne3A_228 = arith.constant 0 : i32
      %ne3A_229 = arith.cmpi ne, %rem3A, %ne3A_228 : i32
      %and3A = arith.andi %ne3A, %ne3A_229 : i1
      %sub3A = arith.constant 1 : i32
      %sub3A_230 = arith.subi %div3A, %sub3A : i32
      %select_n3A = arith.select %and3A, %sub3A_230, %div3A : i32
      %jit3A_231 = arith.constant 128 : i32
      %eq3A = arith.constant 0 : i32
      %eq3A_232 = arith.cmpi eq, %jit3A_231, %eq3A : i32
      %jit3A_233 = arith.constant 1 : i32
      %select_n3A_234 = arith.select %eq3A_232, %jit3A_233, %jit3A_231 : i32
      %rem3A_235 = arith.remsi %add3A_214, %select_n3A_234 : i32
      %ne3A_236 = arith.constant 0 : i32
      %ne3A_237 = arith.cmpi ne, %rem3A_235, %ne3A_236 : i32
      %lt3A = arith.constant 0 : i32
      %lt3A_238 = arith.cmpi slt, %rem3A_235, %lt3A : i32
      %lt3A_239 = arith.constant 0 : i32
      %lt3A_240 = arith.cmpi slt, %select_n3A_234, %lt3A_239 : i32
      %ne3A_241 = arith.xori %lt3A_238, %lt3A_240 : i1
      %and3A_242 = arith.andi %ne3A_241, %ne3A_237 : i1
      %add3A_243 = arith.addi %rem3A_235, %select_n3A_234 : i32
      %select_n3A_244 = arith.select %and3A_242, %add3A_243, %rem3A_235 : i32
      %get3A = arith.index_cast %select_n3A : i32 to index
      %get3A_245 = arith.index_cast %select_n3A_244 : i32 to index
      %get3A_246 = tpu.vector_load %arg8[%get3A, %get3A_245] {strides = array<i32>} : memref<4x128xi32, #tpu.memory_space<vmem>>, vector<16xi32>,
      %ge3A = arith.constant 512000 : i32
      %ge3A_247 = vector.broadcast %ge3A : i32 to vector<16xi32>
      %ge3A_248 = arith.cmpi sge, %get3A_246, %ge3A_247 : vector<16xi32>
      %jit3A_249 = arith.constant 64 : i32
      %jit3A_250 = arith.constant 0 : i32
      %broadcast_in_dim3A = vector.broadcast %jit3A_249 : i32 to vector<16xi32>
      %broadcast_in_dim3A_251 = vector.broadcast %jit3A_250 : i32 to vector<16xi32>
      %select_n3A_252 = arith.select %ge3A_248, %broadcast_in_dim3A, %broadcast_in_dim3A_251 : vector<16xi1>, vector<16xi32>
      %get3A_253 = arith.index_cast %select_n3A : i32 to index
      %get3A_254 = arith.index_cast %select_n3A_244 : i32 to index
      %get3A_255 = tpu.vector_load %arg9[%get3A_253, %get3A_254] {strides = array<i32>} : memref<4x128xi32, #tpu.memory_space<vmem>>, vector<16xi32>,
      %ge3A_256 = arith.constant 512000 : i32
      %ge3A_257 = vector.broadcast %ge3A_256 : i32 to vector<16xi32>
      %ge3A_258 = arith.cmpi sge, %get3A_255, %ge3A_257 : vector<16xi32>
      %jit3A_259 = arith.constant 64 : i32
      %jit3A_260 = arith.constant 0 : i32
      %broadcast_in_dim3A_261 = vector.broadcast %jit3A_259 : i32 to vector<16xi32>
      %broadcast_in_dim3A_262 = vector.broadcast %jit3A_260 : i32 to vector<16xi32>
      %select_n3A_263 = arith.select %ge3A_258, %broadcast_in_dim3A_261, %broadcast_in_dim3A_262 : vector<16xi1>, vector<16xi32>
      %mul3A_264 = arith.constant 16 : i32
      %mul3A_265 = arith.muli %scan3A_210, %mul3A_264 : i32
      %add3A_266 = arith.constant 0 : i32
      %add3A_267 = arith.addi %mul3A_265, %add3A_266 : i32
      %slice3A = vector.extract_strided_slice %select_n3A_252 {offsets = [0], sizes = [1], strides = [1]} : vector<16xi32> to vector<1xi32>
      %squeeze3A = vector.extract %slice3A[0] : i32 from vector<1xi32>
      %slice3A_268 = vector.extract_strided_slice %select_n3A_263 {offsets = [0], sizes = [1], strides = [1]} : vector<16xi32> to vector<1xi32>
      %squeeze3A_269 = vector.extract %slice3A_268[0] : i32 from vector<1xi32>
      %get3A_270 = arith.index_cast %add3A_267 : i32 to index
      %get3A_271 = arith.index_cast %squeeze3A : i32 to index
      %get3A_272 = tpu.vector_load %arg12[%get3A_270, %get3A_271] {strides = array<i32>} : memref<256x128xf32, #tpu.memory_space<vmem>>, vector<16xf32>,
      %get3A_273 = arith.index_cast %add3A_267 : i32 to index
      %get3A_274 = arith.index_cast %squeeze3A_269 : i32 to index
      %get3A_275 = tpu.vector_load %arg13[%get3A_273, %get3A_274] {strides = array<i32>} : memref<256x128xf32, #tpu.memory_space<vmem>>, vector<16xf32>,
      %mul3A_276 = arith.mulf %get3A_272, %get3A_275 : vector<16xf32>
      %add3A_277 = arith.constant 16 : i32
      %add3A_278 = arith.addi %squeeze3A, %add3A_277 : i32
      %get3A_279 = arith.index_cast %add3A_267 : i32 to index
      %get3A_280 = arith.index_cast %add3A_278 : i32 to index
      %get3A_281 = tpu.vector_load %arg12[%get3A_279, %get3A_280] {strides = array<i32>} : memref<256x128xf32, #tpu.memory_space<vmem>>, vector<16xf32>,
      %add3A_282 = arith.constant 16 : i32
      %add3A_283 = arith.addi %squeeze3A_269, %add3A_282 : i32
      %get3A_284 = arith.index_cast %add3A_267 : i32 to index
      %get3A_285 = arith.index_cast %add3A_283 : i32 to index
      %get3A_286 = tpu.vector_load %arg13[%get3A_284, %get3A_285] {strides = array<i32>} : memref<256x128xf32, #tpu.memory_space<vmem>>, vector<16xf32>,
      %mul3A_287 = arith.mulf %get3A_281, %get3A_286 : vector<16xf32>
      %add3A_288 = arith.addf %mul3A_276, %mul3A_287 : vector<16xf32>
      %add3A_289 = arith.constant 32 : i32
      %add3A_290 = arith.addi %squeeze3A, %add3A_289 : i32
      %get3A_291 = arith.index_cast %add3A_267 : i32 to index
      %get3A_292 = arith.index_cast %add3A_290 : i32 to index
      %get3A_293 = tpu.vector_load %arg12[%get3A_291, %get3A_292] {strides = array<i32>} : memref<256x128xf32, #tpu.memory_space<vmem>>, vector<16xf32>,
      %add3A_294 = arith.constant 32 : i32
      %add3A_295 = arith.addi %squeeze3A_269, %add3A_294 : i32
      %get3A_296 = arith.index_cast %add3A_267 : i32 to index
      %get3A_297 = arith.index_cast %add3A_295 : i32 to index
      %get3A_298 = tpu.vector_load %arg13[%get3A_296, %get3A_297] {strides = array<i32>} : memref<256x128xf32, #tpu.memory_space<vmem>>, vector<16xf32>,
      %mul3A_299 = arith.mulf %get3A_293, %get3A_298 : vector<16xf32>
      %add3A_300 = arith.addf %add3A_288, %mul3A_299 : vector<16xf32>
      %add3A_301 = arith.constant 48 : i32
      %add3A_302 = arith.addi %squeeze3A, %add3A_301 : i32
      %get3A_303 = arith.index_cast %add3A_267 : i32 to index
      %get3A_304 = arith.index_cast %add3A_302 : i32 to index
      %get3A_305 = tpu.vector_load %arg12[%get3A_303, %get3A_304] {strides = array<i32>} : memref<256x128xf32, #tpu.memory_space<vmem>>, vector<16xf32>,
      %add3A_306 = arith.constant 48 : i32
      %add3A_307 = arith.addi %squeeze3A_269, %add3A_306 : i32
      %get3A_308 = arith.index_cast %add3A_267 : i32 to index
      %get3A_309 = arith.index_cast %add3A_307 : i32 to index
      %get3A_310 = tpu.vector_load %arg13[%get3A_308, %get3A_309] {strides = array<i32>} : memref<256x128xf32, #tpu.memory_space<vmem>>, vector<16xf32>,
      %mul3A_311 = arith.mulf %get3A_305, %get3A_310 : vector<16xf32>
      %add3A_312 = arith.addf %add3A_300, %mul3A_311 : vector<16xf32>
      %add3A_313 = arith.constant 256 : i32
      %add3A_314 = vector.broadcast %add3A_313 : i32 to vector<16xi32>
      %add3A_315 = arith.addi %mul3A_33, %add3A_314 : vector<16xi32>
      %add3A_316 = vector.broadcast %add3A_267 : i32 to vector<16xi32>
      %add3A_317 = arith.addi %add3A_315, %add3A_316 : vector<16xi32>
      tpu.vector_store_idx %arg14[%add3A_317], %add3A_312 : memref<8208xf32, #tpu.memory_space<vmem>>[vector<16xi32>], vector<16xf32>,
      %mul3A_318 = arith.constant 16 : i32
      %mul3A_319 = arith.muli %scan3A_210, %mul3A_318 : i32
      %add3A_320 = arith.constant 1 : i32
      %add3A_321 = arith.addi %mul3A_319, %add3A_320 : i32
      %slice3A_322 = vector.extract_strided_slice %select_n3A_252 {offsets = [1], sizes = [1], strides = [1]} : vector<16xi32> to vector<1xi32>
      %squeeze3A_323 = vector.extract %slice3A_322[0] : i32 from vector<1xi32>
      %slice3A_324 = vector.extract_strided_slice %select_n3A_263 {offsets = [1], sizes = [1], strides = [1]} : vector<16xi32> to vector<1xi32>
      %squeeze3A_325 = vector.extract %slice3A_324[0] : i32 from vector<1xi32>
      %get3A_326 = arith.index_cast %add3A_321 : i32 to index
      %get3A_327 = arith.index_cast %squeeze3A_323 : i32 to index
      %get3A_328 = tpu.vector_load %arg12[%get3A_326, %get3A_327] {strides = array<i32>} : memref<256x128xf32, #tpu.memory_space<vmem>>, vector<16xf32>,
      %get3A_329 = arith.index_cast %add3A_321 : i32 to index
      %get3A_330 = arith.index_cast %squeeze3A_325 : i32 to index
      %get3A_331 = tpu.vector_load %arg13[%get3A_329, %get3A_330] {strides = array<i32>} : memref<256x128xf32, #tpu.memory_space<vmem>>, vector<16xf32>,
      %mul3A_332 = arith.mulf %get3A_328, %get3A_331 : vector<16xf32>
      %add3A_333 = arith.constant 16 : i32
      %add3A_334 = arith.addi %squeeze3A_323, %add3A_333 : i32
      %get3A_335 = arith.index_cast %add3A_321 : i32 to index
      %get3A_336 = arith.index_cast %add3A_334 : i32 to index
      %get3A_337 = tpu.vector_load %arg12[%get3A_335, %get3A_336] {strides = array<i32>} : memref<256x128xf32, #tpu.memory_space<vmem>>, vector<16xf32>,
      %add3A_338 = arith.constant 16 : i32
      %add3A_339 = arith.addi %squeeze3A_325, %add3A_338 : i32
      %get3A_340 = arith.index_cast %add3A_321 : i32 to index
      %get3A_341 = arith.index_cast %add3A_339 : i32 to index
      %get3A_342 = tpu.vector_load %arg13[%get3A_340, %get3A_341] {strides = array<i32>} : memref<256x128xf32, #tpu.memory_space<vmem>>, vector<16xf32>,
      %mul3A_343 = arith.mulf %get3A_337, %get3A_342 : vector<16xf32>
      %add3A_344 = arith.addf %mul3A_332, %mul3A_343 : vector<16xf32>
      %add3A_345 = arith.constant 32 : i32
      %add3A_346 = arith.addi %squeeze3A_323, %add3A_345 : i32
      %get3A_347 = arith.index_cast %add3A_321 : i32 to index
      %get3A_348 = arith.index_cast %add3A_346 : i32 to index
      %get3A_349 = tpu.vector_load %arg12[%get3A_347, %get3A_348] {strides = array<i32>} : memref<256x128xf32, #tpu.memory_space<vmem>>, vector<16xf32>,
      %add3A_350 = arith.constant 32 : i32
      %add3A_351 = arith.addi %squeeze3A_325, %add3A_350 : i32
      %get3A_352 = arith.index_cast %add3A_321 : i32 to index
      %get3A_353 = arith.index_cast %add3A_351 : i32 to index
      %get3A_354 = tpu.vector_load %arg13[%get3A_352, %get3A_353] {strides = array<i32>} : memref<256x128xf32, #tpu.memory_space<vmem>>, vector<16xf32>,
      %mul3A_355 = arith.mulf %get3A_349, %get3A_354 : vector<16xf32>
      %add3A_356 = arith.addf %add3A_344, %mul3A_355 : vector<16xf32>
      %add3A_357 = arith.constant 48 : i32
      %add3A_358 = arith.addi %squeeze3A_323, %add3A_357 : i32
      %get3A_359 = arith.index_cast %add3A_321 : i32 to index
      %get3A_360 = arith.index_cast %add3A_358 : i32 to index
      %get3A_361 = tpu.vector_load %arg12[%get3A_359, %get3A_360] {strides = array<i32>} : memref<256x128xf32, #tpu.memory_space<vmem>>, vector<16xf32>,
      %add3A_362 = arith.constant 48 : i32
      %add3A_363 = arith.addi %squeeze3A_325, %add3A_362 : i32
      %get3A_364 = arith.index_cast %add3A_321 : i32 to index
      %get3A_365 = arith.index_cast %add3A_363 : i32 to index
      %get3A_366 = tpu.vector_load %arg13[%get3A_364, %get3A_365] {strides = array<i32>} : memref<256x128xf32, #tpu.memory_space<vmem>>, vector<16xf32>,
      %mul3A_367 = arith.mulf %get3A_361, %get3A_366 : vector<16xf32>
      %add3A_368 = arith.addf %add3A_356, %mul3A_367 : vector<16xf32>
      %add3A_369 = arith.constant 256 : i32
      %add3A_370 = vector.broadcast %add3A_369 : i32 to vector<16xi32>
      %add3A_371 = arith.addi %mul3A_33, %add3A_370 : vector<16xi32>
      %add3A_372 = vector.broadcast %add3A_321 : i32 to vector<16xi32>
      %add3A_373 = arith.addi %add3A_371, %add3A_372 : vector<16xi32>
      tpu.vector_store_idx %arg14[%add3A_373], %add3A_368 : memref<8208xf32, #tpu.memory_space<vmem>>[vector<16xi32>], vector<16xf32>,
      %mul3A_374 = arith.constant 16 : i32
      %mul3A_375 = arith.muli %scan3A_210, %mul3A_374 : i32
      %add3A_376 = arith.constant 2 : i32
      %add3A_377 = arith.addi %mul3A_375, %add3A_376 : i32
      %slice3A_378 = vector.extract_strided_slice %select_n3A_252 {offsets = [2], sizes = [1], strides = [1]} : vector<16xi32> to vector<1xi32>
      %squeeze3A_379 = vector.extract %slice3A_378[0] : i32 from vector<1xi32>
      %slice3A_380 = vector.extract_strided_slice %select_n3A_263 {offsets = [2], sizes = [1], strides = [1]} : vector<16xi32> to vector<1xi32>
      %squeeze3A_381 = vector.extract %slice3A_380[0] : i32 from vector<1xi32>
      %get3A_382 = arith.index_cast %add3A_377 : i32 to index
      %get3A_383 = arith.index_cast %squeeze3A_379 : i32 to index
      %get3A_384 = tpu.vector_load %arg12[%get3A_382, %get3A_383] {strides = array<i32>} : memref<256x128xf32, #tpu.memory_space<vmem>>, vector<16xf32>,
      %get3A_385 = arith.index_cast %add3A_377 : i32 to index
      %get3A_386 = arith.index_cast %squeeze3A_381 : i32 to index
      %get3A_387 = tpu.vector_load %arg13[%get3A_385, %get3A_386] {strides = array<i32>} : memref<256x128xf32, #tpu.memory_space<vmem>>, vector<16xf32>,
      %mul3A_388 = arith.mulf %get3A_384, %get3A_387 : vector<16xf32>
      %add3A_389 = arith.constant 16 : i32
      %add3A_390 = arith.addi %squeeze3A_379, %add3A_389 : i32
      %get3A_391 = arith.index_cast %add3A_377 : i32 to index
      %get3A_392 = arith.index_cast %add3A_390 : i32 to index
      %get3A_393 = tpu.vector_load %arg12[%get3A_391, %get3A_392] {strides = array<i32>} : memref<256x128xf32, #tpu.memory_space<vmem>>, vector<16xf32>,
      %add3A_394 = arith.constant 16 : i32
      %add3A_395 = arith.addi %squeeze3A_381, %add3A_394 : i32
      %get3A_396 = arith.index_cast %add3A_377 : i32 to index
      %get3A_397 = arith.index_cast %add3A_395 : i32 to index
      %get3A_398 = tpu.vector_load %arg13[%get3A_396, %get3A_397] {strides = array<i32>} : memref<256x128xf32, #tpu.memory_space<vmem>>, vector<16xf32>,
      %mul3A_399 = arith.mulf %get3A_393, %get3A_398 : vector<16xf32>
      %add3A_400 = arith.addf %mul3A_388, %mul3A_399 : vector<16xf32>
      %add3A_401 = arith.constant 32 : i32
      %add3A_402 = arith.addi %squeeze3A_379, %add3A_401 : i32
      %get3A_403 = arith.index_cast %add3A_377 : i32 to index
      %get3A_404 = arith.index_cast %add3A_402 : i32 to index
      %get3A_405 = tpu.vector_load %arg12[%get3A_403, %get3A_404] {strides = array<i32>} : memref<256x128xf32, #tpu.memory_space<vmem>>, vector<16xf32>,
      %add3A_406 = arith.constant 32 : i32
      %add3A_407 = arith.addi %squeeze3A_381, %add3A_406 : i32
      %get3A_408 = arith.index_cast %add3A_377 : i32 to index
      %get3A_409 = arith.index_cast %add3A_407 : i32 to index
      %get3A_410 = tpu.vector_load %arg13[%get3A_408, %get3A_409] {strides = array<i32>} : memref<256x128xf32, #tpu.memory_space<vmem>>, vector<16xf32>,
      %mul3A_411 = arith.mulf %get3A_405, %get3A_410 : vector<16xf32>
      %add3A_412 = arith.addf %add3A_400, %mul3A_411 : vector<16xf32>
      %add3A_413 = arith.constant 48 : i32
      %add3A_414 = arith.addi %squeeze3A_379, %add3A_413 : i32
      %get3A_415 = arith.index_cast %add3A_377 : i32 to index
      %get3A_416 = arith.index_cast %add3A_414 : i32 to index
      %get3A_417 = tpu.vector_load %arg12[%get3A_415, %get3A_416] {strides = array<i32>} : memref<256x128xf32, #tpu.memory_space<vmem>>, vector<16xf32>,
      %add3A_418 = arith.constant 48 : i32
      %add3A_419 = arith.addi %squeeze3A_381, %add3A_418 : i32
      %get3A_420 = arith.index_cast %add3A_377 : i32 to index
      %get3A_421 = arith.index_cast %add3A_419 : i32 to index
      %get3A_422 = tpu.vector_load %arg13[%get3A_420, %get3A_421] {strides = array<i32>} : memref<256x128xf32, #tpu.memory_space<vmem>>, vector<16xf32>,
      %mul3A_423 = arith.mulf %get3A_417, %get3A_422 : vector<16xf32>
      %add3A_424 = arith.addf %add3A_412, %mul3A_423 : vector<16xf32>
      %add3A_425 = arith.constant 256 : i32
      %add3A_426 = vector.broadcast %add3A_425 : i32 to vector<16xi32>
      %add3A_427 = arith.addi %mul3A_33, %add3A_426 : vector<16xi32>
      %add3A_428 = vector.broadcast %add3A_377 : i32 to vector<16xi32>
      %add3A_429 = arith.addi %add3A_427, %add3A_428 : vector<16xi32>
      tpu.vector_store_idx %arg14[%add3A_429], %add3A_424 : memref<8208xf32, #tpu.memory_space<vmem>>[vector<16xi32>], vector<16xf32>,
      %mul3A_430 = arith.constant 16 : i32
      %mul3A_431 = arith.muli %scan3A_210, %mul3A_430 : i32
      %add3A_432 = arith.constant 3 : i32
      %add3A_433 = arith.addi %mul3A_431, %add3A_432 : i32
      %slice3A_434 = vector.extract_strided_slice %select_n3A_252 {offsets = [3], sizes = [1], strides = [1]} : vector<16xi32> to vector<1xi32>
      %squeeze3A_435 = vector.extract %slice3A_434[0] : i32 from vector<1xi32>
      %slice3A_436 = vector.extract_strided_slice %select_n3A_263 {offsets = [3], sizes = [1], strides = [1]} : vector<16xi32> to vector<1xi32>
      %squeeze3A_437 = vector.extract %slice3A_436[0] : i32 from vector<1xi32>
      %get3A_438 = arith.index_cast %add3A_433 : i32 to index
      %get3A_439 = arith.index_cast %squeeze3A_435 : i32 to index
      %get3A_440 = tpu.vector_load %arg12[%get3A_438, %get3A_439] {strides = array<i32>} : memref<256x128xf32, #tpu.memory_space<vmem>>, vector<16xf32>,
      %get3A_441 = arith.index_cast %add3A_433 : i32 to index
      %get3A_442 = arith.index_cast %squeeze3A_437 : i32 to index
      %get3A_443 = tpu.vector_load %arg13[%get3A_441, %get3A_442] {strides = array<i32>} : memref<256x128xf32, #tpu.memory_space<vmem>>, vector<16xf32>,
      %mul3A_444 = arith.mulf %get3A_440, %get3A_443 : vector<16xf32>
      %add3A_445 = arith.constant 16 : i32
      %add3A_446 = arith.addi %squeeze3A_435, %add3A_445 : i32
      %get3A_447 = arith.index_cast %add3A_433 : i32 to index
      %get3A_448 = arith.index_cast %add3A_446 : i32 to index
      %get3A_449 = tpu.vector_load %arg12[%get3A_447, %get3A_448] {strides = array<i32>} : memref<256x128xf32, #tpu.memory_space<vmem>>, vector<16xf32>,
      %add3A_450 = arith.constant 16 : i32
      %add3A_451 = arith.addi %squeeze3A_437, %add3A_450 : i32
      %get3A_452 = arith.index_cast %add3A_433 : i32 to index
      %get3A_453 = arith.index_cast %add3A_451 : i32 to index
      %get3A_454 = tpu.vector_load %arg13[%get3A_452, %get3A_453] {strides = array<i32>} : memref<256x128xf32, #tpu.memory_space<vmem>>, vector<16xf32>,
      %mul3A_455 = arith.mulf %get3A_449, %get3A_454 : vector<16xf32>
      %add3A_456 = arith.addf %mul3A_444, %mul3A_455 : vector<16xf32>
      %add3A_457 = arith.constant 32 : i32
      %add3A_458 = arith.addi %squeeze3A_435, %add3A_457 : i32
      %get3A_459 = arith.index_cast %add3A_433 : i32 to index
      %get3A_460 = arith.index_cast %add3A_458 : i32 to index
      %get3A_461 = tpu.vector_load %arg12[%get3A_459, %get3A_460] {strides = array<i32>} : memref<256x128xf32, #tpu.memory_space<vmem>>, vector<16xf32>,
      %add3A_462 = arith.constant 32 : i32
      %add3A_463 = arith.addi %squeeze3A_437, %add3A_462 : i32
      %get3A_464 = arith.index_cast %add3A_433 : i32 to index
      %get3A_465 = arith.index_cast %add3A_463 : i32 to index
      %get3A_466 = tpu.vector_load %arg13[%get3A_464, %get3A_465] {strides = array<i32>} : memref<256x128xf32, #tpu.memory_space<vmem>>, vector<16xf32>,
      %mul3A_467 = arith.mulf %get3A_461, %get3A_466 : vector<16xf32>
      %add3A_468 = arith.addf %add3A_456, %mul3A_467 : vector<16xf32>
      %add3A_469 = arith.constant 48 : i32
      %add3A_470 = arith.addi %squeeze3A_435, %add3A_469 : i32
      %get3A_471 = arith.index_cast %add3A_433 : i32 to index
      %get3A_472 = arith.index_cast %add3A_470 : i32 to index
      %get3A_473 = tpu.vector_load %arg12[%get3A_471, %get3A_472] {strides = array<i32>} : memref<256x128xf32, #tpu.memory_space<vmem>>, vector<16xf32>,
      %add3A_474 = arith.constant 48 : i32
      %add3A_475 = arith.addi %squeeze3A_437, %add3A_474 : i32
      %get3A_476 = arith.index_cast %add3A_433 : i32 to index
      %get3A_477 = arith.index_cast %add3A_475 : i32 to index
      %get3A_478 = tpu.vector_load %arg13[%get3A_476, %get3A_477] {strides = array<i32>} : memref<256x128xf32, #tpu.memory_space<vmem>>, vector<16xf32>,
      %mul3A_479 = arith.mulf %get3A_473, %get3A_478 : vector<16xf32>
      %add3A_480 = arith.addf %add3A_468, %mul3A_479 : vector<16xf32>
      %add3A_481 = arith.constant 256 : i32
      %add3A_482 = vector.broadcast %add3A_481 : i32 to vector<16xi32>
      %add3A_483 = arith.addi %mul3A_33, %add3A_482 : vector<16xi32>
      %add3A_484 = vector.broadcast %add3A_433 : i32 to vector<16xi32>
      %add3A_485 = arith.addi %add3A_483, %add3A_484 : vector<16xi32>
      tpu.vector_store_idx %arg14[%add3A_485], %add3A_480 : memref<8208xf32, #tpu.memory_space<vmem>>[vector<16xi32>], vector<16xf32>,
      %mul3A_486 = arith.constant 16 : i32
      %mul3A_487 = arith.muli %scan3A_210, %mul3A_486 : i32
      %add3A_488 = arith.constant 4 : i32
      %add3A_489 = arith.addi %mul3A_487, %add3A_488 : i32
      %slice3A_490 = vector.extract_strided_slice %select_n3A_252 {offsets = [4], sizes = [1], strides = [1]} : vector<16xi32> to vector<1xi32>
      %squeeze3A_491 = vector.extract %slice3A_490[0] : i32 from vector<1xi32>
      %slice3A_492 = vector.extract_strided_slice %select_n3A_263 {offsets = [4], sizes = [1], strides = [1]} : vector<16xi32> to vector<1xi32>
      %squeeze3A_493 = vector.extract %slice3A_492[0] : i32 from vector<1xi32>
      %get3A_494 = arith.index_cast %add3A_489 : i32 to index
      %get3A_495 = arith.index_cast %squeeze3A_491 : i32 to index
      %get3A_496 = tpu.vector_load %arg12[%get3A_494, %get3A_495] {strides = array<i32>} : memref<256x128xf32, #tpu.memory_space<vmem>>, vector<16xf32>,
      %get3A_497 = arith.index_cast %add3A_489 : i32 to index
      %get3A_498 = arith.index_cast %squeeze3A_493 : i32 to index
      %get3A_499 = tpu.vector_load %arg13[%get3A_497, %get3A_498] {strides = array<i32>} : memref<256x128xf32, #tpu.memory_space<vmem>>, vector<16xf32>,
      %mul3A_500 = arith.mulf %get3A_496, %get3A_499 : vector<16xf32>
      %add3A_501 = arith.constant 16 : i32
      %add3A_502 = arith.addi %squeeze3A_491, %add3A_501 : i32
      %get3A_503 = arith.index_cast %add3A_489 : i32 to index
      %get3A_504 = arith.index_cast %add3A_502 : i32 to index
      %get3A_505 = tpu.vector_load %arg12[%get3A_503, %get3A_504] {strides = array<i32>} : memref<256x128xf32, #tpu.memory_space<vmem>>, vector<16xf32>,
      %add3A_506 = arith.constant 16 : i32
      %add3A_507 = arith.addi %squeeze3A_493, %add3A_506 : i32
      %get3A_508 = arith.index_cast %add3A_489 : i32 to index
      %get3A_509 = arith.index_cast %add3A_507 : i32 to index
      %get3A_510 = tpu.vector_load %arg13[%get3A_508, %get3A_509] {strides = array<i32>} : memref<256x128xf32, #tpu.memory_space<vmem>>, vector<16xf32>,
      %mul3A_511 = arith.mulf %get3A_505, %get3A_510 : vector<16xf32>
      %add3A_512 = arith.addf %mul3A_500, %mul3A_511 : vector<16xf32>
      %add3A_513 = arith.constant 32 : i32
      %add3A_514 = arith.addi %squeeze3A_491, %add3A_513 : i32
      %get3A_515 = arith.index_cast %add3A_489 : i32 to index
      %get3A_516 = arith.index_cast %add3A_514 : i32 to index
      %get3A_517 = tpu.vector_load %arg12[%get3A_515, %get3A_516] {strides = array<i32>} : memref<256x128xf32, #tpu.memory_space<vmem>>, vector<16xf32>,
      %add3A_518 = arith.constant 32 : i32
      %add3A_519 = arith.addi %squeeze3A_493, %add3A_518 : i32
      %get3A_520 = arith.index_cast %add3A_489 : i32 to index
      %get3A_521 = arith.index_cast %add3A_519 : i32 to index
      %get3A_522 = tpu.vector_load %arg13[%get3A_520, %get3A_521] {strides = array<i32>} : memref<256x128xf32, #tpu.memory_space<vmem>>, vector<16xf32>,
      %mul3A_523 = arith.mulf %get3A_517, %get3A_522 : vector<16xf32>
      %add3A_524 = arith.addf %add3A_512, %mul3A_523 : vector<16xf32>
      %add3A_525 = arith.constant 48 : i32
      %add3A_526 = arith.addi %squeeze3A_491, %add3A_525 : i32
      %get3A_527 = arith.index_cast %add3A_489 : i32 to index
      %get3A_528 = arith.index_cast %add3A_526 : i32 to index
      %get3A_529 = tpu.vector_load %arg12[%get3A_527, %get3A_528] {strides = array<i32>} : memref<256x128xf32, #tpu.memory_space<vmem>>, vector<16xf32>,
      %add3A_530 = arith.constant 48 : i32
      %add3A_531 = arith.addi %squeeze3A_493, %add3A_530 : i32
      %get3A_532 = arith.index_cast %add3A_489 : i32 to index
      %get3A_533 = arith.index_cast %add3A_531 : i32 to index
      %get3A_534 = tpu.vector_load %arg13[%get3A_532, %get3A_533] {strides = array<i32>} : memref<256x128xf32, #tpu.memory_space<vmem>>, vector<16xf32>,
      %mul3A_535 = arith.mulf %get3A_529, %get3A_534 : vector<16xf32>
      %add3A_536 = arith.addf %add3A_524, %mul3A_535 : vector<16xf32>
      %add3A_537 = arith.constant 256 : i32
      %add3A_538 = vector.broadcast %add3A_537 : i32 to vector<16xi32>
      %add3A_539 = arith.addi %mul3A_33, %add3A_538 : vector<16xi32>
      %add3A_540 = vector.broadcast %add3A_489 : i32 to vector<16xi32>
      %add3A_541 = arith.addi %add3A_539, %add3A_540 : vector<16xi32>
      tpu.vector_store_idx %arg14[%add3A_541], %add3A_536 : memref<8208xf32, #tpu.memory_space<vmem>>[vector<16xi32>], vector<16xf32>,
      %mul3A_542 = arith.constant 16 : i32
      %mul3A_543 = arith.muli %scan3A_210, %mul3A_542 : i32
      %add3A_544 = arith.constant 5 : i32
      %add3A_545 = arith.addi %mul3A_543, %add3A_544 : i32
      %slice3A_546 = vector.extract_strided_slice %select_n3A_252 {offsets = [5], sizes = [1], strides = [1]} : vector<16xi32> to vector<1xi32>
      %squeeze3A_547 = vector.extract %slice3A_546[0] : i32 from vector<1xi32>
      %slice3A_548 = vector.extract_strided_slice %select_n3A_263 {offsets = [5], sizes = [1], strides = [1]} : vector<16xi32> to vector<1xi32>
      %squeeze3A_549 = vector.extract %slice3A_548[0] : i32 from vector<1xi32>
      %get3A_550 = arith.index_cast %add3A_545 : i32 to index
      %get3A_551 = arith.index_cast %squeeze3A_547 : i32 to index
      %get3A_552 = tpu.vector_load %arg12[%get3A_550, %get3A_551] {strides = array<i32>} : memref<256x128xf32, #tpu.memory_space<vmem>>, vector<16xf32>,
      %get3A_553 = arith.index_cast %add3A_545 : i32 to index
      %get3A_554 = arith.index_cast %squeeze3A_549 : i32 to index
      %get3A_555 = tpu.vector_load %arg13[%get3A_553, %get3A_554] {strides = array<i32>} : memref<256x128xf32, #tpu.memory_space<vmem>>, vector<16xf32>,
      %mul3A_556 = arith.mulf %get3A_552, %get3A_555 : vector<16xf32>
      %add3A_557 = arith.constant 16 : i32
      %add3A_558 = arith.addi %squeeze3A_547, %add3A_557 : i32
      %get3A_559 = arith.index_cast %add3A_545 : i32 to index
      %get3A_560 = arith.index_cast %add3A_558 : i32 to index
      %get3A_561 = tpu.vector_load %arg12[%get3A_559, %get3A_560] {strides = array<i32>} : memref<256x128xf32, #tpu.memory_space<vmem>>, vector<16xf32>,
      %add3A_562 = arith.constant 16 : i32
      %add3A_563 = arith.addi %squeeze3A_549, %add3A_562 : i32
      %get3A_564 = arith.index_cast %add3A_545 : i32 to index
      %get3A_565 = arith.index_cast %add3A_563 : i32 to index
      %get3A_566 = tpu.vector_load %arg13[%get3A_564, %get3A_565] {strides = array<i32>} : memref<256x128xf32, #tpu.memory_space<vmem>>, vector<16xf32>,
      %mul3A_567 = arith.mulf %get3A_561, %get3A_566 : vector<16xf32>
      %add3A_568 = arith.addf %mul3A_556, %mul3A_567 : vector<16xf32>
      %add3A_569 = arith.constant 32 : i32
      %add3A_570 = arith.addi %squeeze3A_547, %add3A_569 : i32
      %get3A_571 = arith.index_cast %add3A_545 : i32 to index
      %get3A_572 = arith.index_cast %add3A_570 : i32 to index
      %get3A_573 = tpu.vector_load %arg12[%get3A_571, %get3A_572] {strides = array<i32>} : memref<256x128xf32, #tpu.memory_space<vmem>>, vector<16xf32>,
      %add3A_574 = arith.constant 32 : i32
      %add3A_575 = arith.addi %squeeze3A_549, %add3A_574 : i32
      %get3A_576 = arith.index_cast %add3A_545 : i32 to index
      %get3A_577 = arith.index_cast %add3A_575 : i32 to index
      %get3A_578 = tpu.vector_load %arg13[%get3A_576, %get3A_577] {strides = array<i32>} : memref<256x128xf32, #tpu.memory_space<vmem>>, vector<16xf32>,
      %mul3A_579 = arith.mulf %get3A_573, %get3A_578 : vector<16xf32>
      %add3A_580 = arith.addf %add3A_568, %mul3A_579 : vector<16xf32>
      %add3A_581 = arith.constant 48 : i32
      %add3A_582 = arith.addi %squeeze3A_547, %add3A_581 : i32
      %get3A_583 = arith.index_cast %add3A_545 : i32 to index
      %get3A_584 = arith.index_cast %add3A_582 : i32 to index
      %get3A_585 = tpu.vector_load %arg12[%get3A_583, %get3A_584] {strides = array<i32>} : memref<256x128xf32, #tpu.memory_space<vmem>>, vector<16xf32>,
      %add3A_586 = arith.constant 48 : i32
      %add3A_587 = arith.addi %squeeze3A_549, %add3A_586 : i32
      %get3A_588 = arith.index_cast %add3A_545 : i32 to index
      %get3A_589 = arith.index_cast %add3A_587 : i32 to index
      %get3A_590 = tpu.vector_load %arg13[%get3A_588, %get3A_589] {strides = array<i32>} : memref<256x128xf32, #tpu.memory_space<vmem>>, vector<16xf32>,
      %mul3A_591 = arith.mulf %get3A_585, %get3A_590 : vector<16xf32>
      %add3A_592 = arith.addf %add3A_580, %mul3A_591 : vector<16xf32>
      %add3A_593 = arith.constant 256 : i32
      %add3A_594 = vector.broadcast %add3A_593 : i32 to vector<16xi32>
      %add3A_595 = arith.addi %mul3A_33, %add3A_594 : vector<16xi32>
      %add3A_596 = vector.broadcast %add3A_545 : i32 to vector<16xi32>
      %add3A_597 = arith.addi %add3A_595, %add3A_596 : vector<16xi32>
      tpu.vector_store_idx %arg14[%add3A_597], %add3A_592 : memref<8208xf32, #tpu.memory_space<vmem>>[vector<16xi32>], vector<16xf32>,
      %mul3A_598 = arith.constant 16 : i32
      %mul3A_599 = arith.muli %scan3A_210, %mul3A_598 : i32
      %add3A_600 = arith.constant 6 : i32
      %add3A_601 = arith.addi %mul3A_599, %add3A_600 : i32
      %slice3A_602 = vector.extract_strided_slice %select_n3A_252 {offsets = [6], sizes = [1], strides = [1]} : vector<16xi32> to vector<1xi32>
      %squeeze3A_603 = vector.extract %slice3A_602[0] : i32 from vector<1xi32>
      %slice3A_604 = vector.extract_strided_slice %select_n3A_263 {offsets = [6], sizes = [1], strides = [1]} : vector<16xi32> to vector<1xi32>
      %squeeze3A_605 = vector.extract %slice3A_604[0] : i32 from vector<1xi32>
      %get3A_606 = arith.index_cast %add3A_601 : i32 to index
      %get3A_607 = arith.index_cast %squeeze3A_603 : i32 to index
      %get3A_608 = tpu.vector_load %arg12[%get3A_606, %get3A_607] {strides = array<i32>} : memref<256x128xf32, #tpu.memory_space<vmem>>, vector<16xf32>,
      %get3A_609 = arith.index_cast %add3A_601 : i32 to index
      %get3A_610 = arith.index_cast %squeeze3A_605 : i32 to index
      %get3A_611 = tpu.vector_load %arg13[%get3A_609, %get3A_610] {strides = array<i32>} : memref<256x128xf32, #tpu.memory_space<vmem>>, vector<16xf32>,
      %mul3A_612 = arith.mulf %get3A_608, %get3A_611 : vector<16xf32>
      %add3A_613 = arith.constant 16 : i32
      %add3A_614 = arith.addi %squeeze3A_603, %add3A_613 : i32
      %get3A_615 = arith.index_cast %add3A_601 : i32 to index
      %get3A_616 = arith.index_cast %add3A_614 : i32 to index
      %get3A_617 = tpu.vector_load %arg12[%get3A_615, %get3A_616] {strides = array<i32>} : memref<256x128xf32, #tpu.memory_space<vmem>>, vector<16xf32>,
      %add3A_618 = arith.constant 16 : i32
      %add3A_619 = arith.addi %squeeze3A_605, %add3A_618 : i32
      %get3A_620 = arith.index_cast %add3A_601 : i32 to index
      %get3A_621 = arith.index_cast %add3A_619 : i32 to index
      %get3A_622 = tpu.vector_load %arg13[%get3A_620, %get3A_621] {strides = array<i32>} : memref<256x128xf32, #tpu.memory_space<vmem>>, vector<16xf32>,
      %mul3A_623 = arith.mulf %get3A_617, %get3A_622 : vector<16xf32>
      %add3A_624 = arith.addf %mul3A_612, %mul3A_623 : vector<16xf32>
      %add3A_625 = arith.constant 32 : i32
      %add3A_626 = arith.addi %squeeze3A_603, %add3A_625 : i32
      %get3A_627 = arith.index_cast %add3A_601 : i32 to index
      %get3A_628 = arith.index_cast %add3A_626 : i32 to index
      %get3A_629 = tpu.vector_load %arg12[%get3A_627, %get3A_628] {strides = array<i32>} : memref<256x128xf32, #tpu.memory_space<vmem>>, vector<16xf32>,
      %add3A_630 = arith.constant 32 : i32
      %add3A_631 = arith.addi %squeeze3A_605, %add3A_630 : i32
      %get3A_632 = arith.index_cast %add3A_601 : i32 to index
      %get3A_633 = arith.index_cast %add3A_631 : i32 to index
      %get3A_634 = tpu.vector_load %arg13[%get3A_632, %get3A_633] {strides = array<i32>} : memref<256x128xf32, #tpu.memory_space<vmem>>, vector<16xf32>,
      %mul3A_635 = arith.mulf %get3A_629, %get3A_634 : vector<16xf32>
      %add3A_636 = arith.addf %add3A_624, %mul3A_635 : vector<16xf32>
      %add3A_637 = arith.constant 48 : i32
      %add3A_638 = arith.addi %squeeze3A_603, %add3A_637 : i32
      %get3A_639 = arith.index_cast %add3A_601 : i32 to index
      %get3A_640 = arith.index_cast %add3A_638 : i32 to index
      %get3A_641 = tpu.vector_load %arg12[%get3A_639, %get3A_640] {strides = array<i32>} : memref<256x128xf32, #tpu.memory_space<vmem>>, vector<16xf32>,
      %add3A_642 = arith.constant 48 : i32
      %add3A_643 = arith.addi %squeeze3A_605, %add3A_642 : i32
      %get3A_644 = arith.index_cast %add3A_601 : i32 to index
      %get3A_645 = arith.index_cast %add3A_643 : i32 to index
      %get3A_646 = tpu.vector_load %arg13[%get3A_644, %get3A_645] {strides = array<i32>} : memref<256x128xf32, #tpu.memory_space<vmem>>, vector<16xf32>,
      %mul3A_647 = arith.mulf %get3A_641, %get3A_646 : vector<16xf32>
      %add3A_648 = arith.addf %add3A_636, %mul3A_647 : vector<16xf32>
      %add3A_649 = arith.constant 256 : i32
      %add3A_650 = vector.broadcast %add3A_649 : i32 to vector<16xi32>
      %add3A_651 = arith.addi %mul3A_33, %add3A_650 : vector<16xi32>
      %add3A_652 = vector.broadcast %add3A_601 : i32 to vector<16xi32>
      %add3A_653 = arith.addi %add3A_651, %add3A_652 : vector<16xi32>
      tpu.vector_store_idx %arg14[%add3A_653], %add3A_648 : memref<8208xf32, #tpu.memory_space<vmem>>[vector<16xi32>], vector<16xf32>,
      %mul3A_654 = arith.constant 16 : i32
      %mul3A_655 = arith.muli %scan3A_210, %mul3A_654 : i32
      %add3A_656 = arith.constant 7 : i32
      %add3A_657 = arith.addi %mul3A_655, %add3A_656 : i32
      %slice3A_658 = vector.extract_strided_slice %select_n3A_252 {offsets = [7], sizes = [1], strides = [1]} : vector<16xi32> to vector<1xi32>
      %squeeze3A_659 = vector.extract %slice3A_658[0] : i32 from vector<1xi32>
      %slice3A_660 = vector.extract_strided_slice %select_n3A_263 {offsets = [7], sizes = [1], strides = [1]} : vector<16xi32> to vector<1xi32>
      %squeeze3A_661 = vector.extract %slice3A_660[0] : i32 from vector<1xi32>
      %get3A_662 = arith.index_cast %add3A_657 : i32 to index
      %get3A_663 = arith.index_cast %squeeze3A_659 : i32 to index
      %get3A_664 = tpu.vector_load %arg12[%get3A_662, %get3A_663] {strides = array<i32>} : memref<256x128xf32, #tpu.memory_space<vmem>>, vector<16xf32>,
      %get3A_665 = arith.index_cast %add3A_657 : i32 to index
      %get3A_666 = arith.index_cast %squeeze3A_661 : i32 to index
      %get3A_667 = tpu.vector_load %arg13[%get3A_665, %get3A_666] {strides = array<i32>} : memref<256x128xf32, #tpu.memory_space<vmem>>, vector<16xf32>,
      %mul3A_668 = arith.mulf %get3A_664, %get3A_667 : vector<16xf32>
      %add3A_669 = arith.constant 16 : i32
      %add3A_670 = arith.addi %squeeze3A_659, %add3A_669 : i32
      %get3A_671 = arith.index_cast %add3A_657 : i32 to index
      %get3A_672 = arith.index_cast %add3A_670 : i32 to index
      %get3A_673 = tpu.vector_load %arg12[%get3A_671, %get3A_672] {strides = array<i32>} : memref<256x128xf32, #tpu.memory_space<vmem>>, vector<16xf32>,
      %add3A_674 = arith.constant 16 : i32
      %add3A_675 = arith.addi %squeeze3A_661, %add3A_674 : i32
      %get3A_676 = arith.index_cast %add3A_657 : i32 to index
      %get3A_677 = arith.index_cast %add3A_675 : i32 to index
      %get3A_678 = tpu.vector_load %arg13[%get3A_676, %get3A_677] {strides = array<i32>} : memref<256x128xf32, #tpu.memory_space<vmem>>, vector<16xf32>,
      %mul3A_679 = arith.mulf %get3A_673, %get3A_678 : vector<16xf32>
      %add3A_680 = arith.addf %mul3A_668, %mul3A_679 : vector<16xf32>
      %add3A_681 = arith.constant 32 : i32
      %add3A_682 = arith.addi %squeeze3A_659, %add3A_681 : i32
      %get3A_683 = arith.index_cast %add3A_657 : i32 to index
      %get3A_684 = arith.index_cast %add3A_682 : i32 to index
      %get3A_685 = tpu.vector_load %arg12[%get3A_683, %get3A_684] {strides = array<i32>} : memref<256x128xf32, #tpu.memory_space<vmem>>, vector<16xf32>,
      %add3A_686 = arith.constant 32 : i32
      %add3A_687 = arith.addi %squeeze3A_661, %add3A_686 : i32
      %get3A_688 = arith.index_cast %add3A_657 : i32 to index
      %get3A_689 = arith.index_cast %add3A_687 : i32 to index
      %get3A_690 = tpu.vector_load %arg13[%get3A_688, %get3A_689] {strides = array<i32>} : memref<256x128xf32, #tpu.memory_space<vmem>>, vector<16xf32>,
      %mul3A_691 = arith.mulf %get3A_685, %get3A_690 : vector<16xf32>
      %add3A_692 = arith.addf %add3A_680, %mul3A_691 : vector<16xf32>
      %add3A_693 = arith.constant 48 : i32
      %add3A_694 = arith.addi %squeeze3A_659, %add3A_693 : i32
      %get3A_695 = arith.index_cast %add3A_657 : i32 to index
      %get3A_696 = arith.index_cast %add3A_694 : i32 to index
      %get3A_697 = tpu.vector_load %arg12[%get3A_695, %get3A_696] {strides = array<i32>} : memref<256x128xf32, #tpu.memory_space<vmem>>, vector<16xf32>,
      %add3A_698 = arith.constant 48 : i32
      %add3A_699 = arith.addi %squeeze3A_661, %add3A_698 : i32
      %get3A_700 = arith.index_cast %add3A_657 : i32 to index
      %get3A_701 = arith.index_cast %add3A_699 : i32 to index
      %get3A_702 = tpu.vector_load %arg13[%get3A_700, %get3A_701] {strides = array<i32>} : memref<256x128xf32, #tpu.memory_space<vmem>>, vector<16xf32>,
      %mul3A_703 = arith.mulf %get3A_697, %get3A_702 : vector<16xf32>
      %add3A_704 = arith.addf %add3A_692, %mul3A_703 : vector<16xf32>
      %add3A_705 = arith.constant 256 : i32
      %add3A_706 = vector.broadcast %add3A_705 : i32 to vector<16xi32>
      %add3A_707 = arith.addi %mul3A_33, %add3A_706 : vector<16xi32>
      %add3A_708 = vector.broadcast %add3A_657 : i32 to vector<16xi32>
      %add3A_709 = arith.addi %add3A_707, %add3A_708 : vector<16xi32>
      tpu.vector_store_idx %arg14[%add3A_709], %add3A_704 : memref<8208xf32, #tpu.memory_space<vmem>>[vector<16xi32>], vector<16xf32>,
      %mul3A_710 = arith.constant 16 : i32
      %mul3A_711 = arith.muli %scan3A_210, %mul3A_710 : i32
      %add3A_712 = arith.constant 8 : i32
      %add3A_713 = arith.addi %mul3A_711, %add3A_712 : i32
      %slice3A_714 = vector.extract_strided_slice %select_n3A_252 {offsets = [8], sizes = [1], strides = [1]} : vector<16xi32> to vector<1xi32>
      %squeeze3A_715 = vector.extract %slice3A_714[0] : i32 from vector<1xi32>
      %slice3A_716 = vector.extract_strided_slice %select_n3A_263 {offsets = [8], sizes = [1], strides = [1]} : vector<16xi32> to vector<1xi32>
      %squeeze3A_717 = vector.extract %slice3A_716[0] : i32 from vector<1xi32>
      %get3A_718 = arith.index_cast %add3A_713 : i32 to index
      %get3A_719 = arith.index_cast %squeeze3A_715 : i32 to index
      %get3A_720 = tpu.vector_load %arg12[%get3A_718, %get3A_719] {strides = array<i32>} : memref<256x128xf32, #tpu.memory_space<vmem>>, vector<16xf32>,
      %get3A_721 = arith.index_cast %add3A_713 : i32 to index
      %get3A_722 = arith.index_cast %squeeze3A_717 : i32 to index
      %get3A_723 = tpu.vector_load %arg13[%get3A_721, %get3A_722] {strides = array<i32>} : memref<256x128xf32, #tpu.memory_space<vmem>>, vector<16xf32>,
      %mul3A_724 = arith.mulf %get3A_720, %get3A_723 : vector<16xf32>
      %add3A_725 = arith.constant 16 : i32
      %add3A_726 = arith.addi %squeeze3A_715, %add3A_725 : i32
      %get3A_727 = arith.index_cast %add3A_713 : i32 to index
      %get3A_728 = arith.index_cast %add3A_726 : i32 to index
      %get3A_729 = tpu.vector_load %arg12[%get3A_727, %get3A_728] {strides = array<i32>} : memref<256x128xf32, #tpu.memory_space<vmem>>, vector<16xf32>,
      %add3A_730 = arith.constant 16 : i32
      %add3A_731 = arith.addi %squeeze3A_717, %add3A_730 : i32
      %get3A_732 = arith.index_cast %add3A_713 : i32 to index
      %get3A_733 = arith.index_cast %add3A_731 : i32 to index
      %get3A_734 = tpu.vector_load %arg13[%get3A_732, %get3A_733] {strides = array<i32>} : memref<256x128xf32, #tpu.memory_space<vmem>>, vector<16xf32>,
      %mul3A_735 = arith.mulf %get3A_729, %get3A_734 : vector<16xf32>
      %add3A_736 = arith.addf %mul3A_724, %mul3A_735 : vector<16xf32>
      %add3A_737 = arith.constant 32 : i32
      %add3A_738 = arith.addi %squeeze3A_715, %add3A_737 : i32
      %get3A_739 = arith.index_cast %add3A_713 : i32 to index
      %get3A_740 = arith.index_cast %add3A_738 : i32 to index
      %get3A_741 = tpu.vector_load %arg12[%get3A_739, %get3A_740] {strides = array<i32>} : memref<256x128xf32, #tpu.memory_space<vmem>>, vector<16xf32>,
      %add3A_742 = arith.constant 32 : i32
      %add3A_743 = arith.addi %squeeze3A_717, %add3A_742 : i32
      %get3A_744 = arith.index_cast %add3A_713 : i32 to index
      %get3A_745 = arith.index_cast %add3A_743 : i32 to index
      %get3A_746 = tpu.vector_load %arg13[%get3A_744, %get3A_745] {strides = array<i32>} : memref<256x128xf32, #tpu.memory_space<vmem>>, vector<16xf32>,
      %mul3A_747 = arith.mulf %get3A_741, %get3A_746 : vector<16xf32>
      %add3A_748 = arith.addf %add3A_736, %mul3A_747 : vector<16xf32>
      %add3A_749 = arith.constant 48 : i32
      %add3A_750 = arith.addi %squeeze3A_715, %add3A_749 : i32
      %get3A_751 = arith.index_cast %add3A_713 : i32 to index
      %get3A_752 = arith.index_cast %add3A_750 : i32 to index
      %get3A_753 = tpu.vector_load %arg12[%get3A_751, %get3A_752] {strides = array<i32>} : memref<256x128xf32, #tpu.memory_space<vmem>>, vector<16xf32>,
      %add3A_754 = arith.constant 48 : i32
      %add3A_755 = arith.addi %squeeze3A_717, %add3A_754 : i32
      %get3A_756 = arith.index_cast %add3A_713 : i32 to index
      %get3A_757 = arith.index_cast %add3A_755 : i32 to index
      %get3A_758 = tpu.vector_load %arg13[%get3A_756, %get3A_757] {strides = array<i32>} : memref<256x128xf32, #tpu.memory_space<vmem>>, vector<16xf32>,
      %mul3A_759 = arith.mulf %get3A_753, %get3A_758 : vector<16xf32>
      %add3A_760 = arith.addf %add3A_748, %mul3A_759 : vector<16xf32>
      %add3A_761 = arith.constant 256 : i32
      %add3A_762 = vector.broadcast %add3A_761 : i32 to vector<16xi32>
      %add3A_763 = arith.addi %mul3A_33, %add3A_762 : vector<16xi32>
      %add3A_764 = vector.broadcast %add3A_713 : i32 to vector<16xi32>
      %add3A_765 = arith.addi %add3A_763, %add3A_764 : vector<16xi32>
      tpu.vector_store_idx %arg14[%add3A_765], %add3A_760 : memref<8208xf32, #tpu.memory_space<vmem>>[vector<16xi32>], vector<16xf32>,
      %mul3A_766 = arith.constant 16 : i32
      %mul3A_767 = arith.muli %scan3A_210, %mul3A_766 : i32
      %add3A_768 = arith.constant 9 : i32
      %add3A_769 = arith.addi %mul3A_767, %add3A_768 : i32
      %slice3A_770 = vector.extract_strided_slice %select_n3A_252 {offsets = [9], sizes = [1], strides = [1]} : vector<16xi32> to vector<1xi32>
      %squeeze3A_771 = vector.extract %slice3A_770[0] : i32 from vector<1xi32>
      %slice3A_772 = vector.extract_strided_slice %select_n3A_263 {offsets = [9], sizes = [1], strides = [1]} : vector<16xi32> to vector<1xi32>
      %squeeze3A_773 = vector.extract %slice3A_772[0] : i32 from vector<1xi32>
      %get3A_774 = arith.index_cast %add3A_769 : i32 to index
      %get3A_775 = arith.index_cast %squeeze3A_771 : i32 to index
      %get3A_776 = tpu.vector_load %arg12[%get3A_774, %get3A_775] {strides = array<i32>} : memref<256x128xf32, #tpu.memory_space<vmem>>, vector<16xf32>,
      %get3A_777 = arith.index_cast %add3A_769 : i32 to index
      %get3A_778 = arith.index_cast %squeeze3A_773 : i32 to index
      %get3A_779 = tpu.vector_load %arg13[%get3A_777, %get3A_778] {strides = array<i32>} : memref<256x128xf32, #tpu.memory_space<vmem>>, vector<16xf32>,
      %mul3A_780 = arith.mulf %get3A_776, %get3A_779 : vector<16xf32>
      %add3A_781 = arith.constant 16 : i32
      %add3A_782 = arith.addi %squeeze3A_771, %add3A_781 : i32
      %get3A_783 = arith.index_cast %add3A_769 : i32 to index
      %get3A_784 = arith.index_cast %add3A_782 : i32 to index
      %get3A_785 = tpu.vector_load %arg12[%get3A_783, %get3A_784] {strides = array<i32>} : memref<256x128xf32, #tpu.memory_space<vmem>>, vector<16xf32>,
      %add3A_786 = arith.constant 16 : i32
      %add3A_787 = arith.addi %squeeze3A_773, %add3A_786 : i32
      %get3A_788 = arith.index_cast %add3A_769 : i32 to index
      %get3A_789 = arith.index_cast %add3A_787 : i32 to index
      %get3A_790 = tpu.vector_load %arg13[%get3A_788, %get3A_789] {strides = array<i32>} : memref<256x128xf32, #tpu.memory_space<vmem>>, vector<16xf32>,
      %mul3A_791 = arith.mulf %get3A_785, %get3A_790 : vector<16xf32>
      %add3A_792 = arith.addf %mul3A_780, %mul3A_791 : vector<16xf32>
      %add3A_793 = arith.constant 32 : i32
      %add3A_794 = arith.addi %squeeze3A_771, %add3A_793 : i32
      %get3A_795 = arith.index_cast %add3A_769 : i32 to index
      %get3A_796 = arith.index_cast %add3A_794 : i32 to index
      %get3A_797 = tpu.vector_load %arg12[%get3A_795, %get3A_796] {strides = array<i32>} : memref<256x128xf32, #tpu.memory_space<vmem>>, vector<16xf32>,
      %add3A_798 = arith.constant 32 : i32
      %add3A_799 = arith.addi %squeeze3A_773, %add3A_798 : i32
      %get3A_800 = arith.index_cast %add3A_769 : i32 to index
      %get3A_801 = arith.index_cast %add3A_799 : i32 to index
      %get3A_802 = tpu.vector_load %arg13[%get3A_800, %get3A_801] {strides = array<i32>} : memref<256x128xf32, #tpu.memory_space<vmem>>, vector<16xf32>,
      %mul3A_803 = arith.mulf %get3A_797, %get3A_802 : vector<16xf32>
      %add3A_804 = arith.addf %add3A_792, %mul3A_803 : vector<16xf32>
      %add3A_805 = arith.constant 48 : i32
      %add3A_806 = arith.addi %squeeze3A_771, %add3A_805 : i32
      %get3A_807 = arith.index_cast %add3A_769 : i32 to index
      %get3A_808 = arith.index_cast %add3A_806 : i32 to index
      %get3A_809 = tpu.vector_load %arg12[%get3A_807, %get3A_808] {strides = array<i32>} : memref<256x128xf32, #tpu.memory_space<vmem>>, vector<16xf32>,
      %add3A_810 = arith.constant 48 : i32
      %add3A_811 = arith.addi %squeeze3A_773, %add3A_810 : i32
      %get3A_812 = arith.index_cast %add3A_769 : i32 to index
      %get3A_813 = arith.index_cast %add3A_811 : i32 to index
      %get3A_814 = tpu.vector_load %arg13[%get3A_812, %get3A_813] {strides = array<i32>} : memref<256x128xf32, #tpu.memory_space<vmem>>, vector<16xf32>,
      %mul3A_815 = arith.mulf %get3A_809, %get3A_814 : vector<16xf32>
      %add3A_816 = arith.addf %add3A_804, %mul3A_815 : vector<16xf32>
      %add3A_817 = arith.constant 256 : i32
      %add3A_818 = vector.broadcast %add3A_817 : i32 to vector<16xi32>
      %add3A_819 = arith.addi %mul3A_33, %add3A_818 : vector<16xi32>
      %add3A_820 = vector.broadcast %add3A_769 : i32 to vector<16xi32>
      %add3A_821 = arith.addi %add3A_819, %add3A_820 : vector<16xi32>
      tpu.vector_store_idx %arg14[%add3A_821], %add3A_816 : memref<8208xf32, #tpu.memory_space<vmem>>[vector<16xi32>], vector<16xf32>,
      %mul3A_822 = arith.constant 16 : i32
      %mul3A_823 = arith.muli %scan3A_210, %mul3A_822 : i32
      %add3A_824 = arith.constant 10 : i32
      %add3A_825 = arith.addi %mul3A_823, %add3A_824 : i32
      %slice3A_826 = vector.extract_strided_slice %select_n3A_252 {offsets = [10], sizes = [1], strides = [1]} : vector<16xi32> to vector<1xi32>
      %squeeze3A_827 = vector.extract %slice3A_826[0] : i32 from vector<1xi32>
      %slice3A_828 = vector.extract_strided_slice %select_n3A_263 {offsets = [10], sizes = [1], strides = [1]} : vector<16xi32> to vector<1xi32>
      %squeeze3A_829 = vector.extract %slice3A_828[0] : i32 from vector<1xi32>
      %get3A_830 = arith.index_cast %add3A_825 : i32 to index
      %get3A_831 = arith.index_cast %squeeze3A_827 : i32 to index
      %get3A_832 = tpu.vector_load %arg12[%get3A_830, %get3A_831] {strides = array<i32>} : memref<256x128xf32, #tpu.memory_space<vmem>>, vector<16xf32>,
      %get3A_833 = arith.index_cast %add3A_825 : i32 to index
      %get3A_834 = arith.index_cast %squeeze3A_829 : i32 to index
      %get3A_835 = tpu.vector_load %arg13[%get3A_833, %get3A_834] {strides = array<i32>} : memref<256x128xf32, #tpu.memory_space<vmem>>, vector<16xf32>,
      %mul3A_836 = arith.mulf %get3A_832, %get3A_835 : vector<16xf32>
      %add3A_837 = arith.constant 16 : i32
      %add3A_838 = arith.addi %squeeze3A_827, %add3A_837 : i32
      %get3A_839 = arith.index_cast %add3A_825 : i32 to index
      %get3A_840 = arith.index_cast %add3A_838 : i32 to index
      %get3A_841 = tpu.vector_load %arg12[%get3A_839, %get3A_840] {strides = array<i32>} : memref<256x128xf32, #tpu.memory_space<vmem>>, vector<16xf32>,
      %add3A_842 = arith.constant 16 : i32
      %add3A_843 = arith.addi %squeeze3A_829, %add3A_842 : i32
      %get3A_844 = arith.index_cast %add3A_825 : i32 to index
      %get3A_845 = arith.index_cast %add3A_843 : i32 to index
      %get3A_846 = tpu.vector_load %arg13[%get3A_844, %get3A_845] {strides = array<i32>} : memref<256x128xf32, #tpu.memory_space<vmem>>, vector<16xf32>,
      %mul3A_847 = arith.mulf %get3A_841, %get3A_846 : vector<16xf32>
      %add3A_848 = arith.addf %mul3A_836, %mul3A_847 : vector<16xf32>
      %add3A_849 = arith.constant 32 : i32
      %add3A_850 = arith.addi %squeeze3A_827, %add3A_849 : i32
      %get3A_851 = arith.index_cast %add3A_825 : i32 to index
      %get3A_852 = arith.index_cast %add3A_850 : i32 to index
      %get3A_853 = tpu.vector_load %arg12[%get3A_851, %get3A_852] {strides = array<i32>} : memref<256x128xf32, #tpu.memory_space<vmem>>, vector<16xf32>,
      %add3A_854 = arith.constant 32 : i32
      %add3A_855 = arith.addi %squeeze3A_829, %add3A_854 : i32
      %get3A_856 = arith.index_cast %add3A_825 : i32 to index
      %get3A_857 = arith.index_cast %add3A_855 : i32 to index
      %get3A_858 = tpu.vector_load %arg13[%get3A_856, %get3A_857] {strides = array<i32>} : memref<256x128xf32, #tpu.memory_space<vmem>>, vector<16xf32>,
      %mul3A_859 = arith.mulf %get3A_853, %get3A_858 : vector<16xf32>
      %add3A_860 = arith.addf %add3A_848, %mul3A_859 : vector<16xf32>
      %add3A_861 = arith.constant 48 : i32
      %add3A_862 = arith.addi %squeeze3A_827, %add3A_861 : i32
      %get3A_863 = arith.index_cast %add3A_825 : i32 to index
      %get3A_864 = arith.index_cast %add3A_862 : i32 to index
      %get3A_865 = tpu.vector_load %arg12[%get3A_863, %get3A_864] {strides = array<i32>} : memref<256x128xf32, #tpu.memory_space<vmem>>, vector<16xf32>,
      %add3A_866 = arith.constant 48 : i32
      %add3A_867 = arith.addi %squeeze3A_829, %add3A_866 : i32
      %get3A_868 = arith.index_cast %add3A_825 : i32 to index
      %get3A_869 = arith.index_cast %add3A_867 : i32 to index
      %get3A_870 = tpu.vector_load %arg13[%get3A_868, %get3A_869] {strides = array<i32>} : memref<256x128xf32, #tpu.memory_space<vmem>>, vector<16xf32>,
      %mul3A_871 = arith.mulf %get3A_865, %get3A_870 : vector<16xf32>
      %add3A_872 = arith.addf %add3A_860, %mul3A_871 : vector<16xf32>
      %add3A_873 = arith.constant 256 : i32
      %add3A_874 = vector.broadcast %add3A_873 : i32 to vector<16xi32>
      %add3A_875 = arith.addi %mul3A_33, %add3A_874 : vector<16xi32>
      %add3A_876 = vector.broadcast %add3A_825 : i32 to vector<16xi32>
      %add3A_877 = arith.addi %add3A_875, %add3A_876 : vector<16xi32>
      tpu.vector_store_idx %arg14[%add3A_877], %add3A_872 : memref<8208xf32, #tpu.memory_space<vmem>>[vector<16xi32>], vector<16xf32>,
      %mul3A_878 = arith.constant 16 : i32
      %mul3A_879 = arith.muli %scan3A_210, %mul3A_878 : i32
      %add3A_880 = arith.constant 11 : i32
      %add3A_881 = arith.addi %mul3A_879, %add3A_880 : i32
      %slice3A_882 = vector.extract_strided_slice %select_n3A_252 {offsets = [11], sizes = [1], strides = [1]} : vector<16xi32> to vector<1xi32>
      %squeeze3A_883 = vector.extract %slice3A_882[0] : i32 from vector<1xi32>
      %slice3A_884 = vector.extract_strided_slice %select_n3A_263 {offsets = [11], sizes = [1], strides = [1]} : vector<16xi32> to vector<1xi32>
      %squeeze3A_885 = vector.extract %slice3A_884[0] : i32 from vector<1xi32>
      %get3A_886 = arith.index_cast %add3A_881 : i32 to index
      %get3A_887 = arith.index_cast %squeeze3A_883 : i32 to index
      %get3A_888 = tpu.vector_load %arg12[%get3A_886, %get3A_887] {strides = array<i32>} : memref<256x128xf32, #tpu.memory_space<vmem>>, vector<16xf32>,
      %get3A_889 = arith.index_cast %add3A_881 : i32 to index
      %get3A_890 = arith.index_cast %squeeze3A_885 : i32 to index
      %get3A_891 = tpu.vector_load %arg13[%get3A_889, %get3A_890] {strides = array<i32>} : memref<256x128xf32, #tpu.memory_space<vmem>>, vector<16xf32>,
      %mul3A_892 = arith.mulf %get3A_888, %get3A_891 : vector<16xf32>
      %add3A_893 = arith.constant 16 : i32
      %add3A_894 = arith.addi %squeeze3A_883, %add3A_893 : i32
      %get3A_895 = arith.index_cast %add3A_881 : i32 to index
      %get3A_896 = arith.index_cast %add3A_894 : i32 to index
      %get3A_897 = tpu.vector_load %arg12[%get3A_895, %get3A_896] {strides = array<i32>} : memref<256x128xf32, #tpu.memory_space<vmem>>, vector<16xf32>,
      %add3A_898 = arith.constant 16 : i32
      %add3A_899 = arith.addi %squeeze3A_885, %add3A_898 : i32
      %get3A_900 = arith.index_cast %add3A_881 : i32 to index
      %get3A_901 = arith.index_cast %add3A_899 : i32 to index
      %get3A_902 = tpu.vector_load %arg13[%get3A_900, %get3A_901] {strides = array<i32>} : memref<256x128xf32, #tpu.memory_space<vmem>>, vector<16xf32>,
      %mul3A_903 = arith.mulf %get3A_897, %get3A_902 : vector<16xf32>
      %add3A_904 = arith.addf %mul3A_892, %mul3A_903 : vector<16xf32>
      %add3A_905 = arith.constant 32 : i32
      %add3A_906 = arith.addi %squeeze3A_883, %add3A_905 : i32
      %get3A_907 = arith.index_cast %add3A_881 : i32 to index
      %get3A_908 = arith.index_cast %add3A_906 : i32 to index
      %get3A_909 = tpu.vector_load %arg12[%get3A_907, %get3A_908] {strides = array<i32>} : memref<256x128xf32, #tpu.memory_space<vmem>>, vector<16xf32>,
      %add3A_910 = arith.constant 32 : i32
      %add3A_911 = arith.addi %squeeze3A_885, %add3A_910 : i32
      %get3A_912 = arith.index_cast %add3A_881 : i32 to index
      %get3A_913 = arith.index_cast %add3A_911 : i32 to index
      %get3A_914 = tpu.vector_load %arg13[%get3A_912, %get3A_913] {strides = array<i32>} : memref<256x128xf32, #tpu.memory_space<vmem>>, vector<16xf32>,
      %mul3A_915 = arith.mulf %get3A_909, %get3A_914 : vector<16xf32>
      %add3A_916 = arith.addf %add3A_904, %mul3A_915 : vector<16xf32>
      %add3A_917 = arith.constant 48 : i32
      %add3A_918 = arith.addi %squeeze3A_883, %add3A_917 : i32
      %get3A_919 = arith.index_cast %add3A_881 : i32 to index
      %get3A_920 = arith.index_cast %add3A_918 : i32 to index
      %get3A_921 = tpu.vector_load %arg12[%get3A_919, %get3A_920] {strides = array<i32>} : memref<256x128xf32, #tpu.memory_space<vmem>>, vector<16xf32>,
      %add3A_922 = arith.constant 48 : i32
      %add3A_923 = arith.addi %squeeze3A_885, %add3A_922 : i32
      %get3A_924 = arith.index_cast %add3A_881 : i32 to index
      %get3A_925 = arith.index_cast %add3A_923 : i32 to index
      %get3A_926 = tpu.vector_load %arg13[%get3A_924, %get3A_925] {strides = array<i32>} : memref<256x128xf32, #tpu.memory_space<vmem>>, vector<16xf32>,
      %mul3A_927 = arith.mulf %get3A_921, %get3A_926 : vector<16xf32>
      %add3A_928 = arith.addf %add3A_916, %mul3A_927 : vector<16xf32>
      %add3A_929 = arith.constant 256 : i32
      %add3A_930 = vector.broadcast %add3A_929 : i32 to vector<16xi32>
      %add3A_931 = arith.addi %mul3A_33, %add3A_930 : vector<16xi32>
      %add3A_932 = vector.broadcast %add3A_881 : i32 to vector<16xi32>
      %add3A_933 = arith.addi %add3A_931, %add3A_932 : vector<16xi32>
      tpu.vector_store_idx %arg14[%add3A_933], %add3A_928 : memref<8208xf32, #tpu.memory_space<vmem>>[vector<16xi32>], vector<16xf32>,
      %mul3A_934 = arith.constant 16 : i32
      %mul3A_935 = arith.muli %scan3A_210, %mul3A_934 : i32
      %add3A_936 = arith.constant 12 : i32
      %add3A_937 = arith.addi %mul3A_935, %add3A_936 : i32
      %slice3A_938 = vector.extract_strided_slice %select_n3A_252 {offsets = [12], sizes = [1], strides = [1]} : vector<16xi32> to vector<1xi32>
      %squeeze3A_939 = vector.extract %slice3A_938[0] : i32 from vector<1xi32>
      %slice3A_940 = vector.extract_strided_slice %select_n3A_263 {offsets = [12], sizes = [1], strides = [1]} : vector<16xi32> to vector<1xi32>
      %squeeze3A_941 = vector.extract %slice3A_940[0] : i32 from vector<1xi32>
      %get3A_942 = arith.index_cast %add3A_937 : i32 to index
      %get3A_943 = arith.index_cast %squeeze3A_939 : i32 to index
      %get3A_944 = tpu.vector_load %arg12[%get3A_942, %get3A_943] {strides = array<i32>} : memref<256x128xf32, #tpu.memory_space<vmem>>, vector<16xf32>,
      %get3A_945 = arith.index_cast %add3A_937 : i32 to index
      %get3A_946 = arith.index_cast %squeeze3A_941 : i32 to index
      %get3A_947 = tpu.vector_load %arg13[%get3A_945, %get3A_946] {strides = array<i32>} : memref<256x128xf32, #tpu.memory_space<vmem>>, vector<16xf32>,
      %mul3A_948 = arith.mulf %get3A_944, %get3A_947 : vector<16xf32>
      %add3A_949 = arith.constant 16 : i32
      %add3A_950 = arith.addi %squeeze3A_939, %add3A_949 : i32
      %get3A_951 = arith.index_cast %add3A_937 : i32 to index
      %get3A_952 = arith.index_cast %add3A_950 : i32 to index
      %get3A_953 = tpu.vector_load %arg12[%get3A_951, %get3A_952] {strides = array<i32>} : memref<256x128xf32, #tpu.memory_space<vmem>>, vector<16xf32>,
      %add3A_954 = arith.constant 16 : i32
      %add3A_955 = arith.addi %squeeze3A_941, %add3A_954 : i32
      %get3A_956 = arith.index_cast %add3A_937 : i32 to index
      %get3A_957 = arith.index_cast %add3A_955 : i32 to index
      %get3A_958 = tpu.vector_load %arg13[%get3A_956, %get3A_957] {strides = array<i32>} : memref<256x128xf32, #tpu.memory_space<vmem>>, vector<16xf32>,
      %mul3A_959 = arith.mulf %get3A_953, %get3A_958 : vector<16xf32>
      %add3A_960 = arith.addf %mul3A_948, %mul3A_959 : vector<16xf32>
      %add3A_961 = arith.constant 32 : i32
      %add3A_962 = arith.addi %squeeze3A_939, %add3A_961 : i32
      %get3A_963 = arith.index_cast %add3A_937 : i32 to index
      %get3A_964 = arith.index_cast %add3A_962 : i32 to index
      %get3A_965 = tpu.vector_load %arg12[%get3A_963, %get3A_964] {strides = array<i32>} : memref<256x128xf32, #tpu.memory_space<vmem>>, vector<16xf32>,
      %add3A_966 = arith.constant 32 : i32
      %add3A_967 = arith.addi %squeeze3A_941, %add3A_966 : i32
      %get3A_968 = arith.index_cast %add3A_937 : i32 to index
      %get3A_969 = arith.index_cast %add3A_967 : i32 to index
      %get3A_970 = tpu.vector_load %arg13[%get3A_968, %get3A_969] {strides = array<i32>} : memref<256x128xf32, #tpu.memory_space<vmem>>, vector<16xf32>,
      %mul3A_971 = arith.mulf %get3A_965, %get3A_970 : vector<16xf32>
      %add3A_972 = arith.addf %add3A_960, %mul3A_971 : vector<16xf32>
      %add3A_973 = arith.constant 48 : i32
      %add3A_974 = arith.addi %squeeze3A_939, %add3A_973 : i32
      %get3A_975 = arith.index_cast %add3A_937 : i32 to index
      %get3A_976 = arith.index_cast %add3A_974 : i32 to index
      %get3A_977 = tpu.vector_load %arg12[%get3A_975, %get3A_976] {strides = array<i32>} : memref<256x128xf32, #tpu.memory_space<vmem>>, vector<16xf32>,
      %add3A_978 = arith.constant 48 : i32
      %add3A_979 = arith.addi %squeeze3A_941, %add3A_978 : i32
      %get3A_980 = arith.index_cast %add3A_937 : i32 to index
      %get3A_981 = arith.index_cast %add3A_979 : i32 to index
      %get3A_982 = tpu.vector_load %arg13[%get3A_980, %get3A_981] {strides = array<i32>} : memref<256x128xf32, #tpu.memory_space<vmem>>, vector<16xf32>,
      %mul3A_983 = arith.mulf %get3A_977, %get3A_982 : vector<16xf32>
      %add3A_984 = arith.addf %add3A_972, %mul3A_983 : vector<16xf32>
      %add3A_985 = arith.constant 256 : i32
      %add3A_986 = vector.broadcast %add3A_985 : i32 to vector<16xi32>
      %add3A_987 = arith.addi %mul3A_33, %add3A_986 : vector<16xi32>
      %add3A_988 = vector.broadcast %add3A_937 : i32 to vector<16xi32>
      %add3A_989 = arith.addi %add3A_987, %add3A_988 : vector<16xi32>
      tpu.vector_store_idx %arg14[%add3A_989], %add3A_984 : memref<8208xf32, #tpu.memory_space<vmem>>[vector<16xi32>], vector<16xf32>,
      %mul3A_990 = arith.constant 16 : i32
      %mul3A_991 = arith.muli %scan3A_210, %mul3A_990 : i32
      %add3A_992 = arith.constant 13 : i32
      %add3A_993 = arith.addi %mul3A_991, %add3A_992 : i32
      %slice3A_994 = vector.extract_strided_slice %select_n3A_252 {offsets = [13], sizes = [1], strides = [1]} : vector<16xi32> to vector<1xi32>
      %squeeze3A_995 = vector.extract %slice3A_994[0] : i32 from vector<1xi32>
      %slice3A_996 = vector.extract_strided_slice %select_n3A_263 {offsets = [13], sizes = [1], strides = [1]} : vector<16xi32> to vector<1xi32>
      %squeeze3A_997 = vector.extract %slice3A_996[0] : i32 from vector<1xi32>
      %get3A_998 = arith.index_cast %add3A_993 : i32 to index
      %get3A_999 = arith.index_cast %squeeze3A_995 : i32 to index
      %get3A_1000 = tpu.vector_load %arg12[%get3A_998, %get3A_999] {strides = array<i32>} : memref<256x128xf32, #tpu.memory_space<vmem>>, vector<16xf32>,
      %get3A_1001 = arith.index_cast %add3A_993 : i32 to index
      %get3A_1002 = arith.index_cast %squeeze3A_997 : i32 to index
      %get3A_1003 = tpu.vector_load %arg13[%get3A_1001, %get3A_1002] {strides = array<i32>} : memref<256x128xf32, #tpu.memory_space<vmem>>, vector<16xf32>,
      %mul3A_1004 = arith.mulf %get3A_1000, %get3A_1003 : vector<16xf32>
      %add3A_1005 = arith.constant 16 : i32
      %add3A_1006 = arith.addi %squeeze3A_995, %add3A_1005 : i32
      %get3A_1007 = arith.index_cast %add3A_993 : i32 to index
      %get3A_1008 = arith.index_cast %add3A_1006 : i32 to index
      %get3A_1009 = tpu.vector_load %arg12[%get3A_1007, %get3A_1008] {strides = array<i32>} : memref<256x128xf32, #tpu.memory_space<vmem>>, vector<16xf32>,
      %add3A_1010 = arith.constant 16 : i32
      %add3A_1011 = arith.addi %squeeze3A_997, %add3A_1010 : i32
      %get3A_1012 = arith.index_cast %add3A_993 : i32 to index
      %get3A_1013 = arith.index_cast %add3A_1011 : i32 to index
      %get3A_1014 = tpu.vector_load %arg13[%get3A_1012, %get3A_1013] {strides = array<i32>} : memref<256x128xf32, #tpu.memory_space<vmem>>, vector<16xf32>,
      %mul3A_1015 = arith.mulf %get3A_1009, %get3A_1014 : vector<16xf32>
      %add3A_1016 = arith.addf %mul3A_1004, %mul3A_1015 : vector<16xf32>
      %add3A_1017 = arith.constant 32 : i32
      %add3A_1018 = arith.addi %squeeze3A_995, %add3A_1017 : i32
      %get3A_1019 = arith.index_cast %add3A_993 : i32 to index
      %get3A_1020 = arith.index_cast %add3A_1018 : i32 to index
      %get3A_1021 = tpu.vector_load %arg12[%get3A_1019, %get3A_1020] {strides = array<i32>} : memref<256x128xf32, #tpu.memory_space<vmem>>, vector<16xf32>,
      %add3A_1022 = arith.constant 32 : i32
      %add3A_1023 = arith.addi %squeeze3A_997, %add3A_1022 : i32
      %get3A_1024 = arith.index_cast %add3A_993 : i32 to index
      %get3A_1025 = arith.index_cast %add3A_1023 : i32 to index
      %get3A_1026 = tpu.vector_load %arg13[%get3A_1024, %get3A_1025] {strides = array<i32>} : memref<256x128xf32, #tpu.memory_space<vmem>>, vector<16xf32>,
      %mul3A_1027 = arith.mulf %get3A_1021, %get3A_1026 : vector<16xf32>
      %add3A_1028 = arith.addf %add3A_1016, %mul3A_1027 : vector<16xf32>
      %add3A_1029 = arith.constant 48 : i32
      %add3A_1030 = arith.addi %squeeze3A_995, %add3A_1029 : i32
      %get3A_1031 = arith.index_cast %add3A_993 : i32 to index
      %get3A_1032 = arith.index_cast %add3A_1030 : i32 to index
      %get3A_1033 = tpu.vector_load %arg12[%get3A_1031, %get3A_1032] {strides = array<i32>} : memref<256x128xf32, #tpu.memory_space<vmem>>, vector<16xf32>,
      %add3A_1034 = arith.constant 48 : i32
      %add3A_1035 = arith.addi %squeeze3A_997, %add3A_1034 : i32
      %get3A_1036 = arith.index_cast %add3A_993 : i32 to index
      %get3A_1037 = arith.index_cast %add3A_1035 : i32 to index
      %get3A_1038 = tpu.vector_load %arg13[%get3A_1036, %get3A_1037] {strides = array<i32>} : memref<256x128xf32, #tpu.memory_space<vmem>>, vector<16xf32>,
      %mul3A_1039 = arith.mulf %get3A_1033, %get3A_1038 : vector<16xf32>
      %add3A_1040 = arith.addf %add3A_1028, %mul3A_1039 : vector<16xf32>
      %add3A_1041 = arith.constant 256 : i32
      %add3A_1042 = vector.broadcast %add3A_1041 : i32 to vector<16xi32>
      %add3A_1043 = arith.addi %mul3A_33, %add3A_1042 : vector<16xi32>
      %add3A_1044 = vector.broadcast %add3A_993 : i32 to vector<16xi32>
      %add3A_1045 = arith.addi %add3A_1043, %add3A_1044 : vector<16xi32>
      tpu.vector_store_idx %arg14[%add3A_1045], %add3A_1040 : memref<8208xf32, #tpu.memory_space<vmem>>[vector<16xi32>], vector<16xf32>,
      %mul3A_1046 = arith.constant 16 : i32
      %mul3A_1047 = arith.muli %scan3A_210, %mul3A_1046 : i32
      %add3A_1048 = arith.constant 14 : i32
      %add3A_1049 = arith.addi %mul3A_1047, %add3A_1048 : i32
      %slice3A_1050 = vector.extract_strided_slice %select_n3A_252 {offsets = [14], sizes = [1], strides = [1]} : vector<16xi32> to vector<1xi32>
      %squeeze3A_1051 = vector.extract %slice3A_1050[0] : i32 from vector<1xi32>
      %slice3A_1052 = vector.extract_strided_slice %select_n3A_263 {offsets = [14], sizes = [1], strides = [1]} : vector<16xi32> to vector<1xi32>
      %squeeze3A_1053 = vector.extract %slice3A_1052[0] : i32 from vector<1xi32>
      %get3A_1054 = arith.index_cast %add3A_1049 : i32 to index
      %get3A_1055 = arith.index_cast %squeeze3A_1051 : i32 to index
      %get3A_1056 = tpu.vector_load %arg12[%get3A_1054, %get3A_1055] {strides = array<i32>} : memref<256x128xf32, #tpu.memory_space<vmem>>, vector<16xf32>,
      %get3A_1057 = arith.index_cast %add3A_1049 : i32 to index
      %get3A_1058 = arith.index_cast %squeeze3A_1053 : i32 to index
      %get3A_1059 = tpu.vector_load %arg13[%get3A_1057, %get3A_1058] {strides = array<i32>} : memref<256x128xf32, #tpu.memory_space<vmem>>, vector<16xf32>,
      %mul3A_1060 = arith.mulf %get3A_1056, %get3A_1059 : vector<16xf32>
      %add3A_1061 = arith.constant 16 : i32
      %add3A_1062 = arith.addi %squeeze3A_1051, %add3A_1061 : i32
      %get3A_1063 = arith.index_cast %add3A_1049 : i32 to index
      %get3A_1064 = arith.index_cast %add3A_1062 : i32 to index
      %get3A_1065 = tpu.vector_load %arg12[%get3A_1063, %get3A_1064] {strides = array<i32>} : memref<256x128xf32, #tpu.memory_space<vmem>>, vector<16xf32>,
      %add3A_1066 = arith.constant 16 : i32
      %add3A_1067 = arith.addi %squeeze3A_1053, %add3A_1066 : i32
      %get3A_1068 = arith.index_cast %add3A_1049 : i32 to index
      %get3A_1069 = arith.index_cast %add3A_1067 : i32 to index
      %get3A_1070 = tpu.vector_load %arg13[%get3A_1068, %get3A_1069] {strides = array<i32>} : memref<256x128xf32, #tpu.memory_space<vmem>>, vector<16xf32>,
      %mul3A_1071 = arith.mulf %get3A_1065, %get3A_1070 : vector<16xf32>
      %add3A_1072 = arith.addf %mul3A_1060, %mul3A_1071 : vector<16xf32>
      %add3A_1073 = arith.constant 32 : i32
      %add3A_1074 = arith.addi %squeeze3A_1051, %add3A_1073 : i32
      %get3A_1075 = arith.index_cast %add3A_1049 : i32 to index
      %get3A_1076 = arith.index_cast %add3A_1074 : i32 to index
      %get3A_1077 = tpu.vector_load %arg12[%get3A_1075, %get3A_1076] {strides = array<i32>} : memref<256x128xf32, #tpu.memory_space<vmem>>, vector<16xf32>,
      %add3A_1078 = arith.constant 32 : i32
      %add3A_1079 = arith.addi %squeeze3A_1053, %add3A_1078 : i32
      %get3A_1080 = arith.index_cast %add3A_1049 : i32 to index
      %get3A_1081 = arith.index_cast %add3A_1079 : i32 to index
      %get3A_1082 = tpu.vector_load %arg13[%get3A_1080, %get3A_1081] {strides = array<i32>} : memref<256x128xf32, #tpu.memory_space<vmem>>, vector<16xf32>,
      %mul3A_1083 = arith.mulf %get3A_1077, %get3A_1082 : vector<16xf32>
      %add3A_1084 = arith.addf %add3A_1072, %mul3A_1083 : vector<16xf32>
      %add3A_1085 = arith.constant 48 : i32
      %add3A_1086 = arith.addi %squeeze3A_1051, %add3A_1085 : i32
      %get3A_1087 = arith.index_cast %add3A_1049 : i32 to index
      %get3A_1088 = arith.index_cast %add3A_1086 : i32 to index
      %get3A_1089 = tpu.vector_load %arg12[%get3A_1087, %get3A_1088] {strides = array<i32>} : memref<256x128xf32, #tpu.memory_space<vmem>>, vector<16xf32>,
      %add3A_1090 = arith.constant 48 : i32
      %add3A_1091 = arith.addi %squeeze3A_1053, %add3A_1090 : i32
      %get3A_1092 = arith.index_cast %add3A_1049 : i32 to index
      %get3A_1093 = arith.index_cast %add3A_1091 : i32 to index
      %get3A_1094 = tpu.vector_load %arg13[%get3A_1092, %get3A_1093] {strides = array<i32>} : memref<256x128xf32, #tpu.memory_space<vmem>>, vector<16xf32>,
      %mul3A_1095 = arith.mulf %get3A_1089, %get3A_1094 : vector<16xf32>
      %add3A_1096 = arith.addf %add3A_1084, %mul3A_1095 : vector<16xf32>
      %add3A_1097 = arith.constant 256 : i32
      %add3A_1098 = vector.broadcast %add3A_1097 : i32 to vector<16xi32>
      %add3A_1099 = arith.addi %mul3A_33, %add3A_1098 : vector<16xi32>
      %add3A_1100 = vector.broadcast %add3A_1049 : i32 to vector<16xi32>
      %add3A_1101 = arith.addi %add3A_1099, %add3A_1100 : vector<16xi32>
      tpu.vector_store_idx %arg14[%add3A_1101], %add3A_1096 : memref<8208xf32, #tpu.memory_space<vmem>>[vector<16xi32>], vector<16xf32>,
      %mul3A_1102 = arith.constant 16 : i32
      %mul3A_1103 = arith.muli %scan3A_210, %mul3A_1102 : i32
      %add3A_1104 = arith.constant 15 : i32
      %add3A_1105 = arith.addi %mul3A_1103, %add3A_1104 : i32
      %slice3A_1106 = vector.extract_strided_slice %select_n3A_252 {offsets = [15], sizes = [1], strides = [1]} : vector<16xi32> to vector<1xi32>
      %squeeze3A_1107 = vector.extract %slice3A_1106[0] : i32 from vector<1xi32>
      %slice3A_1108 = vector.extract_strided_slice %select_n3A_263 {offsets = [15], sizes = [1], strides = [1]} : vector<16xi32> to vector<1xi32>
      %squeeze3A_1109 = vector.extract %slice3A_1108[0] : i32 from vector<1xi32>
      %get3A_1110 = arith.index_cast %add3A_1105 : i32 to index
      %get3A_1111 = arith.index_cast %squeeze3A_1107 : i32 to index
      %get3A_1112 = tpu.vector_load %arg12[%get3A_1110, %get3A_1111] {strides = array<i32>} : memref<256x128xf32, #tpu.memory_space<vmem>>, vector<16xf32>,
      %get3A_1113 = arith.index_cast %add3A_1105 : i32 to index
      %get3A_1114 = arith.index_cast %squeeze3A_1109 : i32 to index
      %get3A_1115 = tpu.vector_load %arg13[%get3A_1113, %get3A_1114] {strides = array<i32>} : memref<256x128xf32, #tpu.memory_space<vmem>>, vector<16xf32>,
      %mul3A_1116 = arith.mulf %get3A_1112, %get3A_1115 : vector<16xf32>
      %add3A_1117 = arith.constant 16 : i32
      %add3A_1118 = arith.addi %squeeze3A_1107, %add3A_1117 : i32
      %get3A_1119 = arith.index_cast %add3A_1105 : i32 to index
      %get3A_1120 = arith.index_cast %add3A_1118 : i32 to index
      %get3A_1121 = tpu.vector_load %arg12[%get3A_1119, %get3A_1120] {strides = array<i32>} : memref<256x128xf32, #tpu.memory_space<vmem>>, vector<16xf32>,
      %add3A_1122 = arith.constant 16 : i32
      %add3A_1123 = arith.addi %squeeze3A_1109, %add3A_1122 : i32
      %get3A_1124 = arith.index_cast %add3A_1105 : i32 to index
      %get3A_1125 = arith.index_cast %add3A_1123 : i32 to index
      %get3A_1126 = tpu.vector_load %arg13[%get3A_1124, %get3A_1125] {strides = array<i32>} : memref<256x128xf32, #tpu.memory_space<vmem>>, vector<16xf32>,
      %mul3A_1127 = arith.mulf %get3A_1121, %get3A_1126 : vector<16xf32>
      %add3A_1128 = arith.addf %mul3A_1116, %mul3A_1127 : vector<16xf32>
      %add3A_1129 = arith.constant 32 : i32
      %add3A_1130 = arith.addi %squeeze3A_1107, %add3A_1129 : i32
      %get3A_1131 = arith.index_cast %add3A_1105 : i32 to index
      %get3A_1132 = arith.index_cast %add3A_1130 : i32 to index
      %get3A_1133 = tpu.vector_load %arg12[%get3A_1131, %get3A_1132] {strides = array<i32>} : memref<256x128xf32, #tpu.memory_space<vmem>>, vector<16xf32>,
      %add3A_1134 = arith.constant 32 : i32
      %add3A_1135 = arith.addi %squeeze3A_1109, %add3A_1134 : i32
      %get3A_1136 = arith.index_cast %add3A_1105 : i32 to index
      %get3A_1137 = arith.index_cast %add3A_1135 : i32 to index
      %get3A_1138 = tpu.vector_load %arg13[%get3A_1136, %get3A_1137] {strides = array<i32>} : memref<256x128xf32, #tpu.memory_space<vmem>>, vector<16xf32>,
      %mul3A_1139 = arith.mulf %get3A_1133, %get3A_1138 : vector<16xf32>
      %add3A_1140 = arith.addf %add3A_1128, %mul3A_1139 : vector<16xf32>
      %add3A_1141 = arith.constant 48 : i32
      %add3A_1142 = arith.addi %squeeze3A_1107, %add3A_1141 : i32
      %get3A_1143 = arith.index_cast %add3A_1105 : i32 to index
      %get3A_1144 = arith.index_cast %add3A_1142 : i32 to index
      %get3A_1145 = tpu.vector_load %arg12[%get3A_1143, %get3A_1144] {strides = array<i32>} : memref<256x128xf32, #tpu.memory_space<vmem>>, vector<16xf32>,
      %add3A_1146 = arith.constant 48 : i32
      %add3A_1147 = arith.addi %squeeze3A_1109, %add3A_1146 : i32
      %get3A_1148 = arith.index_cast %add3A_1105 : i32 to index
      %get3A_1149 = arith.index_cast %add3A_1147 : i32 to index
      %get3A_1150 = tpu.vector_load %arg13[%get3A_1148, %get3A_1149] {strides = array<i32>} : memref<256x128xf32, #tpu.memory_space<vmem>>, vector<16xf32>,
      %mul3A_1151 = arith.mulf %get3A_1145, %get3A_1150 : vector<16xf32>
      %add3A_1152 = arith.addf %add3A_1140, %mul3A_1151 : vector<16xf32>
      %add3A_1153 = arith.constant 256 : i32
      %add3A_1154 = vector.broadcast %add3A_1153 : i32 to vector<16xi32>
      %add3A_1155 = arith.addi %mul3A_33, %add3A_1154 : vector<16xi32>
      %add3A_1156 = vector.broadcast %add3A_1105 : i32 to vector<16xi32>
      %add3A_1157 = arith.addi %add3A_1155, %add3A_1156 : vector<16xi32>
      tpu.vector_store_idx %arg14[%add3A_1157], %add3A_1152 : memref<8208xf32, #tpu.memory_space<vmem>>[vector<16xi32>], vector<16xf32>,
    }
    %scan3A_203 = arith.constant 16 : i32
    %scan3A_204 = arith.constant 0 : i32
    %scan3A_205 = arith.constant 0 : i32
    %scan3A_206 = arith.constant 32 : i32
    %scan3A_207 = arith.addi %scan3A_205, %scan3A_206 : i32
    %scan3A_208 = arith.constant 1 : i32
    scf.for %scan3A_210 = %scan3A_205 to %scan3A_207 step %scan3A_208  : i32 {
      %mul3A_211 = arith.constant 16 : i32
      %mul3A_212 = arith.muli %scan3A_210, %mul3A_211 : i32
      %get3A = arith.index_cast %mul3A_212 : i32 to index
      %get3A_213 = tpu.vector_load %arg15[%get3A] {strides = array<i32>} : memref<512xf32, #tpu.memory_space<vmem>>, vector<16xf32>,
      %mul3A_214 = arith.constant 16 : i32
      %mul3A_215 = arith.muli %scan3A_210, %mul3A_214 : i32
      %add3A_216 = arith.constant 0 : i32
      %add3A_217 = arith.addi %add3A_216, %mul3A_215 : i32
      %get3A_218 = arith.index_cast %add3A_217 : i32 to index
      %get3A_219 = tpu.vector_load %arg14[%get3A_218] {strides = array<i32>} : memref<8208xf32, #tpu.memory_space<vmem>>, vector<16xf32>,
      %add3A_220 = arith.addf %get3A_213, %get3A_219 : vector<16xf32>
      %mul3A_221 = arith.constant 16 : i32
      %mul3A_222 = arith.muli %scan3A_210, %mul3A_221 : i32
      %add3A_223 = arith.constant 513 : i32
      %add3A_224 = arith.addi %add3A_223, %mul3A_222 : i32
      %get3A_225 = arith.index_cast %add3A_224 : i32 to index
      %get3A_226 = tpu.vector_load %arg14[%get3A_225] {strides = array<i32>} : memref<8208xf32, #tpu.memory_space<vmem>>, vector<16xf32>,
      %add3A_227 = arith.addf %add3A_220, %get3A_226 : vector<16xf32>
      %mul3A_228 = arith.constant 16 : i32
      %mul3A_229 = arith.muli %scan3A_210, %mul3A_228 : i32
      %add3A_230 = arith.constant 1026 : i32
      %add3A_231 = arith.addi %add3A_230, %mul3A_229 : i32
      %get3A_232 = arith.index_cast %add3A_231 : i32 to index
      %get3A_233 = tpu.vector_load %arg14[%get3A_232] {strides = array<i32>} : memref<8208xf32, #tpu.memory_space<vmem>>, vector<16xf32>,
      %add3A_234 = arith.addf %add3A_227, %get3A_233 : vector<16xf32>
      %mul3A_235 = arith.constant 16 : i32
      %mul3A_236 = arith.muli %scan3A_210, %mul3A_235 : i32
      %add3A_237 = arith.constant 1539 : i32
      %add3A_238 = arith.addi %add3A_237, %mul3A_236 : i32
      %get3A_239 = arith.index_cast %add3A_238 : i32 to index
      %get3A_240 = tpu.vector_load %arg14[%get3A_239] {strides = array<i32>} : memref<8208xf32, #tpu.memory_space<vmem>>, vector<16xf32>,
      %add3A_241 = arith.addf %add3A_234, %get3A_240 : vector<16xf32>
      %mul3A_242 = arith.constant 16 : i32
      %mul3A_243 = arith.muli %scan3A_210, %mul3A_242 : i32
      %add3A_244 = arith.constant 2052 : i32
      %add3A_245 = arith.addi %add3A_244, %mul3A_243 : i32
      %get3A_246 = arith.index_cast %add3A_245 : i32 to index
      %get3A_247 = tpu.vector_load %arg14[%get3A_246] {strides = array<i32>} : memref<8208xf32, #tpu.memory_space<vmem>>, vector<16xf32>,
      %add3A_248 = arith.addf %add3A_241, %get3A_247 : vector<16xf32>
      %mul3A_249 = arith.constant 16 : i32
      %mul3A_250 = arith.muli %scan3A_210, %mul3A_249 : i32
      %add3A_251 = arith.constant 2565 : i32
      %add3A_252 = arith.addi %add3A_251, %mul3A_250 : i32
      %get3A_253 = arith.index_cast %add3A_252 : i32 to index
      %get3A_254 = tpu.vector_load %arg14[%get3A_253] {strides = array<i32>} : memref<8208xf32, #tpu.memory_space<vmem>>, vector<16xf32>,
      %add3A_255 = arith.addf %add3A_248, %get3A_254 : vector<16xf32>
      %mul3A_256 = arith.constant 16 : i32
      %mul3A_257 = arith.muli %scan3A_210, %mul3A_256 : i32
      %add3A_258 = arith.constant 3078 : i32
      %add3A_259 = arith.addi %add3A_258, %mul3A_257 : i32
      %get3A_260 = arith.index_cast %add3A_259 : i32 to index
      %get3A_261 = tpu.vector_load %arg14[%get3A_260] {strides = array<i32>} : memref<8208xf32, #tpu.memory_space<vmem>>, vector<16xf32>,
      %add3A_262 = arith.addf %add3A_255, %get3A_261 : vector<16xf32>
      %mul3A_263 = arith.constant 16 : i32
      %mul3A_264 = arith.muli %scan3A_210, %mul3A_263 : i32
      %add3A_265 = arith.constant 3591 : i32
      %add3A_266 = arith.addi %add3A_265, %mul3A_264 : i32
      %get3A_267 = arith.index_cast %add3A_266 : i32 to index
      %get3A_268 = tpu.vector_load %arg14[%get3A_267] {strides = array<i32>} : memref<8208xf32, #tpu.memory_space<vmem>>, vector<16xf32>,
      %add3A_269 = arith.addf %add3A_262, %get3A_268 : vector<16xf32>
      %mul3A_270 = arith.constant 16 : i32
      %mul3A_271 = arith.muli %scan3A_210, %mul3A_270 : i32
      %add3A_272 = arith.constant 4104 : i32
      %add3A_273 = arith.addi %add3A_272, %mul3A_271 : i32
      %get3A_274 = arith.index_cast %add3A_273 : i32 to index
      %get3A_275 = tpu.vector_load %arg14[%get3A_274] {strides = array<i32>} : memref<8208xf32, #tpu.memory_space<vmem>>, vector<16xf32>,
      %add3A_276 = arith.addf %add3A_269, %get3A_275 : vector<16xf32>
      %mul3A_277 = arith.constant 16 : i32
      %mul3A_278 = arith.muli %scan3A_210, %mul3A_277 : i32
      %add3A_279 = arith.constant 4617 : i32
      %add3A_280 = arith.addi %add3A_279, %mul3A_278 : i32
      %get3A_281 = arith.index_cast %add3A_280 : i32 to index
      %get3A_282 = tpu.vector_load %arg14[%get3A_281] {strides = array<i32>} : memref<8208xf32, #tpu.memory_space<vmem>>, vector<16xf32>,
      %add3A_283 = arith.addf %add3A_276, %get3A_282 : vector<16xf32>
      %mul3A_284 = arith.constant 16 : i32
      %mul3A_285 = arith.muli %scan3A_210, %mul3A_284 : i32
      %add3A_286 = arith.constant 5130 : i32
      %add3A_287 = arith.addi %add3A_286, %mul3A_285 : i32
      %get3A_288 = arith.index_cast %add3A_287 : i32 to index
      %get3A_289 = tpu.vector_load %arg14[%get3A_288] {strides = array<i32>} : memref<8208xf32, #tpu.memory_space<vmem>>, vector<16xf32>,
      %add3A_290 = arith.addf %add3A_283, %get3A_289 : vector<16xf32>
      %mul3A_291 = arith.constant 16 : i32
      %mul3A_292 = arith.muli %scan3A_210, %mul3A_291 : i32
      %add3A_293 = arith.constant 5643 : i32
      %add3A_294 = arith.addi %add3A_293, %mul3A_292 : i32
      %get3A_295 = arith.index_cast %add3A_294 : i32 to index
      %get3A_296 = tpu.vector_load %arg14[%get3A_295] {strides = array<i32>} : memref<8208xf32, #tpu.memory_space<vmem>>, vector<16xf32>,
      %add3A_297 = arith.addf %add3A_290, %get3A_296 : vector<16xf32>
      %mul3A_298 = arith.constant 16 : i32
      %mul3A_299 = arith.muli %scan3A_210, %mul3A_298 : i32
      %add3A_300 = arith.constant 6156 : i32
      %add3A_301 = arith.addi %add3A_300, %mul3A_299 : i32
      %get3A_302 = arith.index_cast %add3A_301 : i32 to index
      %get3A_303 = tpu.vector_load %arg14[%get3A_302] {strides = array<i32>} : memref<8208xf32, #tpu.memory_space<vmem>>, vector<16xf32>,
      %add3A_304 = arith.addf %add3A_297, %get3A_303 : vector<16xf32>
      %mul3A_305 = arith.constant 16 : i32
      %mul3A_306 = arith.muli %scan3A_210, %mul3A_305 : i32
      %add3A_307 = arith.constant 6669 : i32
      %add3A_308 = arith.addi %add3A_307, %mul3A_306 : i32
      %get3A_309 = arith.index_cast %add3A_308 : i32 to index
      %get3A_310 = tpu.vector_load %arg14[%get3A_309] {strides = array<i32>} : memref<8208xf32, #tpu.memory_space<vmem>>, vector<16xf32>,
      %add3A_311 = arith.addf %add3A_304, %get3A_310 : vector<16xf32>
      %mul3A_312 = arith.constant 16 : i32
      %mul3A_313 = arith.muli %scan3A_210, %mul3A_312 : i32
      %add3A_314 = arith.constant 7182 : i32
      %add3A_315 = arith.addi %add3A_314, %mul3A_313 : i32
      %get3A_316 = arith.index_cast %add3A_315 : i32 to index
      %get3A_317 = tpu.vector_load %arg14[%get3A_316] {strides = array<i32>} : memref<8208xf32, #tpu.memory_space<vmem>>, vector<16xf32>,
      %add3A_318 = arith.addf %add3A_311, %get3A_317 : vector<16xf32>
      %mul3A_319 = arith.constant 16 : i32
      %mul3A_320 = arith.muli %scan3A_210, %mul3A_319 : i32
      %add3A_321 = arith.constant 7695 : i32
      %add3A_322 = arith.addi %add3A_321, %mul3A_320 : i32
      %get3A_323 = arith.index_cast %add3A_322 : i32 to index
      %get3A_324 = tpu.vector_load %arg14[%get3A_323] {strides = array<i32>} : memref<8208xf32, #tpu.memory_space<vmem>>, vector<16xf32>,
      %add3A_325 = arith.addf %add3A_318, %get3A_324 : vector<16xf32>
      %neg3A = arith.constant 0.000000e+00 : f32
      %neg3A_326 = vector.broadcast %neg3A : f32 to vector<16xf32>
      %neg3A_327 = arith.subf %neg3A_326, %add3A_325 : vector<16xf32>
      %exp3A = math.exp %neg3A_327 : vector<16xf32>
      %add3A_328 = arith.constant 1.000000e+00 : f32
      %add3A_329 = vector.broadcast %add3A_328 : f32 to vector<16xf32>
      %add3A_330 = arith.addf %add3A_329, %exp3A : vector<16xf32>
      %div3A = arith.constant 5.000000e+00 : f32
      %div3A_331 = vector.broadcast %div3A : f32 to vector<16xf32>
      %div3A_332 = arith.divf %div3A_331, %add3A_330 : vector<16xf32>
      %swap3A = arith.index_cast %mul3A_212 : i32 to index
      %swap3A_333 = tpu.vector_load %arg16[%swap3A] {strides = array<i32>} : memref<512xf32, #tpu.memory_space<vmem>>, vector<16xf32>,
      tpu.vector_store %arg16[%swap3A], %div3A_332 {strides = array<i32>} : memref<512xf32, #tpu.memory_space<vmem>>, vector<16xf32>,
    }
    %scan3A_209 = arith.constant 32 : i32
    "tpu.region"() ({
      %run_scoped3A_210 = tpu.sem_alloc : memref<!tpu.dma_semaphore, #tpu.memory_space<semaphore_mem>>
      %dma_start3A_211 = tpu.memref_slice %arg7[%mul3A_2] : memref<16384xf32, #tpu.memory_space<hbm>> -> memref<512xf32, #tpu.memory_space<hbm>>
      %dma_start3A_212 = tpu.memref_slice %arg7[%mul3A_2] : memref<16384xf32, #tpu.memory_space<hbm>> -> memref<512xf32, #tpu.memory_space<hbm>>
      tpu.enqueue_dma source(%arg16 : memref<512xf32, #tpu.memory_space<vmem>>) target(%dma_start3A_212 : memref<512xf32, #tpu.memory_space<hbm>>) target_semaphore(%run_scoped3A_210 : memref<!tpu.dma_semaphore, #tpu.memory_space<semaphore_mem>>)
      %dma_wait3A_213 = tpu.memref_slice %arg7[%mul3A_2] : memref<16384xf32, #tpu.memory_space<hbm>> -> memref<512xf32, #tpu.memory_space<hbm>>
      %dma_wait3A_214 = tpu.memref_slice %arg7[%mul3A_2] : memref<16384xf32, #tpu.memory_space<hbm>> -> memref<512xf32, #tpu.memory_space<hbm>>
      tpu.wait_dma2 semaphore(%run_scoped3A_210 : memref<!tpu.dma_semaphore, #tpu.memory_space<semaphore_mem>>) src(%arg16 : memref<512xf32, #tpu.memory_space<vmem>>) dst(%dma_wait3A_214 : memref<512xf32, #tpu.memory_space<hbm>>)
      tpu.yield
    }) : () -> ()
    return
  }
}

#map = affine_map<(d0, d1) -> (0)>
#map1 = affine_map<(d0, d1) -> (0, 0)>
module attributes {stable_mosaic.version = 14 : i64} {
  func.func @_bias_body(%arg0: i32, %arg1: i32, %arg2: memref<16384xi32, #tpu.memory_space<hbm>>, %arg3: memref<16384xi32, #tpu.memory_space<hbm>>, %arg4: memref<1x1000000xf32, #tpu.memory_space<hbm>>, %arg5: memref<1x1000000xf32, #tpu.memory_space<hbm>>, %arg6: memref<16384xf32, #tpu.memory_space<hbm>>, %arg7: memref<4x128xi32, #tpu.memory_space<vmem>>, %arg8: memref<4x128xi32, #tpu.memory_space<vmem>>, %arg9: memref<512xf32, #tpu.memory_space<vmem>>, %arg10: memref<512xf32, #tpu.memory_space<vmem>>, %arg11: memref<512xf32, #tpu.memory_space<vmem>>, %arg12: memref<!tpu.dma_semaphore, #tpu.memory_space<semaphore_mem>>) attributes {dimension_semantics = [#tpu.dimension_semantics<core_parallel>, #tpu.dimension_semantics<subcore_parallel>], iteration_bounds = array<i64: 2, 16>, scalar_prefetch = 0 : i64, scratch_operands = 6 : i64, tpu.core_type = #tpu.core_type<sc_vector_subcore>, window_params = [{transform_indices = #map}, {transform_indices = #map}, {transform_indices = #map1}, {transform_indices = #map1}, {transform_indices = #map}]} {
    %mul3A = arith.constant 2 : i32
    %mul3A_0 = arith.muli %arg1, %mul3A : i32
    %add3A = arith.addi %mul3A_0, %arg0 : i32
    %mul3A_1 = arith.constant 512 : i32
    %mul3A_2 = arith.muli %add3A, %mul3A_1 : i32
    %add3A_3 = arith.constant 0 : i32
    %add3A_4 = arith.addi %mul3A_2, %add3A_3 : i32
    %run_scoped3A = arith.constant 0 : i32
    "tpu.region"() ({
      %run_scoped3A_221 = tpu.sem_alloc : memref<!tpu.dma_semaphore, #tpu.memory_space<semaphore_mem>>
      %dma_start3A_222 = arith.constant 0 : i32
      %dma_start3A_223 = tpu.memref_slice %arg7[%run_scoped3A, %dma_start3A_222] : memref<4x128xi32, #tpu.memory_space<vmem>> -> memref<1x128xi32, #tpu.memory_space<vmem>>
      %dma_start3A_224 = tpu.memref_squeeze %dma_start3A_223 : memref<1x128xi32, #tpu.memory_space<vmem>> -> memref<128xi32, #tpu.memory_space<vmem>>
      %dma_start3A_225 = tpu.memref_slice %arg2[%add3A_4] : memref<16384xi32, #tpu.memory_space<hbm>> -> memref<128xi32, #tpu.memory_space<hbm>>
      %dma_start3A_226 = arith.constant 0 : i32
      %dma_start3A_227 = tpu.memref_slice %arg7[%run_scoped3A, %dma_start3A_226] : memref<4x128xi32, #tpu.memory_space<vmem>> -> memref<1x128xi32, #tpu.memory_space<vmem>>
      %dma_start3A_228 = tpu.memref_squeeze %dma_start3A_227 : memref<1x128xi32, #tpu.memory_space<vmem>> -> memref<128xi32, #tpu.memory_space<vmem>>
      %dma_start3A_229 = tpu.memref_slice %arg2[%add3A_4] : memref<16384xi32, #tpu.memory_space<hbm>> -> memref<128xi32, #tpu.memory_space<hbm>>
      tpu.enqueue_dma source(%dma_start3A_229 : memref<128xi32, #tpu.memory_space<hbm>>) target(%dma_start3A_228 : memref<128xi32, #tpu.memory_space<vmem>>) target_semaphore(%run_scoped3A_221 : memref<!tpu.dma_semaphore, #tpu.memory_space<semaphore_mem>>)
      %dma_wait3A_230 = arith.constant 0 : i32
      %dma_wait3A_231 = tpu.memref_slice %arg7[%run_scoped3A, %dma_wait3A_230] : memref<4x128xi32, #tpu.memory_space<vmem>> -> memref<1x128xi32, #tpu.memory_space<vmem>>
      %dma_wait3A_232 = tpu.memref_squeeze %dma_wait3A_231 : memref<1x128xi32, #tpu.memory_space<vmem>> -> memref<128xi32, #tpu.memory_space<vmem>>
      %dma_wait3A_233 = tpu.memref_slice %arg2[%add3A_4] : memref<16384xi32, #tpu.memory_space<hbm>> -> memref<128xi32, #tpu.memory_space<hbm>>
      %dma_wait3A_234 = arith.constant 0 : i32
      %dma_wait3A_235 = tpu.memref_slice %arg7[%run_scoped3A, %dma_wait3A_234] : memref<4x128xi32, #tpu.memory_space<vmem>> -> memref<1x128xi32, #tpu.memory_space<vmem>>
      %dma_wait3A_236 = tpu.memref_squeeze %dma_wait3A_235 : memref<1x128xi32, #tpu.memory_space<vmem>> -> memref<128xi32, #tpu.memory_space<vmem>>
      %dma_wait3A_237 = tpu.memref_slice %arg2[%add3A_4] : memref<16384xi32, #tpu.memory_space<hbm>> -> memref<128xi32, #tpu.memory_space<hbm>>
      tpu.wait_dma2 semaphore(%run_scoped3A_221 : memref<!tpu.dma_semaphore, #tpu.memory_space<semaphore_mem>>) src(%dma_wait3A_237 : memref<128xi32, #tpu.memory_space<hbm>>) dst(%dma_wait3A_236 : memref<128xi32, #tpu.memory_space<vmem>>)
      tpu.yield
    }) : () -> ()
    %add3A_5 = arith.constant 0 : i32
    %add3A_6 = arith.addi %mul3A_2, %add3A_5 : i32
    %run_scoped3A_7 = arith.constant 0 : i32
    "tpu.region"() ({
      %run_scoped3A_221 = tpu.sem_alloc : memref<!tpu.dma_semaphore, #tpu.memory_space<semaphore_mem>>
      %dma_start3A_222 = arith.constant 0 : i32
      %dma_start3A_223 = tpu.memref_slice %arg8[%run_scoped3A_7, %dma_start3A_222] : memref<4x128xi32, #tpu.memory_space<vmem>> -> memref<1x128xi32, #tpu.memory_space<vmem>>
      %dma_start3A_224 = tpu.memref_squeeze %dma_start3A_223 : memref<1x128xi32, #tpu.memory_space<vmem>> -> memref<128xi32, #tpu.memory_space<vmem>>
      %dma_start3A_225 = tpu.memref_slice %arg3[%add3A_6] : memref<16384xi32, #tpu.memory_space<hbm>> -> memref<128xi32, #tpu.memory_space<hbm>>
      %dma_start3A_226 = arith.constant 0 : i32
      %dma_start3A_227 = tpu.memref_slice %arg8[%run_scoped3A_7, %dma_start3A_226] : memref<4x128xi32, #tpu.memory_space<vmem>> -> memref<1x128xi32, #tpu.memory_space<vmem>>
      %dma_start3A_228 = tpu.memref_squeeze %dma_start3A_227 : memref<1x128xi32, #tpu.memory_space<vmem>> -> memref<128xi32, #tpu.memory_space<vmem>>
      %dma_start3A_229 = tpu.memref_slice %arg3[%add3A_6] : memref<16384xi32, #tpu.memory_space<hbm>> -> memref<128xi32, #tpu.memory_space<hbm>>
      tpu.enqueue_dma source(%dma_start3A_229 : memref<128xi32, #tpu.memory_space<hbm>>) target(%dma_start3A_228 : memref<128xi32, #tpu.memory_space<vmem>>) target_semaphore(%run_scoped3A_221 : memref<!tpu.dma_semaphore, #tpu.memory_space<semaphore_mem>>)
      %dma_wait3A_230 = arith.constant 0 : i32
      %dma_wait3A_231 = tpu.memref_slice %arg8[%run_scoped3A_7, %dma_wait3A_230] : memref<4x128xi32, #tpu.memory_space<vmem>> -> memref<1x128xi32, #tpu.memory_space<vmem>>
      %dma_wait3A_232 = tpu.memref_squeeze %dma_wait3A_231 : memref<1x128xi32, #tpu.memory_space<vmem>> -> memref<128xi32, #tpu.memory_space<vmem>>
      %dma_wait3A_233 = tpu.memref_slice %arg3[%add3A_6] : memref<16384xi32, #tpu.memory_space<hbm>> -> memref<128xi32, #tpu.memory_space<hbm>>
      %dma_wait3A_234 = arith.constant 0 : i32
      %dma_wait3A_235 = tpu.memref_slice %arg8[%run_scoped3A_7, %dma_wait3A_234] : memref<4x128xi32, #tpu.memory_space<vmem>> -> memref<1x128xi32, #tpu.memory_space<vmem>>
      %dma_wait3A_236 = tpu.memref_squeeze %dma_wait3A_235 : memref<1x128xi32, #tpu.memory_space<vmem>> -> memref<128xi32, #tpu.memory_space<vmem>>
      %dma_wait3A_237 = tpu.memref_slice %arg3[%add3A_6] : memref<16384xi32, #tpu.memory_space<hbm>> -> memref<128xi32, #tpu.memory_space<hbm>>
      tpu.wait_dma2 semaphore(%run_scoped3A_221 : memref<!tpu.dma_semaphore, #tpu.memory_space<semaphore_mem>>) src(%dma_wait3A_237 : memref<128xi32, #tpu.memory_space<hbm>>) dst(%dma_wait3A_236 : memref<128xi32, #tpu.memory_space<vmem>>)
      tpu.yield
    }) : () -> ()
    %add3A_8 = arith.constant 128 : i32
    %add3A_9 = arith.addi %mul3A_2, %add3A_8 : i32
    %run_scoped3A_10 = arith.constant 1 : i32
    "tpu.region"() ({
      %run_scoped3A_221 = tpu.sem_alloc : memref<!tpu.dma_semaphore, #tpu.memory_space<semaphore_mem>>
      %dma_start3A_222 = arith.constant 0 : i32
      %dma_start3A_223 = tpu.memref_slice %arg7[%run_scoped3A_10, %dma_start3A_222] : memref<4x128xi32, #tpu.memory_space<vmem>> -> memref<1x128xi32, #tpu.memory_space<vmem>>
      %dma_start3A_224 = tpu.memref_squeeze %dma_start3A_223 : memref<1x128xi32, #tpu.memory_space<vmem>> -> memref<128xi32, #tpu.memory_space<vmem>>
      %dma_start3A_225 = tpu.memref_slice %arg2[%add3A_9] : memref<16384xi32, #tpu.memory_space<hbm>> -> memref<128xi32, #tpu.memory_space<hbm>>
      %dma_start3A_226 = arith.constant 0 : i32
      %dma_start3A_227 = tpu.memref_slice %arg7[%run_scoped3A_10, %dma_start3A_226] : memref<4x128xi32, #tpu.memory_space<vmem>> -> memref<1x128xi32, #tpu.memory_space<vmem>>
      %dma_start3A_228 = tpu.memref_squeeze %dma_start3A_227 : memref<1x128xi32, #tpu.memory_space<vmem>> -> memref<128xi32, #tpu.memory_space<vmem>>
      %dma_start3A_229 = tpu.memref_slice %arg2[%add3A_9] : memref<16384xi32, #tpu.memory_space<hbm>> -> memref<128xi32, #tpu.memory_space<hbm>>
      tpu.enqueue_dma source(%dma_start3A_229 : memref<128xi32, #tpu.memory_space<hbm>>) target(%dma_start3A_228 : memref<128xi32, #tpu.memory_space<vmem>>) target_semaphore(%run_scoped3A_221 : memref<!tpu.dma_semaphore, #tpu.memory_space<semaphore_mem>>)
      %dma_wait3A_230 = arith.constant 0 : i32
      %dma_wait3A_231 = tpu.memref_slice %arg7[%run_scoped3A_10, %dma_wait3A_230] : memref<4x128xi32, #tpu.memory_space<vmem>> -> memref<1x128xi32, #tpu.memory_space<vmem>>
      %dma_wait3A_232 = tpu.memref_squeeze %dma_wait3A_231 : memref<1x128xi32, #tpu.memory_space<vmem>> -> memref<128xi32, #tpu.memory_space<vmem>>
      %dma_wait3A_233 = tpu.memref_slice %arg2[%add3A_9] : memref<16384xi32, #tpu.memory_space<hbm>> -> memref<128xi32, #tpu.memory_space<hbm>>
      %dma_wait3A_234 = arith.constant 0 : i32
      %dma_wait3A_235 = tpu.memref_slice %arg7[%run_scoped3A_10, %dma_wait3A_234] : memref<4x128xi32, #tpu.memory_space<vmem>> -> memref<1x128xi32, #tpu.memory_space<vmem>>
      %dma_wait3A_236 = tpu.memref_squeeze %dma_wait3A_235 : memref<1x128xi32, #tpu.memory_space<vmem>> -> memref<128xi32, #tpu.memory_space<vmem>>
      %dma_wait3A_237 = tpu.memref_slice %arg2[%add3A_9] : memref<16384xi32, #tpu.memory_space<hbm>> -> memref<128xi32, #tpu.memory_space<hbm>>
      tpu.wait_dma2 semaphore(%run_scoped3A_221 : memref<!tpu.dma_semaphore, #tpu.memory_space<semaphore_mem>>) src(%dma_wait3A_237 : memref<128xi32, #tpu.memory_space<hbm>>) dst(%dma_wait3A_236 : memref<128xi32, #tpu.memory_space<vmem>>)
      tpu.yield
    }) : () -> ()
    %add3A_11 = arith.constant 128 : i32
    %add3A_12 = arith.addi %mul3A_2, %add3A_11 : i32
    %run_scoped3A_13 = arith.constant 1 : i32
    "tpu.region"() ({
      %run_scoped3A_221 = tpu.sem_alloc : memref<!tpu.dma_semaphore, #tpu.memory_space<semaphore_mem>>
      %dma_start3A_222 = arith.constant 0 : i32
      %dma_start3A_223 = tpu.memref_slice %arg8[%run_scoped3A_13, %dma_start3A_222] : memref<4x128xi32, #tpu.memory_space<vmem>> -> memref<1x128xi32, #tpu.memory_space<vmem>>
      %dma_start3A_224 = tpu.memref_squeeze %dma_start3A_223 : memref<1x128xi32, #tpu.memory_space<vmem>> -> memref<128xi32, #tpu.memory_space<vmem>>
      %dma_start3A_225 = tpu.memref_slice %arg3[%add3A_12] : memref<16384xi32, #tpu.memory_space<hbm>> -> memref<128xi32, #tpu.memory_space<hbm>>
      %dma_start3A_226 = arith.constant 0 : i32
      %dma_start3A_227 = tpu.memref_slice %arg8[%run_scoped3A_13, %dma_start3A_226] : memref<4x128xi32, #tpu.memory_space<vmem>> -> memref<1x128xi32, #tpu.memory_space<vmem>>
      %dma_start3A_228 = tpu.memref_squeeze %dma_start3A_227 : memref<1x128xi32, #tpu.memory_space<vmem>> -> memref<128xi32, #tpu.memory_space<vmem>>
      %dma_start3A_229 = tpu.memref_slice %arg3[%add3A_12] : memref<16384xi32, #tpu.memory_space<hbm>> -> memref<128xi32, #tpu.memory_space<hbm>>
      tpu.enqueue_dma source(%dma_start3A_229 : memref<128xi32, #tpu.memory_space<hbm>>) target(%dma_start3A_228 : memref<128xi32, #tpu.memory_space<vmem>>) target_semaphore(%run_scoped3A_221 : memref<!tpu.dma_semaphore, #tpu.memory_space<semaphore_mem>>)
      %dma_wait3A_230 = arith.constant 0 : i32
      %dma_wait3A_231 = tpu.memref_slice %arg8[%run_scoped3A_13, %dma_wait3A_230] : memref<4x128xi32, #tpu.memory_space<vmem>> -> memref<1x128xi32, #tpu.memory_space<vmem>>
      %dma_wait3A_232 = tpu.memref_squeeze %dma_wait3A_231 : memref<1x128xi32, #tpu.memory_space<vmem>> -> memref<128xi32, #tpu.memory_space<vmem>>
      %dma_wait3A_233 = tpu.memref_slice %arg3[%add3A_12] : memref<16384xi32, #tpu.memory_space<hbm>> -> memref<128xi32, #tpu.memory_space<hbm>>
      %dma_wait3A_234 = arith.constant 0 : i32
      %dma_wait3A_235 = tpu.memref_slice %arg8[%run_scoped3A_13, %dma_wait3A_234] : memref<4x128xi32, #tpu.memory_space<vmem>> -> memref<1x128xi32, #tpu.memory_space<vmem>>
      %dma_wait3A_236 = tpu.memref_squeeze %dma_wait3A_235 : memref<1x128xi32, #tpu.memory_space<vmem>> -> memref<128xi32, #tpu.memory_space<vmem>>
      %dma_wait3A_237 = tpu.memref_slice %arg3[%add3A_12] : memref<16384xi32, #tpu.memory_space<hbm>> -> memref<128xi32, #tpu.memory_space<hbm>>
      tpu.wait_dma2 semaphore(%run_scoped3A_221 : memref<!tpu.dma_semaphore, #tpu.memory_space<semaphore_mem>>) src(%dma_wait3A_237 : memref<128xi32, #tpu.memory_space<hbm>>) dst(%dma_wait3A_236 : memref<128xi32, #tpu.memory_space<vmem>>)
      tpu.yield
    }) : () -> ()
    %add3A_14 = arith.constant 256 : i32
    %add3A_15 = arith.addi %mul3A_2, %add3A_14 : i32
    %run_scoped3A_16 = arith.constant 2 : i32
    "tpu.region"() ({
      %run_scoped3A_221 = tpu.sem_alloc : memref<!tpu.dma_semaphore, #tpu.memory_space<semaphore_mem>>
      %dma_start3A_222 = arith.constant 0 : i32
      %dma_start3A_223 = tpu.memref_slice %arg7[%run_scoped3A_16, %dma_start3A_222] : memref<4x128xi32, #tpu.memory_space<vmem>> -> memref<1x128xi32, #tpu.memory_space<vmem>>
      %dma_start3A_224 = tpu.memref_squeeze %dma_start3A_223 : memref<1x128xi32, #tpu.memory_space<vmem>> -> memref<128xi32, #tpu.memory_space<vmem>>
      %dma_start3A_225 = tpu.memref_slice %arg2[%add3A_15] : memref<16384xi32, #tpu.memory_space<hbm>> -> memref<128xi32, #tpu.memory_space<hbm>>
      %dma_start3A_226 = arith.constant 0 : i32
      %dma_start3A_227 = tpu.memref_slice %arg7[%run_scoped3A_16, %dma_start3A_226] : memref<4x128xi32, #tpu.memory_space<vmem>> -> memref<1x128xi32, #tpu.memory_space<vmem>>
      %dma_start3A_228 = tpu.memref_squeeze %dma_start3A_227 : memref<1x128xi32, #tpu.memory_space<vmem>> -> memref<128xi32, #tpu.memory_space<vmem>>
      %dma_start3A_229 = tpu.memref_slice %arg2[%add3A_15] : memref<16384xi32, #tpu.memory_space<hbm>> -> memref<128xi32, #tpu.memory_space<hbm>>
      tpu.enqueue_dma source(%dma_start3A_229 : memref<128xi32, #tpu.memory_space<hbm>>) target(%dma_start3A_228 : memref<128xi32, #tpu.memory_space<vmem>>) target_semaphore(%run_scoped3A_221 : memref<!tpu.dma_semaphore, #tpu.memory_space<semaphore_mem>>)
      %dma_wait3A_230 = arith.constant 0 : i32
      %dma_wait3A_231 = tpu.memref_slice %arg7[%run_scoped3A_16, %dma_wait3A_230] : memref<4x128xi32, #tpu.memory_space<vmem>> -> memref<1x128xi32, #tpu.memory_space<vmem>>
      %dma_wait3A_232 = tpu.memref_squeeze %dma_wait3A_231 : memref<1x128xi32, #tpu.memory_space<vmem>> -> memref<128xi32, #tpu.memory_space<vmem>>
      %dma_wait3A_233 = tpu.memref_slice %arg2[%add3A_15] : memref<16384xi32, #tpu.memory_space<hbm>> -> memref<128xi32, #tpu.memory_space<hbm>>
      %dma_wait3A_234 = arith.constant 0 : i32
      %dma_wait3A_235 = tpu.memref_slice %arg7[%run_scoped3A_16, %dma_wait3A_234] : memref<4x128xi32, #tpu.memory_space<vmem>> -> memref<1x128xi32, #tpu.memory_space<vmem>>
      %dma_wait3A_236 = tpu.memref_squeeze %dma_wait3A_235 : memref<1x128xi32, #tpu.memory_space<vmem>> -> memref<128xi32, #tpu.memory_space<vmem>>
      %dma_wait3A_237 = tpu.memref_slice %arg2[%add3A_15] : memref<16384xi32, #tpu.memory_space<hbm>> -> memref<128xi32, #tpu.memory_space<hbm>>
      tpu.wait_dma2 semaphore(%run_scoped3A_221 : memref<!tpu.dma_semaphore, #tpu.memory_space<semaphore_mem>>) src(%dma_wait3A_237 : memref<128xi32, #tpu.memory_space<hbm>>) dst(%dma_wait3A_236 : memref<128xi32, #tpu.memory_space<vmem>>)
      tpu.yield
    }) : () -> ()
    %add3A_17 = arith.constant 256 : i32
    %add3A_18 = arith.addi %mul3A_2, %add3A_17 : i32
    %run_scoped3A_19 = arith.constant 2 : i32
    "tpu.region"() ({
      %run_scoped3A_221 = tpu.sem_alloc : memref<!tpu.dma_semaphore, #tpu.memory_space<semaphore_mem>>
      %dma_start3A_222 = arith.constant 0 : i32
      %dma_start3A_223 = tpu.memref_slice %arg8[%run_scoped3A_19, %dma_start3A_222] : memref<4x128xi32, #tpu.memory_space<vmem>> -> memref<1x128xi32, #tpu.memory_space<vmem>>
      %dma_start3A_224 = tpu.memref_squeeze %dma_start3A_223 : memref<1x128xi32, #tpu.memory_space<vmem>> -> memref<128xi32, #tpu.memory_space<vmem>>
      %dma_start3A_225 = tpu.memref_slice %arg3[%add3A_18] : memref<16384xi32, #tpu.memory_space<hbm>> -> memref<128xi32, #tpu.memory_space<hbm>>
      %dma_start3A_226 = arith.constant 0 : i32
      %dma_start3A_227 = tpu.memref_slice %arg8[%run_scoped3A_19, %dma_start3A_226] : memref<4x128xi32, #tpu.memory_space<vmem>> -> memref<1x128xi32, #tpu.memory_space<vmem>>
      %dma_start3A_228 = tpu.memref_squeeze %dma_start3A_227 : memref<1x128xi32, #tpu.memory_space<vmem>> -> memref<128xi32, #tpu.memory_space<vmem>>
      %dma_start3A_229 = tpu.memref_slice %arg3[%add3A_18] : memref<16384xi32, #tpu.memory_space<hbm>> -> memref<128xi32, #tpu.memory_space<hbm>>
      tpu.enqueue_dma source(%dma_start3A_229 : memref<128xi32, #tpu.memory_space<hbm>>) target(%dma_start3A_228 : memref<128xi32, #tpu.memory_space<vmem>>) target_semaphore(%run_scoped3A_221 : memref<!tpu.dma_semaphore, #tpu.memory_space<semaphore_mem>>)
      %dma_wait3A_230 = arith.constant 0 : i32
      %dma_wait3A_231 = tpu.memref_slice %arg8[%run_scoped3A_19, %dma_wait3A_230] : memref<4x128xi32, #tpu.memory_space<vmem>> -> memref<1x128xi32, #tpu.memory_space<vmem>>
      %dma_wait3A_232 = tpu.memref_squeeze %dma_wait3A_231 : memref<1x128xi32, #tpu.memory_space<vmem>> -> memref<128xi32, #tpu.memory_space<vmem>>
      %dma_wait3A_233 = tpu.memref_slice %arg3[%add3A_18] : memref<16384xi32, #tpu.memory_space<hbm>> -> memref<128xi32, #tpu.memory_space<hbm>>
      %dma_wait3A_234 = arith.constant 0 : i32
      %dma_wait3A_235 = tpu.memref_slice %arg8[%run_scoped3A_19, %dma_wait3A_234] : memref<4x128xi32, #tpu.memory_space<vmem>> -> memref<1x128xi32, #tpu.memory_space<vmem>>
      %dma_wait3A_236 = tpu.memref_squeeze %dma_wait3A_235 : memref<1x128xi32, #tpu.memory_space<vmem>> -> memref<128xi32, #tpu.memory_space<vmem>>
      %dma_wait3A_237 = tpu.memref_slice %arg3[%add3A_18] : memref<16384xi32, #tpu.memory_space<hbm>> -> memref<128xi32, #tpu.memory_space<hbm>>
      tpu.wait_dma2 semaphore(%run_scoped3A_221 : memref<!tpu.dma_semaphore, #tpu.memory_space<semaphore_mem>>) src(%dma_wait3A_237 : memref<128xi32, #tpu.memory_space<hbm>>) dst(%dma_wait3A_236 : memref<128xi32, #tpu.memory_space<vmem>>)
      tpu.yield
    }) : () -> ()
    %add3A_20 = arith.constant 384 : i32
    %add3A_21 = arith.addi %mul3A_2, %add3A_20 : i32
    %run_scoped3A_22 = arith.constant 3 : i32
    "tpu.region"() ({
      %run_scoped3A_221 = tpu.sem_alloc : memref<!tpu.dma_semaphore, #tpu.memory_space<semaphore_mem>>
      %dma_start3A_222 = arith.constant 0 : i32
      %dma_start3A_223 = tpu.memref_slice %arg7[%run_scoped3A_22, %dma_start3A_222] : memref<4x128xi32, #tpu.memory_space<vmem>> -> memref<1x128xi32, #tpu.memory_space<vmem>>
      %dma_start3A_224 = tpu.memref_squeeze %dma_start3A_223 : memref<1x128xi32, #tpu.memory_space<vmem>> -> memref<128xi32, #tpu.memory_space<vmem>>
      %dma_start3A_225 = tpu.memref_slice %arg2[%add3A_21] : memref<16384xi32, #tpu.memory_space<hbm>> -> memref<128xi32, #tpu.memory_space<hbm>>
      %dma_start3A_226 = arith.constant 0 : i32
      %dma_start3A_227 = tpu.memref_slice %arg7[%run_scoped3A_22, %dma_start3A_226] : memref<4x128xi32, #tpu.memory_space<vmem>> -> memref<1x128xi32, #tpu.memory_space<vmem>>
      %dma_start3A_228 = tpu.memref_squeeze %dma_start3A_227 : memref<1x128xi32, #tpu.memory_space<vmem>> -> memref<128xi32, #tpu.memory_space<vmem>>
      %dma_start3A_229 = tpu.memref_slice %arg2[%add3A_21] : memref<16384xi32, #tpu.memory_space<hbm>> -> memref<128xi32, #tpu.memory_space<hbm>>
      tpu.enqueue_dma source(%dma_start3A_229 : memref<128xi32, #tpu.memory_space<hbm>>) target(%dma_start3A_228 : memref<128xi32, #tpu.memory_space<vmem>>) target_semaphore(%run_scoped3A_221 : memref<!tpu.dma_semaphore, #tpu.memory_space<semaphore_mem>>)
      %dma_wait3A_230 = arith.constant 0 : i32
      %dma_wait3A_231 = tpu.memref_slice %arg7[%run_scoped3A_22, %dma_wait3A_230] : memref<4x128xi32, #tpu.memory_space<vmem>> -> memref<1x128xi32, #tpu.memory_space<vmem>>
      %dma_wait3A_232 = tpu.memref_squeeze %dma_wait3A_231 : memref<1x128xi32, #tpu.memory_space<vmem>> -> memref<128xi32, #tpu.memory_space<vmem>>
      %dma_wait3A_233 = tpu.memref_slice %arg2[%add3A_21] : memref<16384xi32, #tpu.memory_space<hbm>> -> memref<128xi32, #tpu.memory_space<hbm>>
      %dma_wait3A_234 = arith.constant 0 : i32
      %dma_wait3A_235 = tpu.memref_slice %arg7[%run_scoped3A_22, %dma_wait3A_234] : memref<4x128xi32, #tpu.memory_space<vmem>> -> memref<1x128xi32, #tpu.memory_space<vmem>>
      %dma_wait3A_236 = tpu.memref_squeeze %dma_wait3A_235 : memref<1x128xi32, #tpu.memory_space<vmem>> -> memref<128xi32, #tpu.memory_space<vmem>>
      %dma_wait3A_237 = tpu.memref_slice %arg2[%add3A_21] : memref<16384xi32, #tpu.memory_space<hbm>> -> memref<128xi32, #tpu.memory_space<hbm>>
      tpu.wait_dma2 semaphore(%run_scoped3A_221 : memref<!tpu.dma_semaphore, #tpu.memory_space<semaphore_mem>>) src(%dma_wait3A_237 : memref<128xi32, #tpu.memory_space<hbm>>) dst(%dma_wait3A_236 : memref<128xi32, #tpu.memory_space<vmem>>)
      tpu.yield
    }) : () -> ()
    %add3A_23 = arith.constant 384 : i32
    %add3A_24 = arith.addi %mul3A_2, %add3A_23 : i32
    %run_scoped3A_25 = arith.constant 3 : i32
    "tpu.region"() ({
      %run_scoped3A_221 = tpu.sem_alloc : memref<!tpu.dma_semaphore, #tpu.memory_space<semaphore_mem>>
      %dma_start3A_222 = arith.constant 0 : i32
      %dma_start3A_223 = tpu.memref_slice %arg8[%run_scoped3A_25, %dma_start3A_222] : memref<4x128xi32, #tpu.memory_space<vmem>> -> memref<1x128xi32, #tpu.memory_space<vmem>>
      %dma_start3A_224 = tpu.memref_squeeze %dma_start3A_223 : memref<1x128xi32, #tpu.memory_space<vmem>> -> memref<128xi32, #tpu.memory_space<vmem>>
      %dma_start3A_225 = tpu.memref_slice %arg3[%add3A_24] : memref<16384xi32, #tpu.memory_space<hbm>> -> memref<128xi32, #tpu.memory_space<hbm>>
      %dma_start3A_226 = arith.constant 0 : i32
      %dma_start3A_227 = tpu.memref_slice %arg8[%run_scoped3A_25, %dma_start3A_226] : memref<4x128xi32, #tpu.memory_space<vmem>> -> memref<1x128xi32, #tpu.memory_space<vmem>>
      %dma_start3A_228 = tpu.memref_squeeze %dma_start3A_227 : memref<1x128xi32, #tpu.memory_space<vmem>> -> memref<128xi32, #tpu.memory_space<vmem>>
      %dma_start3A_229 = tpu.memref_slice %arg3[%add3A_24] : memref<16384xi32, #tpu.memory_space<hbm>> -> memref<128xi32, #tpu.memory_space<hbm>>
      tpu.enqueue_dma source(%dma_start3A_229 : memref<128xi32, #tpu.memory_space<hbm>>) target(%dma_start3A_228 : memref<128xi32, #tpu.memory_space<vmem>>) target_semaphore(%run_scoped3A_221 : memref<!tpu.dma_semaphore, #tpu.memory_space<semaphore_mem>>)
      %dma_wait3A_230 = arith.constant 0 : i32
      %dma_wait3A_231 = tpu.memref_slice %arg8[%run_scoped3A_25, %dma_wait3A_230] : memref<4x128xi32, #tpu.memory_space<vmem>> -> memref<1x128xi32, #tpu.memory_space<vmem>>
      %dma_wait3A_232 = tpu.memref_squeeze %dma_wait3A_231 : memref<1x128xi32, #tpu.memory_space<vmem>> -> memref<128xi32, #tpu.memory_space<vmem>>
      %dma_wait3A_233 = tpu.memref_slice %arg3[%add3A_24] : memref<16384xi32, #tpu.memory_space<hbm>> -> memref<128xi32, #tpu.memory_space<hbm>>
      %dma_wait3A_234 = arith.constant 0 : i32
      %dma_wait3A_235 = tpu.memref_slice %arg8[%run_scoped3A_25, %dma_wait3A_234] : memref<4x128xi32, #tpu.memory_space<vmem>> -> memref<1x128xi32, #tpu.memory_space<vmem>>
      %dma_wait3A_236 = tpu.memref_squeeze %dma_wait3A_235 : memref<1x128xi32, #tpu.memory_space<vmem>> -> memref<128xi32, #tpu.memory_space<vmem>>
      %dma_wait3A_237 = tpu.memref_slice %arg3[%add3A_24] : memref<16384xi32, #tpu.memory_space<hbm>> -> memref<128xi32, #tpu.memory_space<hbm>>
      tpu.wait_dma2 semaphore(%run_scoped3A_221 : memref<!tpu.dma_semaphore, #tpu.memory_space<semaphore_mem>>) src(%dma_wait3A_237 : memref<128xi32, #tpu.memory_space<hbm>>) dst(%dma_wait3A_236 : memref<128xi32, #tpu.memory_space<vmem>>)
      tpu.yield
    }) : () -> ()
    %dma_start3A = arith.constant 0 : i32
    %dma_start3A_26 = arith.constant 0 : i32
    %dma_start3A_27 = arith.constant 0 : i32
    %dma_start3A_28 = tpu.memref_slice %arg9[%dma_start3A_27] : memref<512xf32, #tpu.memory_space<vmem>> -> memref<128xf32, #tpu.memory_space<vmem>>
    %dma_start3A_29 = arith.constant 0 : i32
    %dma_start3A_30 = tpu.memref_slice %arg7[%dma_start3A_26, %dma_start3A_29] : memref<4x128xi32, #tpu.memory_space<vmem>> -> memref<1x128xi32, #tpu.memory_space<vmem>>
    %dma_start3A_31 = tpu.memref_squeeze %dma_start3A_30 : memref<1x128xi32, #tpu.memory_space<vmem>> -> memref<128xi32, #tpu.memory_space<vmem>>
    %dma_start3A_32 = arith.constant 0 : i32
    %dma_start3A_33 = tpu.memref_slice %arg4[%dma_start3A, %dma_start3A_32] : memref<1x1000000xf32, #tpu.memory_space<hbm>> -> memref<1x1000000xf32, #tpu.memory_space<hbm>>
    %dma_start3A_34 = tpu.memref_squeeze %dma_start3A_33 : memref<1x1000000xf32, #tpu.memory_space<hbm>> -> memref<1000000xf32, #tpu.memory_space<hbm>>
    %dma_start3A_35 = arith.constant 0 : i32
    %dma_start3A_36 = tpu.memref_slice %dma_start3A_34[%dma_start3A_35] : memref<1000000xf32, #tpu.memory_space<hbm>> -> memref<1000000xf32, #tpu.memory_space<hbm>>
    tpu.enqueue_indirect_dma source(%dma_start3A_36 : memref<1000000xf32, #tpu.memory_space<hbm>>) target(%dma_start3A_28 : memref<128xf32, #tpu.memory_space<vmem>>) offsets(%dma_start3A_31 : memref<128xi32, #tpu.memory_space<vmem>>) semaphore(%arg12 : memref<!tpu.dma_semaphore, #tpu.memory_space<semaphore_mem>>)
    %dma_start3A_37 = arith.constant 0 : i32
    %dma_start3A_38 = arith.constant 0 : i32
    %dma_start3A_39 = arith.constant 0 : i32
    %dma_start3A_40 = tpu.memref_slice %arg10[%dma_start3A_39] : memref<512xf32, #tpu.memory_space<vmem>> -> memref<128xf32, #tpu.memory_space<vmem>>
    %dma_start3A_41 = arith.constant 0 : i32
    %dma_start3A_42 = tpu.memref_slice %arg8[%dma_start3A_38, %dma_start3A_41] : memref<4x128xi32, #tpu.memory_space<vmem>> -> memref<1x128xi32, #tpu.memory_space<vmem>>
    %dma_start3A_43 = tpu.memref_squeeze %dma_start3A_42 : memref<1x128xi32, #tpu.memory_space<vmem>> -> memref<128xi32, #tpu.memory_space<vmem>>
    %dma_start3A_44 = arith.constant 0 : i32
    %dma_start3A_45 = tpu.memref_slice %arg5[%dma_start3A_37, %dma_start3A_44] : memref<1x1000000xf32, #tpu.memory_space<hbm>> -> memref<1x1000000xf32, #tpu.memory_space<hbm>>
    %dma_start3A_46 = tpu.memref_squeeze %dma_start3A_45 : memref<1x1000000xf32, #tpu.memory_space<hbm>> -> memref<1000000xf32, #tpu.memory_space<hbm>>
    %dma_start3A_47 = arith.constant 0 : i32
    %dma_start3A_48 = tpu.memref_slice %dma_start3A_46[%dma_start3A_47] : memref<1000000xf32, #tpu.memory_space<hbm>> -> memref<1000000xf32, #tpu.memory_space<hbm>>
    tpu.enqueue_indirect_dma source(%dma_start3A_48 : memref<1000000xf32, #tpu.memory_space<hbm>>) target(%dma_start3A_40 : memref<128xf32, #tpu.memory_space<vmem>>) offsets(%dma_start3A_43 : memref<128xi32, #tpu.memory_space<vmem>>) semaphore(%arg12 : memref<!tpu.dma_semaphore, #tpu.memory_space<semaphore_mem>>)
    %dma_start3A_49 = arith.constant 0 : i32
    %dma_start3A_50 = arith.constant 1 : i32
    %dma_start3A_51 = arith.constant 128 : i32
    %dma_start3A_52 = tpu.memref_slice %arg9[%dma_start3A_51] : memref<512xf32, #tpu.memory_space<vmem>> -> memref<128xf32, #tpu.memory_space<vmem>>
    %dma_start3A_53 = arith.constant 0 : i32
    %dma_start3A_54 = tpu.memref_slice %arg7[%dma_start3A_50, %dma_start3A_53] : memref<4x128xi32, #tpu.memory_space<vmem>> -> memref<1x128xi32, #tpu.memory_space<vmem>>
    %dma_start3A_55 = tpu.memref_squeeze %dma_start3A_54 : memref<1x128xi32, #tpu.memory_space<vmem>> -> memref<128xi32, #tpu.memory_space<vmem>>
    %dma_start3A_56 = arith.constant 0 : i32
    %dma_start3A_57 = tpu.memref_slice %arg4[%dma_start3A_49, %dma_start3A_56] : memref<1x1000000xf32, #tpu.memory_space<hbm>> -> memref<1x1000000xf32, #tpu.memory_space<hbm>>
    %dma_start3A_58 = tpu.memref_squeeze %dma_start3A_57 : memref<1x1000000xf32, #tpu.memory_space<hbm>> -> memref<1000000xf32, #tpu.memory_space<hbm>>
    %dma_start3A_59 = arith.constant 0 : i32
    %dma_start3A_60 = tpu.memref_slice %dma_start3A_58[%dma_start3A_59] : memref<1000000xf32, #tpu.memory_space<hbm>> -> memref<1000000xf32, #tpu.memory_space<hbm>>
    tpu.enqueue_indirect_dma source(%dma_start3A_60 : memref<1000000xf32, #tpu.memory_space<hbm>>) target(%dma_start3A_52 : memref<128xf32, #tpu.memory_space<vmem>>) offsets(%dma_start3A_55 : memref<128xi32, #tpu.memory_space<vmem>>) semaphore(%arg12 : memref<!tpu.dma_semaphore, #tpu.memory_space<semaphore_mem>>)
    %dma_start3A_61 = arith.constant 0 : i32
    %dma_start3A_62 = arith.constant 1 : i32
    %dma_start3A_63 = arith.constant 128 : i32
    %dma_start3A_64 = tpu.memref_slice %arg10[%dma_start3A_63] : memref<512xf32, #tpu.memory_space<vmem>> -> memref<128xf32, #tpu.memory_space<vmem>>
    %dma_start3A_65 = arith.constant 0 : i32
    %dma_start3A_66 = tpu.memref_slice %arg8[%dma_start3A_62, %dma_start3A_65] : memref<4x128xi32, #tpu.memory_space<vmem>> -> memref<1x128xi32, #tpu.memory_space<vmem>>
    %dma_start3A_67 = tpu.memref_squeeze %dma_start3A_66 : memref<1x128xi32, #tpu.memory_space<vmem>> -> memref<128xi32, #tpu.memory_space<vmem>>
    %dma_start3A_68 = arith.constant 0 : i32
    %dma_start3A_69 = tpu.memref_slice %arg5[%dma_start3A_61, %dma_start3A_68] : memref<1x1000000xf32, #tpu.memory_space<hbm>> -> memref<1x1000000xf32, #tpu.memory_space<hbm>>
    %dma_start3A_70 = tpu.memref_squeeze %dma_start3A_69 : memref<1x1000000xf32, #tpu.memory_space<hbm>> -> memref<1000000xf32, #tpu.memory_space<hbm>>
    %dma_start3A_71 = arith.constant 0 : i32
    %dma_start3A_72 = tpu.memref_slice %dma_start3A_70[%dma_start3A_71] : memref<1000000xf32, #tpu.memory_space<hbm>> -> memref<1000000xf32, #tpu.memory_space<hbm>>
    tpu.enqueue_indirect_dma source(%dma_start3A_72 : memref<1000000xf32, #tpu.memory_space<hbm>>) target(%dma_start3A_64 : memref<128xf32, #tpu.memory_space<vmem>>) offsets(%dma_start3A_67 : memref<128xi32, #tpu.memory_space<vmem>>) semaphore(%arg12 : memref<!tpu.dma_semaphore, #tpu.memory_space<semaphore_mem>>)
    %dma_start3A_73 = arith.constant 0 : i32
    %dma_start3A_74 = arith.constant 2 : i32
    %dma_start3A_75 = arith.constant 256 : i32
    %dma_start3A_76 = tpu.memref_slice %arg9[%dma_start3A_75] : memref<512xf32, #tpu.memory_space<vmem>> -> memref<128xf32, #tpu.memory_space<vmem>>
    %dma_start3A_77 = arith.constant 0 : i32
    %dma_start3A_78 = tpu.memref_slice %arg7[%dma_start3A_74, %dma_start3A_77] : memref<4x128xi32, #tpu.memory_space<vmem>> -> memref<1x128xi32, #tpu.memory_space<vmem>>
    %dma_start3A_79 = tpu.memref_squeeze %dma_start3A_78 : memref<1x128xi32, #tpu.memory_space<vmem>> -> memref<128xi32, #tpu.memory_space<vmem>>
    %dma_start3A_80 = arith.constant 0 : i32
    %dma_start3A_81 = tpu.memref_slice %arg4[%dma_start3A_73, %dma_start3A_80] : memref<1x1000000xf32, #tpu.memory_space<hbm>> -> memref<1x1000000xf32, #tpu.memory_space<hbm>>
    %dma_start3A_82 = tpu.memref_squeeze %dma_start3A_81 : memref<1x1000000xf32, #tpu.memory_space<hbm>> -> memref<1000000xf32, #tpu.memory_space<hbm>>
    %dma_start3A_83 = arith.constant 0 : i32
    %dma_start3A_84 = tpu.memref_slice %dma_start3A_82[%dma_start3A_83] : memref<1000000xf32, #tpu.memory_space<hbm>> -> memref<1000000xf32, #tpu.memory_space<hbm>>
    tpu.enqueue_indirect_dma source(%dma_start3A_84 : memref<1000000xf32, #tpu.memory_space<hbm>>) target(%dma_start3A_76 : memref<128xf32, #tpu.memory_space<vmem>>) offsets(%dma_start3A_79 : memref<128xi32, #tpu.memory_space<vmem>>) semaphore(%arg12 : memref<!tpu.dma_semaphore, #tpu.memory_space<semaphore_mem>>)
    %dma_start3A_85 = arith.constant 0 : i32
    %dma_start3A_86 = arith.constant 2 : i32
    %dma_start3A_87 = arith.constant 256 : i32
    %dma_start3A_88 = tpu.memref_slice %arg10[%dma_start3A_87] : memref<512xf32, #tpu.memory_space<vmem>> -> memref<128xf32, #tpu.memory_space<vmem>>
    %dma_start3A_89 = arith.constant 0 : i32
    %dma_start3A_90 = tpu.memref_slice %arg8[%dma_start3A_86, %dma_start3A_89] : memref<4x128xi32, #tpu.memory_space<vmem>> -> memref<1x128xi32, #tpu.memory_space<vmem>>
    %dma_start3A_91 = tpu.memref_squeeze %dma_start3A_90 : memref<1x128xi32, #tpu.memory_space<vmem>> -> memref<128xi32, #tpu.memory_space<vmem>>
    %dma_start3A_92 = arith.constant 0 : i32
    %dma_start3A_93 = tpu.memref_slice %arg5[%dma_start3A_85, %dma_start3A_92] : memref<1x1000000xf32, #tpu.memory_space<hbm>> -> memref<1x1000000xf32, #tpu.memory_space<hbm>>
    %dma_start3A_94 = tpu.memref_squeeze %dma_start3A_93 : memref<1x1000000xf32, #tpu.memory_space<hbm>> -> memref<1000000xf32, #tpu.memory_space<hbm>>
    %dma_start3A_95 = arith.constant 0 : i32
    %dma_start3A_96 = tpu.memref_slice %dma_start3A_94[%dma_start3A_95] : memref<1000000xf32, #tpu.memory_space<hbm>> -> memref<1000000xf32, #tpu.memory_space<hbm>>
    tpu.enqueue_indirect_dma source(%dma_start3A_96 : memref<1000000xf32, #tpu.memory_space<hbm>>) target(%dma_start3A_88 : memref<128xf32, #tpu.memory_space<vmem>>) offsets(%dma_start3A_91 : memref<128xi32, #tpu.memory_space<vmem>>) semaphore(%arg12 : memref<!tpu.dma_semaphore, #tpu.memory_space<semaphore_mem>>)
    %dma_start3A_97 = arith.constant 0 : i32
    %dma_start3A_98 = arith.constant 3 : i32
    %dma_start3A_99 = arith.constant 384 : i32
    %dma_start3A_100 = tpu.memref_slice %arg9[%dma_start3A_99] : memref<512xf32, #tpu.memory_space<vmem>> -> memref<128xf32, #tpu.memory_space<vmem>>
    %dma_start3A_101 = arith.constant 0 : i32
    %dma_start3A_102 = tpu.memref_slice %arg7[%dma_start3A_98, %dma_start3A_101] : memref<4x128xi32, #tpu.memory_space<vmem>> -> memref<1x128xi32, #tpu.memory_space<vmem>>
    %dma_start3A_103 = tpu.memref_squeeze %dma_start3A_102 : memref<1x128xi32, #tpu.memory_space<vmem>> -> memref<128xi32, #tpu.memory_space<vmem>>
    %dma_start3A_104 = arith.constant 0 : i32
    %dma_start3A_105 = tpu.memref_slice %arg4[%dma_start3A_97, %dma_start3A_104] : memref<1x1000000xf32, #tpu.memory_space<hbm>> -> memref<1x1000000xf32, #tpu.memory_space<hbm>>
    %dma_start3A_106 = tpu.memref_squeeze %dma_start3A_105 : memref<1x1000000xf32, #tpu.memory_space<hbm>> -> memref<1000000xf32, #tpu.memory_space<hbm>>
    %dma_start3A_107 = arith.constant 0 : i32
    %dma_start3A_108 = tpu.memref_slice %dma_start3A_106[%dma_start3A_107] : memref<1000000xf32, #tpu.memory_space<hbm>> -> memref<1000000xf32, #tpu.memory_space<hbm>>
    tpu.enqueue_indirect_dma source(%dma_start3A_108 : memref<1000000xf32, #tpu.memory_space<hbm>>) target(%dma_start3A_100 : memref<128xf32, #tpu.memory_space<vmem>>) offsets(%dma_start3A_103 : memref<128xi32, #tpu.memory_space<vmem>>) semaphore(%arg12 : memref<!tpu.dma_semaphore, #tpu.memory_space<semaphore_mem>>)
    %dma_start3A_109 = arith.constant 0 : i32
    %dma_start3A_110 = arith.constant 3 : i32
    %dma_start3A_111 = arith.constant 384 : i32
    %dma_start3A_112 = tpu.memref_slice %arg10[%dma_start3A_111] : memref<512xf32, #tpu.memory_space<vmem>> -> memref<128xf32, #tpu.memory_space<vmem>>
    %dma_start3A_113 = arith.constant 0 : i32
    %dma_start3A_114 = tpu.memref_slice %arg8[%dma_start3A_110, %dma_start3A_113] : memref<4x128xi32, #tpu.memory_space<vmem>> -> memref<1x128xi32, #tpu.memory_space<vmem>>
    %dma_start3A_115 = tpu.memref_squeeze %dma_start3A_114 : memref<1x128xi32, #tpu.memory_space<vmem>> -> memref<128xi32, #tpu.memory_space<vmem>>
    %dma_start3A_116 = arith.constant 0 : i32
    %dma_start3A_117 = tpu.memref_slice %arg5[%dma_start3A_109, %dma_start3A_116] : memref<1x1000000xf32, #tpu.memory_space<hbm>> -> memref<1x1000000xf32, #tpu.memory_space<hbm>>
    %dma_start3A_118 = tpu.memref_squeeze %dma_start3A_117 : memref<1x1000000xf32, #tpu.memory_space<hbm>> -> memref<1000000xf32, #tpu.memory_space<hbm>>
    %dma_start3A_119 = arith.constant 0 : i32
    %dma_start3A_120 = tpu.memref_slice %dma_start3A_118[%dma_start3A_119] : memref<1000000xf32, #tpu.memory_space<hbm>> -> memref<1000000xf32, #tpu.memory_space<hbm>>
    tpu.enqueue_indirect_dma source(%dma_start3A_120 : memref<1000000xf32, #tpu.memory_space<hbm>>) target(%dma_start3A_112 : memref<128xf32, #tpu.memory_space<vmem>>) offsets(%dma_start3A_115 : memref<128xi32, #tpu.memory_space<vmem>>) semaphore(%arg12 : memref<!tpu.dma_semaphore, #tpu.memory_space<semaphore_mem>>)
    %dma_wait3A = arith.constant 0 : i32
    %dma_wait3A_121 = arith.constant 0 : i32
    %dma_wait3A_122 = arith.constant 0 : i32
    %dma_wait3A_123 = tpu.memref_slice %arg9[%dma_wait3A_122] : memref<512xf32, #tpu.memory_space<vmem>> -> memref<128xf32, #tpu.memory_space<vmem>>
    %dma_wait3A_124 = arith.constant 0 : i32
    %dma_wait3A_125 = tpu.memref_slice %arg7[%dma_wait3A_121, %dma_wait3A_124] : memref<4x128xi32, #tpu.memory_space<vmem>> -> memref<1x128xi32, #tpu.memory_space<vmem>>
    %dma_wait3A_126 = tpu.memref_squeeze %dma_wait3A_125 : memref<1x128xi32, #tpu.memory_space<vmem>> -> memref<128xi32, #tpu.memory_space<vmem>>
    %dma_wait3A_127 = arith.constant 0 : i32
    %dma_wait3A_128 = tpu.memref_slice %arg4[%dma_wait3A, %dma_wait3A_127] : memref<1x1000000xf32, #tpu.memory_space<hbm>> -> memref<1x1000000xf32, #tpu.memory_space<hbm>>
    %dma_wait3A_129 = tpu.memref_squeeze %dma_wait3A_128 : memref<1x1000000xf32, #tpu.memory_space<hbm>> -> memref<1000000xf32, #tpu.memory_space<hbm>>
    %dma_wait3A_130 = arith.constant 0 : i32
    %dma_wait3A_131 = tpu.memref_slice %dma_wait3A_129[%dma_wait3A_130] : memref<1000000xf32, #tpu.memory_space<hbm>> -> memref<1000000xf32, #tpu.memory_space<hbm>>
    tpu.wait_indirect_dma semaphore(%arg12 : memref<!tpu.dma_semaphore, #tpu.memory_space<semaphore_mem>>) src(%dma_wait3A_131 : memref<1000000xf32, #tpu.memory_space<hbm>>) dst(%dma_wait3A_123 : memref<128xf32, #tpu.memory_space<vmem>>)
    %dma_wait3A_132 = arith.constant 0 : i32
    %dma_wait3A_133 = arith.constant 0 : i32
    %dma_wait3A_134 = arith.constant 0 : i32
    %dma_wait3A_135 = tpu.memref_slice %arg10[%dma_wait3A_134] : memref<512xf32, #tpu.memory_space<vmem>> -> memref<128xf32, #tpu.memory_space<vmem>>
    %dma_wait3A_136 = arith.constant 0 : i32
    %dma_wait3A_137 = tpu.memref_slice %arg8[%dma_wait3A_133, %dma_wait3A_136] : memref<4x128xi32, #tpu.memory_space<vmem>> -> memref<1x128xi32, #tpu.memory_space<vmem>>
    %dma_wait3A_138 = tpu.memref_squeeze %dma_wait3A_137 : memref<1x128xi32, #tpu.memory_space<vmem>> -> memref<128xi32, #tpu.memory_space<vmem>>
    %dma_wait3A_139 = arith.constant 0 : i32
    %dma_wait3A_140 = tpu.memref_slice %arg5[%dma_wait3A_132, %dma_wait3A_139] : memref<1x1000000xf32, #tpu.memory_space<hbm>> -> memref<1x1000000xf32, #tpu.memory_space<hbm>>
    %dma_wait3A_141 = tpu.memref_squeeze %dma_wait3A_140 : memref<1x1000000xf32, #tpu.memory_space<hbm>> -> memref<1000000xf32, #tpu.memory_space<hbm>>
    %dma_wait3A_142 = arith.constant 0 : i32
    %dma_wait3A_143 = tpu.memref_slice %dma_wait3A_141[%dma_wait3A_142] : memref<1000000xf32, #tpu.memory_space<hbm>> -> memref<1000000xf32, #tpu.memory_space<hbm>>
    tpu.wait_indirect_dma semaphore(%arg12 : memref<!tpu.dma_semaphore, #tpu.memory_space<semaphore_mem>>) src(%dma_wait3A_143 : memref<1000000xf32, #tpu.memory_space<hbm>>) dst(%dma_wait3A_135 : memref<128xf32, #tpu.memory_space<vmem>>)
    %dma_wait3A_144 = arith.constant 0 : i32
    %dma_wait3A_145 = arith.constant 1 : i32
    %dma_wait3A_146 = arith.constant 128 : i32
    %dma_wait3A_147 = tpu.memref_slice %arg9[%dma_wait3A_146] : memref<512xf32, #tpu.memory_space<vmem>> -> memref<128xf32, #tpu.memory_space<vmem>>
    %dma_wait3A_148 = arith.constant 0 : i32
    %dma_wait3A_149 = tpu.memref_slice %arg7[%dma_wait3A_145, %dma_wait3A_148] : memref<4x128xi32, #tpu.memory_space<vmem>> -> memref<1x128xi32, #tpu.memory_space<vmem>>
    %dma_wait3A_150 = tpu.memref_squeeze %dma_wait3A_149 : memref<1x128xi32, #tpu.memory_space<vmem>> -> memref<128xi32, #tpu.memory_space<vmem>>
    %dma_wait3A_151 = arith.constant 0 : i32
    %dma_wait3A_152 = tpu.memref_slice %arg4[%dma_wait3A_144, %dma_wait3A_151] : memref<1x1000000xf32, #tpu.memory_space<hbm>> -> memref<1x1000000xf32, #tpu.memory_space<hbm>>
    %dma_wait3A_153 = tpu.memref_squeeze %dma_wait3A_152 : memref<1x1000000xf32, #tpu.memory_space<hbm>> -> memref<1000000xf32, #tpu.memory_space<hbm>>
    %dma_wait3A_154 = arith.constant 0 : i32
    %dma_wait3A_155 = tpu.memref_slice %dma_wait3A_153[%dma_wait3A_154] : memref<1000000xf32, #tpu.memory_space<hbm>> -> memref<1000000xf32, #tpu.memory_space<hbm>>
    tpu.wait_indirect_dma semaphore(%arg12 : memref<!tpu.dma_semaphore, #tpu.memory_space<semaphore_mem>>) src(%dma_wait3A_155 : memref<1000000xf32, #tpu.memory_space<hbm>>) dst(%dma_wait3A_147 : memref<128xf32, #tpu.memory_space<vmem>>)
    %dma_wait3A_156 = arith.constant 0 : i32
    %dma_wait3A_157 = arith.constant 1 : i32
    %dma_wait3A_158 = arith.constant 128 : i32
    %dma_wait3A_159 = tpu.memref_slice %arg10[%dma_wait3A_158] : memref<512xf32, #tpu.memory_space<vmem>> -> memref<128xf32, #tpu.memory_space<vmem>>
    %dma_wait3A_160 = arith.constant 0 : i32
    %dma_wait3A_161 = tpu.memref_slice %arg8[%dma_wait3A_157, %dma_wait3A_160] : memref<4x128xi32, #tpu.memory_space<vmem>> -> memref<1x128xi32, #tpu.memory_space<vmem>>
    %dma_wait3A_162 = tpu.memref_squeeze %dma_wait3A_161 : memref<1x128xi32, #tpu.memory_space<vmem>> -> memref<128xi32, #tpu.memory_space<vmem>>
    %dma_wait3A_163 = arith.constant 0 : i32
    %dma_wait3A_164 = tpu.memref_slice %arg5[%dma_wait3A_156, %dma_wait3A_163] : memref<1x1000000xf32, #tpu.memory_space<hbm>> -> memref<1x1000000xf32, #tpu.memory_space<hbm>>
    %dma_wait3A_165 = tpu.memref_squeeze %dma_wait3A_164 : memref<1x1000000xf32, #tpu.memory_space<hbm>> -> memref<1000000xf32, #tpu.memory_space<hbm>>
    %dma_wait3A_166 = arith.constant 0 : i32
    %dma_wait3A_167 = tpu.memref_slice %dma_wait3A_165[%dma_wait3A_166] : memref<1000000xf32, #tpu.memory_space<hbm>> -> memref<1000000xf32, #tpu.memory_space<hbm>>
    tpu.wait_indirect_dma semaphore(%arg12 : memref<!tpu.dma_semaphore, #tpu.memory_space<semaphore_mem>>) src(%dma_wait3A_167 : memref<1000000xf32, #tpu.memory_space<hbm>>) dst(%dma_wait3A_159 : memref<128xf32, #tpu.memory_space<vmem>>)
    %dma_wait3A_168 = arith.constant 0 : i32
    %dma_wait3A_169 = arith.constant 2 : i32
    %dma_wait3A_170 = arith.constant 256 : i32
    %dma_wait3A_171 = tpu.memref_slice %arg9[%dma_wait3A_170] : memref<512xf32, #tpu.memory_space<vmem>> -> memref<128xf32, #tpu.memory_space<vmem>>
    %dma_wait3A_172 = arith.constant 0 : i32
    %dma_wait3A_173 = tpu.memref_slice %arg7[%dma_wait3A_169, %dma_wait3A_172] : memref<4x128xi32, #tpu.memory_space<vmem>> -> memref<1x128xi32, #tpu.memory_space<vmem>>
    %dma_wait3A_174 = tpu.memref_squeeze %dma_wait3A_173 : memref<1x128xi32, #tpu.memory_space<vmem>> -> memref<128xi32, #tpu.memory_space<vmem>>
    %dma_wait3A_175 = arith.constant 0 : i32
    %dma_wait3A_176 = tpu.memref_slice %arg4[%dma_wait3A_168, %dma_wait3A_175] : memref<1x1000000xf32, #tpu.memory_space<hbm>> -> memref<1x1000000xf32, #tpu.memory_space<hbm>>
    %dma_wait3A_177 = tpu.memref_squeeze %dma_wait3A_176 : memref<1x1000000xf32, #tpu.memory_space<hbm>> -> memref<1000000xf32, #tpu.memory_space<hbm>>
    %dma_wait3A_178 = arith.constant 0 : i32
    %dma_wait3A_179 = tpu.memref_slice %dma_wait3A_177[%dma_wait3A_178] : memref<1000000xf32, #tpu.memory_space<hbm>> -> memref<1000000xf32, #tpu.memory_space<hbm>>
    tpu.wait_indirect_dma semaphore(%arg12 : memref<!tpu.dma_semaphore, #tpu.memory_space<semaphore_mem>>) src(%dma_wait3A_179 : memref<1000000xf32, #tpu.memory_space<hbm>>) dst(%dma_wait3A_171 : memref<128xf32, #tpu.memory_space<vmem>>)
    %dma_wait3A_180 = arith.constant 0 : i32
    %dma_wait3A_181 = arith.constant 2 : i32
    %dma_wait3A_182 = arith.constant 256 : i32
    %dma_wait3A_183 = tpu.memref_slice %arg10[%dma_wait3A_182] : memref<512xf32, #tpu.memory_space<vmem>> -> memref<128xf32, #tpu.memory_space<vmem>>
    %dma_wait3A_184 = arith.constant 0 : i32
    %dma_wait3A_185 = tpu.memref_slice %arg8[%dma_wait3A_181, %dma_wait3A_184] : memref<4x128xi32, #tpu.memory_space<vmem>> -> memref<1x128xi32, #tpu.memory_space<vmem>>
    %dma_wait3A_186 = tpu.memref_squeeze %dma_wait3A_185 : memref<1x128xi32, #tpu.memory_space<vmem>> -> memref<128xi32, #tpu.memory_space<vmem>>
    %dma_wait3A_187 = arith.constant 0 : i32
    %dma_wait3A_188 = tpu.memref_slice %arg5[%dma_wait3A_180, %dma_wait3A_187] : memref<1x1000000xf32, #tpu.memory_space<hbm>> -> memref<1x1000000xf32, #tpu.memory_space<hbm>>
    %dma_wait3A_189 = tpu.memref_squeeze %dma_wait3A_188 : memref<1x1000000xf32, #tpu.memory_space<hbm>> -> memref<1000000xf32, #tpu.memory_space<hbm>>
    %dma_wait3A_190 = arith.constant 0 : i32
    %dma_wait3A_191 = tpu.memref_slice %dma_wait3A_189[%dma_wait3A_190] : memref<1000000xf32, #tpu.memory_space<hbm>> -> memref<1000000xf32, #tpu.memory_space<hbm>>
    tpu.wait_indirect_dma semaphore(%arg12 : memref<!tpu.dma_semaphore, #tpu.memory_space<semaphore_mem>>) src(%dma_wait3A_191 : memref<1000000xf32, #tpu.memory_space<hbm>>) dst(%dma_wait3A_183 : memref<128xf32, #tpu.memory_space<vmem>>)
    %dma_wait3A_192 = arith.constant 0 : i32
    %dma_wait3A_193 = arith.constant 3 : i32
    %dma_wait3A_194 = arith.constant 384 : i32
    %dma_wait3A_195 = tpu.memref_slice %arg9[%dma_wait3A_194] : memref<512xf32, #tpu.memory_space<vmem>> -> memref<128xf32, #tpu.memory_space<vmem>>
    %dma_wait3A_196 = arith.constant 0 : i32
    %dma_wait3A_197 = tpu.memref_slice %arg7[%dma_wait3A_193, %dma_wait3A_196] : memref<4x128xi32, #tpu.memory_space<vmem>> -> memref<1x128xi32, #tpu.memory_space<vmem>>
    %dma_wait3A_198 = tpu.memref_squeeze %dma_wait3A_197 : memref<1x128xi32, #tpu.memory_space<vmem>> -> memref<128xi32, #tpu.memory_space<vmem>>
    %dma_wait3A_199 = arith.constant 0 : i32
    %dma_wait3A_200 = tpu.memref_slice %arg4[%dma_wait3A_192, %dma_wait3A_199] : memref<1x1000000xf32, #tpu.memory_space<hbm>> -> memref<1x1000000xf32, #tpu.memory_space<hbm>>
    %dma_wait3A_201 = tpu.memref_squeeze %dma_wait3A_200 : memref<1x1000000xf32, #tpu.memory_space<hbm>> -> memref<1000000xf32, #tpu.memory_space<hbm>>
    %dma_wait3A_202 = arith.constant 0 : i32
    %dma_wait3A_203 = tpu.memref_slice %dma_wait3A_201[%dma_wait3A_202] : memref<1000000xf32, #tpu.memory_space<hbm>> -> memref<1000000xf32, #tpu.memory_space<hbm>>
    tpu.wait_indirect_dma semaphore(%arg12 : memref<!tpu.dma_semaphore, #tpu.memory_space<semaphore_mem>>) src(%dma_wait3A_203 : memref<1000000xf32, #tpu.memory_space<hbm>>) dst(%dma_wait3A_195 : memref<128xf32, #tpu.memory_space<vmem>>)
    %dma_wait3A_204 = arith.constant 0 : i32
    %dma_wait3A_205 = arith.constant 3 : i32
    %dma_wait3A_206 = arith.constant 384 : i32
    %dma_wait3A_207 = tpu.memref_slice %arg10[%dma_wait3A_206] : memref<512xf32, #tpu.memory_space<vmem>> -> memref<128xf32, #tpu.memory_space<vmem>>
    %dma_wait3A_208 = arith.constant 0 : i32
    %dma_wait3A_209 = tpu.memref_slice %arg8[%dma_wait3A_205, %dma_wait3A_208] : memref<4x128xi32, #tpu.memory_space<vmem>> -> memref<1x128xi32, #tpu.memory_space<vmem>>
    %dma_wait3A_210 = tpu.memref_squeeze %dma_wait3A_209 : memref<1x128xi32, #tpu.memory_space<vmem>> -> memref<128xi32, #tpu.memory_space<vmem>>
    %dma_wait3A_211 = arith.constant 0 : i32
    %dma_wait3A_212 = tpu.memref_slice %arg5[%dma_wait3A_204, %dma_wait3A_211] : memref<1x1000000xf32, #tpu.memory_space<hbm>> -> memref<1x1000000xf32, #tpu.memory_space<hbm>>
    %dma_wait3A_213 = tpu.memref_squeeze %dma_wait3A_212 : memref<1x1000000xf32, #tpu.memory_space<hbm>> -> memref<1000000xf32, #tpu.memory_space<hbm>>
    %dma_wait3A_214 = arith.constant 0 : i32
    %dma_wait3A_215 = tpu.memref_slice %dma_wait3A_213[%dma_wait3A_214] : memref<1000000xf32, #tpu.memory_space<hbm>> -> memref<1000000xf32, #tpu.memory_space<hbm>>
    tpu.wait_indirect_dma semaphore(%arg12 : memref<!tpu.dma_semaphore, #tpu.memory_space<semaphore_mem>>) src(%dma_wait3A_215 : memref<1000000xf32, #tpu.memory_space<hbm>>) dst(%dma_wait3A_207 : memref<128xf32, #tpu.memory_space<vmem>>)
    %scan3A = arith.constant 0 : i32
    %scan3A_216 = arith.constant 0 : i32
    %scan3A_217 = arith.constant 32 : i32
    %scan3A_218 = arith.addi %scan3A_216, %scan3A_217 : i32
    %scan3A_219 = arith.constant 1 : i32
    scf.for %scan3A_221 = %scan3A_216 to %scan3A_218 step %scan3A_219  : i32 {
      %mul3A_222 = arith.constant 16 : i32
      %mul3A_223 = arith.muli %scan3A_221, %mul3A_222 : i32
      %get3A = arith.index_cast %mul3A_223 : i32 to index
      %get3A_224 = tpu.vector_load %arg9[%get3A] {strides = array<i32>} : memref<512xf32, #tpu.memory_space<vmem>>, vector<16xf32>,
      %get3A_225 = arith.index_cast %mul3A_223 : i32 to index
      %get3A_226 = tpu.vector_load %arg10[%get3A_225] {strides = array<i32>} : memref<512xf32, #tpu.memory_space<vmem>>, vector<16xf32>,
      %add3A_227 = arith.addf %get3A_224, %get3A_226 : vector<16xf32>
      %swap3A = arith.index_cast %mul3A_223 : i32 to index
      %swap3A_228 = tpu.vector_load %arg11[%swap3A] {strides = array<i32>} : memref<512xf32, #tpu.memory_space<vmem>>, vector<16xf32>,
      tpu.vector_store %arg11[%swap3A], %add3A_227 {strides = array<i32>} : memref<512xf32, #tpu.memory_space<vmem>>, vector<16xf32>,
    }
    %scan3A_220 = arith.constant 32 : i32
    "tpu.region"() ({
      %run_scoped3A_221 = tpu.sem_alloc : memref<!tpu.dma_semaphore, #tpu.memory_space<semaphore_mem>>
      %dma_start3A_222 = tpu.memref_slice %arg6[%mul3A_2] : memref<16384xf32, #tpu.memory_space<hbm>> -> memref<512xf32, #tpu.memory_space<hbm>>
      %dma_start3A_223 = tpu.memref_slice %arg6[%mul3A_2] : memref<16384xf32, #tpu.memory_space<hbm>> -> memref<512xf32, #tpu.memory_space<hbm>>
      tpu.enqueue_dma source(%arg11 : memref<512xf32, #tpu.memory_space<vmem>>) target(%dma_start3A_223 : memref<512xf32, #tpu.memory_space<hbm>>) target_semaphore(%run_scoped3A_221 : memref<!tpu.dma_semaphore, #tpu.memory_space<semaphore_mem>>)
      %dma_wait3A_224 = tpu.memref_slice %arg6[%mul3A_2] : memref<16384xf32, #tpu.memory_space<hbm>> -> memref<512xf32, #tpu.memory_space<hbm>>
      %dma_wait3A_225 = tpu.memref_slice %arg6[%mul3A_2] : memref<16384xf32, #tpu.memory_space<hbm>> -> memref<512xf32, #tpu.memory_space<hbm>>
      tpu.wait_dma2 semaphore(%run_scoped3A_221 : memref<!tpu.dma_semaphore, #tpu.memory_space<semaphore_mem>>) src(%arg11 : memref<512xf32, #tpu.memory_space<vmem>>) dst(%dma_wait3A_225 : memref<512xf32, #tpu.memory_space<hbm>>)
      tpu.yield
    }) : () -> ()
    return
  }
}

module attributes {stable_mosaic.version = 14 : i64} {
  func.func @_tr_body(%arg0: i32, %arg1: memref<64x6400xf32, #tpu.memory_space<vmem>>, %arg2: memref<64x6400xf32, #tpu.memory_space<vmem>>, %arg3: memref<6400x128xf32, #tpu.memory_space<vmem>>) attributes {dimension_semantics = [#tpu.dimension_semantics<arbitrary>], iteration_bounds = array<i64: 80>, scalar_prefetch = 0 : i64, scratch_operands = 0 : i64, tpu.core_type = #tpu.core_type<tc>, window_params = [{transform_indices = @transform_0, window_bounds = array<i64: 64, 6400>}, {transform_indices = @transform_1, window_bounds = array<i64: 64, 6400>}, {transform_indices = @transform_2, window_bounds = array<i64: 6400, 128>}]} {
    %get3A = arith.constant 0 : index
    %get3A_0 = arith.constant 0 : index
    %get3A_1 = vector.load %arg1[%get3A, %get3A_0] : memref<64x6400xf32, #tpu.memory_space<vmem>>, vector<64x6400xf32>
    %transpose3A = tpu.transpose %get3A_1, [1, 0] : vector<64x6400xf32> -> vector<6400x64xf32>
    %get3A_2 = arith.constant 0 : index
    %get3A_3 = arith.constant 0 : index
    %get3A_4 = vector.load %arg2[%get3A_2, %get3A_3] : memref<64x6400xf32, #tpu.memory_space<vmem>>, vector<64x6400xf32>
    %transpose3A_5 = tpu.transpose %get3A_4, [1, 0] : vector<64x6400xf32> -> vector<6400x64xf32>
    %concatenate3A = tpu.concatenate %transpose3A, %transpose3A_5 in 1 : vector<6400x64xf32>, vector<6400x64xf32> -> vector<6400x128xf32>
    %swap3A = arith.constant 0 : index
    %swap3A_6 = arith.constant 0 : index
    %swap3A_7 = vector.load %arg3[%swap3A, %swap3A_6] : memref<6400x128xf32, #tpu.memory_space<vmem>>, vector<6400x128xf32>
    tpu.vector_store %arg3[%swap3A, %swap3A_6], %concatenate3A {strides = array<i32>} : memref<6400x128xf32, #tpu.memory_space<vmem>>, vector<6400x128xf32>,
    return
  }
  func.func @transform_0(%arg0: i32) -> (i32, i32) {
    %c0_i32 = arith.constant 0 : i32
    %c0_i32_0 = arith.constant 0 : i32
    return %c0_i32, %arg0 : i32, i32
  }
  func.func @transform_1(%arg0: i32) -> (i32, i32) {
    %add3A = arith.constant 80 : i32
    %add3A_0 = arith.addi %arg0, %add3A : i32
    %min3A = arith.constant 156 : i32
    %min3A_1 = arith.minsi %add3A_0, %min3A : i32
    %c0_i32 = arith.constant 0 : i32
    %c0_i32_2 = arith.constant 0 : i32
    return %c0_i32, %min3A_1 : i32, i32
  }
  func.func @transform_2(%arg0: i32) -> (i32, i32) {
    %c0_i32 = arith.constant 0 : i32
    %c0_i32_0 = arith.constant 0 : i32
    return %arg0, %c0_i32 : i32, i32
  }
}

</mosaic_0001>

<sc_bundles>
// kernel: _run.6.cloned.1.call-start
scs
__scs_entry_jumppad:
0x0: {  	(pc) =	sbr.rel $0x88, $3  }
0x1: {  	(tag) =	ssettag $0x0;
	lr =	simm.s32 $0x1  }
0x2: {  	[smem:$0x3F9B] =	sst lr;
	_ =	strace $0xD0000000  }
0x3: {  	_ = 	snop  }
0x4: {  	_ = 	snop  }
0x5: {  	_ = 	snop  }
0x6: {  	_ = 	snop  }
0x7: {  	_ = 	snop  }
__scs_overlays_trampoline_lowered:
0x8: {  	[smem:$0x3FAA] =	sst s0  }
0x9: {  	[smem:$0x3FAB] =	sst s1  }
0xa: {  	[smem:$0x3FAC] =	sst s2  }
0xb: {  	[smem:$0x3FAD] =	sst s3  }
0xc: {  	[smem:$0x3FAE] =	sst s4  }
0xd: {  	[smem:$0x3FAF] =	sst s5  }
0xe: {  	[smem:$0x3FB0] =	sst s6  }
0xf: {  	[smem:$0x3FB1] =	sst s7  }
0x10: {  	[smem:$0x3FB2] =	sst s8  }
0x11: {  	[smem:$0x3FB3] =	sst s9;
	s0 =	simm.s32 @!p0 $0x0  }
0x12: {  	s1 =	sld [smem:$0x3F99];
	s0 =	simm.s32 @p0 $0x1  }
0x13: {  	[smem:$0x3FB4] =	sst s0;
	s0 =	simm.s32 @!p1 $0x0  }
0x14: {  	s2 =	sld [smem:$0x3F98];
	s0 =	simm.s32 @p1 $0x1  }
0x15: {  	[smem:$0x3FB5] =	sst s0;
	s0 =	simm.s32 @!p2 $0x0  }
0x16: {  	s3 =	sld [smem:$0x3FDB];
	s0 =	simm.s32 @p2 $0x1  }
0x17: {  	s4 =	simm.s32 $0x1BF5;
	[smem:$0x3FB7] =	sst s0  }
0x18: {  	s0 =	sld [smem:$0x3F9A];
	_ =	swait.ge [sflag:s4], $0x0  }
0x19: {  	s7 =	sld [smem:$0x3F9B]  }
0x1a: {  	s8 =	sadd.s32 $0xFFFFE003, lr  }
0x1b: {  	s9 =	sadd.s32 $0xFFFFFEF7, lr;
	s5 =	simm.s32 $0xFFFFFFFF;
	p2 =	slt.u32 s8, $0xFFFFF086  }
0x1c: {  	p1 =	slt.u32 s9, $0xF7A;
	s5 =	simm.s32 @!p2 $0x0  }
0x1d: {  	s5 =	simm.s32 @p1 $0x1;
	p0 =	seq.s32 s7, s2  }
0x1e: {  	s7 =	smul.u32 @!p0 $0xF7A, s2;
	p2 =	seq.s32 @!p0 s5, $0x0  }
0x1f: {  	s9 =	smul.u32 $0xF7A, s1;
	s8 =	simm.s32 @!p0 $0x1BF5;
	p2 =	por !p2, p0  }
0x20: {  	[sflag:s8] =	ssyncset.s32 @!p0 $0xFFFFF086;
	s6 =	sadd.s32 @!p0 s3, s7;
	s7 =	simm.s32 @!p0 $0x108  }
0x21: {  	s3 =	sadd.s32 s3, s9;
	s6 =	sadd.s32 @!p0 $0x88, s6;
	s7 =	simm.s32 @p2 $0x1082  }
0x22: {  	[simem:s7], [sflag:s8] =	dma.local @!p0 [hbm:s6], $0xF7A  }
0x23: {  	s9 =	sor.u32 $0xD0000000, s2;
	s6 =	simm.s32 $0x108;
	_ =	swait.ge @!p0 [sflag:s8], $0x0  }
0x24: {  	s3 =	sadd.s32 $0x88, s3;
	s6 =	simm.s32 @!p1 $0x1082;
	[sflag:s4] =	ssyncset.s32 $0xFFFFF086  }
0x25: {  	[simem:s6], [sflag:s4] =	dma.local [hbm:s3], $0xF7A  }
0x26: {  	[smem:$0x3F9B] =	sst s1;
	(tag) =	ssettag s2;
	_ =	strace s9  }
0x27: {  	s1 =	sld [smem:$0x3FAB]  }
0x28: {  	s2 =	sld [smem:$0x3FAC]  }
0x29: {  	s4 =	sld [smem:$0x3FAE]  }
0x2a: {  	p0 =	seq.s32 s5, $0x0;
	s5 =	sld [smem:$0x3FAF]  }
0x2b: {  	s6 =	sld [smem:$0x3FB0]  }
0x2c: {  	s7 =	sld [smem:$0x3FB1]  }
0x2d: {  	s3 =	simm.s32 $0x108;
	s8 =	sld [smem:$0x3FB2]  }
0x2e: {  	s3 =	simm.s32 @!p0 $0x1082;
	s9 =	sld [smem:$0x3FB3]  }
0x2f: {  	lr =	sadd.s32 s0, s3;
	s0 =	sld [smem:$0x3FAA]  }
0x30: {  	s3 =	sld [smem:$0x3FAD]  }
0x31: {  	[smem:$0x3FB6] =	sst s10  }
0x32: {  	s10 =	sld [smem:$0x3FB4];
	_ =	sdelay $0x3  }
0x33: {  	p0 =	seq.s32 s10, $0x1;
	s10 =	sld [smem:$0x3FB6];
	_ =	sdelay $0x3  }
0x34: {  	[smem:$0x3FB6] =	sst s10  }
0x35: {  	s10 =	sld [smem:$0x3FB5];
	_ =	sdelay $0x3  }
0x36: {  	p1 =	seq.s32 s10, $0x1;
	s10 =	sld [smem:$0x3FB6];
	_ =	sdelay $0x3  }
0x37: {  	[smem:$0x3FB6] =	sst s10  }
0x38: {  	s10 =	sld [smem:$0x3FB7]  }
0x39: {  	_ = 	snop;
	(pc) =	sbr.ind lr, $3  }
0x3a: {  	_ = 	snop  }
0x3b: {  	_ = 	snop  }
0x3c: {  	p2 =	seq.s32 s10, $0x1;
	s10 =	sld [smem:$0x3FB6]  }
0x3d: {  	_ =	shalt  }
0x3e: {  	_ =	shalt  }
0x3f: {  	_ =	shalt  }
0x40: {  	_ =	shalt  }
0x41: {  	_ =	shalt  }
0x42: {  	_ =	shalt  }
0x43: {  	_ =	shalt  }
0x44: {  	_ =	shalt  }
0x45: {  	_ =	shalt  }
0x46: {  	_ =	shalt  }
0x47: {  	_ =	shalt  }
0x48: {  	_ =	shalt  }
0x49: {  	_ =	shalt  }
0x4a: {  	_ =	shalt  }
0x4b: {  	_ =	shalt  }
0x4c: {  	_ =	shalt  }
0x4d: {  	_ =	shalt  }
0x4e: {  	_ =	shalt  }
0x4f: {  	_ =	shalt  }
0x50: {  	_ =	shalt  }
0x51: {  	_ =	shalt  }
0x52: {  	_ =	shalt  }
0x53: {  	_ =	shalt  }
0x54: {  	_ =	shalt  }
0x55: {  	_ =	shalt  }
0x56: {  	_ =	shalt  }
0x57: {  	_ =	shalt  }
0x58: {  	_ =	shalt  }
0x59: {  	_ =	shalt  }
0x5a: {  	_ =	shalt  }
0x5b: {  	_ =	shalt  }
0x5c: {  	_ =	shalt  }
0x5d: {  	_ =	shalt  }
0x5e: {  	_ =	shalt  }
0x5f: {  	_ =	shalt  }
0x60: {  	_ =	shalt  }
0x61: {  	_ =	shalt  }
0x62: {  	_ =	shalt  }
0x63: {  	_ =	shalt  }
0x64: {  	_ =	shalt  }
0x65: {  	_ =	shalt  }
0x66: {  	_ =	shalt  }
0x67: {  	_ =	shalt  }
0x68: {  	_ =	shalt  }
0x69: {  	_ =	shalt  }
0x6a: {  	_ =	shalt  }
0x6b: {  	_ =	shalt  }
0x6c: {  	_ =	shalt  }
0x6d: {  	_ =	shalt  }
0x6e: {  	_ =	shalt  }
0x6f: {  	_ =	shalt  }
0x70: {  	_ =	shalt  }
0x71: {  	_ =	shalt  }
0x72: {  	_ =	shalt  }
0x73: {  	_ =	shalt  }
0x74: {  	_ =	shalt  }
0x75: {  	_ =	shalt  }
0x76: {  	_ =	shalt  }
0x77: {  	_ =	shalt  }
0x78: {  	_ =	shalt  }
0x79: {  	_ =	shalt  }
0x7a: {  	_ =	shalt  }
0x7b: {  	_ =	shalt  }
0x7c: {  	_ =	shalt  }
0x7d: {  	_ =	shalt  }
0x7e: {  	_ =	shalt  }
0x7f: {  	_ =	shalt  }
0x80: {  	_ =	shalt  }
0x81: {  	_ =	shalt  }
0x82: {  	_ =	shalt  }
0x83: {  	_ =	shalt  }
0x84: {  	_ =	shalt  }
0x85: {  	_ =	shalt  }
0x86: {  	_ =	shalt  }
0x87: {  	_ =	shalt  }
.Lfunc_end0:
.L_simem_size_0:
called_computation_lowered:
.L_overlay_start_0:
0x88: {  	s2 =	sld [smem:$0x3FD9]  }
0x89: {  	s3 =	sld [smem:$0x3FFE];
	_ =	sdelay $0x1  }
0x8a: {  	s1 =	srdreg.scid  }
0x8b: {  	s0 =	sand.u32 $0x1, s1  }
0x8c: {  	s17 =	sshll.u32 s0, $0xA;
	s2 =	sadd.s32 s3, s2  }
0x8d: {  	s2 =	sadd.s32 s2, s17  }
0x8e: {  	[smem:$0x3FC2] =	sst s2  }
0x8f: {  	_ = 	snop  }
0x90: {  	s2 =	sld [smem:$0x3FC9]  }
0x91: {  	s18 =	sld [smem:$0x3FC8];
	(tm) =	ssettm $0x1  }
0x92: {  	s4 =	sld [smem:$0x3FFB];
	_ =	sdelay $0x3  }
0x93: {  	_ =	strace s4  }
0x94: {  	s4 =	sld [smem:$0x3FFC];
	_ =	sdelay $0x3  }
0x95: {  	_ =	strace s4  }
0x96: {  	s4 =	sld [smem:$0x3FFD];
	_ =	sdelay $0x3  }
0x97: {  	_ =	strace s4  }
0x98: {  	_ =	strace $0x8FFFFFFF  }
0x99: {  	s19 =	sld [smem:$0x3FDB];
	_ =	sdelay $0x1  }
0x9a: {  	s5 =	simm.s32 $_scs_section_size  }
0x9b: {  	s6 =	simm.s32 $_size__tile_overlayer_lowered;
	s7 =	simm.s32 $_tile_overlayer_lowered  }
0x9c: {  	s22 =	simm.s32 $0x1BFF;
	s21 =	sshll.u32 s7, $0x1;
	s4 =	sadd.s32 s5, s19  }
0x9d: {  	s8 =	simm.s32 $0x0;
	s20 =	sshll.u32 s6, $0x1;
	s6 =	sadd.s32 s21, s4  }
0x9e: {  	[timem:s8], [sflag:s22] =	dma.local [hbm:s6], s20  }
0x9f: {  	_ =	swait.ge [sflag:s22], s20  }
0xa0: {  	s5 =	ssub.s32 $0x0, s20;
	[sflag:s22] =	ssyncset.done $0x0  }
0xa1: {  	[sflag:s22] =	ssyncadd.s32 s5;
	_ =	sdelay $0x1  }
0xa2: {  	s23 =	simm.s32 $0x1B8B  }
0xa3: {  	_ =	swait.ge [sflag:s23], $0x1  }
0xa4: {  	[sflag:s23] =	ssyncset.done $0x0  }
0xa5: {  	s25 =	simm.s32 $0x1B8E;
	s24 =	sld [smem:$0x3FFE];
	[sflag:s23] =	ssyncadd.s32 $0xFFFFFFFF  }
0xa6: {  	s26 =	simm.s32 $execute0_lowered;
	[smem:$0x3FD2] =	sst s25  }
0xa7: {  	s6 =	sshll.u32 s26, $0x1;
	_ =	strace $0x80000046;
	[dreg:$0x1] =	wrdreg $0xFFFFFFFF  }
0xa8: {  	s28 =	simm.s32 $_size_execute0_lowered;
	s4 =	sadd.s32 s4, s6;
	[dreg:$0x0] =	wrdreg $0x0  }
0xa9: {  	s6 =	sshll.u32 s28, $0x1;
	[dreg:$0x2] =	wrdreg s4  }
0xaa: {  	[dreg:$0x3] =	wrdreg s6  }
0xab: {  	[dreg:$0x4] =	wrdreg $0xC0  }
0xac: {  	_ =	task [dreg:s8], $0x5FFFF  }
0xad: {  	[dreg:$0x1] =	wrdreg $0xFFFFFFFF  }
0xae: {  	[dreg:$0x0] =	wrdreg $0x60  }
0xaf: {  	[dreg:$0x2] =	wrdreg s2  }
0xb0: {  	[dreg:$0x3] =	wrdreg s18  }
0xb1: {  	[dreg:$0x4] =	wrdreg s24  }
0xb2: {  	[dreg:$0x5] =	wrdreg $0x9  }
0xb3: {  	_ =	task.clear_ibuf [dreg:s8], $0x6FFFF;
	_ =	strace $0x90000046  }
0xb4: {  	s29 =	simm.s32 $0x9;
	_ =	strace $0x80000048  }
0xb5: {  	_ =	swait.ge [sflag:s29], $0x1  }
0xb6: {  	[sflag:s29] =	ssyncadd.s32 $0xFFFFFFFF  }
0xb7: {  	_ =	strace $0x90000048  }
0xb8: {  	_ =	sfence  }
0xb9: {  	s30 =	sld [smem:$0x0];
	_ =	sdelay $0x2  }
0xba: {  	s31 =	sshll.u32 s1, $0xD;
	s1 =	sshrl.u32 s1, $0x2  }
0xbb: {  	s3 =	sand.u32 $0x4000, s31;
	s1 =	sadd.s32 s1, s30  }
0xbc: {  	s0 =	sor.u32 s3, s0;
	s1 =	sshll.u32 s1, $0x11  }
0xbd: {  	s0 =	sor.u32 s1, s0  }
0xbe: {  	s0 =	sadd.s32 $0x8F2B, s0  }
0xbf: {  	[sflag:s0] =	ssyncadd.remote.s32 $0x1  }
0xc0: {  	_ =	sfence.sel $0xFFFF  }
0xc1: {  	[dreg:$0x0] =	wrdreg $0xFFFFFFFF;
	(pc) =	sbr.abs _section_cstart, $3  }
0xc2: {  	[dreg:$0x1] =	wrdreg $0xFFFFFFFF  }
0xc3: {  	_ =	task.clear_ibuf [dreg:s8], $0x2FFFF;
	_ =	strace $0x9FFFFFFF  }
0xc4: {  	(tm) =	ssettm $0x7FFFFFFF  }
0xc5: {  	_ =	shalt  }
tec
execute0_lowered:
.L_overlay_start_1:
0x0: {  	(tag) =	ssettag $0x1  }
0x1: {  	s0 =	rddreg [dreg:$0x0]  }
0x2: {  	s1 =	rddreg [dreg:$0x1]  }
0x3: {  	s5 =	rddreg [dreg:$0x2];
	s2 =	simm.s32 $0x0  }
0x4: {  	s3 =	srdreg.scid;
	s6 =	stileid.u32;
	s15 =	simm.s32 $0x2  }
0x5: {  	s16 =	simm.s32 $0x200;
	s17 =	simm.s32 $0x80;
	s18 =	simm.s32 $0x280  }
0x6: {  	s19 =	simm.s32 $0x100;
	s20 =	simm.s32 $0x300;
	s21 =	simm.s32 $0x180  }
0x7: {  	s22 =	simm.s32 $0x380;
	s28 =	simm.s32 $0x500;
	s29 =	simm.s32 $0x700  }
0x8: {  	s30 =	simm.s32 $0x580;
	s31 =	simm.s32 $0x780;
	s23 =	simm.s32 $0x0  }
0x9: {  	[smem:$0x7FF] =	sst s2;
	s4 =	sand.u32 $0x1, s3;
	s6 =	sshll.u32 s6, $0x7  }
0xa: {  	s3 =	sadd.s32 $0x200, s5;
	s7 =	sshll.u32 s4, $0x6;
	s25 =	ssub.s32 $0x2, s4  }
0xb: {  	_ =	strace $0x80000047;
	s10 =	sor.u32 s7, s6;
	s26 =	sshrl.u32 s25, $0x1  }
0xc: {  	s4 =	sadd.s32 $0x1EC00, s5;
	s13 =	sadd.s32 s10, s5;
	s14 =	ssub.s32 s25, s26  }
0xd: {  	s5 =	sadd.s32 s0, s10;
	s8 =	sor.u32 $0x10, s10;
	s6 =	sadd.s32 s1, s10  }
0xe: {  	s11 =	sor.u32 $0x20, s10;
	s12 =	sor.u32 $0x30, s10;
	s7 =	sadd.s32 s0, s8  }
0xf: {  	s8 =	sadd.s32 s1, s8;
	s9 =	sadd.s32 s0, s11;
	s10 =	sadd.s32 s1, s11  }
0x10: {  	s11 =	sadd.s32 s0, s12;
	s12 =	sadd.s32 s1, s12;
	s13 =	sadd.s32 $0x3D600, s13  }
0x11: {  	s14 =	smax.u32 s14, $0x1;
	s0 =	simm.s32 $0x1;
	s1 =	simm.s32 $0x800  }
.LBB2_1:
0x12: {  	[tilespmem:s2], [sflag:$0x2] =	stream.linear.gather [hbm4b:s5+s2], $0x80, $0x38;
	[tilespmem:$0xA00] =	vst v63  }
0x13: {  	_ =	swait.ge [sflag:s15], $0x80  }
0x14: {  	[sflag:s15] =	ssyncset.done $0x0  }
0x15: {  	[sflag:s15] =	ssyncadd.s32 $0xFFFFFF80  }
0x16: {  	[tilespmem:s16], [sflag:$0x2] =	stream.linear.gather [hbm4b:s6+s2], $0x80, $0x38;
	[tilespmem:$0xA00] =	vst v63  }
0x17: {  	_ =	swait.ge [sflag:s15], $0x80  }
0x18: {  	[sflag:s15] =	ssyncset.done $0x0  }
0x19: {  	[sflag:s15] =	ssyncadd.s32 $0xFFFFFF80  }
0x1a: {  	[tilespmem:s17], [sflag:$0x2] =	stream.linear.gather [hbm4b:s7+s2], $0x80, $0x38;
	[tilespmem:$0xA00] =	vst v63  }
0x1b: {  	_ =	swait.ge [sflag:s15], $0x80  }
0x1c: {  	[sflag:s15] =	ssyncset.done $0x0  }
0x1d: {  	[sflag:s15] =	ssyncadd.s32 $0xFFFFFF80  }
0x1e: {  	[tilespmem:s18], [sflag:$0x2] =	stream.linear.gather [hbm4b:s8+s2], $0x80, $0x38;
	[tilespmem:$0xA00] =	vst v63  }
0x1f: {  	_ =	swait.ge [sflag:s15], $0x80  }
0x20: {  	[sflag:s15] =	ssyncset.done $0x0  }
0x21: {  	[sflag:s15] =	ssyncadd.s32 $0xFFFFFF80  }
0x22: {  	[tilespmem:s19], [sflag:$0x2] =	stream.linear.gather [hbm4b:s9+s2], $0x80, $0x38;
	[tilespmem:$0xA00] =	vst v63  }
0x23: {  	_ =	swait.ge [sflag:s15], $0x80  }
0x24: {  	[sflag:s15] =	ssyncset.done $0x0  }
0x25: {  	[sflag:s15] =	ssyncadd.s32 $0xFFFFFF80  }
0x26: {  	[tilespmem:s20], [sflag:$0x2] =	stream.linear.gather [hbm4b:s10+s2], $0x80, $0x38;
	[tilespmem:$0xA00] =	vst v63  }
0x27: {  	_ =	swait.ge [sflag:s15], $0x80  }
0x28: {  	[sflag:s15] =	ssyncset.done $0x0  }
0x29: {  	[sflag:s15] =	ssyncadd.s32 $0xFFFFFF80  }
0x2a: {  	[tilespmem:s21], [sflag:$0x2] =	stream.linear.gather [hbm4b:s11+s2], $0x80, $0x38;
	[tilespmem:$0xA00] =	vst v63  }
0x2b: {  	_ =	swait.ge [sflag:s15], $0x80  }
0x2c: {  	[sflag:s15] =	ssyncset.done $0x0  }
0x2d: {  	[sflag:s15] =	ssyncadd.s32 $0xFFFFFF80  }
0x2e: {  	[tilespmem:s22], [sflag:$0x2] =	stream.linear.gather [hbm4b:s12+s2], $0x80, $0x38;
	[tilespmem:$0xA00] =	vst v63  }
0x2f: {  	_ =	swait.ge [sflag:s15], $0x80  }
0x30: {  	[sflag:s15] =	ssyncset.done $0x0  }
0x31: {  	s24 =	simm.s32 $0x400;
	[sflag:s15] =	ssyncadd.s32 $0xFFFFFF80  }
0x32: {  	[tilespmem:s24], [sflag:$0x1] =	stream.indirect.gather [hbm4b:s3+s17], $0x1, s2, s17, $0xb8;
	[tilespmem:$0xA00] =	vst v63  }
0x33: {  	s26 =	simm.s32 $0x600  }
0x34: {  	[tilespmem:s26], [sflag:$0x1] =	stream.indirect.gather [hbm4b:s4+s17], $0x1, s16, s17, $0xb8;
	[tilespmem:$0xA00] =	vst v63  }
0x35: {  	s25 =	simm.s32 $0x480  }
0x36: {  	[tilespmem:s25], [sflag:$0x1] =	stream.indirect.gather [hbm4b:s3+s17], $0x1, s17, s17, $0xb8;
	[tilespmem:$0xA00] =	vst v63  }
0x37: {  	s26 =	simm.s32 $0x680  }
0x38: {  	[tilespmem:s26], [sflag:$0x1] =	stream.indirect.gather [hbm4b:s4+s17], $0x1, s18, s17, $0xb8;
	[tilespmem:$0xA00] =	vst v63  }
0x39: {  	_ = 	snop  }
0x3a: {  	[tilespmem:s28], [sflag:$0x1] =	stream.indirect.gather [hbm4b:s3+s17], $0x1, s19, s17, $0xb8;
	[tilespmem:$0xA00] =	vst v63  }
0x3b: {  	_ = 	snop  }
0x3c: {  	[tilespmem:s29], [sflag:$0x1] =	stream.indirect.gather [hbm4b:s4+s17], $0x1, s20, s17, $0xb8;
	[tilespmem:$0xA00] =	vst v63  }
0x3d: {  	_ = 	snop  }
0x3e: {  	[tilespmem:s30], [sflag:$0x1] =	stream.indirect.gather [hbm4b:s3+s17], $0x1, s21, s17, $0xb8;
	[tilespmem:$0xA00] =	vst v63  }
0x3f: {  	_ = 	snop  }
0x40: {  	[tilespmem:s31], [sflag:$0x1] =	stream.indirect.gather [hbm4b:s4+s17], $0x1, s22, s17, $0xb8;
	[tilespmem:$0xA00] =	vst v63  }
0x41: {  	_ =	swait.ge [sflag:s0], $0x80  }
0x42: {  	[sflag:s0] =	ssyncset.done $0x0  }
0x43: {  	[sflag:s0] =	ssyncadd.s32 $0xFFFFFF80  }
0x44: {  	_ =	swait.ge [sflag:s0], $0x80  }
0x45: {  	[sflag:s0] =	ssyncset.done $0x0  }
0x46: {  	[sflag:s0] =	ssyncadd.s32 $0xFFFFFF80  }
0x47: {  	_ =	swait.ge [sflag:s0], $0x80  }
0x48: {  	[sflag:s0] =	ssyncset.done $0x0  }
0x49: {  	[sflag:s0] =	ssyncadd.s32 $0xFFFFFF80  }
0x4a: {  	_ =	swait.ge [sflag:s0], $0x80  }
0x4b: {  	[sflag:s0] =	ssyncset.done $0x0  }
0x4c: {  	[sflag:s0] =	ssyncadd.s32 $0xFFFFFF80  }
0x4d: {  	_ =	swait.ge [sflag:s0], $0x80  }
0x4e: {  	[sflag:s0] =	ssyncset.done $0x0  }
0x4f: {  	[sflag:s0] =	ssyncadd.s32 $0xFFFFFF80  }
0x50: {  	_ =	swait.ge [sflag:s0], $0x80  }
0x51: {  	[sflag:s0] =	ssyncset.done $0x0  }
0x52: {  	[sflag:s0] =	ssyncadd.s32 $0xFFFFFF80  }
0x53: {  	_ =	swait.ge [sflag:s0], $0x80  }
0x54: {  	[sflag:s0] =	ssyncset.done $0x0  }
0x55: {  	[sflag:s0] =	ssyncadd.s32 $0xFFFFFF80  }
0x56: {  	_ =	swait.ge [sflag:s0], $0x80  }
0x57: {  	[sflag:s0] =	ssyncset.done $0x0  }
0x58: {  	s24 =	simm.s32 $0x0;
	[sflag:s0] =	ssyncadd.s32 $0xFFFFFF80  }
0x59: {  	v0 =	vld [tilespmem:s24+$0x400]  }
0x5a: {  	s25 =	simm.s32 $0x40;
	v1 =	vld [tilespmem:s24+$0x600]  }
.LBB2_2:
0x5b: {  	_ = 	snop  }
0x5c: {  	p0 =	sne.s32 s25, $0x7C0  }
.Ltmp0:
0x5d: {  	_ = 	snop;
	(pc) =	sbr.rel @p0 .LBB2_2-.Ltmp0, $4  }
0x5e: {  	_ = 	snop  }
0x5f: {  	s26 =	sshra.s32 s25, $0x2;
	v2 =	vadd.f32 v1, v0  }
0x60: {  	v0 =	vld [tilespmem:s26+$0x400]  }
0x61: {  	s25 =	sadd.s32 $0x40, s25;
	v1 =	vld [tilespmem:s26+$0x600];
	[tilespmem:s24+$0x800] =	vst v2;
	s24 =	smov.u32 s26  }
0x62: {  	_ =	sdelay $0x3  }
0x63: {  	s23 =	sadd.s32 $0x1, s23;
	v0 =	vadd.f32 v1, v0  }
0x64: {  	p0 =	sne.s32 s23, s14  }
.Ltmp1:
0x65: {  	[tilespmem:s24+$0x800] =	vst v0;
	(pc) =	sbr.rel @p0 .LBB2_1-.Ltmp1, $4  }
0x66: {  	[hbm4b:s13+s2] =	stream.linear.scatter [tilespmem:s1], [sflag:$0x2], $0x200, $0x38;
	[tilespmem:$0xA00] =	vst v63  }
0x67: {  	_ =	swait.ge [sflag:s15], $0x200  }
0x68: {  	[sflag:s15] =	ssyncset.done $0x0  }
0x69: {  	[sflag:s15] =	ssyncadd.s32 $0xFFFFFE00  }
0x6a: {  	_ =	sfence.sel $0x180000  }
0x6b: {  	[bflag:$0x0] =	sbarrier.arrive $0xFFFF  }
0x6c: {  	_ =	strace $0x90000047  }
0x6d: {  	s0 =	stileid.u32;
	[bflag:$0x2] =	sbarrier.arrive $0xFFFF  }
0x6e: {  	p0 =	sne.s32 s0, $0x0;
	s0 =	rddreg [dreg:$0x3]  }
0x6f: {  	s0 =	sadd.s32 @!p0 $0x100000, s0  }
0x70: {  	[sflag:s0] =	ssyncadd.tile.s32 @!p0 $0x1;
	_ =	shalt  }
.Lfunc_end2:
_tile_overlayer_lowered:
.L_overlay_start_2:
0x71: {  	(tag) =	ssettag $0x2  }
0x72: {  	s0 =	rddreg [dreg:$0x0];
	s2 =	stileid.u32  }
0x73: {  	s1 =	rddreg [dreg:$0x1];
	p0 =	sne.s32 s2, $0x0  }
0x74: {  	s3 =	rddreg [dreg:$0x2];
	[bflag:$0x3] =	sbarrier.arrive $0xFFFF;
	s2 =	simm.s32 @!p0 $0x1C02  }
0x75: {  	[timem:s3], [sflag:s2] =	dma.local @!p0 [hbm:s0], s1  }
0x76: {  	s0 =	simm.s32 @!p0 $0x2  }
0x77: {  	_ =	swait.ge @!p0 [sflag:s0], s1  }
0x78: {  	s1 =	ssub.s32 @!p0 $0x0, s1;
	[sflag:s0] =	ssyncset.done @!p0 $0x0  }
0x79: {  	[sflag:s0] =	ssyncadd.s32 @!p0 s1  }
0x7a: {  	[bflag:$0x3] =	sbarrier.arrive $0xFFFF  }
0x7b: {  	_ =	shalt  }

// kernel: _run.9.cloned.1.call-start
scs
__scs_entry_jumppad:
0x0: {  	(pc) =	sbr.rel $0x88, $3  }
0x1: {  	(tag) =	ssettag $0x0;
	lr =	simm.s32 $0x1  }
0x2: {  	[smem:$0x3F9B] =	sst lr;
	_ =	strace $0xD0000000  }
0x3: {  	_ = 	snop  }
0x4: {  	_ = 	snop  }
0x5: {  	_ = 	snop  }
0x6: {  	_ = 	snop  }
0x7: {  	_ = 	snop  }
__scs_overlays_trampoline_lowered:
0x8: {  	[smem:$0x3FAA] =	sst s0  }
0x9: {  	[smem:$0x3FAB] =	sst s1  }
0xa: {  	[smem:$0x3FAC] =	sst s2  }
0xb: {  	[smem:$0x3FAD] =	sst s3  }
0xc: {  	[smem:$0x3FAE] =	sst s4  }
0xd: {  	[smem:$0x3FAF] =	sst s5  }
0xe: {  	[smem:$0x3FB0] =	sst s6  }
0xf: {  	[smem:$0x3FB1] =	sst s7  }
0x10: {  	[smem:$0x3FB2] =	sst s8  }
0x11: {  	[smem:$0x3FB3] =	sst s9;
	s0 =	simm.s32 @!p0 $0x0  }
0x12: {  	s1 =	sld [smem:$0x3F99];
	s0 =	simm.s32 @p0 $0x1  }
0x13: {  	[smem:$0x3FB4] =	sst s0;
	s0 =	simm.s32 @!p1 $0x0  }
0x14: {  	s2 =	sld [smem:$0x3F98];
	s0 =	simm.s32 @p1 $0x1  }
0x15: {  	[smem:$0x3FB5] =	sst s0;
	s0 =	simm.s32 @!p2 $0x0  }
0x16: {  	s3 =	sld [smem:$0x3FDB];
	s0 =	simm.s32 @p2 $0x1  }
0x17: {  	s4 =	simm.s32 $0x1BF5;
	[smem:$0x3FB7] =	sst s0  }
0x18: {  	s0 =	sld [smem:$0x3F9A];
	_ =	swait.ge [sflag:s4], $0x0  }
0x19: {  	s7 =	sld [smem:$0x3F9B]  }
0x1a: {  	s8 =	sadd.s32 $0xFFFFE003, lr  }
0x1b: {  	s9 =	sadd.s32 $0xFFFFFEF7, lr;
	s5 =	simm.s32 $0xFFFFFFFF;
	p2 =	slt.u32 s8, $0xFFFFF086  }
0x1c: {  	p1 =	slt.u32 s9, $0xF7A;
	s5 =	simm.s32 @!p2 $0x0  }
0x1d: {  	s5 =	simm.s32 @p1 $0x1;
	p0 =	seq.s32 s7, s2  }
0x1e: {  	s7 =	smul.u32 @!p0 $0xF7A, s2;
	p2 =	seq.s32 @!p0 s5, $0x0  }
0x1f: {  	s9 =	smul.u32 $0xF7A, s1;
	s8 =	simm.s32 @!p0 $0x1BF5;
	p2 =	por !p2, p0  }
0x20: {  	[sflag:s8] =	ssyncset.s32 @!p0 $0xFFFFF086;
	s6 =	sadd.s32 @!p0 s3, s7;
	s7 =	simm.s32 @!p0 $0x108  }
0x21: {  	s3 =	sadd.s32 s3, s9;
	s6 =	sadd.s32 @!p0 $0x88, s6;
	s7 =	simm.s32 @p2 $0x1082  }
0x22: {  	[simem:s7], [sflag:s8] =	dma.local @!p0 [hbm:s6], $0xF7A  }
0x23: {  	s9 =	sor.u32 $0xD0000000, s2;
	s6 =	simm.s32 $0x108;
	_ =	swait.ge @!p0 [sflag:s8], $0x0  }
0x24: {  	s3 =	sadd.s32 $0x88, s3;
	s6 =	simm.s32 @!p1 $0x1082;
	[sflag:s4] =	ssyncset.s32 $0xFFFFF086  }
0x25: {  	[simem:s6], [sflag:s4] =	dma.local [hbm:s3], $0xF7A  }
0x26: {  	[smem:$0x3F9B] =	sst s1;
	(tag) =	ssettag s2;
	_ =	strace s9  }
0x27: {  	s1 =	sld [smem:$0x3FAB]  }
0x28: {  	s2 =	sld [smem:$0x3FAC]  }
0x29: {  	s4 =	sld [smem:$0x3FAE]  }
0x2a: {  	p0 =	seq.s32 s5, $0x0;
	s5 =	sld [smem:$0x3FAF]  }
0x2b: {  	s6 =	sld [smem:$0x3FB0]  }
0x2c: {  	s7 =	sld [smem:$0x3FB1]  }
0x2d: {  	s3 =	simm.s32 $0x108;
	s8 =	sld [smem:$0x3FB2]  }
0x2e: {  	s3 =	simm.s32 @!p0 $0x1082;
	s9 =	sld [smem:$0x3FB3]  }
0x2f: {  	lr =	sadd.s32 s0, s3;
	s0 =	sld [smem:$0x3FAA]  }
0x30: {  	s3 =	sld [smem:$0x3FAD]  }
0x31: {  	[smem:$0x3FB6] =	sst s10  }
0x32: {  	s10 =	sld [smem:$0x3FB4];
	_ =	sdelay $0x3  }
0x33: {  	p0 =	seq.s32 s10, $0x1;
	s10 =	sld [smem:$0x3FB6];
	_ =	sdelay $0x3  }
0x34: {  	[smem:$0x3FB6] =	sst s10  }
0x35: {  	s10 =	sld [smem:$0x3FB5];
	_ =	sdelay $0x3  }
0x36: {  	p1 =	seq.s32 s10, $0x1;
	s10 =	sld [smem:$0x3FB6];
	_ =	sdelay $0x3  }
0x37: {  	[smem:$0x3FB6] =	sst s10  }
0x38: {  	s10 =	sld [smem:$0x3FB7]  }
0x39: {  	_ = 	snop;
	(pc) =	sbr.ind lr, $3  }
0x3a: {  	_ = 	snop  }
0x3b: {  	_ = 	snop  }
0x3c: {  	p2 =	seq.s32 s10, $0x1;
	s10 =	sld [smem:$0x3FB6]  }
0x3d: {  	_ =	shalt  }
0x3e: {  	_ =	shalt  }
0x3f: {  	_ =	shalt  }
0x40: {  	_ =	shalt  }
0x41: {  	_ =	shalt  }
0x42: {  	_ =	shalt  }
0x43: {  	_ =	shalt  }
0x44: {  	_ =	shalt  }
0x45: {  	_ =	shalt  }
0x46: {  	_ =	shalt  }
0x47: {  	_ =	shalt  }
0x48: {  	_ =	shalt  }
0x49: {  	_ =	shalt  }
0x4a: {  	_ =	shalt  }
0x4b: {  	_ =	shalt  }
0x4c: {  	_ =	shalt  }
0x4d: {  	_ =	shalt  }
0x4e: {  	_ =	shalt  }
0x4f: {  	_ =	shalt  }
0x50: {  	_ =	shalt  }
0x51: {  	_ =	shalt  }
0x52: {  	_ =	shalt  }
0x53: {  	_ =	shalt  }
0x54: {  	_ =	shalt  }
0x55: {  	_ =	shalt  }
0x56: {  	_ =	shalt  }
0x57: {  	_ =	shalt  }
0x58: {  	_ =	shalt  }
0x59: {  	_ =	shalt  }
0x5a: {  	_ =	shalt  }
0x5b: {  	_ =	shalt  }
0x5c: {  	_ =	shalt  }
0x5d: {  	_ =	shalt  }
0x5e: {  	_ =	shalt  }
0x5f: {  	_ =	shalt  }
0x60: {  	_ =	shalt  }
0x61: {  	_ =	shalt  }
0x62: {  	_ =	shalt  }
0x63: {  	_ =	shalt  }
0x64: {  	_ =	shalt  }
0x65: {  	_ =	shalt  }
0x66: {  	_ =	shalt  }
0x67: {  	_ =	shalt  }
0x68: {  	_ =	shalt  }
0x69: {  	_ =	shalt  }
0x6a: {  	_ =	shalt  }
0x6b: {  	_ =	shalt  }
0x6c: {  	_ =	shalt  }
0x6d: {  	_ =	shalt  }
0x6e: {  	_ =	shalt  }
0x6f: {  	_ =	shalt  }
0x70: {  	_ =	shalt  }
0x71: {  	_ =	shalt  }
0x72: {  	_ =	shalt  }
0x73: {  	_ =	shalt  }
0x74: {  	_ =	shalt  }
0x75: {  	_ =	shalt  }
0x76: {  	_ =	shalt  }
0x77: {  	_ =	shalt  }
0x78: {  	_ =	shalt  }
0x79: {  	_ =	shalt  }
0x7a: {  	_ =	shalt  }
0x7b: {  	_ =	shalt  }
0x7c: {  	_ =	shalt  }
0x7d: {  	_ =	shalt  }
0x7e: {  	_ =	shalt  }
0x7f: {  	_ =	shalt  }
0x80: {  	_ =	shalt  }
0x81: {  	_ =	shalt  }
0x82: {  	_ =	shalt  }
0x83: {  	_ =	shalt  }
0x84: {  	_ =	shalt  }
0x85: {  	_ =	shalt  }
0x86: {  	_ =	shalt  }
0x87: {  	_ =	shalt  }
.Lfunc_end0:
.L_simem_size_0:
called_computation.1_lowered:
.L_overlay_start_0:
0x88: {  	s2 =	sld [smem:$0x3FD9]  }
0x89: {  	s3 =	sld [smem:$0x3FFE];
	_ =	sdelay $0x1  }
0x8a: {  	s1 =	srdreg.scid  }
0x8b: {  	s0 =	sand.u32 $0x1, s1  }
0x8c: {  	s17 =	sshll.u32 s0, $0xA;
	s2 =	sadd.s32 s3, s2  }
0x8d: {  	s2 =	sadd.s32 s2, s17  }
0x8e: {  	[smem:$0x3FC2] =	sst s2  }
0x8f: {  	_ = 	snop  }
0x90: {  	s2 =	sld [smem:$0x3FC9]  }
0x91: {  	s18 =	sld [smem:$0x3FC8]  }
0x92: {  	s4 =	sld [smem:$0x3FD0];
	(tm) =	ssettm $0x1  }
0x93: {  	s5 =	sld [smem:$0x3FFB];
	_ =	sdelay $0x3  }
0x94: {  	_ =	strace s5  }
0x95: {  	s5 =	sld [smem:$0x3FFC];
	_ =	sdelay $0x3  }
0x96: {  	_ =	strace s5  }
0x97: {  	s5 =	sld [smem:$0x3FFD];
	_ =	sdelay $0x3  }
0x98: {  	_ =	strace s5  }
0x99: {  	_ =	strace $0x8FFFFFFF  }
0x9a: {  	s19 =	sld [smem:$0x3FDB];
	_ =	sdelay $0x1  }
0x9b: {  	s6 =	simm.s32 $_scs_section_size  }
0x9c: {  	s7 =	simm.s32 $_size__tile_overlayer_lowered;
	s8 =	simm.s32 $_tile_overlayer_lowered  }
0x9d: {  	s22 =	simm.s32 $0x1BFF;
	s21 =	sshll.u32 s8, $0x1;
	s5 =	sadd.s32 s6, s19  }
0x9e: {  	s9 =	simm.s32 $0x0;
	s20 =	sshll.u32 s7, $0x1;
	s7 =	sadd.s32 s21, s5  }
0x9f: {  	[timem:s9], [sflag:s22] =	dma.local [hbm:s7], s20  }
0xa0: {  	_ =	swait.ge [sflag:s22], s20  }
0xa1: {  	s6 =	ssub.s32 $0x0, s20;
	[sflag:s22] =	ssyncset.done $0x0  }
0xa2: {  	[sflag:s22] =	ssyncadd.s32 s6;
	_ =	sdelay $0x1  }
0xa3: {  	s23 =	simm.s32 $0x1B8B  }
0xa4: {  	_ =	swait.ge [sflag:s23], $0x1  }
0xa5: {  	[sflag:s23] =	ssyncset.done $0x0  }
0xa6: {  	s25 =	simm.s32 $0x1B8E;
	s24 =	sld [smem:$0x3FFE];
	[sflag:s23] =	ssyncadd.s32 $0xFFFFFFFF  }
0xa7: {  	s26 =	simm.s32 $execute0_lowered;
	[smem:$0x3FD2] =	sst s25  }
0xa8: {  	s7 =	sshll.u32 s26, $0x1;
	_ =	strace $0x80000049;
	[dreg:$0x1] =	wrdreg $0xFFFFFFFF  }
0xa9: {  	s28 =	simm.s32 $_size_execute0_lowered;
	s5 =	sadd.s32 s5, s7;
	[dreg:$0x0] =	wrdreg $0x0  }
0xaa: {  	s7 =	sshll.u32 s28, $0x1;
	[dreg:$0x2] =	wrdreg s5  }
0xab: {  	[dreg:$0x3] =	wrdreg s7  }
0xac: {  	[dreg:$0x4] =	wrdreg $0xC0  }
0xad: {  	_ =	task [dreg:s9], $0x5FFFF  }
0xae: {  	[dreg:$0x1] =	wrdreg $0xFFFFFFFF  }
0xaf: {  	[dreg:$0x0] =	wrdreg $0x60  }
0xb0: {  	[dreg:$0x2] =	wrdreg s2  }
0xb1: {  	[dreg:$0x3] =	wrdreg s18  }
0xb2: {  	[dreg:$0x4] =	wrdreg s24  }
0xb3: {  	[dreg:$0x5] =	wrdreg s4  }
0xb4: {  	[dreg:$0x6] =	wrdreg $0x9  }
0xb5: {  	_ =	task.clear_ibuf [dreg:s9], $0x7FFFF;
	_ =	strace $0x90000049  }
0xb6: {  	s29 =	simm.s32 $0x9;
	_ =	strace $0x8000004B  }
0xb7: {  	_ =	swait.ge [sflag:s29], $0x1  }
0xb8: {  	[sflag:s29] =	ssyncadd.s32 $0xFFFFFFFF  }
0xb9: {  	_ =	strace $0x9000004B  }
0xba: {  	_ =	sfence  }
0xbb: {  	s30 =	sld [smem:$0x0];
	_ =	sdelay $0x2  }
0xbc: {  	s31 =	sshll.u32 s1, $0xD;
	s1 =	sshrl.u32 s1, $0x2  }
0xbd: {  	s3 =	sand.u32 $0x4000, s31;
	s1 =	sadd.s32 s1, s30  }
0xbe: {  	s0 =	sor.u32 s3, s0;
	s1 =	sshll.u32 s1, $0x11  }
0xbf: {  	s0 =	sor.u32 s1, s0  }
0xc0: {  	s0 =	sadd.s32 $0x8F2B, s0  }
0xc1: {  	[sflag:s0] =	ssyncadd.remote.s32 $0x1  }
0xc2: {  	_ =	sfence.sel $0xFFFF  }
0xc3: {  	[dreg:$0x0] =	wrdreg $0xFFFFFFFF;
	(pc) =	sbr.abs _section_cstart, $3  }
0xc4: {  	[dreg:$0x1] =	wrdreg $0xFFFFFFFF  }
0xc5: {  	_ =	task.clear_ibuf [dreg:s9], $0x2FFFF;
	_ =	strace $0x9FFFFFFF  }
0xc6: {  	(tm) =	ssettm $0x7FFFFFFF  }
0xc7: {  	_ =	shalt  }
tec
execute0_lowered:
.L_overlay_start_1:
0x0: {  	(tag) =	ssettag $0x1  }
0x1: {  	s0 =	rddreg [dreg:$0x0]  }
0x2: {  	s1 =	rddreg [dreg:$0x1]  }
0x3: {  	s5 =	rddreg [dreg:$0x2]  }
0x4: {  	s14 =	rddreg [dreg:$0x3];
	s2 =	simm.s32 $0x0;
	s3 =	srdreg.scid  }
0x5: {  	s4 =	stileid.u32;
	s18 =	simm.s32 $0x80;
	s26 =	simm.s32 $0x800  }
0x6: {  	s29 =	simm.s32 $0x8800;
	s31 =	simm.s32 $0x4800;
	s17 =	simm.s32 $0x1  }
0x7: {  	s19 =	simm.s32 $0x10800;
	s25 =	simm.s32 $0x0;
	[smem:$0x7FF] =	sst s2  }
0x8: {  	s3 =	sand.u32 $0x1, s3;
	s4 =	sshll.u32 s4, $0x7;
	_ =	strace $0x8000004A  }
0x9: {  	s6 =	sshll.u32 s3, $0x6;
	s7 =	ssub.s32 $0x2, s3;
	s3 =	sadd.s32 $0x3DE00, s5  }
0xa: {  	s15 =	sor.u32 s6, s4;
	s30 =	sshrl.u32 s7, $0x1;
	s4 =	sadd.s32 $0x80DE00, s5  }
0xb: {  	s13 =	sadd.s32 s15, s5;
	s16 =	ssub.s32 s7, s30;
	s5 =	sadd.s32 s0, s15  }
0xc: {  	s6 =	sadd.s32 s1, s15;
	s8 =	sor.u32 $0x10, s15;
	s10 =	sor.u32 $0x20, s15  }
0xd: {  	v3 =	vlaneseq.u32;
	s12 =	sor.u32 $0x30, s15;
	s14 =	sadd.s32 s14, s15;
	s7 =	sadd.s32 s0, s8  }
0xe: {  	v0 =	vmul.u32 $0x201, v3;
	s8 =	sadd.s32 s1, s8;
	s9 =	sadd.s32 s0, s10;
	s10 =	sadd.s32 s1, s10  }
0xf: {  	v1 =	vimm.s32 $0xFFF83000;
	s11 =	sadd.s32 s0, s12;
	s12 =	sadd.s32 s1, s12;
	s13 =	sadd.s32 $0x3D600, s13  }
0x10: {  	v2 =	vimm.s32 $0x0;
	v3 =	vand.u32 $0x7, v3;
	v4 =	vadd.s32 $0x100, v0;
	s15 =	smax.u32 s16, $0x1;
	s16 =	simm.s32 $0x2;
	s1 =	simm.s32 $0xC800  }
.LBB2_1:
0x11: {  	[tilespmem:s2], [sflag:$0x2] =	stream.linear.gather [hbm4b:s5+s2], $0x80, $0x38;
	[tilespmem:$0x12C10] =	vst v63  }
0x12: {  	_ =	swait.ge [sflag:s16], $0x80  }
0x13: {  	[sflag:s16] =	ssyncset.done $0x0  }
0x14: {  	s0 =	simm.s32 $0x200;
	[sflag:s16] =	ssyncadd.s32 $0xFFFFFF80  }
0x15: {  	[tilespmem:s0], [sflag:$0x2] =	stream.linear.gather [hbm4b:s6+s2], $0x80, $0x38;
	[tilespmem:$0x12C10] =	vst v63  }
0x16: {  	_ =	swait.ge [sflag:s16], $0x80  }
0x17: {  	[sflag:s16] =	ssyncset.done $0x0  }
0x18: {  	[sflag:s16] =	ssyncadd.s32 $0xFFFFFF80  }
0x19: {  	[tilespmem:s18], [sflag:$0x2] =	stream.linear.gather [hbm4b:s7+s2], $0x80, $0x38;
	[tilespmem:$0x12C10] =	vst v63  }
0x1a: {  	_ =	swait.ge [sflag:s16], $0x80  }
0x1b: {  	[sflag:s16] =	ssyncset.done $0x0  }
0x1c: {  	s21 =	simm.s32 $0x280;
	[sflag:s16] =	ssyncadd.s32 $0xFFFFFF80  }
0x1d: {  	[tilespmem:s21], [sflag:$0x2] =	stream.linear.gather [hbm4b:s8+s2], $0x80, $0x38;
	[tilespmem:$0x12C10] =	vst v63  }
0x1e: {  	_ =	swait.ge [sflag:s16], $0x80  }
0x1f: {  	[sflag:s16] =	ssyncset.done $0x0  }
0x20: {  	s22 =	simm.s32 $0x100;
	[sflag:s16] =	ssyncadd.s32 $0xFFFFFF80  }
0x21: {  	[tilespmem:s22], [sflag:$0x2] =	stream.linear.gather [hbm4b:s9+s2], $0x80, $0x38;
	[tilespmem:$0x12C10] =	vst v63  }
0x22: {  	_ =	swait.ge [sflag:s16], $0x80  }
0x23: {  	[sflag:s16] =	ssyncset.done $0x0  }
0x24: {  	s23 =	simm.s32 $0x300;
	[sflag:s16] =	ssyncadd.s32 $0xFFFFFF80  }
0x25: {  	[tilespmem:s23], [sflag:$0x2] =	stream.linear.gather [hbm4b:s10+s2], $0x80, $0x38;
	[tilespmem:$0x12C10] =	vst v63  }
0x26: {  	_ =	swait.ge [sflag:s16], $0x80  }
0x27: {  	[sflag:s16] =	ssyncset.done $0x0  }
0x28: {  	s24 =	simm.s32 $0x180;
	[sflag:s16] =	ssyncadd.s32 $0xFFFFFF80  }
0x29: {  	[tilespmem:s24], [sflag:$0x2] =	stream.linear.gather [hbm4b:s11+s2], $0x80, $0x38;
	[tilespmem:$0x12C10] =	vst v63  }
0x2a: {  	_ =	swait.ge [sflag:s16], $0x80  }
0x2b: {  	[sflag:s16] =	ssyncset.done $0x0  }
0x2c: {  	s28 =	simm.s32 $0x380;
	[sflag:s16] =	ssyncadd.s32 $0xFFFFFF80  }
0x2d: {  	[tilespmem:s28], [sflag:$0x2] =	stream.linear.gather [hbm4b:s12+s2], $0x80, $0x38;
	[tilespmem:$0x12C10] =	vst v63  }
0x2e: {  	_ =	swait.ge [sflag:s16], $0x80  }
0x2f: {  	[sflag:s16] =	ssyncset.done $0x0  }
0x30: {  	s30 =	simm.s32 $0x12810;
	[sflag:s16] =	ssyncadd.s32 $0xFFFFFF80  }
0x31: {  	[tilespmem:s30], [sflag:$0x2] =	stream.linear.gather [hbm4b:s13+s2], $0x200, $0x38;
	[tilespmem:$0x12C10] =	vst v63  }
0x32: {  	_ =	swait.ge [sflag:s16], $0x200  }
0x33: {  	[sflag:s16] =	ssyncset.done $0x0  }
0x34: {  	s0 =	simm.s32 $0x0;
	[sflag:s16] =	ssyncadd.s32 $0xFFFFFE00  }
0x35: {  	v5 =	vld [tilespmem:s0+$0x200]  }
0x36: {  	v6 =	vld [tilespmem:s0+$0x0];
	_ =	sdelay $0x1  }
0x37: {  	s20 =	simm.s32 $0x40  }
.LBB2_2:
0x38: {  	p0 =	sne.s32 s20, $0x7C0  }
.Ltmp0:
0x39: {  	s21 =	sshra.s32 s20, $0x2;
	s20 =	sadd.s32 $0x40, s20;
	vm0 =	vlt.s32 v5, $0x7D000;
	v7 =	vmov v5;
	(pc) =	sbr.rel @p0 .LBB2_2-.Ltmp0, $4  }
0x3a: {  	v5 =	vld [tilespmem:s21+$0x200];
	vm1 =	vlt.s32 v6, $0x7D000;
	v8 =	vsel vm0, $0x0, v1;
	v9 =	vmov v6  }
0x3b: {  	v6 =	vld [tilespmem:s21+$0x0];
	v10 =	vsel vm1, $0x0, v1;
	v7 =	vadd.s32 v7, v8  }
0x3c: {  	v8 =	vadd.s32 v9, v10;
	[tilespmem:s0+$0x600] =	vst v7  }
0x3d: {  	[tilespmem:s0+$0x400] =	vst v8;
	s0 =	smov.u32 s21  }
0x3e: {  	_ = 	snop  }
0x3f: {  	vm0 =	vlt.s32 v5, $0x7D000  }
0x40: {  	vm1 =	vlt.s32 v6, $0x7D000;
	v7 =	vsel vm0, $0x0, v1  }
0x41: {  	v8 =	vsel vm1, $0x0, v1;
	v5 =	vadd.s32 v5, v7  }
0x42: {  	v6 =	vadd.s32 v6, v8;
	[tilespmem:s0+$0x600] =	vst v5  }
0x43: {  	s21 =	simm.s32 $0x400;
	[tilespmem:s0+$0x400] =	vst v6  }
0x44: {  	[tilespmem:s26], [sflag:$0x1] =	stream.indirect.gather [hbm4b:s3+s18], $0x80, s21, s18, $0xb8;
	[tilespmem:$0x12C10] =	vst v63  }
0x45: {  	s22 =	simm.s32 $0x600  }
0x46: {  	[tilespmem:s29], [sflag:$0x1] =	stream.indirect.gather [hbm4b:s4+s18], $0x80, s22, s18, $0xb8;
	[tilespmem:$0x12C10] =	vst v63  }
0x47: {  	s23 =	simm.s32 $0x480  }
0x48: {  	[tilespmem:s31], [sflag:$0x1] =	stream.indirect.gather [hbm4b:s3+s18], $0x80, s23, s18, $0xb8;
	[tilespmem:$0x12C10] =	vst v63  }
0x49: {  	s24 =	simm.s32 $0x680  }
0x4a: {  	[tilespmem:s1], [sflag:$0x1] =	stream.indirect.gather [hbm4b:s4+s18], $0x80, s24, s18, $0xb8;
	[tilespmem:$0x12C10] =	vst v63  }
0x4b: {  	_ =	swait.ge [sflag:s17], $0x4000  }
0x4c: {  	[sflag:s17] =	ssyncset.done $0x0  }
0x4d: {  	[sflag:s17] =	ssyncadd.s32 $0xFFFFC000  }
0x4e: {  	_ =	swait.ge [sflag:s17], $0x4000  }
0x4f: {  	[sflag:s17] =	ssyncset.done $0x0  }
0x50: {  	[sflag:s17] =	ssyncadd.s32 $0xFFFFC000  }
0x51: {  	_ =	swait.ge [sflag:s17], $0x4000  }
0x52: {  	[sflag:s17] =	ssyncset.done $0x0  }
0x53: {  	[sflag:s17] =	ssyncadd.s32 $0xFFFFC000  }
0x54: {  	_ =	swait.ge [sflag:s17], $0x4000  }
0x55: {  	s28 =	simm.s32 $0x0;
	s30 =	simm.s32 $0x200;
	[sflag:s17] =	ssyncset.done $0x0  }
0x56: {  	s20 =	simm.s32 $0x0;
	s0 =	simm.s32 $0xF;
	[sflag:s17] =	ssyncadd.s32 $0xFFFFC000  }
.LBB2_4:
0x57: {  	v5 =	vld [tilespmem:s28+$0x0];
	_ =	sdelay $0x1  }
0x58: {  	v6 =	vld [tilespmem:s30+$0x0];
	_ =	sdelay $0x2  }
0x59: {  	vm0 =	vgt.s32 v5, $0x7CFFF  }
0x5a: {  	s21 =	sshra.s32 s20, $0x2;
	v5 =	vsel vm0, $0x40, v2  }
0x5b: {  	vm15 =	vgt.s32 v6, $0x7CFFF;
	v5 =	vadd.s32 s21, v5  }
0x5c: {  	v6 =	vsel vm15, $0x40, v2;
	(v2sf) =	vpush v5, $0x1  }
0x5d: {  	v6 =	vadd.s32 s21, v6;
	(v2sf) =	vpush v5, $0x0  }
0x5e: {  	(v2sf) =	vpush v6, $0x1  }
0x5f: {  	(v2sf) =	vpush v6, $0x0;
	_ =	sdelay $0xb  }
0x60: {  	s21 =	spop (v2sf)  }
0x61: {  	s22 =	spop (v2sf)  }
0x62: {  	s23 =	spop (v2sf);
	v7 =	vld [tilespmem:s22+$0x800]  }
0x63: {  	v9 =	vld [tilespmem:s22+$0x810];
	s24 =	spop (v2sf)  }
0x64: {  	v8 =	vld [tilespmem:s24+$0x8800]  }
0x65: {  	v10 =	vld [tilespmem:s24+$0x8810]  }
0x66: {  	v11 =	vld [tilespmem:s22+$0x820]  }
0x67: {  	v12 =	vld [tilespmem:s24+$0x8820]  }
0x68: {  	v13 =	vld [tilespmem:s22+$0x830]  }
0x69: {  	v14 =	vld [tilespmem:s24+$0x8830]  }
0x6a: {  	v7 =	vmul.f32 v8, v7;
	v23 =	vmul.f32 v10, v9;
	_ =	sdelay $0x1  }
0x6b: {  	s24 =	sadd.s32 $0xFFFFFFF1, s0;
	v24 =	vmul.f32 v12, v11;
	v7 =	vadd.f32 v23, v7  }
0x6c: {  	v25 =	vor.u32 s24, v0  }
0x6d: {  	v26 =	vmul.f32 v14, v13;
	v7 =	vadd.f32 v24, v7;
	_ =	sdelay $0x1  }
0x6e: {  	v7 =	vadd.f32 v26, v7;
	_ =	sdelay $0x1  }
0x6f: {  	(v2sf) =	vpush v5, $0x3;
	[tilespmem:v25+s19+$0x0] =	vst.idx.msk $0xffff, v7  }
0x70: {  	(v2sf) =	vpush v5, $0x2;
	v7 =	vld [tilespmem:s21+$0x880]  }
0x71: {  	(v2sf) =	vpush v6, $0x3;
	v27 =	vld [tilespmem:s23+$0x8880]  }
0x72: {  	(v2sf) =	vpush v6, $0x2;
	v9 =	vld [tilespmem:s21+$0x890]  }
0x73: {  	v28 =	vld [tilespmem:s23+$0x8890]  }
0x74: {  	v29 =	vld [tilespmem:s21+$0x8A0]  }
0x75: {  	v30 =	vld [tilespmem:s23+$0x88A0]  }
0x76: {  	v31 =	vld [tilespmem:s21+$0x8B0]  }
0x77: {  	v32 =	vld [tilespmem:s23+$0x88B0]  }
0x78: {  	v7 =	vmul.f32 v27, v7;
	v33 =	vmul.f32 v28, v9;
	_ =	sdelay $0x1  }
0x79: {  	s23 =	sadd.s32 $0xFFFFFFF2, s0;
	v34 =	vmul.f32 v30, v29;
	v7 =	vadd.f32 v33, v7  }
0x7a: {  	v35 =	vadd.s32 s23, v0  }
0x7b: {  	v36 =	vmul.f32 v32, v31;
	v7 =	vadd.f32 v34, v7;
	_ =	sdelay $0x1  }
0x7c: {  	s21 =	spop (v2sf);
	v7 =	vadd.f32 v36, v7  }
0x7d: {  	s22 =	spop (v2sf)  }
0x7e: {  	s23 =	spop (v2sf);
	[tilespmem:v35+s19+$0x0] =	vst.idx.msk $0xffff, v7  }
0x7f: {  	s24 =	spop (v2sf);
	v7 =	vld [tilespmem:s22+$0x900]  }
0x80: {  	v37 =	vld [tilespmem:s24+$0x8900]  }
0x81: {  	v9 =	vld [tilespmem:s22+$0x910]  }
0x82: {  	v38 =	vld [tilespmem:s24+$0x8910]  }
0x83: {  	v39 =	vld [tilespmem:s22+$0x920]  }
0x84: {  	v40 =	vld [tilespmem:s24+$0x8920]  }
0x85: {  	v41 =	vld [tilespmem:s22+$0x930]  }
0x86: {  	v42 =	vld [tilespmem:s24+$0x8930]  }
0x87: {  	v7 =	vmul.f32 v37, v7;
	v43 =	vmul.f32 v38, v9;
	_ =	sdelay $0x1  }
0x88: {  	s24 =	sadd.s32 $0xFFFFFFF3, s0;
	v44 =	vmul.f32 v40, v39;
	v7 =	vadd.f32 v43, v7  }
0x89: {  	v45 =	vadd.s32 s24, v0  }
0x8a: {  	v46 =	vmul.f32 v42, v41;
	v7 =	vadd.f32 v44, v7;
	_ =	sdelay $0x1  }
0x8b: {  	v7 =	vadd.f32 v46, v7;
	_ =	sdelay $0x1  }
0x8c: {  	(v2sf) =	vpush v5, $0x5;
	[tilespmem:v45+s19+$0x0] =	vst.idx.msk $0xffff, v7  }
0x8d: {  	(v2sf) =	vpush v5, $0x4;
	v7 =	vld [tilespmem:s21+$0x980]  }
0x8e: {  	(v2sf) =	vpush v6, $0x5;
	v47 =	vld [tilespmem:s23+$0x8980]  }
0x8f: {  	(v2sf) =	vpush v6, $0x4;
	v9 =	vld [tilespmem:s21+$0x990]  }
0x90: {  	v48 =	vld [tilespmem:s23+$0x8990]  }
0x91: {  	v49 =	vld [tilespmem:s21+$0x9A0]  }
0x92: {  	v50 =	vld [tilespmem:s23+$0x89A0]  }
0x93: {  	v51 =	vld [tilespmem:s21+$0x9B0]  }
0x94: {  	v52 =	vld [tilespmem:s23+$0x89B0]  }
0x95: {  	v7 =	vmul.f32 v47, v7;
	v53 =	vmul.f32 v48, v9;
	_ =	sdelay $0x1  }
0x96: {  	s23 =	sadd.s32 $0xFFFFFFF4, s0;
	v54 =	vmul.f32 v50, v49;
	v7 =	vadd.f32 v53, v7  }
0x97: {  	v55 =	vadd.s32 s23, v0  }
0x98: {  	v56 =	vmul.f32 v52, v51;
	v7 =	vadd.f32 v54, v7;
	_ =	sdelay $0x1  }
0x99: {  	s21 =	spop (v2sf);
	v7 =	vadd.f32 v56, v7  }
0x9a: {  	s22 =	spop (v2sf)  }
0x9b: {  	s23 =	spop (v2sf);
	[tilespmem:v55+s19+$0x0] =	vst.idx.msk $0xffff, v7  }
0x9c: {  	s24 =	spop (v2sf);
	v7 =	vld [tilespmem:s22+$0xA00]  }
0x9d: {  	v57 =	vld [tilespmem:s24+$0x8A00]  }
0x9e: {  	v9 =	vld [tilespmem:s22+$0xA10]  }
0x9f: {  	v58 =	vld [tilespmem:s24+$0x8A10]  }
0xa0: {  	v59 =	vld [tilespmem:s22+$0xA20]  }
0xa1: {  	v60 =	vld [tilespmem:s24+$0x8A20]  }
0xa2: {  	v61 =	vld [tilespmem:s22+$0xA30]  }
0xa3: {  	v62 =	vld [tilespmem:s24+$0x8A30]  }
0xa4: {  	v7 =	vmul.f32 v57, v7;
	v63 =	vmul.f32 v58, v9;
	_ =	sdelay $0x1  }
0xa5: {  	s24 =	sadd.s32 $0xFFFFFFF5, s0;
	v15 =	vmul.f32 v60, v59;
	v7 =	vadd.f32 v63, v7  }
0xa6: {  	v16 =	vadd.s32 s24, v0  }
0xa7: {  	v17 =	vmul.f32 v62, v61;
	v7 =	vadd.f32 v15, v7;
	_ =	sdelay $0x1  }
0xa8: {  	v7 =	vadd.f32 v17, v7;
	_ =	sdelay $0x1  }
0xa9: {  	(v2sf) =	vpush v5, $0x7;
	[tilespmem:v16+s19+$0x0] =	vst.idx.msk $0xffff, v7  }
0xaa: {  	(v2sf) =	vpush v5, $0x6;
	v7 =	vld [tilespmem:s21+$0xA80]  }
0xab: {  	(v2sf) =	vpush v6, $0x7;
	v18 =	vld [tilespmem:s23+$0x8A80]  }
0xac: {  	(v2sf) =	vpush v6, $0x6;
	v9 =	vld [tilespmem:s21+$0xA90]  }
0xad: {  	v19 =	vld [tilespmem:s23+$0x8A90]  }
0xae: {  	v20 =	vld [tilespmem:s21+$0xAA0]  }
0xaf: {  	v21 =	vld [tilespmem:s23+$0x8AA0]  }
0xb0: {  	v22 =	vld [tilespmem:s21+$0xAB0]  }
0xb1: {  	v23 =	vld [tilespmem:s23+$0x8AB0]  }
0xb2: {  	v7 =	vmul.f32 v18, v7;
	v24 =	vmul.f32 v19, v9;
	_ =	sdelay $0x1  }
0xb3: {  	s23 =	sadd.s32 $0xFFFFFFF6, s0;
	v25 =	vmul.f32 v21, v20;
	v7 =	vadd.f32 v24, v7  }
0xb4: {  	v26 =	vadd.s32 s23, v0  }
0xb5: {  	v27 =	vmul.f32 v23, v22;
	v7 =	vadd.f32 v25, v7;
	_ =	sdelay $0x1  }
0xb6: {  	s21 =	spop (v2sf);
	v7 =	vadd.f32 v27, v7  }
0xb7: {  	s22 =	spop (v2sf)  }
0xb8: {  	s23 =	spop (v2sf);
	[tilespmem:v26+s19+$0x0] =	vst.idx.msk $0xffff, v7  }
0xb9: {  	s24 =	spop (v2sf);
	v7 =	vld [tilespmem:s22+$0xB00]  }
0xba: {  	v28 =	vld [tilespmem:s24+$0x8B00]  }
0xbb: {  	v9 =	vld [tilespmem:s22+$0xB10]  }
0xbc: {  	v29 =	vld [tilespmem:s24+$0x8B10]  }
0xbd: {  	v30 =	vld [tilespmem:s22+$0xB20]  }
0xbe: {  	v31 =	vld [tilespmem:s24+$0x8B20]  }
0xbf: {  	v32 =	vld [tilespmem:s22+$0xB30]  }
0xc0: {  	v33 =	vld [tilespmem:s24+$0x8B30]  }
0xc1: {  	v7 =	vmul.f32 v28, v7;
	v34 =	vmul.f32 v29, v9;
	_ =	sdelay $0x1  }
0xc2: {  	s24 =	sadd.s32 $0xFFFFFFF7, s0;
	v35 =	vmul.f32 v31, v30;
	v7 =	vadd.f32 v34, v7  }
0xc3: {  	v36 =	vadd.s32 s24, v0  }
0xc4: {  	v37 =	vmul.f32 v33, v32;
	v7 =	vadd.f32 v35, v7;
	_ =	sdelay $0x1  }
0xc5: {  	v7 =	vadd.f32 v37, v7;
	_ =	sdelay $0x1  }
0xc6: {  	(v2sf) =	vpush v5, $0x9;
	[tilespmem:v36+s19+$0x0] =	vst.idx.msk $0xffff, v7  }
0xc7: {  	(v2sf) =	vpush v5, $0x8;
	v7 =	vld [tilespmem:s21+$0xB80]  }
0xc8: {  	(v2sf) =	vpush v6, $0x9;
	v38 =	vld [tilespmem:s23+$0x8B80]  }
0xc9: {  	(v2sf) =	vpush v6, $0x8;
	v9 =	vld [tilespmem:s21+$0xB90]  }
0xca: {  	v39 =	vld [tilespmem:s23+$0x8B90]  }
0xcb: {  	v40 =	vld [tilespmem:s21+$0xBA0]  }
0xcc: {  	v41 =	vld [tilespmem:s23+$0x8BA0]  }
0xcd: {  	v42 =	vld [tilespmem:s21+$0xBB0]  }
0xce: {  	v43 =	vld [tilespmem:s23+$0x8BB0]  }
0xcf: {  	v7 =	vmul.f32 v38, v7;
	v44 =	vmul.f32 v39, v9;
	_ =	sdelay $0x1  }
0xd0: {  	s23 =	sadd.s32 $0xFFFFFFF8, s0;
	v45 =	vmul.f32 v41, v40;
	v7 =	vadd.f32 v44, v7  }
0xd1: {  	v46 =	vadd.s32 s23, v0  }
0xd2: {  	v47 =	vmul.f32 v43, v42;
	v7 =	vadd.f32 v45, v7;
	_ =	sdelay $0x1  }
0xd3: {  	s21 =	spop (v2sf);
	v7 =	vadd.f32 v47, v7  }
0xd4: {  	s22 =	spop (v2sf)  }
0xd5: {  	s23 =	spop (v2sf);
	[tilespmem:v46+s19+$0x0] =	vst.idx.msk $0xffff, v7  }
0xd6: {  	s24 =	spop (v2sf);
	v7 =	vld [tilespmem:s22+$0xC00]  }
0xd7: {  	v48 =	vld [tilespmem:s24+$0x8C00]  }
0xd8: {  	v9 =	vld [tilespmem:s22+$0xC10]  }
0xd9: {  	v49 =	vld [tilespmem:s24+$0x8C10]  }
0xda: {  	v50 =	vld [tilespmem:s22+$0xC20]  }
0xdb: {  	v51 =	vld [tilespmem:s24+$0x8C20]  }
0xdc: {  	v52 =	vld [tilespmem:s22+$0xC30]  }
0xdd: {  	v53 =	vld [tilespmem:s24+$0x8C30]  }
0xde: {  	s24 =	sadd.s32 $0xFFFFFFF9, s0;
	v7 =	vmul.f32 v48, v7;
	v54 =	vmul.f32 v49, v9  }
0xdf: {  	v55 =	vadd.s32 s24, v0  }
0xe0: {  	v56 =	vmul.f32 v51, v50;
	v9 =	vand.u32 $0x1FF8, v55;
	v7 =	vadd.f32 v54, v7  }
0xe1: {  	v9 =	vor.u32 v3, v9  }
0xe2: {  	v57 =	vmul.f32 v53, v52;
	v7 =	vadd.f32 v56, v7;
	_ =	sdelay $0x1  }
0xe3: {  	v7 =	vadd.f32 v57, v7;
	_ =	sdelay $0x1  }
0xe4: {  	(v2sf) =	vpush v5, $0xB;
	[tilespmem:v9+s19+$0x0] =	vst.idx.msk $0xffff, v7  }
0xe5: {  	(v2sf) =	vpush v5, $0xA;
	v7 =	vld [tilespmem:s21+$0xC80]  }
0xe6: {  	(v2sf) =	vpush v6, $0xB;
	v58 =	vld [tilespmem:s23+$0x8C80]  }
0xe7: {  	(v2sf) =	vpush v6, $0xA;
	v9 =	vld [tilespmem:s21+$0xC90]  }
0xe8: {  	v59 =	vld [tilespmem:s23+$0x8C90]  }
0xe9: {  	v60 =	vld [tilespmem:s21+$0xCA0]  }
0xea: {  	v61 =	vld [tilespmem:s23+$0x8CA0]  }
0xeb: {  	v62 =	vld [tilespmem:s21+$0xCB0]  }
0xec: {  	v63 =	vld [tilespmem:s23+$0x8CB0]  }
0xed: {  	v7 =	vmul.f32 v58, v7;
	v16 =	vmul.f32 v59, v9;
	_ =	sdelay $0x1  }
0xee: {  	s23 =	sadd.s32 $0xFFFFFFFA, s0;
	v17 =	vmul.f32 v61, v60;
	v7 =	vadd.f32 v16, v7  }
0xef: {  	v18 =	vadd.s32 s23, v0  }
0xf0: {  	v19 =	vmul.f32 v63, v62;
	v7 =	vadd.f32 v17, v7;
	_ =	sdelay $0x1  }
0xf1: {  	s21 =	spop (v2sf);
	v7 =	vadd.f32 v19, v7  }
0xf2: {  	s22 =	spop (v2sf)  }
0xf3: {  	s23 =	spop (v2sf);
	[tilespmem:v18+s19+$0x0] =	vst.idx.msk $0xffff, v7  }
0xf4: {  	s24 =	spop (v2sf);
	v7 =	vld [tilespmem:s22+$0xD00]  }
0xf5: {  	v20 =	vld [tilespmem:s24+$0x8D00]  }
0xf6: {  	v9 =	vld [tilespmem:s22+$0xD10]  }
0xf7: {  	v21 =	vld [tilespmem:s24+$0x8D10]  }
0xf8: {  	v22 =	vld [tilespmem:s22+$0xD20]  }
0xf9: {  	v23 =	vld [tilespmem:s24+$0x8D20]  }
0xfa: {  	v24 =	vld [tilespmem:s22+$0xD30]  }
0xfb: {  	v25 =	vld [tilespmem:s24+$0x8D30]  }
0xfc: {  	v7 =	vmul.f32 v20, v7;
	v26 =	vmul.f32 v21, v9;
	_ =	sdelay $0x1  }
0xfd: {  	s24 =	sadd.s32 $0xFFFFFFFB, s0;
	v27 =	vmul.f32 v23, v22;
	v7 =	vadd.f32 v26, v7  }
0xfe: {  	v28 =	vadd.s32 s24, v0  }
0xff: {  	v29 =	vmul.f32 v25, v24;
	v7 =	vadd.f32 v27, v7;
	_ =	sdelay $0x1  }
0x100: {  	v7 =	vadd.f32 v29, v7;
	_ =	sdelay $0x1  }
0x101: {  	(v2sf) =	vpush v5, $0xD;
	[tilespmem:v28+s19+$0x0] =	vst.idx.msk $0xffff, v7  }
0x102: {  	(v2sf) =	vpush v5, $0xC;
	v7 =	vld [tilespmem:s21+$0xD80]  }
0x103: {  	(v2sf) =	vpush v6, $0xD;
	v30 =	vld [tilespmem:s23+$0x8D80]  }
0x104: {  	(v2sf) =	vpush v6, $0xC;
	v9 =	vld [tilespmem:s21+$0xD90]  }
0x105: {  	v31 =	vld [tilespmem:s23+$0x8D90]  }
0x106: {  	v32 =	vld [tilespmem:s21+$0xDA0]  }
0x107: {  	v33 =	vld [tilespmem:s23+$0x8DA0]  }
0x108: {  	v34 =	vld [tilespmem:s21+$0xDB0]  }
0x109: {  	v35 =	vld [tilespmem:s23+$0x8DB0]  }
0x10a: {  	v7 =	vmul.f32 v30, v7;
	v36 =	vmul.f32 v31, v9;
	_ =	sdelay $0x1  }
0x10b: {  	s23 =	sadd.s32 $0xFFFFFFFC, s0;
	v37 =	vmul.f32 v33, v32;
	v7 =	vadd.f32 v36, v7  }
0x10c: {  	v38 =	vadd.s32 s23, v0  }
0x10d: {  	v39 =	vmul.f32 v35, v34;
	v7 =	vadd.f32 v37, v7;
	_ =	sdelay $0x1  }
0x10e: {  	s21 =	spop (v2sf);
	v7 =	vadd.f32 v39, v7  }
0x10f: {  	s22 =	spop (v2sf)  }
0x110: {  	s23 =	spop (v2sf);
	[tilespmem:v38+s19+$0x0] =	vst.idx.msk $0xffff, v7  }
0x111: {  	s24 =	spop (v2sf);
	v7 =	vld [tilespmem:s22+$0xE00]  }
0x112: {  	v40 =	vld [tilespmem:s24+$0x8E00]  }
0x113: {  	v9 =	vld [tilespmem:s22+$0xE10]  }
0x114: {  	v41 =	vld [tilespmem:s24+$0x8E10]  }
0x115: {  	v42 =	vld [tilespmem:s22+$0xE20]  }
0x116: {  	v43 =	vld [tilespmem:s24+$0x8E20]  }
0x117: {  	v44 =	vld [tilespmem:s22+$0xE30]  }
0x118: {  	v45 =	vld [tilespmem:s24+$0x8E30]  }
0x119: {  	v7 =	vmul.f32 v40, v7;
	v46 =	vmul.f32 v41, v9;
	_ =	sdelay $0x1  }
0x11a: {  	s24 =	sadd.s32 $0xFFFFFFFD, s0;
	v47 =	vmul.f32 v43, v42;
	v7 =	vadd.f32 v46, v7  }
0x11b: {  	v48 =	vadd.s32 s24, v0  }
0x11c: {  	v49 =	vmul.f32 v45, v44;
	v7 =	vadd.f32 v47, v7;
	_ =	sdelay $0x1  }
0x11d: {  	v7 =	vadd.f32 v49, v7;
	_ =	sdelay $0x1  }
0x11e: {  	(v2sf) =	vpush v5, $0xF;
	[tilespmem:v48+s19+$0x0] =	vst.idx.msk $0xffff, v7  }
0x11f: {  	(v2sf) =	vpush v5, $0xE;
	v7 =	vld [tilespmem:s21+$0xE80]  }
0x120: {  	(v2sf) =	vpush v6, $0xF;
	v5 =	vld [tilespmem:s23+$0x8E80]  }
0x121: {  	(v2sf) =	vpush v6, $0xE;
	v50 =	vld [tilespmem:s21+$0xE90]  }
0x122: {  	v6 =	vld [tilespmem:s23+$0x8E90]  }
0x123: {  	v9 =	vld [tilespmem:s21+$0xEA0]  }
0x124: {  	v51 =	vld [tilespmem:s23+$0x8EA0]  }
0x125: {  	v52 =	vld [tilespmem:s21+$0xEB0]  }
0x126: {  	v53 =	vld [tilespmem:s23+$0x8EB0]  }
0x127: {  	v5 =	vmul.f32 v5, v7;
	v6 =	vmul.f32 v6, v50;
	_ =	sdelay $0x1  }
0x128: {  	s23 =	sadd.s32 $0xFFFFFFFE, s0;
	v5 =	vadd.f32 v6, v5;
	v6 =	vmul.f32 v51, v9  }
0x129: {  	v7 =	vadd.s32 s23, v0  }
0x12a: {  	v5 =	vadd.f32 v6, v5;
	v6 =	vmul.f32 v53, v52;
	_ =	sdelay $0x1  }
0x12b: {  	s21 =	spop (v2sf);
	v5 =	vadd.f32 v6, v5  }
0x12c: {  	s22 =	spop (v2sf)  }
0x12d: {  	s23 =	spop (v2sf);
	[tilespmem:v7+s19+$0x0] =	vst.idx.msk $0xffff, v5  }
0x12e: {  	s24 =	spop (v2sf);
	v5 =	vld [tilespmem:s22+$0xF00]  }
0x12f: {  	v6 =	vld [tilespmem:s24+$0x8F00]  }
0x130: {  	v7 =	vld [tilespmem:s22+$0xF10]  }
0x131: {  	v54 =	vld [tilespmem:s24+$0x8F10]  }
0x132: {  	v55 =	vld [tilespmem:s22+$0xF20]  }
0x133: {  	v56 =	vld [tilespmem:s24+$0x8F20]  }
0x134: {  	v57 =	vld [tilespmem:s22+$0xF30]  }
0x135: {  	v58 =	vld [tilespmem:s24+$0x8F30]  }
0x136: {  	v5 =	vmul.f32 v6, v5;
	v6 =	vmul.f32 v54, v7;
	_ =	sdelay $0x1  }
0x137: {  	s24 =	sadd.s32 $0xFFFFFFFF, s0;
	v5 =	vadd.f32 v6, v5;
	v6 =	vmul.f32 v56, v55  }
0x138: {  	v7 =	vadd.s32 s24, v0  }
0x139: {  	v5 =	vadd.f32 v6, v5;
	v6 =	vmul.f32 v58, v57;
	_ =	sdelay $0x1  }
0x13a: {  	v5 =	vadd.f32 v6, v5;
	_ =	sdelay $0x1  }
0x13b: {  	[tilespmem:v7+s19+$0x0] =	vst.idx.msk $0xffff, v5  }
0x13c: {  	v5 =	vld [tilespmem:s21+$0xF80]  }
0x13d: {  	v6 =	vld [tilespmem:s23+$0x8F80]  }
0x13e: {  	v7 =	vld [tilespmem:s21+$0xF90]  }
0x13f: {  	v59 =	vld [tilespmem:s23+$0x8F90]  }
0x140: {  	v60 =	vld [tilespmem:s21+$0xFA0]  }
0x141: {  	v61 =	vld [tilespmem:s23+$0x8FA0]  }
0x142: {  	v62 =	vld [tilespmem:s21+$0xFB0]  }
0x143: {  	v63 =	vld [tilespmem:s23+$0x8FB0]  }
0x144: {  	v5 =	vmul.f32 v6, v5;
	v6 =	vmul.f32 v59, v7;
	_ =	sdelay $0x1  }
0x145: {  	v5 =	vadd.f32 v6, v5;
	v6 =	vmul.f32 v61, v60  }
0x146: {  	p0 =	sne.s32 s20, $0x1E000;
	v7 =	vadd.s32 s0, v0  }
.Ltmp1:
0x147: {  	v5 =	vadd.f32 v6, v5;
	v6 =	vmul.f32 v63, v62;
	(pc) =	sbr.rel @p0 .LBB2_4-.Ltmp1, $4  }
0x148: {  	_ = 	snop  }
0x149: {  	v5 =	vadd.f32 v6, v5  }
0x14a: {  	s28 =	sadd.s32 $0x10, s28  }
0x14b: {  	s30 =	sadd.s32 $0x10, s30;
	s20 =	sadd.s32 $0x2000, s20;
	s0 =	sadd.s32 $0x10, s0;
	[tilespmem:v7+s19+$0x0] =	vst.idx.msk $0xffff, v5  }
0x14c: {  	s0 =	simm.s32 $0x500  }
0x14d: {  	[tilespmem:s26], [sflag:$0x1] =	stream.indirect.gather [hbm4b:s3+s18], $0x80, s0, s18, $0xb8;
	[tilespmem:$0x12C10] =	vst v63  }
0x14e: {  	s22 =	simm.s32 $0x700  }
0x14f: {  	[tilespmem:s29], [sflag:$0x1] =	stream.indirect.gather [hbm4b:s4+s18], $0x80, s22, s18, $0xb8;
	[tilespmem:$0x12C10] =	vst v63  }
0x150: {  	s23 =	simm.s32 $0x580  }
0x151: {  	[tilespmem:s31], [sflag:$0x1] =	stream.indirect.gather [hbm4b:s3+s18], $0x80, s23, s18, $0xb8;
	[tilespmem:$0x12C10] =	vst v63  }
0x152: {  	s24 =	simm.s32 $0x780  }
0x153: {  	[tilespmem:s1], [sflag:$0x1] =	stream.indirect.gather [hbm4b:s4+s18], $0x80, s24, s18, $0xb8;
	[tilespmem:$0x12C10] =	vst v63  }
0x154: {  	_ =	swait.ge [sflag:s17], $0x4000  }
0x155: {  	[sflag:s17] =	ssyncset.done $0x0  }
0x156: {  	[sflag:s17] =	ssyncadd.s32 $0xFFFFC000  }
0x157: {  	_ =	swait.ge [sflag:s17], $0x4000  }
0x158: {  	[sflag:s17] =	ssyncset.done $0x0  }
0x159: {  	[sflag:s17] =	ssyncadd.s32 $0xFFFFC000  }
0x15a: {  	_ =	swait.ge [sflag:s17], $0x4000  }
0x15b: {  	[sflag:s17] =	ssyncset.done $0x0  }
0x15c: {  	[sflag:s17] =	ssyncadd.s32 $0xFFFFC000  }
0x15d: {  	_ =	swait.ge [sflag:s17], $0x4000  }
0x15e: {  	s28 =	simm.s32 $0x0;
	s30 =	simm.s32 $0x300;
	[sflag:s17] =	ssyncset.done $0x0  }
0x15f: {  	s20 =	simm.s32 $0xF;
	s0 =	simm.s32 $0x100;
	[sflag:s17] =	ssyncadd.s32 $0xFFFFC000  }
.LBB2_6:
0x160: {  	v5 =	vld [tilespmem:s0+$0x0];
	_ =	sdelay $0x1  }
0x161: {  	v6 =	vld [tilespmem:s30+$0x0];
	_ =	sdelay $0x2  }
0x162: {  	vm0 =	vgt.s32 v5, $0x7CFFF  }
0x163: {  	s21 =	sshra.s32 s28, $0x2;
	v5 =	vsel vm0, $0x40, v2  }
0x164: {  	vm15 =	vgt.s32 v6, $0x7CFFF;
	v5 =	vadd.s32 s21, v5  }
0x165: {  	v6 =	vsel vm15, $0x40, v2;
	(v2sf) =	vpush v5, $0x1  }
0x166: {  	v6 =	vadd.s32 s21, v6;
	(v2sf) =	vpush v5, $0x0  }
0x167: {  	(v2sf) =	vpush v6, $0x1  }
0x168: {  	(v2sf) =	vpush v6, $0x0;
	_ =	sdelay $0xb  }
0x169: {  	s21 =	spop (v2sf)  }
0x16a: {  	s22 =	spop (v2sf)  }
0x16b: {  	s23 =	spop (v2sf);
	v7 =	vld [tilespmem:s22+$0x800]  }
0x16c: {  	v9 =	vld [tilespmem:s22+$0x810];
	s24 =	spop (v2sf)  }
0x16d: {  	v8 =	vld [tilespmem:s24+$0x8800]  }
0x16e: {  	v10 =	vld [tilespmem:s24+$0x8810]  }
0x16f: {  	v11 =	vld [tilespmem:s22+$0x820]  }
0x170: {  	v12 =	vld [tilespmem:s24+$0x8820]  }
0x171: {  	v13 =	vld [tilespmem:s22+$0x830]  }
0x172: {  	v14 =	vld [tilespmem:s24+$0x8830]  }
0x173: {  	v7 =	vmul.f32 v8, v7;
	v23 =	vmul.f32 v10, v9;
	_ =	sdelay $0x1  }
0x174: {  	s24 =	sadd.s32 $0xFFFFFFF1, s20;
	v24 =	vmul.f32 v12, v11;
	v7 =	vadd.f32 v23, v7  }
0x175: {  	v25 =	vor.u32 s24, v4  }
0x176: {  	v26 =	vmul.f32 v14, v13;
	v7 =	vadd.f32 v24, v7;
	_ =	sdelay $0x1  }
0x177: {  	v7 =	vadd.f32 v26, v7;
	_ =	sdelay $0x1  }
0x178: {  	(v2sf) =	vpush v5, $0x3;
	[tilespmem:v25+s19+$0x0] =	vst.idx.msk $0xffff, v7  }
0x179: {  	(v2sf) =	vpush v5, $0x2;
	v7 =	vld [tilespmem:s21+$0x880]  }
0x17a: {  	(v2sf) =	vpush v6, $0x3;
	v27 =	vld [tilespmem:s23+$0x8880]  }
0x17b: {  	(v2sf) =	vpush v6, $0x2;
	v9 =	vld [tilespmem:s21+$0x890]  }
0x17c: {  	v28 =	vld [tilespmem:s23+$0x8890]  }
0x17d: {  	v29 =	vld [tilespmem:s21+$0x8A0]  }
0x17e: {  	v30 =	vld [tilespmem:s23+$0x88A0]  }
0x17f: {  	v31 =	vld [tilespmem:s21+$0x8B0]  }
0x180: {  	v32 =	vld [tilespmem:s23+$0x88B0]  }
0x181: {  	v7 =	vmul.f32 v27, v7;
	v33 =	vmul.f32 v28, v9;
	_ =	sdelay $0x1  }
0x182: {  	s23 =	sadd.s32 $0xFFFFFFF2, s20;
	v34 =	vmul.f32 v30, v29;
	v7 =	vadd.f32 v33, v7  }
0x183: {  	v35 =	vadd.s32 s23, v4  }
0x184: {  	v36 =	vmul.f32 v32, v31;
	v7 =	vadd.f32 v34, v7;
	_ =	sdelay $0x1  }
0x185: {  	s21 =	spop (v2sf);
	v7 =	vadd.f32 v36, v7  }
0x186: {  	s22 =	spop (v2sf)  }
0x187: {  	s23 =	spop (v2sf);
	[tilespmem:v35+s19+$0x0] =	vst.idx.msk $0xffff, v7  }
0x188: {  	s24 =	spop (v2sf);
	v7 =	vld [tilespmem:s22+$0x900]  }
0x189: {  	v37 =	vld [tilespmem:s24+$0x8900]  }
0x18a: {  	v9 =	vld [tilespmem:s22+$0x910]  }
0x18b: {  	v38 =	vld [tilespmem:s24+$0x8910]  }
0x18c: {  	v39 =	vld [tilespmem:s22+$0x920]  }
0x18d: {  	v40 =	vld [tilespmem:s24+$0x8920]  }
0x18e: {  	v41 =	vld [tilespmem:s22+$0x930]  }
0x18f: {  	v42 =	vld [tilespmem:s24+$0x8930]  }
0x190: {  	v7 =	vmul.f32 v37, v7;
	v43 =	vmul.f32 v38, v9;
	_ =	sdelay $0x1  }
0x191: {  	s24 =	sadd.s32 $0xFFFFFFF3, s20;
	v44 =	vmul.f32 v40, v39;
	v7 =	vadd.f32 v43, v7  }
0x192: {  	v45 =	vadd.s32 s24, v4  }
0x193: {  	v46 =	vmul.f32 v42, v41;
	v7 =	vadd.f32 v44, v7;
	_ =	sdelay $0x1  }
0x194: {  	v7 =	vadd.f32 v46, v7;
	_ =	sdelay $0x1  }
0x195: {  	(v2sf) =	vpush v5, $0x5;
	[tilespmem:v45+s19+$0x0] =	vst.idx.msk $0xffff, v7  }
0x196: {  	(v2sf) =	vpush v5, $0x4;
	v7 =	vld [tilespmem:s21+$0x980]  }
0x197: {  	(v2sf) =	vpush v6, $0x5;
	v47 =	vld [tilespmem:s23+$0x8980]  }
0x198: {  	(v2sf) =	vpush v6, $0x4;
	v9 =	vld [tilespmem:s21+$0x990]  }
0x199: {  	v48 =	vld [tilespmem:s23+$0x8990]  }
0x19a: {  	v49 =	vld [tilespmem:s21+$0x9A0]  }
0x19b: {  	v50 =	vld [tilespmem:s23+$0x89A0]  }
0x19c: {  	v51 =	vld [tilespmem:s21+$0x9B0]  }
0x19d: {  	v52 =	vld [tilespmem:s23+$0x89B0]  }
0x19e: {  	v7 =	vmul.f32 v47, v7;
	v53 =	vmul.f32 v48, v9;
	_ =	sdelay $0x1  }
0x19f: {  	s23 =	sadd.s32 $0xFFFFFFF4, s20;
	v54 =	vmul.f32 v50, v49;
	v7 =	vadd.f32 v53, v7  }
0x1a0: {  	v55 =	vadd.s32 s23, v4  }
0x1a1: {  	v56 =	vmul.f32 v52, v51;
	v7 =	vadd.f32 v54, v7;
	_ =	sdelay $0x1  }
0x1a2: {  	s21 =	spop (v2sf);
	v7 =	vadd.f32 v56, v7  }
0x1a3: {  	s22 =	spop (v2sf)  }
0x1a4: {  	s23 =	spop (v2sf);
	[tilespmem:v55+s19+$0x0] =	vst.idx.msk $0xffff, v7  }
0x1a5: {  	s24 =	spop (v2sf);
	v7 =	vld [tilespmem:s22+$0xA00]  }
0x1a6: {  	v57 =	vld [tilespmem:s24+$0x8A00]  }
0x1a7: {  	v9 =	vld [tilespmem:s22+$0xA10]  }
0x1a8: {  	v58 =	vld [tilespmem:s24+$0x8A10]  }
0x1a9: {  	v59 =	vld [tilespmem:s22+$0xA20]  }
0x1aa: {  	v60 =	vld [tilespmem:s24+$0x8A20]  }
0x1ab: {  	v61 =	vld [tilespmem:s22+$0xA30]  }
0x1ac: {  	v62 =	vld [tilespmem:s24+$0x8A30]  }
0x1ad: {  	v7 =	vmul.f32 v57, v7;
	v63 =	vmul.f32 v58, v9;
	_ =	sdelay $0x1  }
0x1ae: {  	s24 =	sadd.s32 $0xFFFFFFF5, s20;
	v15 =	vmul.f32 v60, v59;
	v7 =	vadd.f32 v63, v7  }
0x1af: {  	v16 =	vadd.s32 s24, v4  }
0x1b0: {  	v17 =	vmul.f32 v62, v61;
	v7 =	vadd.f32 v15, v7;
	_ =	sdelay $0x1  }
0x1b1: {  	v7 =	vadd.f32 v17, v7;
	_ =	sdelay $0x1  }
0x1b2: {  	(v2sf) =	vpush v5, $0x7;
	[tilespmem:v16+s19+$0x0] =	vst.idx.msk $0xffff, v7  }
0x1b3: {  	(v2sf) =	vpush v5, $0x6;
	v7 =	vld [tilespmem:s21+$0xA80]  }
0x1b4: {  	(v2sf) =	vpush v6, $0x7;
	v18 =	vld [tilespmem:s23+$0x8A80]  }
0x1b5: {  	(v2sf) =	vpush v6, $0x6;
	v9 =	vld [tilespmem:s21+$0xA90]  }
0x1b6: {  	v19 =	vld [tilespmem:s23+$0x8A90]  }
0x1b7: {  	v20 =	vld [tilespmem:s21+$0xAA0]  }
0x1b8: {  	v21 =	vld [tilespmem:s23+$0x8AA0]  }
0x1b9: {  	v22 =	vld [tilespmem:s21+$0xAB0]  }
0x1ba: {  	v23 =	vld [tilespmem:s23+$0x8AB0]  }
0x1bb: {  	v7 =	vmul.f32 v18, v7;
	v24 =	vmul.f32 v19, v9;
	_ =	sdelay $0x1  }
0x1bc: {  	s23 =	sadd.s32 $0xFFFFFFF6, s20;
	v25 =	vmul.f32 v21, v20;
	v7 =	vadd.f32 v24, v7  }
0x1bd: {  	v26 =	vadd.s32 s23, v4  }
0x1be: {  	v27 =	vmul.f32 v23, v22;
	v7 =	vadd.f32 v25, v7;
	_ =	sdelay $0x1  }
0x1bf: {  	s21 =	spop (v2sf);
	v7 =	vadd.f32 v27, v7  }
0x1c0: {  	s22 =	spop (v2sf)  }
0x1c1: {  	s23 =	spop (v2sf);
	[tilespmem:v26+s19+$0x0] =	vst.idx.msk $0xffff, v7  }
0x1c2: {  	s24 =	spop (v2sf);
	v7 =	vld [tilespmem:s22+$0xB00]  }
0x1c3: {  	v28 =	vld [tilespmem:s24+$0x8B00]  }
0x1c4: {  	v9 =	vld [tilespmem:s22+$0xB10]  }
0x1c5: {  	v29 =	vld [tilespmem:s24+$0x8B10]  }
0x1c6: {  	v30 =	vld [tilespmem:s22+$0xB20]  }
0x1c7: {  	v31 =	vld [tilespmem:s24+$0x8B20]  }
0x1c8: {  	v32 =	vld [tilespmem:s22+$0xB30]  }
0x1c9: {  	v33 =	vld [tilespmem:s24+$0x8B30]  }
0x1ca: {  	v7 =	vmul.f32 v28, v7;
	v34 =	vmul.f32 v29, v9;
	_ =	sdelay $0x1  }
0x1cb: {  	s24 =	sadd.s32 $0xFFFFFFF7, s20;
	v35 =	vmul.f32 v31, v30;
	v7 =	vadd.f32 v34, v7  }
0x1cc: {  	v36 =	vadd.s32 s24, v4  }
0x1cd: {  	v37 =	vmul.f32 v33, v32;
	v7 =	vadd.f32 v35, v7;
	_ =	sdelay $0x1  }
0x1ce: {  	v7 =	vadd.f32 v37, v7;
	_ =	sdelay $0x1  }
0x1cf: {  	(v2sf) =	vpush v5, $0x9;
	[tilespmem:v36+s19+$0x0] =	vst.idx.msk $0xffff, v7  }
0x1d0: {  	(v2sf) =	vpush v5, $0x8;
	v7 =	vld [tilespmem:s21+$0xB80]  }
0x1d1: {  	(v2sf) =	vpush v6, $0x9;
	v38 =	vld [tilespmem:s23+$0x8B80]  }
0x1d2: {  	(v2sf) =	vpush v6, $0x8;
	v9 =	vld [tilespmem:s21+$0xB90]  }
0x1d3: {  	v39 =	vld [tilespmem:s23+$0x8B90]  }
0x1d4: {  	v40 =	vld [tilespmem:s21+$0xBA0]  }
0x1d5: {  	v41 =	vld [tilespmem:s23+$0x8BA0]  }
0x1d6: {  	v42 =	vld [tilespmem:s21+$0xBB0]  }
0x1d7: {  	v43 =	vld [tilespmem:s23+$0x8BB0]  }
0x1d8: {  	v7 =	vmul.f32 v38, v7;
	v44 =	vmul.f32 v39, v9;
	_ =	sdelay $0x1  }
0x1d9: {  	s23 =	sadd.s32 $0xFFFFFFF8, s20;
	v45 =	vmul.f32 v41, v40;
	v7 =	vadd.f32 v44, v7  }
0x1da: {  	v46 =	vadd.s32 s23, v4  }
0x1db: {  	v47 =	vmul.f32 v43, v42;
	v7 =	vadd.f32 v45, v7;
	_ =	sdelay $0x1  }
0x1dc: {  	s21 =	spop (v2sf);
	v7 =	vadd.f32 v47, v7  }
0x1dd: {  	s22 =	spop (v2sf)  }
0x1de: {  	s23 =	spop (v2sf);
	[tilespmem:v46+s19+$0x0] =	vst.idx.msk $0xffff, v7  }
0x1df: {  	s24 =	spop (v2sf);
	v7 =	vld [tilespmem:s22+$0xC00]  }
0x1e0: {  	v48 =	vld [tilespmem:s24+$0x8C00]  }
0x1e1: {  	v9 =	vld [tilespmem:s22+$0xC10]  }
0x1e2: {  	v49 =	vld [tilespmem:s24+$0x8C10]  }
0x1e3: {  	v50 =	vld [tilespmem:s22+$0xC20]  }
0x1e4: {  	v51 =	vld [tilespmem:s24+$0x8C20]  }
0x1e5: {  	v52 =	vld [tilespmem:s22+$0xC30]  }
0x1e6: {  	v53 =	vld [tilespmem:s24+$0x8C30]  }
0x1e7: {  	s24 =	sadd.s32 $0xFFFFFFF9, s20;
	v7 =	vmul.f32 v48, v7;
	v54 =	vmul.f32 v49, v9  }
0x1e8: {  	v55 =	vadd.s32 s24, v4  }
0x1e9: {  	v56 =	vmul.f32 v51, v50;
	v9 =	vand.u32 $0x3FF8, v55;
	v7 =	vadd.f32 v54, v7  }
0x1ea: {  	v9 =	vor.u32 v3, v9  }
0x1eb: {  	v57 =	vmul.f32 v53, v52;
	v7 =	vadd.f32 v56, v7;
	_ =	sdelay $0x1  }
0x1ec: {  	v7 =	vadd.f32 v57, v7;
	_ =	sdelay $0x1  }
0x1ed: {  	(v2sf) =	vpush v5, $0xB;
	[tilespmem:v9+s19+$0x0] =	vst.idx.msk $0xffff, v7  }
0x1ee: {  	(v2sf) =	vpush v5, $0xA;
	v7 =	vld [tilespmem:s21+$0xC80]  }
0x1ef: {  	(v2sf) =	vpush v6, $0xB;
	v58 =	vld [tilespmem:s23+$0x8C80]  }
0x1f0: {  	(v2sf) =	vpush v6, $0xA;
	v9 =	vld [tilespmem:s21+$0xC90]  }
0x1f1: {  	v59 =	vld [tilespmem:s23+$0x8C90]  }
0x1f2: {  	v60 =	vld [tilespmem:s21+$0xCA0]  }
0x1f3: {  	v61 =	vld [tilespmem:s23+$0x8CA0]  }
0x1f4: {  	v62 =	vld [tilespmem:s21+$0xCB0]  }
0x1f5: {  	v63 =	vld [tilespmem:s23+$0x8CB0]  }
0x1f6: {  	v7 =	vmul.f32 v58, v7;
	v16 =	vmul.f32 v59, v9;
	_ =	sdelay $0x1  }
0x1f7: {  	s23 =	sadd.s32 $0xFFFFFFFA, s20;
	v17 =	vmul.f32 v61, v60;
	v7 =	vadd.f32 v16, v7  }
0x1f8: {  	v18 =	vadd.s32 s23, v4  }
0x1f9: {  	v19 =	vmul.f32 v63, v62;
	v7 =	vadd.f32 v17, v7;
	_ =	sdelay $0x1  }
0x1fa: {  	s21 =	spop (v2sf);
	v7 =	vadd.f32 v19, v7  }
0x1fb: {  	s22 =	spop (v2sf)  }
0x1fc: {  	s23 =	spop (v2sf);
	[tilespmem:v18+s19+$0x0] =	vst.idx.msk $0xffff, v7  }
0x1fd: {  	s24 =	spop (v2sf);
	v7 =	vld [tilespmem:s22+$0xD00]  }
0x1fe: {  	v20 =	vld [tilespmem:s24+$0x8D00]  }
0x1ff: {  	v9 =	vld [tilespmem:s22+$0xD10]  }
0x200: {  	v21 =	vld [tilespmem:s24+$0x8D10]  }
0x201: {  	v22 =	vld [tilespmem:s22+$0xD20]  }
0x202: {  	v23 =	vld [tilespmem:s24+$0x8D20]  }
0x203: {  	v24 =	vld [tilespmem:s22+$0xD30]  }
0x204: {  	v25 =	vld [tilespmem:s24+$0x8D30]  }
0x205: {  	v7 =	vmul.f32 v20, v7;
	v26 =	vmul.f32 v21, v9;
	_ =	sdelay $0x1  }
0x206: {  	s24 =	sadd.s32 $0xFFFFFFFB, s20;
	v27 =	vmul.f32 v23, v22;
	v7 =	vadd.f32 v26, v7  }
0x207: {  	v28 =	vadd.s32 s24, v4  }
0x208: {  	v29 =	vmul.f32 v25, v24;
	v7 =	vadd.f32 v27, v7;
	_ =	sdelay $0x1  }
0x209: {  	v7 =	vadd.f32 v29, v7;
	_ =	sdelay $0x1  }
0x20a: {  	(v2sf) =	vpush v5, $0xD;
	[tilespmem:v28+s19+$0x0] =	vst.idx.msk $0xffff, v7  }
0x20b: {  	(v2sf) =	vpush v5, $0xC;
	v7 =	vld [tilespmem:s21+$0xD80]  }
0x20c: {  	(v2sf) =	vpush v6, $0xD;
	v30 =	vld [tilespmem:s23+$0x8D80]  }
0x20d: {  	(v2sf) =	vpush v6, $0xC;
	v9 =	vld [tilespmem:s21+$0xD90]  }
0x20e: {  	v31 =	vld [tilespmem:s23+$0x8D90]  }
0x20f: {  	v32 =	vld [tilespmem:s21+$0xDA0]  }
0x210: {  	v33 =	vld [tilespmem:s23+$0x8DA0]  }
0x211: {  	v34 =	vld [tilespmem:s21+$0xDB0]  }
0x212: {  	v35 =	vld [tilespmem:s23+$0x8DB0]  }
0x213: {  	v7 =	vmul.f32 v30, v7;
	v36 =	vmul.f32 v31, v9;
	_ =	sdelay $0x1  }
0x214: {  	s23 =	sadd.s32 $0xFFFFFFFC, s20;
	v37 =	vmul.f32 v33, v32;
	v7 =	vadd.f32 v36, v7  }
0x215: {  	v38 =	vadd.s32 s23, v4  }
0x216: {  	v39 =	vmul.f32 v35, v34;
	v7 =	vadd.f32 v37, v7;
	_ =	sdelay $0x1  }
0x217: {  	s21 =	spop (v2sf);
	v7 =	vadd.f32 v39, v7  }
0x218: {  	s22 =	spop (v2sf)  }
0x219: {  	s23 =	spop (v2sf);
	[tilespmem:v38+s19+$0x0] =	vst.idx.msk $0xffff, v7  }
0x21a: {  	s24 =	spop (v2sf);
	v7 =	vld [tilespmem:s22+$0xE00]  }
0x21b: {  	v40 =	vld [tilespmem:s24+$0x8E00]  }
0x21c: {  	v9 =	vld [tilespmem:s22+$0xE10]  }
0x21d: {  	v41 =	vld [tilespmem:s24+$0x8E10]  }
0x21e: {  	v42 =	vld [tilespmem:s22+$0xE20]  }
0x21f: {  	v43 =	vld [tilespmem:s24+$0x8E20]  }
0x220: {  	v44 =	vld [tilespmem:s22+$0xE30]  }
0x221: {  	v45 =	vld [tilespmem:s24+$0x8E30]  }
0x222: {  	v7 =	vmul.f32 v40, v7;
	v46 =	vmul.f32 v41, v9;
	_ =	sdelay $0x1  }
0x223: {  	s24 =	sadd.s32 $0xFFFFFFFD, s20;
	v47 =	vmul.f32 v43, v42;
	v7 =	vadd.f32 v46, v7  }
0x224: {  	v48 =	vadd.s32 s24, v4  }
0x225: {  	v49 =	vmul.f32 v45, v44;
	v7 =	vadd.f32 v47, v7;
	_ =	sdelay $0x1  }
0x226: {  	v7 =	vadd.f32 v49, v7;
	_ =	sdelay $0x1  }
0x227: {  	(v2sf) =	vpush v5, $0xF;
	[tilespmem:v48+s19+$0x0] =	vst.idx.msk $0xffff, v7  }
0x228: {  	(v2sf) =	vpush v5, $0xE;
	v7 =	vld [tilespmem:s21+$0xE80]  }
0x229: {  	(v2sf) =	vpush v6, $0xF;
	v5 =	vld [tilespmem:s23+$0x8E80]  }
0x22a: {  	(v2sf) =	vpush v6, $0xE;
	v50 =	vld [tilespmem:s21+$0xE90]  }
0x22b: {  	v6 =	vld [tilespmem:s23+$0x8E90]  }
0x22c: {  	v9 =	vld [tilespmem:s21+$0xEA0]  }
0x22d: {  	v51 =	vld [tilespmem:s23+$0x8EA0]  }
0x22e: {  	v52 =	vld [tilespmem:s21+$0xEB0]  }
0x22f: {  	v53 =	vld [tilespmem:s23+$0x8EB0]  }
0x230: {  	v5 =	vmul.f32 v5, v7;
	v6 =	vmul.f32 v6, v50;
	_ =	sdelay $0x1  }
0x231: {  	s23 =	sadd.s32 $0xFFFFFFFE, s20;
	v5 =	vadd.f32 v6, v5;
	v6 =	vmul.f32 v51, v9  }
0x232: {  	v7 =	vadd.s32 s23, v4  }
0x233: {  	v5 =	vadd.f32 v6, v5;
	v6 =	vmul.f32 v53, v52;
	_ =	sdelay $0x1  }
0x234: {  	s21 =	spop (v2sf);
	v5 =	vadd.f32 v6, v5  }
0x235: {  	s22 =	spop (v2sf)  }
0x236: {  	s23 =	spop (v2sf);
	[tilespmem:v7+s19+$0x0] =	vst.idx.msk $0xffff, v5  }
0x237: {  	s24 =	spop (v2sf);
	v5 =	vld [tilespmem:s22+$0xF00]  }
0x238: {  	v6 =	vld [tilespmem:s24+$0x8F00]  }
0x239: {  	v7 =	vld [tilespmem:s22+$0xF10]  }
0x23a: {  	v54 =	vld [tilespmem:s24+$0x8F10]  }
0x23b: {  	v55 =	vld [tilespmem:s22+$0xF20]  }
0x23c: {  	v56 =	vld [tilespmem:s24+$0x8F20]  }
0x23d: {  	v57 =	vld [tilespmem:s22+$0xF30]  }
0x23e: {  	v58 =	vld [tilespmem:s24+$0x8F30]  }
0x23f: {  	v5 =	vmul.f32 v6, v5;
	v6 =	vmul.f32 v54, v7;
	_ =	sdelay $0x1  }
0x240: {  	s24 =	sadd.s32 $0xFFFFFFFF, s20;
	v5 =	vadd.f32 v6, v5;
	v6 =	vmul.f32 v56, v55  }
0x241: {  	v7 =	vadd.s32 s24, v4  }
0x242: {  	v5 =	vadd.f32 v6, v5;
	v6 =	vmul.f32 v58, v57;
	_ =	sdelay $0x1  }
0x243: {  	v5 =	vadd.f32 v6, v5;
	_ =	sdelay $0x1  }
0x244: {  	[tilespmem:v7+s19+$0x0] =	vst.idx.msk $0xffff, v5  }
0x245: {  	v5 =	vld [tilespmem:s21+$0xF80]  }
0x246: {  	v6 =	vld [tilespmem:s23+$0x8F80]  }
0x247: {  	v7 =	vld [tilespmem:s21+$0xF90]  }
0x248: {  	v59 =	vld [tilespmem:s23+$0x8F90]  }
0x249: {  	v60 =	vld [tilespmem:s21+$0xFA0]  }
0x24a: {  	v61 =	vld [tilespmem:s23+$0x8FA0]  }
0x24b: {  	v62 =	vld [tilespmem:s21+$0xFB0]  }
0x24c: {  	v63 =	vld [tilespmem:s23+$0x8FB0]  }
0x24d: {  	v5 =	vmul.f32 v6, v5;
	v6 =	vmul.f32 v59, v7;
	_ =	sdelay $0x1  }
0x24e: {  	v5 =	vadd.f32 v6, v5;
	v6 =	vmul.f32 v61, v60  }
0x24f: {  	p0 =	sne.s32 s28, $0x1E000;
	v7 =	vadd.s32 s20, v4  }
.Ltmp2:
0x250: {  	v5 =	vadd.f32 v6, v5;
	v6 =	vmul.f32 v63, v62;
	(pc) =	sbr.rel @p0 .LBB2_6-.Ltmp2, $4  }
0x251: {  	_ = 	snop  }
0x252: {  	v5 =	vadd.f32 v6, v5  }
0x253: {  	s30 =	sadd.s32 $0x10, s30  }
0x254: {  	s0 =	sadd.s32 $0x10, s0;
	s28 =	sadd.s32 $0x2000, s28;
	s20 =	sadd.s32 $0x10, s20;
	[tilespmem:v7+s19+$0x0] =	vst.idx.msk $0xffff, v5  }
0x255: {  	s20 =	simm.s32 $0x0  }
0x256: {  	v5 =	vld [tilespmem:s20+$0x12810]  }
0x257: {  	v6 =	vld [tilespmem:s20+$0x10800];
	_ =	sdelay $0x1  }
0x258: {  	v7 =	vld [tilespmem:s20+$0x10A01];
	_ =	sdelay $0x1  }
0x259: {  	v8 =	vld [tilespmem:s20+$0x10C02]  }
0x25a: {  	v5 =	vadd.f32 v6, v5  }
0x25b: {  	v6 =	vld [tilespmem:s20+$0x10E03]  }
0x25c: {  	v5 =	vadd.f32 v7, v5  }
0x25d: {  	v7 =	vld [tilespmem:s20+$0x11004]  }
0x25e: {  	v5 =	vadd.f32 v8, v5  }
0x25f: {  	v8 =	vld [tilespmem:s20+$0x11205]  }
0x260: {  	v5 =	vadd.f32 v6, v5  }
0x261: {  	v6 =	vld [tilespmem:s20+$0x11406]  }
0x262: {  	v5 =	vadd.f32 v7, v5  }
0x263: {  	s0 =	simm.s32 $0x10;
	v7 =	vld [tilespmem:s20+$0x11607]  }
0x264: {  	v9 =	vld [tilespmem:s0+$0x12810];
	v5 =	vadd.f32 v8, v5  }
0x265: {  	v8 =	vld [tilespmem:s20+$0x11808]  }
0x266: {  	v10 =	vld [tilespmem:s0+$0x10800];
	v5 =	vadd.f32 v6, v5  }
0x267: {  	v6 =	vld [tilespmem:s20+$0x11A09]  }
0x268: {  	v11 =	vld [tilespmem:s0+$0x10A01];
	v5 =	vadd.f32 v7, v5  }
0x269: {  	v7 =	vld [tilespmem:s20+$0x11C0A]  }
0x26a: {  	v12 =	vld [tilespmem:s0+$0x10C02];
	v5 =	vadd.f32 v8, v5  }
0x26b: {  	v8 =	vadd.f32 v10, v9;
	v9 =	vld [tilespmem:s20+$0x11E0B]  }
0x26c: {  	v10 =	vld [tilespmem:s0+$0x10E03];
	v5 =	vadd.f32 v6, v5  }
0x26d: {  	v6 =	vadd.f32 v11, v8;
	v8 =	vld [tilespmem:s20+$0x1200C]  }
0x26e: {  	v11 =	vld [tilespmem:s0+$0x11004];
	v5 =	vadd.f32 v7, v5  }
0x26f: {  	v7 =	vld [tilespmem:s20+$0x1220D]  }
0x270: {  	v6 =	vadd.f32 v12, v6;
	v12 =	vld [tilespmem:s0+$0x11205];
	v5 =	vadd.f32 v9, v5  }
0x271: {  	v9 =	vld [tilespmem:s20+$0x1240E]  }
0x272: {  	v6 =	vadd.f32 v10, v6;
	v10 =	vld [tilespmem:s0+$0x11406];
	v5 =	vadd.f32 v8, v5  }
0x273: {  	v8 =	vld [tilespmem:s20+$0x1260F]  }
0x274: {  	v6 =	vadd.f32 v11, v6;
	v11 =	vld [tilespmem:s0+$0x11607];
	v5 =	vadd.f32 v7, v5  }
0x275: {  	s28 =	simm.s32 $0x20;
	v7 =	vld [tilespmem:s0+$0x11808]  }
0x276: {  	v6 =	vadd.f32 v12, v6;
	v12 =	vld [tilespmem:s28+$0x12810];
	v5 =	vadd.f32 v9, v5  }
0x277: {  	v9 =	vld [tilespmem:s28+$0x10800]  }
0x278: {  	v6 =	vadd.f32 v10, v6;
	v10 =	vld [tilespmem:s0+$0x11A09];
	v5 =	vadd.f32 v8, v5  }
0x279: {  	v8 =	vld [tilespmem:s28+$0x10A01]  }
0x27a: {  	v13 =	vld [tilespmem:s28+$0x10C02];
	v6 =	vadd.f32 v11, v6;
	v5 =	vsub.f32 $0.0e+00, v5  }
0x27b: {  	v11 =	vld [tilespmem:s0+$0x11C0A]  }
0x27c: {  	v6 =	vadd.f32 v7, v6;
	v7 =	vld [tilespmem:s0+$0x11E0B];
	v9 =	vadd.f32 v9, v12;
	v5 =	vmul.f32 $1.442695020e+00, v5  }
0x27d: {  	v12 =	vld [tilespmem:s28+$0x10E03]  }
0x27e: {  	v6 =	vadd.f32 v10, v6;
	v10 =	vld [tilespmem:s0+$0x1200C];
	(erf) = vpow2.f32 v5;
	v5 =	vadd.f32 v8, v9  }
0x27f: {  	v8 =	vld [tilespmem:s28+$0x11004]  }
0x280: {  	v6 =	vadd.f32 v11, v6;
	v5 =	vadd.f32 v13, v5  }
0x281: {  	v9 =	vld [tilespmem:s0+$0x1220D]  }
0x282: {  	v11 =	vld [tilespmem:s28+$0x11205];
	v7 =	vadd.f32 v7, v6;
	v12 =	vadd.f32 v12, v5  }
0x283: {  	v13 =	vld [tilespmem:s0+$0x1240E]  }
0x284: {  	v6 =	vld [tilespmem:s28+$0x11406];
	v10 =	vadd.f32 v10, v7;
	v12 =	vadd.f32 v8, v12  }
0x285: {  	v5 =	vld [tilespmem:s0+$0x1260F]  }
0x286: {  	v7 =	vld [tilespmem:s28+$0x11607];
	v10 =	vadd.f32 v9, v10  }
0x287: {  	s30 =	simm.s32 $0x30;
	v8 =	vld [tilespmem:s28+$0x11808];
	v11 =	vadd.f32 v11, v12  }
0x288: {  	s21 =	simm.s32 $0x100;
	v9 =	vld [tilespmem:s30+$0x12810];
	v10 =	vadd.f32 v13, v10;
	v12 =	vpop (erf)  }
.LBB2_8:
0x289: {  	p0 =	sne.s32 s21, $0x7C0;
	v13 =	vld [tilespmem:s30+$0x10800];
	v6 =	vadd.f32 v6, v11;
	v11 =	vadd.f32 $1.000000000e+00, v12  }
0x28a: {  	v12 =	vld [tilespmem:s28+$0x11A09];
	v5 =	vadd.f32 v5, v10  }
0x28b: {  	v10 =	vld [tilespmem:s30+$0x10A01];
	v6 =	vadd.f32 v7, v6;
	(erf) = vrcp.f32 v11  }
0x28c: {  	v7 =	vld [tilespmem:s28+$0x11C0A];
	v5 =	vsub.f32 $0.0e+00, v5  }
0x28d: {  	v11 =	vld [tilespmem:s30+$0x10C02];
	v6 =	vadd.f32 v8, v6  }
0x28e: {  	v8 =	vadd.f32 v13, v9;
	v9 =	vld [tilespmem:s28+$0x11E0B];
	v5 =	vmul.f32 $1.442695020e+00, v5  }
0x28f: {  	v13 =	vld [tilespmem:s30+$0x10E03];
	v6 =	vadd.f32 v12, v6  }
0x290: {  	v8 =	vadd.f32 v10, v8;
	v10 =	vld [tilespmem:s28+$0x1200C];
	(erf) = vpow2.f32 v5  }
0x291: {  	v5 =	vld [tilespmem:s30+$0x11004];
	v6 =	vadd.f32 v7, v6  }
0x292: {  	v7 =	vadd.f32 v11, v8;
	v8 =	vld [tilespmem:s28+$0x1220D]  }
0x293: {  	v11 =	vld [tilespmem:s30+$0x11205];
	v9 =	vadd.f32 v9, v6  }
0x294: {  	v7 =	vadd.f32 v13, v7;
	v12 =	vld [tilespmem:s28+$0x1240E];
	v13 =	vpop (erf)  }
.Ltmp3:
0x295: {  	v6 =	vld [tilespmem:s30+$0x11406];
	v9 =	vadd.f32 v10, v9;
	v10 =	vmul.f32 $5.000000000e+00, v13;
	(pc) =	sbr.rel @p0 .LBB2_8-.Ltmp3, $4  }
0x296: {  	v13 =	vadd.f32 v5, v7;
	v5 =	vld [tilespmem:s28+$0x1260F]  }
0x297: {  	v7 =	vld [tilespmem:s30+$0x11607];
	v14 =	vadd.f32 v8, v9;
	[tilespmem:s20+$0x12A10] =	vst v10;
	s20 =	smov.u32 s0;
	s0 =	smov.u32 s28;
	s28 =	smov.u32 s30  }
0x298: {  	s30 =	sshra.s32 s21, $0x2;
	v11 =	vadd.f32 v11, v13;
	v8 =	vld [tilespmem:s28+$0x11808]  }
0x299: {  	s21 =	sadd.s32 $0x40, s21;
	v9 =	vld [tilespmem:s30+$0x12810];
	v10 =	vadd.f32 v12, v14;
	v12 =	vpop (erf)  }
0x29a: {  	v13 =	vld [tilespmem:s30+$0x10800]  }
0x29b: {  	v12 =	vadd.f32 $1.000000000e+00, v12  }
0x29c: {  	v15 =	vld [tilespmem:s30+$0x10A01]  }
0x29d: {  	v14 =	vld [tilespmem:s28+$0x11A09];
	(erf) = vrcp.f32 v12  }
0x29e: {  	v6 =	vadd.f32 v6, v11;
	v48 =	vld [tilespmem:s30+$0x10C02]  }
0x29f: {  	v47 =	vld [tilespmem:s28+$0x11C0A];
	v9 =	vadd.f32 v13, v9  }
0x2a0: {  	v6 =	vadd.f32 v7, v6;
	v7 =	vld [tilespmem:s30+$0x10E03]  }
0x2a1: {  	v49 =	vld [tilespmem:s28+$0x11E0B];
	v9 =	vadd.f32 v15, v9  }
0x2a2: {  	v51 =	vld [tilespmem:s30+$0x11004];
	v6 =	vadd.f32 v8, v6  }
0x2a3: {  	v50 =	vld [tilespmem:s28+$0x1200C];
	v5 =	vadd.f32 v5, v10;
	v9 =	vadd.f32 v48, v9  }
0x2a4: {  	v53 =	vld [tilespmem:s30+$0x11205];
	v6 =	vadd.f32 v14, v6  }
0x2a5: {  	v52 =	vld [tilespmem:s28+$0x1220D];
	v5 =	vsub.f32 $0.0e+00, v5;
	v7 =	vadd.f32 v7, v9  }
0x2a6: {  	v56 =	vld [tilespmem:s30+$0x11406];
	v6 =	vadd.f32 v47, v6;
	v55 =	vpop (erf)  }
0x2a7: {  	v54 =	vld [tilespmem:s28+$0x1240E];
	v5 =	vmul.f32 $1.442695020e+00, v5;
	v12 =	vmul.f32 $5.000000000e+00, v55;
	v7 =	vadd.f32 v51, v7  }
0x2a8: {  	v58 =	vld [tilespmem:s30+$0x11607];
	v6 =	vadd.f32 v49, v6  }
0x2a9: {  	v57 =	vld [tilespmem:s28+$0x1260F];
	(erf) = vpow2.f32 v5;
	[tilespmem:s20+$0x12A10] =	vst v12;
	v5 =	vadd.f32 v53, v7  }
0x2aa: {  	v6 =	vadd.f32 v50, v6;
	v7 =	vld [tilespmem:s30+$0x11808]  }
0x2ab: {  	v5 =	vadd.f32 v56, v5  }
0x2ac: {  	v6 =	vadd.f32 v52, v6;
	v59 =	vld [tilespmem:s30+$0x11A09]  }
0x2ad: {  	v5 =	vadd.f32 v58, v5  }
0x2ae: {  	v60 =	vld [tilespmem:s30+$0x11C0A];
	v6 =	vadd.f32 v54, v6  }
0x2af: {  	v5 =	vadd.f32 v7, v5  }
0x2b0: {  	v6 =	vadd.f32 v57, v6;
	v7 =	vld [tilespmem:s30+$0x11E0B]  }
0x2b1: {  	v5 =	vadd.f32 v59, v5  }
0x2b2: {  	v62 =	vld [tilespmem:s30+$0x1200C];
	v61 =	vpop (erf);
	v6 =	vsub.f32 $0.0e+00, v6  }
0x2b3: {  	v8 =	vadd.f32 $1.000000000e+00, v61;
	v5 =	vadd.f32 v60, v5  }
0x2b4: {  	v63 =	vld [tilespmem:s30+$0x1220D];
	v6 =	vmul.f32 $1.442695020e+00, v6  }
0x2b5: {  	(erf) = vrcp.f32 v8;
	v5 =	vadd.f32 v7, v5  }
0x2b6: {  	(erf) = vpow2.f32 v6;
	v6 =	vld [tilespmem:s30+$0x1240E]  }
0x2b7: {  	v5 =	vadd.f32 v62, v5  }
0x2b8: {  	v7 =	vld [tilespmem:s30+$0x1260F]  }
0x2b9: {  	v5 =	vadd.f32 v63, v5;
	_ =	sdelay $0x1  }
0x2ba: {  	v5 =	vadd.f32 v6, v5;
	_ =	sdelay $0x1  }
0x2bb: {  	v5 =	vadd.f32 v7, v5  }
0x2bc: {  	v6 =	vpop (erf)  }
0x2bd: {  	v7 =	vpop (erf);
	v5 =	vsub.f32 $0.0e+00, v5  }
0x2be: {  	v7 =	vadd.f32 $1.000000000e+00, v7  }
0x2bf: {  	v5 =	vmul.f32 $1.442695020e+00, v5  }
0x2c0: {  	(erf) = vrcp.f32 v7  }
0x2c1: {  	(erf) = vpow2.f32 v5;
	_ =	sdelay $0x7  }
0x2c2: {  	v5 =	vpop (erf)  }
0x2c3: {  	v7 =	vpop (erf)  }
0x2c4: {  	v7 =	vadd.f32 $1.000000000e+00, v7;
	_ =	sdelay $0x1  }
0x2c5: {  	(erf) = vrcp.f32 v7;
	_ =	sdelay $0x7  }
0x2c6: {  	v6 =	vmul.f32 $5.000000000e+00, v6  }
0x2c7: {  	v5 =	vmul.f32 $5.000000000e+00, v5;
	v7 =	vpop (erf)  }
0x2c8: {  	s25 =	sadd.s32 $0x1, s25;
	[tilespmem:s0+$0x12A10] =	vst v6;
	v6 =	vmul.f32 $5.000000000e+00, v7  }
0x2c9: {  	p0 =	sne.s32 s25, s15;
	[tilespmem:s28+$0x12A10] =	vst v5  }
.Ltmp4:
0x2ca: {  	[tilespmem:s30+$0x12A10] =	vst v6;
	s30 =	simm.s32 $0x12A10;
	(pc) =	sbr.rel @p0 .LBB2_1-.Ltmp4, $4  }
0x2cb: {  	[hbm4b:s14+s2] =	stream.linear.scatter [tilespmem:s30], [sflag:$0x2], $0x200, $0x38;
	[tilespmem:$0x12C10] =	vst v63  }
0x2cc: {  	_ =	swait.ge [sflag:s16], $0x200  }
0x2cd: {  	[sflag:s16] =	ssyncset.done $0x0  }
0x2ce: {  	[sflag:s16] =	ssyncadd.s32 $0xFFFFFE00  }
0x2cf: {  	_ =	sfence.sel $0x180000  }
0x2d0: {  	[bflag:$0x0] =	sbarrier.arrive $0xFFFF  }
0x2d1: {  	_ =	strace $0x9000004A  }
0x2d2: {  	s0 =	stileid.u32;
	[bflag:$0x2] =	sbarrier.arrive $0xFFFF  }
0x2d3: {  	p0 =	sne.s32 s0, $0x0;
	s0 =	rddreg [dreg:$0x4]  }
0x2d4: {  	s0 =	sadd.s32 @!p0 $0x100000, s0  }
0x2d5: {  	[sflag:s0] =	ssyncadd.tile.s32 @!p0 $0x1;
	_ =	shalt  }
.Lfunc_end2:
_tile_overlayer_lowered:
.L_overlay_start_2:
0x2d6: {  	(tag) =	ssettag $0x2  }
0x2d7: {  	s0 =	rddreg [dreg:$0x0];
	s2 =	stileid.u32  }
0x2d8: {  	s1 =	rddreg [dreg:$0x1];
	p0 =	sne.s32 s2, $0x0  }
0x2d9: {  	s3 =	rddreg [dreg:$0x2];
	[bflag:$0x3] =	sbarrier.arrive $0xFFFF;
	s2 =	simm.s32 @!p0 $0x1C02  }
0x2da: {  	[timem:s3], [sflag:s2] =	dma.local @!p0 [hbm:s0], s1  }
0x2db: {  	s0 =	simm.s32 @!p0 $0x2  }
0x2dc: {  	_ =	swait.ge @!p0 [sflag:s0], s1  }
0x2dd: {  	s1 =	ssub.s32 @!p0 $0x0, s1;
	[sflag:s0] =	ssyncset.done @!p0 $0x0  }
0x2de: {  	[sflag:s0] =	ssyncadd.s32 @!p0 s1  }
0x2df: {  	[bflag:$0x3] =	sbarrier.arrive $0xFFFF  }
0x2e0: {  	_ =	shalt  }

</sc_bundles>
